<compile_context>
chip_gen: v7x
topology: tpu7x:2x2x1
jax: 0.10.2.dev20260603
libtpu: 0.0.44.dev20260713+nightly
codegen_flags: <defaults>
</compile_context>

<pallas_src>
import functools

import jax
import jax.numpy as jnp
from jax import lax
from jax.experimental import pallas as pl
from jax.experimental.pallas import tpu as pltpu
from jax.experimental.pallas import tpu_sc as plsc

NS = 16
NC = 2
K = 80
HALF = 128


def _make_seg_sum(n, e, mult, coeff):
    eps = e // NS
    n_chunk = eps // K
    assert n_chunk % 3 == 2 and n_chunk >= 5, "3-deep pipeline layout"
    zr = K
    n_pad = -(-(n + 1) // (NS * zr)) * NS * zr
    rps = n_pad // NS
    n_wb = rps // zr

    mesh = plsc.VectorSubcoreMesh(core_axis_name="c", subcore_axis_name="s")

    @functools.partial(
        pl.kernel,
        out_type=jax.ShapeDtypeStruct((NC, n_pad, HALF), jnp.float32),
        mesh=mesh,
        scratch_types=[
            pltpu.VMEM((n_chunk, K), jnp.int32),
            pltpu.VMEM((K,), jnp.int32),
            pltpu.VMEM((K,), jnp.int32),
            pltpu.VMEM((K,), jnp.int32),
            pltpu.VMEM((K, HALF), jnp.float32),
            pltpu.VMEM((K, HALF), jnp.float32),
            pltpu.VMEM((K, HALF), jnp.float32),
            pltpu.VMEM_SHARED((n_pad, HALF), jnp.float32),
            pltpu.SemaphoreType.DMA,
            pltpu.SemaphoreType.DMA,
            pltpu.SemaphoreType.DMA,
            pltpu.SemaphoreType.DMA,
            pltpu.SemaphoreType.DMA,
            pltpu.SemaphoreType.DMA,
            pltpu.SemaphoreType.DMA,
            pltpu.SemaphoreType.DMA,
            pltpu.SemaphoreType.DMA,
        ],
    )
    def seg_sum(table_hbm, src_hbm, dst_hbm, out_hbm,
                src_all, dst_a, dst_b, dst_c, rows_a, rows_b, rows_c, acc_sh,
                sem_a, sem_a2, sem_b, sem_b2, sem_c, sem_c2,
                sem_da, sem_db, sem_dc):
        c = lax.axis_index("c")
        s = lax.axis_index("s")

        def zero_row(i, _):
            for jj in range(HALF // 16):
                rows_a[i, pl.ds(jj * 16, 16)] = jnp.zeros((16,), jnp.float32)
            return 0
        lax.fori_loop(0, zr, zero_row, 0)
        for r in range(n_wb):
            pltpu.async_copy(rows_a, acc_sh.at[pl.ds(s * rps + r * zr, zr)], sem_a)

        pltpu.sync_copy(src_hbm.at[s], src_all)
        pltpu.async_copy(dst_hbm.at[s, 0], dst_a, sem_da)
        pltpu.async_copy(dst_hbm.at[s, 1], dst_b, sem_db)

        add = c * coeff
        def idx_row(i, _):
            for j in range(K // 16):
                v = src_all[i, pl.ds(j * 16, 16)]
                src_all[i, pl.ds(j * 16, 16)] = v * mult + add
            return 0
        lax.fori_loop(0, n_chunk, idx_row, 0)

        for r in range(n_wb):
            pltpu.make_async_copy(rows_a, acc_sh.at[pl.ds(s * rps + r * zr, zr)],
                                  sem_a).wait()

        h2 = K // 2

        def gather_start(k, buf, sems):
            pltpu.async_copy(table_hbm.at[src_all.at[k, pl.ds(0, h2)]],
                             buf.at[pl.ds(0, h2)], sems[0])
            pltpu.async_copy(table_hbm.at[src_all.at[k, pl.ds(h2, h2)]],
                             buf.at[pl.ds(h2, h2)], sems[1])

        def gather_wait(k, buf, sems):
            pltpu.make_async_copy(table_hbm.at[src_all.at[k, pl.ds(0, h2)]],
                                  buf.at[pl.ds(0, h2)], sems[0]).wait()
            pltpu.make_async_copy(table_hbm.at[src_all.at[k, pl.ds(h2, h2)]],
                                  buf.at[pl.ds(h2, h2)], sems[1]).wait()

        def dst_start(k, buf, sem):
            return pltpu.async_copy(dst_hbm.at[s, k], buf, sem)

        def dst_wait(k, buf, sem):
            pltpu.make_async_copy(dst_hbm.at[s, k], buf, sem).wait()

        def scatter(dbuf, buf):
            pltpu.sync_copy(buf, acc_sh.at[dbuf], add=True)

        gather_start(0, rows_a, (sem_a, sem_a2))
        gather_start(1, rows_b, (sem_b, sem_b2))
        plsc.subcore_barrier()

        def body(p, _):
            k = 3 * p
            dst_start(k + 2, dst_c, sem_dc)
            gather_wait(k, rows_a, (sem_a, sem_a2))
            gather_start(k + 2, rows_c, (sem_c, sem_c2))
            dst_wait(k, dst_a, sem_da)
            scatter(dst_a, rows_a)
            dst_start(k + 3, dst_a, sem_da)
            gather_wait(k + 1, rows_b, (sem_b, sem_b2))
            gather_start(k + 3, rows_a, (sem_a, sem_a2))
            dst_wait(k + 1, dst_b, sem_db)
            scatter(dst_b, rows_b)
            dst_start(k + 4, dst_b, sem_db)
            gather_wait(k + 2, rows_c, (sem_c, sem_c2))
            gather_start(k + 4, rows_b, (sem_b, sem_b2))
            dst_wait(k + 2, dst_c, sem_dc)
            scatter(dst_c, rows_c)
            return 0
        lax.fori_loop(0, (n_chunk - 2) // 3, body, 0)
        last = n_chunk - 1
        gather_wait(last - 1, rows_a, (sem_a, sem_a2))
        dst_wait(0, dst_a, sem_da)
        scatter(dst_a, rows_a)
        gather_wait(last, rows_b, (sem_b, sem_b2))
        dst_wait(0, dst_b, sem_db)
        scatter(dst_b, rows_b)
        plsc.subcore_barrier()

        bufs = (rows_a, rows_b)
        sems = (sem_a, sem_b)
        pltpu.async_copy(acc_sh.at[pl.ds(s * rps, zr)], rows_a, sem_a)
        for r in range(n_wb):
            row = s * rps + r * zr
            pltpu.make_async_copy(acc_sh.at[pl.ds(row, zr)], bufs[r % 2],
                                  sems[r % 2]).wait()
            if r + 1 < n_wb:
                pltpu.async_copy(acc_sh.at[pl.ds(row + zr, zr)],
                                 bufs[(r + 1) % 2], sems[(r + 1) % 2])
            pltpu.sync_copy(bufs[r % 2], out_hbm.at[c, pl.ds(row, zr)])

    return seg_sum


def _pre_body(x_ref, w_ref, b_ref, out_ref):
    out_ref[...] = (
        jnp.dot(x_ref[...], w_ref[...], preferred_element_type=jnp.float32)
        + b_ref[...]
    )


def _pre_split_body(t_ref, w_ref, b_ref, out_ref):
    w = w_ref[...]
    out_ref[...] = (
        jnp.dot(t_ref[0], w[:HALF, :], preferred_element_type=jnp.float32)
        + jnp.dot(t_ref[1], w[HALF:, :], preferred_element_type=jnp.float32)
        + b_ref[...]
    )


def _combine_relu_body(agg_ref, pre_ref, wrel_ref, out_ref):
    wrel = wrel_ref[...]
    h = jnp.dot(agg_ref[0], wrel[:HALF, :], preferred_element_type=jnp.float32)
    h += jnp.dot(agg_ref[1], wrel[HALF:, :], preferred_element_type=jnp.float32)
    h += pre_ref[...]
    t = jnp.maximum(h, 0.0)
    out_ref[0] = t[:, :HALF]
    out_ref[1] = t[:, HALF:]


def _combine_body(agg_ref, pre_ref, wrel_ref, out_ref):
    wrel = wrel_ref[...]
    h = jnp.dot(agg_ref[0], wrel[:HALF, :], preferred_element_type=jnp.float32)
    h += jnp.dot(agg_ref[1], wrel[HALF:, :], preferred_element_type=jnp.float32)
    h += pre_ref[...]
    out_ref[...] = h


def _tc_pre(x, w, b, bn):
    n, d = x.shape
    return pl.pallas_call(
        _pre_body,
        grid=(n // bn,),
        in_specs=[
            pl.BlockSpec((bn, d), lambda i: (i, 0)),
            pl.BlockSpec((d, d), lambda i: (0, 0)),
            pl.BlockSpec((1, d), lambda i: (0, 0)),
        ],
        out_specs=pl.BlockSpec((bn, d), lambda i: (i, 0)),
        out_shape=jax.ShapeDtypeStruct((n, d), jnp.float32),
    )(x, w, b.reshape(1, d))


def _tc_pre_split(t_split, w, b, bn):
    n = t_split.shape[1]
    d = 2 * HALF
    return pl.pallas_call(
        _pre_split_body,
        grid=(n // bn,),
        in_specs=[
            pl.BlockSpec((2, bn, HALF), lambda i: (0, i, 0)),
            pl.BlockSpec((d, d), lambda i: (0, 0)),
            pl.BlockSpec((1, d), lambda i: (0, 0)),
        ],
        out_specs=pl.BlockSpec((bn, d), lambda i: (i, 0)),
        out_shape=jax.ShapeDtypeStruct((n, d), jnp.float32),
    )(t_split, w, b.reshape(1, d))


def _tc_combine(agg, pre, wrel, bn, relu):
    n, d = pre.shape
    body = _combine_relu_body if relu else _combine_body
    if relu:
        out_shape = jax.ShapeDtypeStruct((2, n, HALF), jnp.float32)
        out_specs = pl.BlockSpec((2, bn, HALF), lambda i: (0, i, 0))
    else:
        out_shape = jax.ShapeDtypeStruct((n, d), jnp.float32)
        out_specs = pl.BlockSpec((bn, d), lambda i: (i, 0))
    return pl.pallas_call(
        body,
        grid=(n // bn,),
        in_specs=[
            pl.BlockSpec((2, bn, HALF), lambda i: (0, i, 0)),
            pl.BlockSpec((bn, d), lambda i: (i, 0)),
            pl.BlockSpec((d, d), lambda i: (0, 0)),
        ],
        out_specs=out_specs,
        out_shape=out_shape,
    )(agg, pre, wrel)


def _layer1_body(agg_ref, x_ref, wrel_ref, wroot_ref, b_ref, out_ref):
    wrel = wrel_ref[...]
    h = jnp.dot(agg_ref[0], wrel[:HALF, :], preferred_element_type=jnp.float32)
    h += jnp.dot(agg_ref[1], wrel[HALF:, :], preferred_element_type=jnp.float32)
    h += jnp.dot(x_ref[...], wroot_ref[...], preferred_element_type=jnp.float32)
    h += b_ref[...]
    t = jnp.maximum(h, 0.0)
    out_ref[0] = t[:, :HALF]
    out_ref[1] = t[:, HALF:]


def _layer2_body(agg_ref, t_ref, wrel_ref, wroot_ref, b_ref, out_ref):
    wrel = wrel_ref[...]
    wroot = wroot_ref[...]
    h = jnp.dot(agg_ref[0], wrel[:HALF, :], preferred_element_type=jnp.float32)
    h += jnp.dot(agg_ref[1], wrel[HALF:, :], preferred_element_type=jnp.float32)
    h += jnp.dot(t_ref[0], wroot[:HALF, :], preferred_element_type=jnp.float32)
    h += jnp.dot(t_ref[1], wroot[HALF:, :], preferred_element_type=jnp.float32)
    h += b_ref[...]
    out_ref[...] = h


def _tc_layer1(agg, x, wrel, wroot, b, bn):
    n, d = x.shape
    return pl.pallas_call(
        _layer1_body,
        grid=(n // bn,),
        in_specs=[
            pl.BlockSpec((2, bn, HALF), lambda i: (0, i, 0)),
            pl.BlockSpec((bn, d), lambda i: (i, 0)),
            pl.BlockSpec((d, d), lambda i: (0, 0)),
            pl.BlockSpec((d, d), lambda i: (0, 0)),
            pl.BlockSpec((1, d), lambda i: (0, 0)),
        ],
        out_specs=pl.BlockSpec((2, bn, HALF), lambda i: (0, i, 0)),
        out_shape=jax.ShapeDtypeStruct((2, n, HALF), jnp.float32),
    )(agg, x, wrel, wroot, b.reshape(1, d))


def _tc_layer2(agg, t_split, wrel, wroot, b, bn):
    n = t_split.shape[1]
    d = 2 * HALF
    return pl.pallas_call(
        _layer2_body,
        grid=(n // bn,),
        in_specs=[
            pl.BlockSpec((2, bn, HALF), lambda i: (0, i, 0)),
            pl.BlockSpec((2, bn, HALF), lambda i: (0, i, 0)),
            pl.BlockSpec((d, d), lambda i: (0, 0)),
            pl.BlockSpec((d, d), lambda i: (0, 0)),
            pl.BlockSpec((1, d), lambda i: (0, 0)),
        ],
        out_specs=pl.BlockSpec((bn, d), lambda i: (i, 0)),
        out_shape=jax.ShapeDtypeStruct((n, d), jnp.float32),
    )(agg, t_split, wrel, wroot, b.reshape(1, d))


def kernel(x, edge_index, W1_rel, W1_root, b1, W2_rel, W2_root, b2):
    n, d = x.shape
    e = edge_index.shape[1]
    n_chunk = e // (NS * K)
    src = edge_index[0].reshape(NS, n_chunk, K)
    dst = edge_index[1].reshape(NS, n_chunk, K)
    bn = 1000

    x2 = x.reshape(2 * n, HALF)
    agg1 = _make_seg_sum(n, e, 2, 1)(x2, src, dst)
    t_split = _tc_layer1(agg1, x, W1_rel, W1_root, b1, bn)

    t2 = t_split.reshape(2 * n, HALF)
    agg2 = _make_seg_sum(n, e, 1, n)(t2, src, dst)
    return _tc_layer2(agg2, t_split, W2_rel, W2_root, b2, bn)

# --- scband reference (transcript-rebuilt; emitter-appended) ---
"""Pipeline reference for scband-gcns-30116310679748 (READ-ONLY COPY).

The authoritative reference and input builder live on the scoring server;
editing this copy changes nothing except your own understanding.
"""

import jax, jax.numpy as jnp
import numpy as np

N = 10000
E = 160000
D_IN = 256
H = 256
D_OUT = 256


def setup_inputs(seed: int = 0) -> dict:
    key = jax.random.key(seed)
    ks = jax.random.split(key, 8)
    x = jax.random.normal(ks[0], (N, D_IN), dtype=jnp.float32)
    edge_index = jax.random.randint(ks[1], (2, E), 0, N, dtype=jnp.int32)
    s1 = 1.0 / np.sqrt(D_IN)
    s2 = 1.0 / np.sqrt(H)
    W1_rel = jax.random.normal(ks[2], (D_IN, H), dtype=jnp.float32) * s1
    W1_root = jax.random.normal(ks[3], (D_IN, H), dtype=jnp.float32) * s1
    b1 = jnp.zeros((H,), dtype=jnp.float32)
    W2_rel = jax.random.normal(ks[4], (H, D_OUT), dtype=jnp.float32) * s2
    W2_root = jax.random.normal(ks[5], (H, D_OUT), dtype=jnp.float32) * s2
    b2 = jnp.zeros((D_OUT,), dtype=jnp.float32)
    return {
        "x": x,
        "edge_index": edge_index,
        "W1_rel": W1_rel,
        "W1_root": W1_root,
        "b1": b1,
        "W2_rel": W2_rel,
        "W2_root": W2_root,
        "b2": b2,
    }


def reference(x, edge_index, W1_rel, W1_root, b1, W2_rel, W2_root, b2):
    # PyG GraphConv (aggr='add'): out = lin_rel(sum_{j in N(i)} x_j) + lin_root(x_i)
    src = edge_index[0]
    dst = edge_index[1]
    n = x.shape[0]
    # layer 1
    msgs = jnp.take(x, src, axis=0)
    agg = jax.ops.segment_sum(msgs, dst, num_segments=n)
    h = agg @ W1_rel + x @ W1_root + b1
    t = jax.nn.relu(h)
    # layer 2
    msgs2 = jnp.take(t, src, axis=0)
    agg2 = jax.ops.segment_sum(msgs2, dst, num_segments=n)
    out = agg2 @ W2_rel + t @ W2_root + b2
    return out

if __name__ == "__main__":
    import jax
    _d = setup_inputs()
    print(jax.jit(kernel)(*tuple(_d.values())))

</pallas_src>

<mosaic_0001>
#map = affine_map<(d0, d1) -> (0, 0)>
#map1 = affine_map<(d0, d1) -> (0, 0, 0)>
module attributes {stable_mosaic.version = 14 : i64} {
  func.func @seg_sum(%arg0: i32, %arg1: i32, %arg2: memref<20000x128xf32, #tpu.memory_space<hbm>>, %arg3: memref<16x125x80xi32, #tpu.memory_space<hbm>>, %arg4: memref<16x125x80xi32, #tpu.memory_space<hbm>>, %arg5: memref<2x10240x128xf32, #tpu.memory_space<hbm>>, %arg6: memref<125x80xi32, #tpu.memory_space<vmem>>, %arg7: memref<80xi32, #tpu.memory_space<vmem>>, %arg8: memref<80xi32, #tpu.memory_space<vmem>>, %arg9: memref<80xi32, #tpu.memory_space<vmem>>, %arg10: memref<80x128xf32, #tpu.memory_space<vmem>>, %arg11: memref<80x128xf32, #tpu.memory_space<vmem>>, %arg12: memref<80x128xf32, #tpu.memory_space<vmem>>, %arg13: memref<10240x128xf32, #tpu.memory_space<vmem_shared>>, %arg14: memref<!tpu.dma_semaphore, #tpu.memory_space<semaphore_mem>>, %arg15: memref<!tpu.dma_semaphore, #tpu.memory_space<semaphore_mem>>, %arg16: memref<!tpu.dma_semaphore, #tpu.memory_space<semaphore_mem>>, %arg17: memref<!tpu.dma_semaphore, #tpu.memory_space<semaphore_mem>>, %arg18: memref<!tpu.dma_semaphore, #tpu.memory_space<semaphore_mem>>, %arg19: memref<!tpu.dma_semaphore, #tpu.memory_space<semaphore_mem>>, %arg20: memref<!tpu.dma_semaphore, #tpu.memory_space<semaphore_mem>>, %arg21: memref<!tpu.dma_semaphore, #tpu.memory_space<semaphore_mem>>, %arg22: memref<!tpu.dma_semaphore, #tpu.memory_space<semaphore_mem>>) attributes {dimension_semantics = [#tpu.dimension_semantics<core_parallel>, #tpu.dimension_semantics<subcore_parallel>], iteration_bounds = array<i64: 2, 16>, scalar_prefetch = 0 : i64, scratch_operands = 17 : i64, tpu.core_type = #tpu.core_type<sc_vector_subcore>, window_params = [{transform_indices = #map}, {transform_indices = #map1}, {transform_indices = #map1}, {transform_indices = #map1}]} {
    %scan3A = arith.constant 0 : i32
    %scan3A_0 = arith.constant 0 : i32
    %scan3A_1 = arith.constant 80 : i32
    %scan3A_2 = arith.addi %scan3A_0, %scan3A_1 : i32
    %scan3A_3 = arith.constant 1 : i32
    %scan3A_4 = scf.for %scan3A_367 = %scan3A_0 to %scan3A_2 step %scan3A_3 iter_args(%scan3A_368 = %scan3A) -> (i32)  : i32 {
      %broadcast_in_dim3A = arith.constant 0.000000e+00 : f32
      %broadcast_in_dim3A_369 = vector.broadcast %broadcast_in_dim3A : f32 to vector<16xf32>
      %swap3A = arith.index_cast %scan3A_367 : i32 to index
      %swap3A_370 = arith.constant 0 : index
      %swap3A_371 = tpu.vector_load %arg10[%swap3A, %swap3A_370] {strides = array<i32>} : memref<80x128xf32, #tpu.memory_space<vmem>>, vector<1x16xf32>,
      %swap3A_372 = vector.shape_cast %swap3A_371 : vector<1x16xf32> to vector<16xf32>
      %swap3A_373 = vector.shape_cast %broadcast_in_dim3A_369 : vector<16xf32> to vector<1x16xf32>
      tpu.vector_store %arg10[%swap3A, %swap3A_370], %swap3A_373 {strides = array<i32>} : memref<80x128xf32, #tpu.memory_space<vmem>>, vector<1x16xf32>,
      %broadcast_in_dim3A_374 = arith.constant 0.000000e+00 : f32
      %broadcast_in_dim3A_375 = vector.broadcast %broadcast_in_dim3A_374 : f32 to vector<16xf32>
      %swap3A_376 = arith.index_cast %scan3A_367 : i32 to index
      %swap3A_377 = arith.constant 16 : index
      %swap3A_378 = tpu.vector_load %arg10[%swap3A_376, %swap3A_377] {strides = array<i32>} : memref<80x128xf32, #tpu.memory_space<vmem>>, vector<1x16xf32>,
      %swap3A_379 = vector.shape_cast %swap3A_378 : vector<1x16xf32> to vector<16xf32>
      %swap3A_380 = vector.shape_cast %broadcast_in_dim3A_375 : vector<16xf32> to vector<1x16xf32>
      tpu.vector_store %arg10[%swap3A_376, %swap3A_377], %swap3A_380 {strides = array<i32>} : memref<80x128xf32, #tpu.memory_space<vmem>>, vector<1x16xf32>,
      %broadcast_in_dim3A_381 = arith.constant 0.000000e+00 : f32
      %broadcast_in_dim3A_382 = vector.broadcast %broadcast_in_dim3A_381 : f32 to vector<16xf32>
      %swap3A_383 = arith.index_cast %scan3A_367 : i32 to index
      %swap3A_384 = arith.constant 32 : index
      %swap3A_385 = tpu.vector_load %arg10[%swap3A_383, %swap3A_384] {strides = array<i32>} : memref<80x128xf32, #tpu.memory_space<vmem>>, vector<1x16xf32>,
      %swap3A_386 = vector.shape_cast %swap3A_385 : vector<1x16xf32> to vector<16xf32>
      %swap3A_387 = vector.shape_cast %broadcast_in_dim3A_382 : vector<16xf32> to vector<1x16xf32>
      tpu.vector_store %arg10[%swap3A_383, %swap3A_384], %swap3A_387 {strides = array<i32>} : memref<80x128xf32, #tpu.memory_space<vmem>>, vector<1x16xf32>,
      %broadcast_in_dim3A_388 = arith.constant 0.000000e+00 : f32
      %broadcast_in_dim3A_389 = vector.broadcast %broadcast_in_dim3A_388 : f32 to vector<16xf32>
      %swap3A_390 = arith.index_cast %scan3A_367 : i32 to index
      %swap3A_391 = arith.constant 48 : index
      %swap3A_392 = tpu.vector_load %arg10[%swap3A_390, %swap3A_391] {strides = array<i32>} : memref<80x128xf32, #tpu.memory_space<vmem>>, vector<1x16xf32>,
      %swap3A_393 = vector.shape_cast %swap3A_392 : vector<1x16xf32> to vector<16xf32>
      %swap3A_394 = vector.shape_cast %broadcast_in_dim3A_389 : vector<16xf32> to vector<1x16xf32>
      tpu.vector_store %arg10[%swap3A_390, %swap3A_391], %swap3A_394 {strides = array<i32>} : memref<80x128xf32, #tpu.memory_space<vmem>>, vector<1x16xf32>,
      %broadcast_in_dim3A_395 = arith.constant 0.000000e+00 : f32
      %broadcast_in_dim3A_396 = vector.broadcast %broadcast_in_dim3A_395 : f32 to vector<16xf32>
      %swap3A_397 = arith.index_cast %scan3A_367 : i32 to index
      %swap3A_398 = arith.constant 64 : index
      %swap3A_399 = tpu.vector_load %arg10[%swap3A_397, %swap3A_398] {strides = array<i32>} : memref<80x128xf32, #tpu.memory_space<vmem>>, vector<1x16xf32>,
      %swap3A_400 = vector.shape_cast %swap3A_399 : vector<1x16xf32> to vector<16xf32>
      %swap3A_401 = vector.shape_cast %broadcast_in_dim3A_396 : vector<16xf32> to vector<1x16xf32>
      tpu.vector_store %arg10[%swap3A_397, %swap3A_398], %swap3A_401 {strides = array<i32>} : memref<80x128xf32, #tpu.memory_space<vmem>>, vector<1x16xf32>,
      %broadcast_in_dim3A_402 = arith.constant 0.000000e+00 : f32
      %broadcast_in_dim3A_403 = vector.broadcast %broadcast_in_dim3A_402 : f32 to vector<16xf32>
      %swap3A_404 = arith.index_cast %scan3A_367 : i32 to index
      %swap3A_405 = arith.constant 80 : index
      %swap3A_406 = tpu.vector_load %arg10[%swap3A_404, %swap3A_405] {strides = array<i32>} : memref<80x128xf32, #tpu.memory_space<vmem>>, vector<1x16xf32>,
      %swap3A_407 = vector.shape_cast %swap3A_406 : vector<1x16xf32> to vector<16xf32>
      %swap3A_408 = vector.shape_cast %broadcast_in_dim3A_403 : vector<16xf32> to vector<1x16xf32>
      tpu.vector_store %arg10[%swap3A_404, %swap3A_405], %swap3A_408 {strides = array<i32>} : memref<80x128xf32, #tpu.memory_space<vmem>>, vector<1x16xf32>,
      %broadcast_in_dim3A_409 = arith.constant 0.000000e+00 : f32
      %broadcast_in_dim3A_410 = vector.broadcast %broadcast_in_dim3A_409 : f32 to vector<16xf32>
      %swap3A_411 = arith.index_cast %scan3A_367 : i32 to index
      %swap3A_412 = arith.constant 96 : index
      %swap3A_413 = tpu.vector_load %arg10[%swap3A_411, %swap3A_412] {strides = array<i32>} : memref<80x128xf32, #tpu.memory_space<vmem>>, vector<1x16xf32>,
      %swap3A_414 = vector.shape_cast %swap3A_413 : vector<1x16xf32> to vector<16xf32>
      %swap3A_415 = vector.shape_cast %broadcast_in_dim3A_410 : vector<16xf32> to vector<1x16xf32>
      tpu.vector_store %arg10[%swap3A_411, %swap3A_412], %swap3A_415 {strides = array<i32>} : memref<80x128xf32, #tpu.memory_space<vmem>>, vector<1x16xf32>,
      %broadcast_in_dim3A_416 = arith.constant 0.000000e+00 : f32
      %broadcast_in_dim3A_417 = vector.broadcast %broadcast_in_dim3A_416 : f32 to vector<16xf32>
      %swap3A_418 = arith.index_cast %scan3A_367 : i32 to index
      %swap3A_419 = arith.constant 112 : index
      %swap3A_420 = tpu.vector_load %arg10[%swap3A_418, %swap3A_419] {strides = array<i32>} : memref<80x128xf32, #tpu.memory_space<vmem>>, vector<1x16xf32>,
      %swap3A_421 = vector.shape_cast %swap3A_420 : vector<1x16xf32> to vector<16xf32>
      %swap3A_422 = vector.shape_cast %broadcast_in_dim3A_417 : vector<16xf32> to vector<1x16xf32>
      tpu.vector_store %arg10[%swap3A_418, %swap3A_419], %swap3A_422 {strides = array<i32>} : memref<80x128xf32, #tpu.memory_space<vmem>>, vector<1x16xf32>,
      %scan3A_423 = arith.constant 0 : i32
      scf.yield %scan3A_423 : i32
    }
    %scan3A_5 = arith.constant 80 : i32
    %mul3A = arith.constant 640 : i32
    %mul3A_6 = arith.muli %arg1, %mul3A : i32
    %add3A = arith.constant 0 : i32
    %add3A_7 = arith.addi %mul3A_6, %add3A : i32
    %dma_start3A = arith.constant 0 : i32
    %dma_start3A_8 = tpu.memref_slice %arg13[%add3A_7, %dma_start3A] : memref<10240x128xf32, #tpu.memory_space<vmem_shared>> -> memref<80x128xf32, #tpu.memory_space<vmem_shared>>
    %dma_start3A_9 = arith.constant 0 : i32
    %dma_start3A_10 = tpu.memref_slice %arg13[%add3A_7, %dma_start3A_9] : memref<10240x128xf32, #tpu.memory_space<vmem_shared>> -> memref<80x128xf32, #tpu.memory_space<vmem_shared>>
    tpu.enqueue_dma source(%arg10 : memref<80x128xf32, #tpu.memory_space<vmem>>) target(%dma_start3A_10 : memref<80x128xf32, #tpu.memory_space<vmem_shared>>) target_semaphore(%arg14 : memref<!tpu.dma_semaphore, #tpu.memory_space<semaphore_mem>>)
    %mul3A_11 = arith.constant 640 : i32
    %mul3A_12 = arith.muli %arg1, %mul3A_11 : i32
    %add3A_13 = arith.constant 80 : i32
    %add3A_14 = arith.addi %mul3A_12, %add3A_13 : i32
    %dma_start3A_15 = arith.constant 0 : i32
    %dma_start3A_16 = tpu.memref_slice %arg13[%add3A_14, %dma_start3A_15] : memref<10240x128xf32, #tpu.memory_space<vmem_shared>> -> memref<80x128xf32, #tpu.memory_space<vmem_shared>>
    %dma_start3A_17 = arith.constant 0 : i32
    %dma_start3A_18 = tpu.memref_slice %arg13[%add3A_14, %dma_start3A_17] : memref<10240x128xf32, #tpu.memory_space<vmem_shared>> -> memref<80x128xf32, #tpu.memory_space<vmem_shared>>
    tpu.enqueue_dma source(%arg10 : memref<80x128xf32, #tpu.memory_space<vmem>>) target(%dma_start3A_18 : memref<80x128xf32, #tpu.memory_space<vmem_shared>>) target_semaphore(%arg14 : memref<!tpu.dma_semaphore, #tpu.memory_space<semaphore_mem>>)
    %mul3A_19 = arith.constant 640 : i32
    %mul3A_20 = arith.muli %arg1, %mul3A_19 : i32
    %add3A_21 = arith.constant 160 : i32
    %add3A_22 = arith.addi %mul3A_20, %add3A_21 : i32
    %dma_start3A_23 = arith.constant 0 : i32
    %dma_start3A_24 = tpu.memref_slice %arg13[%add3A_22, %dma_start3A_23] : memref<10240x128xf32, #tpu.memory_space<vmem_shared>> -> memref<80x128xf32, #tpu.memory_space<vmem_shared>>
    %dma_start3A_25 = arith.constant 0 : i32
    %dma_start3A_26 = tpu.memref_slice %arg13[%add3A_22, %dma_start3A_25] : memref<10240x128xf32, #tpu.memory_space<vmem_shared>> -> memref<80x128xf32, #tpu.memory_space<vmem_shared>>
    tpu.enqueue_dma source(%arg10 : memref<80x128xf32, #tpu.memory_space<vmem>>) target(%dma_start3A_26 : memref<80x128xf32, #tpu.memory_space<vmem_shared>>) target_semaphore(%arg14 : memref<!tpu.dma_semaphore, #tpu.memory_space<semaphore_mem>>)
    %mul3A_27 = arith.constant 640 : i32
    %mul3A_28 = arith.muli %arg1, %mul3A_27 : i32
    %add3A_29 = arith.constant 240 : i32
    %add3A_30 = arith.addi %mul3A_28, %add3A_29 : i32
    %dma_start3A_31 = arith.constant 0 : i32
    %dma_start3A_32 = tpu.memref_slice %arg13[%add3A_30, %dma_start3A_31] : memref<10240x128xf32, #tpu.memory_space<vmem_shared>> -> memref<80x128xf32, #tpu.memory_space<vmem_shared>>
    %dma_start3A_33 = arith.constant 0 : i32
    %dma_start3A_34 = tpu.memref_slice %arg13[%add3A_30, %dma_start3A_33] : memref<10240x128xf32, #tpu.memory_space<vmem_shared>> -> memref<80x128xf32, #tpu.memory_space<vmem_shared>>
    tpu.enqueue_dma source(%arg10 : memref<80x128xf32, #tpu.memory_space<vmem>>) target(%dma_start3A_34 : memref<80x128xf32, #tpu.memory_space<vmem_shared>>) target_semaphore(%arg14 : memref<!tpu.dma_semaphore, #tpu.memory_space<semaphore_mem>>)
    %mul3A_35 = arith.constant 640 : i32
    %mul3A_36 = arith.muli %arg1, %mul3A_35 : i32
    %add3A_37 = arith.constant 320 : i32
    %add3A_38 = arith.addi %mul3A_36, %add3A_37 : i32
    %dma_start3A_39 = arith.constant 0 : i32
    %dma_start3A_40 = tpu.memref_slice %arg13[%add3A_38, %dma_start3A_39] : memref<10240x128xf32, #tpu.memory_space<vmem_shared>> -> memref<80x128xf32, #tpu.memory_space<vmem_shared>>
    %dma_start3A_41 = arith.constant 0 : i32
    %dma_start3A_42 = tpu.memref_slice %arg13[%add3A_38, %dma_start3A_41] : memref<10240x128xf32, #tpu.memory_space<vmem_shared>> -> memref<80x128xf32, #tpu.memory_space<vmem_shared>>
    tpu.enqueue_dma source(%arg10 : memref<80x128xf32, #tpu.memory_space<vmem>>) target(%dma_start3A_42 : memref<80x128xf32, #tpu.memory_space<vmem_shared>>) target_semaphore(%arg14 : memref<!tpu.dma_semaphore, #tpu.memory_space<semaphore_mem>>)
    %mul3A_43 = arith.constant 640 : i32
    %mul3A_44 = arith.muli %arg1, %mul3A_43 : i32
    %add3A_45 = arith.constant 400 : i32
    %add3A_46 = arith.addi %mul3A_44, %add3A_45 : i32
    %dma_start3A_47 = arith.constant 0 : i32
    %dma_start3A_48 = tpu.memref_slice %arg13[%add3A_46, %dma_start3A_47] : memref<10240x128xf32, #tpu.memory_space<vmem_shared>> -> memref<80x128xf32, #tpu.memory_space<vmem_shared>>
    %dma_start3A_49 = arith.constant 0 : i32
    %dma_start3A_50 = tpu.memref_slice %arg13[%add3A_46, %dma_start3A_49] : memref<10240x128xf32, #tpu.memory_space<vmem_shared>> -> memref<80x128xf32, #tpu.memory_space<vmem_shared>>
    tpu.enqueue_dma source(%arg10 : memref<80x128xf32, #tpu.memory_space<vmem>>) target(%dma_start3A_50 : memref<80x128xf32, #tpu.memory_space<vmem_shared>>) target_semaphore(%arg14 : memref<!tpu.dma_semaphore, #tpu.memory_space<semaphore_mem>>)
    %mul3A_51 = arith.constant 640 : i32
    %mul3A_52 = arith.muli %arg1, %mul3A_51 : i32
    %add3A_53 = arith.constant 480 : i32
    %add3A_54 = arith.addi %mul3A_52, %add3A_53 : i32
    %dma_start3A_55 = arith.constant 0 : i32
    %dma_start3A_56 = tpu.memref_slice %arg13[%add3A_54, %dma_start3A_55] : memref<10240x128xf32, #tpu.memory_space<vmem_shared>> -> memref<80x128xf32, #tpu.memory_space<vmem_shared>>
    %dma_start3A_57 = arith.constant 0 : i32
    %dma_start3A_58 = tpu.memref_slice %arg13[%add3A_54, %dma_start3A_57] : memref<10240x128xf32, #tpu.memory_space<vmem_shared>> -> memref<80x128xf32, #tpu.memory_space<vmem_shared>>
    tpu.enqueue_dma source(%arg10 : memref<80x128xf32, #tpu.memory_space<vmem>>) target(%dma_start3A_58 : memref<80x128xf32, #tpu.memory_space<vmem_shared>>) target_semaphore(%arg14 : memref<!tpu.dma_semaphore, #tpu.memory_space<semaphore_mem>>)
    %mul3A_59 = arith.constant 640 : i32
    %mul3A_60 = arith.muli %arg1, %mul3A_59 : i32
    %add3A_61 = arith.constant 560 : i32
    %add3A_62 = arith.addi %mul3A_60, %add3A_61 : i32
    %dma_start3A_63 = arith.constant 0 : i32
    %dma_start3A_64 = tpu.memref_slice %arg13[%add3A_62, %dma_start3A_63] : memref<10240x128xf32, #tpu.memory_space<vmem_shared>> -> memref<80x128xf32, #tpu.memory_space<vmem_shared>>
    %dma_start3A_65 = arith.constant 0 : i32
    %dma_start3A_66 = tpu.memref_slice %arg13[%add3A_62, %dma_start3A_65] : memref<10240x128xf32, #tpu.memory_space<vmem_shared>> -> memref<80x128xf32, #tpu.memory_space<vmem_shared>>
    tpu.enqueue_dma source(%arg10 : memref<80x128xf32, #tpu.memory_space<vmem>>) target(%dma_start3A_66 : memref<80x128xf32, #tpu.memory_space<vmem_shared>>) target_semaphore(%arg14 : memref<!tpu.dma_semaphore, #tpu.memory_space<semaphore_mem>>)
    "tpu.region"() ({
      %run_scoped3A = tpu.sem_alloc : memref<!tpu.dma_semaphore, #tpu.memory_space<semaphore_mem>>
      %dma_start3A_367 = arith.constant 0 : i32
      %dma_start3A_368 = arith.constant 0 : i32
      %dma_start3A_369 = tpu.memref_slice %arg3[%arg1, %dma_start3A_367, %dma_start3A_368] : memref<16x125x80xi32, #tpu.memory_space<hbm>> -> memref<1x125x80xi32, #tpu.memory_space<hbm>>
      %dma_start3A_370 = tpu.memref_squeeze %dma_start3A_369 : memref<1x125x80xi32, #tpu.memory_space<hbm>> -> memref<125x80xi32, #tpu.memory_space<hbm>>
      %dma_start3A_371 = arith.constant 0 : i32
      %dma_start3A_372 = arith.constant 0 : i32
      %dma_start3A_373 = tpu.memref_slice %arg3[%arg1, %dma_start3A_371, %dma_start3A_372] : memref<16x125x80xi32, #tpu.memory_space<hbm>> -> memref<1x125x80xi32, #tpu.memory_space<hbm>>
      %dma_start3A_374 = tpu.memref_squeeze %dma_start3A_373 : memref<1x125x80xi32, #tpu.memory_space<hbm>> -> memref<125x80xi32, #tpu.memory_space<hbm>>
      tpu.enqueue_dma source(%dma_start3A_374 : memref<125x80xi32, #tpu.memory_space<hbm>>) target(%arg6 : memref<125x80xi32, #tpu.memory_space<vmem>>) target_semaphore(%run_scoped3A : memref<!tpu.dma_semaphore, #tpu.memory_space<semaphore_mem>>)
      %dma_wait3A_375 = arith.constant 0 : i32
      %dma_wait3A_376 = arith.constant 0 : i32
      %dma_wait3A_377 = tpu.memref_slice %arg3[%arg1, %dma_wait3A_375, %dma_wait3A_376] : memref<16x125x80xi32, #tpu.memory_space<hbm>> -> memref<1x125x80xi32, #tpu.memory_space<hbm>>
      %dma_wait3A_378 = tpu.memref_squeeze %dma_wait3A_377 : memref<1x125x80xi32, #tpu.memory_space<hbm>> -> memref<125x80xi32, #tpu.memory_space<hbm>>
      %dma_wait3A_379 = arith.constant 0 : i32
      %dma_wait3A_380 = arith.constant 0 : i32
      %dma_wait3A_381 = tpu.memref_slice %arg3[%arg1, %dma_wait3A_379, %dma_wait3A_380] : memref<16x125x80xi32, #tpu.memory_space<hbm>> -> memref<1x125x80xi32, #tpu.memory_space<hbm>>
      %dma_wait3A_382 = tpu.memref_squeeze %dma_wait3A_381 : memref<1x125x80xi32, #tpu.memory_space<hbm>> -> memref<125x80xi32, #tpu.memory_space<hbm>>
      tpu.wait_dma2 semaphore(%run_scoped3A : memref<!tpu.dma_semaphore, #tpu.memory_space<semaphore_mem>>) src(%dma_wait3A_382 : memref<125x80xi32, #tpu.memory_space<hbm>>) dst(%arg6 : memref<125x80xi32, #tpu.memory_space<vmem>>)
      tpu.yield
    }) : () -> ()
    %dma_start3A_67 = arith.constant 0 : i32
    %dma_start3A_68 = arith.constant 0 : i32
    %dma_start3A_69 = tpu.memref_slice %arg4[%arg1, %dma_start3A_67, %dma_start3A_68] : memref<16x125x80xi32, #tpu.memory_space<hbm>> -> memref<1x1x80xi32, #tpu.memory_space<hbm>>
    %dma_start3A_70 = tpu.memref_squeeze %dma_start3A_69 : memref<1x1x80xi32, #tpu.memory_space<hbm>> -> memref<80xi32, #tpu.memory_space<hbm>>
    %dma_start3A_71 = arith.constant 0 : i32
    %dma_start3A_72 = tpu.memref_slice %arg4[%arg1, %dma_start3A_67, %dma_start3A_71] : memref<16x125x80xi32, #tpu.memory_space<hbm>> -> memref<1x1x80xi32, #tpu.memory_space<hbm>>
    %dma_start3A_73 = tpu.memref_squeeze %dma_start3A_72 : memref<1x1x80xi32, #tpu.memory_space<hbm>> -> memref<80xi32, #tpu.memory_space<hbm>>
    tpu.enqueue_dma source(%dma_start3A_73 : memref<80xi32, #tpu.memory_space<hbm>>) target(%arg7 : memref<80xi32, #tpu.memory_space<vmem>>) target_semaphore(%arg20 : memref<!tpu.dma_semaphore, #tpu.memory_space<semaphore_mem>>)
    %dma_start3A_74 = arith.constant 1 : i32
    %dma_start3A_75 = arith.constant 0 : i32
    %dma_start3A_76 = tpu.memref_slice %arg4[%arg1, %dma_start3A_74, %dma_start3A_75] : memref<16x125x80xi32, #tpu.memory_space<hbm>> -> memref<1x1x80xi32, #tpu.memory_space<hbm>>
    %dma_start3A_77 = tpu.memref_squeeze %dma_start3A_76 : memref<1x1x80xi32, #tpu.memory_space<hbm>> -> memref<80xi32, #tpu.memory_space<hbm>>
    %dma_start3A_78 = arith.constant 0 : i32
    %dma_start3A_79 = tpu.memref_slice %arg4[%arg1, %dma_start3A_74, %dma_start3A_78] : memref<16x125x80xi32, #tpu.memory_space<hbm>> -> memref<1x1x80xi32, #tpu.memory_space<hbm>>
    %dma_start3A_80 = tpu.memref_squeeze %dma_start3A_79 : memref<1x1x80xi32, #tpu.memory_space<hbm>> -> memref<80xi32, #tpu.memory_space<hbm>>
    tpu.enqueue_dma source(%dma_start3A_80 : memref<80xi32, #tpu.memory_space<hbm>>) target(%arg8 : memref<80xi32, #tpu.memory_space<vmem>>) target_semaphore(%arg21 : memref<!tpu.dma_semaphore, #tpu.memory_space<semaphore_mem>>)
    %mul3A_81 = arith.constant 10000 : i32
    %mul3A_82 = arith.muli %arg0, %mul3A_81 : i32
    %scan3A_83 = arith.constant 0 : i32
    %scan3A_84 = arith.constant 0 : i32
    %scan3A_85 = arith.constant 125 : i32
    %scan3A_86 = arith.addi %scan3A_84, %scan3A_85 : i32
    %scan3A_87 = arith.constant 1 : i32
    %scan3A_88 = scf.for %scan3A_367 = %scan3A_84 to %scan3A_86 step %scan3A_87 iter_args(%scan3A_368 = %scan3A_83) -> (i32)  : i32 {
      %get3A = arith.index_cast %scan3A_367 : i32 to index
      %get3A_369 = arith.constant 0 : index
      %get3A_370 = tpu.vector_load %arg6[%get3A, %get3A_369] {strides = array<i32>} : memref<125x80xi32, #tpu.memory_space<vmem>>, vector<1x16xi32>,
      %get3A_371 = vector.shape_cast %get3A_370 : vector<1x16xi32> to vector<16xi32>
      %mul3A_372 = arith.constant 1 : i32
      %mul3A_373 = vector.broadcast %mul3A_372 : i32 to vector<16xi32>
      %mul3A_374 = arith.muli %get3A_371, %mul3A_373 : vector<16xi32>
      %add3A_375 = vector.broadcast %mul3A_82 : i32 to vector<16xi32>
      %add3A_376 = arith.addi %mul3A_374, %add3A_375 : vector<16xi32>
      %swap3A = arith.index_cast %scan3A_367 : i32 to index
      %swap3A_377 = arith.constant 0 : index
      %swap3A_378 = tpu.vector_load %arg6[%swap3A, %swap3A_377] {strides = array<i32>} : memref<125x80xi32, #tpu.memory_space<vmem>>, vector<1x16xi32>,
      %swap3A_379 = vector.shape_cast %swap3A_378 : vector<1x16xi32> to vector<16xi32>
      %swap3A_380 = vector.shape_cast %add3A_376 : vector<16xi32> to vector<1x16xi32>
      tpu.vector_store %arg6[%swap3A, %swap3A_377], %swap3A_380 {strides = array<i32>} : memref<125x80xi32, #tpu.memory_space<vmem>>, vector<1x16xi32>,
      %get3A_381 = arith.index_cast %scan3A_367 : i32 to index
      %get3A_382 = arith.constant 16 : index
      %get3A_383 = tpu.vector_load %arg6[%get3A_381, %get3A_382] {strides = array<i32>} : memref<125x80xi32, #tpu.memory_space<vmem>>, vector<1x16xi32>,
      %get3A_384 = vector.shape_cast %get3A_383 : vector<1x16xi32> to vector<16xi32>
      %mul3A_385 = arith.constant 1 : i32
      %mul3A_386 = vector.broadcast %mul3A_385 : i32 to vector<16xi32>
      %mul3A_387 = arith.muli %get3A_384, %mul3A_386 : vector<16xi32>
      %add3A_388 = vector.broadcast %mul3A_82 : i32 to vector<16xi32>
      %add3A_389 = arith.addi %mul3A_387, %add3A_388 : vector<16xi32>
      %swap3A_390 = arith.index_cast %scan3A_367 : i32 to index
      %swap3A_391 = arith.constant 16 : index
      %swap3A_392 = tpu.vector_load %arg6[%swap3A_390, %swap3A_391] {strides = array<i32>} : memref<125x80xi32, #tpu.memory_space<vmem>>, vector<1x16xi32>,
      %swap3A_393 = vector.shape_cast %swap3A_392 : vector<1x16xi32> to vector<16xi32>
      %swap3A_394 = vector.shape_cast %add3A_389 : vector<16xi32> to vector<1x16xi32>
      tpu.vector_store %arg6[%swap3A_390, %swap3A_391], %swap3A_394 {strides = array<i32>} : memref<125x80xi32, #tpu.memory_space<vmem>>, vector<1x16xi32>,
      %get3A_395 = arith.index_cast %scan3A_367 : i32 to index
      %get3A_396 = arith.constant 32 : index
      %get3A_397 = tpu.vector_load %arg6[%get3A_395, %get3A_396] {strides = array<i32>} : memref<125x80xi32, #tpu.memory_space<vmem>>, vector<1x16xi32>,
      %get3A_398 = vector.shape_cast %get3A_397 : vector<1x16xi32> to vector<16xi32>
      %mul3A_399 = arith.constant 1 : i32
      %mul3A_400 = vector.broadcast %mul3A_399 : i32 to vector<16xi32>
      %mul3A_401 = arith.muli %get3A_398, %mul3A_400 : vector<16xi32>
      %add3A_402 = vector.broadcast %mul3A_82 : i32 to vector<16xi32>
      %add3A_403 = arith.addi %mul3A_401, %add3A_402 : vector<16xi32>
      %swap3A_404 = arith.index_cast %scan3A_367 : i32 to index
      %swap3A_405 = arith.constant 32 : index
      %swap3A_406 = tpu.vector_load %arg6[%swap3A_404, %swap3A_405] {strides = array<i32>} : memref<125x80xi32, #tpu.memory_space<vmem>>, vector<1x16xi32>,
      %swap3A_407 = vector.shape_cast %swap3A_406 : vector<1x16xi32> to vector<16xi32>
      %swap3A_408 = vector.shape_cast %add3A_403 : vector<16xi32> to vector<1x16xi32>
      tpu.vector_store %arg6[%swap3A_404, %swap3A_405], %swap3A_408 {strides = array<i32>} : memref<125x80xi32, #tpu.memory_space<vmem>>, vector<1x16xi32>,
      %get3A_409 = arith.index_cast %scan3A_367 : i32 to index
      %get3A_410 = arith.constant 48 : index
      %get3A_411 = tpu.vector_load %arg6[%get3A_409, %get3A_410] {strides = array<i32>} : memref<125x80xi32, #tpu.memory_space<vmem>>, vector<1x16xi32>,
      %get3A_412 = vector.shape_cast %get3A_411 : vector<1x16xi32> to vector<16xi32>
      %mul3A_413 = arith.constant 1 : i32
      %mul3A_414 = vector.broadcast %mul3A_413 : i32 to vector<16xi32>
      %mul3A_415 = arith.muli %get3A_412, %mul3A_414 : vector<16xi32>
      %add3A_416 = vector.broadcast %mul3A_82 : i32 to vector<16xi32>
      %add3A_417 = arith.addi %mul3A_415, %add3A_416 : vector<16xi32>
      %swap3A_418 = arith.index_cast %scan3A_367 : i32 to index
      %swap3A_419 = arith.constant 48 : index
      %swap3A_420 = tpu.vector_load %arg6[%swap3A_418, %swap3A_419] {strides = array<i32>} : memref<125x80xi32, #tpu.memory_space<vmem>>, vector<1x16xi32>,
      %swap3A_421 = vector.shape_cast %swap3A_420 : vector<1x16xi32> to vector<16xi32>
      %swap3A_422 = vector.shape_cast %add3A_417 : vector<16xi32> to vector<1x16xi32>
      tpu.vector_store %arg6[%swap3A_418, %swap3A_419], %swap3A_422 {strides = array<i32>} : memref<125x80xi32, #tpu.memory_space<vmem>>, vector<1x16xi32>,
      %get3A_423 = arith.index_cast %scan3A_367 : i32 to index
      %get3A_424 = arith.constant 64 : index
      %get3A_425 = tpu.vector_load %arg6[%get3A_423, %get3A_424] {strides = array<i32>} : memref<125x80xi32, #tpu.memory_space<vmem>>, vector<1x16xi32>,
      %get3A_426 = vector.shape_cast %get3A_425 : vector<1x16xi32> to vector<16xi32>
      %mul3A_427 = arith.constant 1 : i32
      %mul3A_428 = vector.broadcast %mul3A_427 : i32 to vector<16xi32>
      %mul3A_429 = arith.muli %get3A_426, %mul3A_428 : vector<16xi32>
      %add3A_430 = vector.broadcast %mul3A_82 : i32 to vector<16xi32>
      %add3A_431 = arith.addi %mul3A_429, %add3A_430 : vector<16xi32>
      %swap3A_432 = arith.index_cast %scan3A_367 : i32 to index
      %swap3A_433 = arith.constant 64 : index
      %swap3A_434 = tpu.vector_load %arg6[%swap3A_432, %swap3A_433] {strides = array<i32>} : memref<125x80xi32, #tpu.memory_space<vmem>>, vector<1x16xi32>,
      %swap3A_435 = vector.shape_cast %swap3A_434 : vector<1x16xi32> to vector<16xi32>
      %swap3A_436 = vector.shape_cast %add3A_431 : vector<16xi32> to vector<1x16xi32>
      tpu.vector_store %arg6[%swap3A_432, %swap3A_433], %swap3A_436 {strides = array<i32>} : memref<125x80xi32, #tpu.memory_space<vmem>>, vector<1x16xi32>,
      %scan3A_437 = arith.constant 0 : i32
      scf.yield %scan3A_437 : i32
    }
    %scan3A_89 = arith.constant 125 : i32
    %mul3A_90 = arith.constant 640 : i32
    %mul3A_91 = arith.muli %arg1, %mul3A_90 : i32
    %add3A_92 = arith.constant 0 : i32
    %add3A_93 = arith.addi %mul3A_91, %add3A_92 : i32
    %dma_wait3A = arith.constant 0 : i32
    %dma_wait3A_94 = tpu.memref_slice %arg13[%add3A_93, %dma_wait3A] : memref<10240x128xf32, #tpu.memory_space<vmem_shared>> -> memref<80x128xf32, #tpu.memory_space<vmem_shared>>
    %dma_wait3A_95 = arith.constant 0 : i32
    %dma_wait3A_96 = tpu.memref_slice %arg13[%add3A_93, %dma_wait3A_95] : memref<10240x128xf32, #tpu.memory_space<vmem_shared>> -> memref<80x128xf32, #tpu.memory_space<vmem_shared>>
    tpu.wait_dma2 semaphore(%arg14 : memref<!tpu.dma_semaphore, #tpu.memory_space<semaphore_mem>>) src(%arg10 : memref<80x128xf32, #tpu.memory_space<vmem>>) dst(%dma_wait3A_96 : memref<80x128xf32, #tpu.memory_space<vmem_shared>>)
    %mul3A_97 = arith.constant 640 : i32
    %mul3A_98 = arith.muli %arg1, %mul3A_97 : i32
    %add3A_99 = arith.constant 80 : i32
    %add3A_100 = arith.addi %mul3A_98, %add3A_99 : i32
    %dma_wait3A_101 = arith.constant 0 : i32
    %dma_wait3A_102 = tpu.memref_slice %arg13[%add3A_100, %dma_wait3A_101] : memref<10240x128xf32, #tpu.memory_space<vmem_shared>> -> memref<80x128xf32, #tpu.memory_space<vmem_shared>>
    %dma_wait3A_103 = arith.constant 0 : i32
    %dma_wait3A_104 = tpu.memref_slice %arg13[%add3A_100, %dma_wait3A_103] : memref<10240x128xf32, #tpu.memory_space<vmem_shared>> -> memref<80x128xf32, #tpu.memory_space<vmem_shared>>
    tpu.wait_dma2 semaphore(%arg14 : memref<!tpu.dma_semaphore, #tpu.memory_space<semaphore_mem>>) src(%arg10 : memref<80x128xf32, #tpu.memory_space<vmem>>) dst(%dma_wait3A_104 : memref<80x128xf32, #tpu.memory_space<vmem_shared>>)
    %mul3A_105 = arith.constant 640 : i32
    %mul3A_106 = arith.muli %arg1, %mul3A_105 : i32
    %add3A_107 = arith.constant 160 : i32
    %add3A_108 = arith.addi %mul3A_106, %add3A_107 : i32
    %dma_wait3A_109 = arith.constant 0 : i32
    %dma_wait3A_110 = tpu.memref_slice %arg13[%add3A_108, %dma_wait3A_109] : memref<10240x128xf32, #tpu.memory_space<vmem_shared>> -> memref<80x128xf32, #tpu.memory_space<vmem_shared>>
    %dma_wait3A_111 = arith.constant 0 : i32
    %dma_wait3A_112 = tpu.memref_slice %arg13[%add3A_108, %dma_wait3A_111] : memref<10240x128xf32, #tpu.memory_space<vmem_shared>> -> memref<80x128xf32, #tpu.memory_space<vmem_shared>>
    tpu.wait_dma2 semaphore(%arg14 : memref<!tpu.dma_semaphore, #tpu.memory_space<semaphore_mem>>) src(%arg10 : memref<80x128xf32, #tpu.memory_space<vmem>>) dst(%dma_wait3A_112 : memref<80x128xf32, #tpu.memory_space<vmem_shared>>)
    %mul3A_113 = arith.constant 640 : i32
    %mul3A_114 = arith.muli %arg1, %mul3A_113 : i32
    %add3A_115 = arith.constant 240 : i32
    %add3A_116 = arith.addi %mul3A_114, %add3A_115 : i32
    %dma_wait3A_117 = arith.constant 0 : i32
    %dma_wait3A_118 = tpu.memref_slice %arg13[%add3A_116, %dma_wait3A_117] : memref<10240x128xf32, #tpu.memory_space<vmem_shared>> -> memref<80x128xf32, #tpu.memory_space<vmem_shared>>
    %dma_wait3A_119 = arith.constant 0 : i32
    %dma_wait3A_120 = tpu.memref_slice %arg13[%add3A_116, %dma_wait3A_119] : memref<10240x128xf32, #tpu.memory_space<vmem_shared>> -> memref<80x128xf32, #tpu.memory_space<vmem_shared>>
    tpu.wait_dma2 semaphore(%arg14 : memref<!tpu.dma_semaphore, #tpu.memory_space<semaphore_mem>>) src(%arg10 : memref<80x128xf32, #tpu.memory_space<vmem>>) dst(%dma_wait3A_120 : memref<80x128xf32, #tpu.memory_space<vmem_shared>>)
    %mul3A_121 = arith.constant 640 : i32
    %mul3A_122 = arith.muli %arg1, %mul3A_121 : i32
    %add3A_123 = arith.constant 320 : i32
    %add3A_124 = arith.addi %mul3A_122, %add3A_123 : i32
    %dma_wait3A_125 = arith.constant 0 : i32
    %dma_wait3A_126 = tpu.memref_slice %arg13[%add3A_124, %dma_wait3A_125] : memref<10240x128xf32, #tpu.memory_space<vmem_shared>> -> memref<80x128xf32, #tpu.memory_space<vmem_shared>>
    %dma_wait3A_127 = arith.constant 0 : i32
    %dma_wait3A_128 = tpu.memref_slice %arg13[%add3A_124, %dma_wait3A_127] : memref<10240x128xf32, #tpu.memory_space<vmem_shared>> -> memref<80x128xf32, #tpu.memory_space<vmem_shared>>
    tpu.wait_dma2 semaphore(%arg14 : memref<!tpu.dma_semaphore, #tpu.memory_space<semaphore_mem>>) src(%arg10 : memref<80x128xf32, #tpu.memory_space<vmem>>) dst(%dma_wait3A_128 : memref<80x128xf32, #tpu.memory_space<vmem_shared>>)
    %mul3A_129 = arith.constant 640 : i32
    %mul3A_130 = arith.muli %arg1, %mul3A_129 : i32
    %add3A_131 = arith.constant 400 : i32
    %add3A_132 = arith.addi %mul3A_130, %add3A_131 : i32
    %dma_wait3A_133 = arith.constant 0 : i32
    %dma_wait3A_134 = tpu.memref_slice %arg13[%add3A_132, %dma_wait3A_133] : memref<10240x128xf32, #tpu.memory_space<vmem_shared>> -> memref<80x128xf32, #tpu.memory_space<vmem_shared>>
    %dma_wait3A_135 = arith.constant 0 : i32
    %dma_wait3A_136 = tpu.memref_slice %arg13[%add3A_132, %dma_wait3A_135] : memref<10240x128xf32, #tpu.memory_space<vmem_shared>> -> memref<80x128xf32, #tpu.memory_space<vmem_shared>>
    tpu.wait_dma2 semaphore(%arg14 : memref<!tpu.dma_semaphore, #tpu.memory_space<semaphore_mem>>) src(%arg10 : memref<80x128xf32, #tpu.memory_space<vmem>>) dst(%dma_wait3A_136 : memref<80x128xf32, #tpu.memory_space<vmem_shared>>)
    %mul3A_137 = arith.constant 640 : i32
    %mul3A_138 = arith.muli %arg1, %mul3A_137 : i32
    %add3A_139 = arith.constant 480 : i32
    %add3A_140 = arith.addi %mul3A_138, %add3A_139 : i32
    %dma_wait3A_141 = arith.constant 0 : i32
    %dma_wait3A_142 = tpu.memref_slice %arg13[%add3A_140, %dma_wait3A_141] : memref<10240x128xf32, #tpu.memory_space<vmem_shared>> -> memref<80x128xf32, #tpu.memory_space<vmem_shared>>
    %dma_wait3A_143 = arith.constant 0 : i32
    %dma_wait3A_144 = tpu.memref_slice %arg13[%add3A_140, %dma_wait3A_143] : memref<10240x128xf32, #tpu.memory_space<vmem_shared>> -> memref<80x128xf32, #tpu.memory_space<vmem_shared>>
    tpu.wait_dma2 semaphore(%arg14 : memref<!tpu.dma_semaphore, #tpu.memory_space<semaphore_mem>>) src(%arg10 : memref<80x128xf32, #tpu.memory_space<vmem>>) dst(%dma_wait3A_144 : memref<80x128xf32, #tpu.memory_space<vmem_shared>>)
    %mul3A_145 = arith.constant 640 : i32
    %mul3A_146 = arith.muli %arg1, %mul3A_145 : i32
    %add3A_147 = arith.constant 560 : i32
    %add3A_148 = arith.addi %mul3A_146, %add3A_147 : i32
    %dma_wait3A_149 = arith.constant 0 : i32
    %dma_wait3A_150 = tpu.memref_slice %arg13[%add3A_148, %dma_wait3A_149] : memref<10240x128xf32, #tpu.memory_space<vmem_shared>> -> memref<80x128xf32, #tpu.memory_space<vmem_shared>>
    %dma_wait3A_151 = arith.constant 0 : i32
    %dma_wait3A_152 = tpu.memref_slice %arg13[%add3A_148, %dma_wait3A_151] : memref<10240x128xf32, #tpu.memory_space<vmem_shared>> -> memref<80x128xf32, #tpu.memory_space<vmem_shared>>
    tpu.wait_dma2 semaphore(%arg14 : memref<!tpu.dma_semaphore, #tpu.memory_space<semaphore_mem>>) src(%arg10 : memref<80x128xf32, #tpu.memory_space<vmem>>) dst(%dma_wait3A_152 : memref<80x128xf32, #tpu.memory_space<vmem_shared>>)
    %dma_start3A_153 = arith.constant 0 : i32
    %dma_start3A_154 = arith.constant 0 : i32
    %dma_start3A_155 = arith.constant 0 : i32
    %dma_start3A_156 = tpu.memref_slice %arg10[%dma_start3A_154, %dma_start3A_155] : memref<80x128xf32, #tpu.memory_space<vmem>> -> memref<40x128xf32, #tpu.memory_space<vmem>>
    %dma_start3A_157 = arith.constant 0 : i32
    %dma_start3A_158 = tpu.memref_slice %arg6[%dma_start3A_153, %dma_start3A_157] : memref<125x80xi32, #tpu.memory_space<vmem>> -> memref<1x40xi32, #tpu.memory_space<vmem>>
    %dma_start3A_159 = tpu.memref_squeeze %dma_start3A_158 : memref<1x40xi32, #tpu.memory_space<vmem>> -> memref<40xi32, #tpu.memory_space<vmem>>
    %dma_start3A_160 = arith.constant 0 : i32
    %dma_start3A_161 = arith.constant 0 : i32
    %dma_start3A_162 = tpu.memref_slice %arg2[%dma_start3A_160, %dma_start3A_161] : memref<20000x128xf32, #tpu.memory_space<hbm>> -> memref<20000x128xf32, #tpu.memory_space<hbm>>
    tpu.enqueue_indirect_dma source(%dma_start3A_162 : memref<20000x128xf32, #tpu.memory_space<hbm>>) target(%dma_start3A_156 : memref<40x128xf32, #tpu.memory_space<vmem>>) offsets(%dma_start3A_159 : memref<40xi32, #tpu.memory_space<vmem>>) semaphore(%arg14 : memref<!tpu.dma_semaphore, #tpu.memory_space<semaphore_mem>>)
    %dma_start3A_163 = arith.constant 0 : i32
    %dma_start3A_164 = arith.constant 40 : i32
    %dma_start3A_165 = arith.constant 0 : i32
    %dma_start3A_166 = tpu.memref_slice %arg10[%dma_start3A_164, %dma_start3A_165] : memref<80x128xf32, #tpu.memory_space<vmem>> -> memref<40x128xf32, #tpu.memory_space<vmem>>
    %dma_start3A_167 = arith.constant 40 : i32
    %dma_start3A_168 = tpu.memref_slice %arg6[%dma_start3A_163, %dma_start3A_167] : memref<125x80xi32, #tpu.memory_space<vmem>> -> memref<1x40xi32, #tpu.memory_space<vmem>>
    %dma_start3A_169 = tpu.memref_squeeze %dma_start3A_168 : memref<1x40xi32, #tpu.memory_space<vmem>> -> memref<40xi32, #tpu.memory_space<vmem>>
    %dma_start3A_170 = arith.constant 0 : i32
    %dma_start3A_171 = arith.constant 0 : i32
    %dma_start3A_172 = tpu.memref_slice %arg2[%dma_start3A_170, %dma_start3A_171] : memref<20000x128xf32, #tpu.memory_space<hbm>> -> memref<20000x128xf32, #tpu.memory_space<hbm>>
    tpu.enqueue_indirect_dma source(%dma_start3A_172 : memref<20000x128xf32, #tpu.memory_space<hbm>>) target(%dma_start3A_166 : memref<40x128xf32, #tpu.memory_space<vmem>>) offsets(%dma_start3A_169 : memref<40xi32, #tpu.memory_space<vmem>>) semaphore(%arg15 : memref<!tpu.dma_semaphore, #tpu.memory_space<semaphore_mem>>)
    %dma_start3A_173 = arith.constant 1 : i32
    %dma_start3A_174 = arith.constant 0 : i32
    %dma_start3A_175 = arith.constant 0 : i32
    %dma_start3A_176 = tpu.memref_slice %arg11[%dma_start3A_174, %dma_start3A_175] : memref<80x128xf32, #tpu.memory_space<vmem>> -> memref<40x128xf32, #tpu.memory_space<vmem>>
    %dma_start3A_177 = arith.constant 0 : i32
    %dma_start3A_178 = tpu.memref_slice %arg6[%dma_start3A_173, %dma_start3A_177] : memref<125x80xi32, #tpu.memory_space<vmem>> -> memref<1x40xi32, #tpu.memory_space<vmem>>
    %dma_start3A_179 = tpu.memref_squeeze %dma_start3A_178 : memref<1x40xi32, #tpu.memory_space<vmem>> -> memref<40xi32, #tpu.memory_space<vmem>>
    %dma_start3A_180 = arith.constant 0 : i32
    %dma_start3A_181 = arith.constant 0 : i32
    %dma_start3A_182 = tpu.memref_slice %arg2[%dma_start3A_180, %dma_start3A_181] : memref<20000x128xf32, #tpu.memory_space<hbm>> -> memref<20000x128xf32, #tpu.memory_space<hbm>>
    tpu.enqueue_indirect_dma source(%dma_start3A_182 : memref<20000x128xf32, #tpu.memory_space<hbm>>) target(%dma_start3A_176 : memref<40x128xf32, #tpu.memory_space<vmem>>) offsets(%dma_start3A_179 : memref<40xi32, #tpu.memory_space<vmem>>) semaphore(%arg16 : memref<!tpu.dma_semaphore, #tpu.memory_space<semaphore_mem>>)
    %dma_start3A_183 = arith.constant 1 : i32
    %dma_start3A_184 = arith.constant 40 : i32
    %dma_start3A_185 = arith.constant 0 : i32
    %dma_start3A_186 = tpu.memref_slice %arg11[%dma_start3A_184, %dma_start3A_185] : memref<80x128xf32, #tpu.memory_space<vmem>> -> memref<40x128xf32, #tpu.memory_space<vmem>>
    %dma_start3A_187 = arith.constant 40 : i32
    %dma_start3A_188 = tpu.memref_slice %arg6[%dma_start3A_183, %dma_start3A_187] : memref<125x80xi32, #tpu.memory_space<vmem>> -> memref<1x40xi32, #tpu.memory_space<vmem>>
    %dma_start3A_189 = tpu.memref_squeeze %dma_start3A_188 : memref<1x40xi32, #tpu.memory_space<vmem>> -> memref<40xi32, #tpu.memory_space<vmem>>
    %dma_start3A_190 = arith.constant 0 : i32
    %dma_start3A_191 = arith.constant 0 : i32
    %dma_start3A_192 = tpu.memref_slice %arg2[%dma_start3A_190, %dma_start3A_191] : memref<20000x128xf32, #tpu.memory_space<hbm>> -> memref<20000x128xf32, #tpu.memory_space<hbm>>
    tpu.enqueue_indirect_dma source(%dma_start3A_192 : memref<20000x128xf32, #tpu.memory_space<hbm>>) target(%dma_start3A_186 : memref<40x128xf32, #tpu.memory_space<vmem>>) offsets(%dma_start3A_189 : memref<40xi32, #tpu.memory_space<vmem>>) semaphore(%arg17 : memref<!tpu.dma_semaphore, #tpu.memory_space<semaphore_mem>>)
    %barrier3A = arith.constant 0 : index
    tpu.barrier barrier_id(%barrier3A)
    %scan3A_193 = arith.constant 0 : i32
    %scan3A_194 = arith.constant 0 : i32
    %scan3A_195 = arith.constant 41 : i32
    %scan3A_196 = arith.addi %scan3A_194, %scan3A_195 : i32
    %scan3A_197 = arith.constant 1 : i32
    %scan3A_198 = scf.for %scan3A_367 = %scan3A_194 to %scan3A_196 step %scan3A_197 iter_args(%scan3A_368 = %scan3A_193) -> (i32)  : i32 {
      %mul3A_369 = arith.constant 3 : i32
      %mul3A_370 = arith.muli %mul3A_369, %scan3A_367 : i32
      %add3A_371 = arith.constant 2 : i32
      %add3A_372 = arith.addi %mul3A_370, %add3A_371 : i32
      %dma_start3A_373 = arith.constant 0 : i32
      %dma_start3A_374 = tpu.memref_slice %arg4[%arg1, %add3A_372, %dma_start3A_373] : memref<16x125x80xi32, #tpu.memory_space<hbm>> -> memref<1x1x80xi32, #tpu.memory_space<hbm>>
      %dma_start3A_375 = tpu.memref_squeeze %dma_start3A_374 : memref<1x1x80xi32, #tpu.memory_space<hbm>> -> memref<80xi32, #tpu.memory_space<hbm>>
      %dma_start3A_376 = arith.constant 0 : i32
      %dma_start3A_377 = tpu.memref_slice %arg4[%arg1, %add3A_372, %dma_start3A_376] : memref<16x125x80xi32, #tpu.memory_space<hbm>> -> memref<1x1x80xi32, #tpu.memory_space<hbm>>
      %dma_start3A_378 = tpu.memref_squeeze %dma_start3A_377 : memref<1x1x80xi32, #tpu.memory_space<hbm>> -> memref<80xi32, #tpu.memory_space<hbm>>
      tpu.enqueue_dma source(%dma_start3A_378 : memref<80xi32, #tpu.memory_space<hbm>>) target(%arg9 : memref<80xi32, #tpu.memory_space<vmem>>) target_semaphore(%arg22 : memref<!tpu.dma_semaphore, #tpu.memory_space<semaphore_mem>>)
      %dma_wait3A_379 = arith.constant 0 : i32
      %dma_wait3A_380 = arith.constant 0 : i32
      %dma_wait3A_381 = tpu.memref_slice %arg10[%dma_wait3A_379, %dma_wait3A_380] : memref<80x128xf32, #tpu.memory_space<vmem>> -> memref<40x128xf32, #tpu.memory_space<vmem>>
      %dma_wait3A_382 = arith.constant 0 : i32
      %dma_wait3A_383 = tpu.memref_slice %arg6[%mul3A_370, %dma_wait3A_382] : memref<125x80xi32, #tpu.memory_space<vmem>> -> memref<1x40xi32, #tpu.memory_space<vmem>>
      %dma_wait3A_384 = tpu.memref_squeeze %dma_wait3A_383 : memref<1x40xi32, #tpu.memory_space<vmem>> -> memref<40xi32, #tpu.memory_space<vmem>>
      %dma_wait3A_385 = arith.constant 0 : i32
      %dma_wait3A_386 = arith.constant 0 : i32
      %dma_wait3A_387 = tpu.memref_slice %arg2[%dma_wait3A_385, %dma_wait3A_386] : memref<20000x128xf32, #tpu.memory_space<hbm>> -> memref<20000x128xf32, #tpu.memory_space<hbm>>
      tpu.wait_indirect_dma semaphore(%arg14 : memref<!tpu.dma_semaphore, #tpu.memory_space<semaphore_mem>>) src(%dma_wait3A_387 : memref<20000x128xf32, #tpu.memory_space<hbm>>) dst(%dma_wait3A_381 : memref<40x128xf32, #tpu.memory_space<vmem>>)
      %dma_wait3A_388 = arith.constant 40 : i32
      %dma_wait3A_389 = arith.constant 0 : i32
      %dma_wait3A_390 = tpu.memref_slice %arg10[%dma_wait3A_388, %dma_wait3A_389] : memref<80x128xf32, #tpu.memory_space<vmem>> -> memref<40x128xf32, #tpu.memory_space<vmem>>
      %dma_wait3A_391 = arith.constant 40 : i32
      %dma_wait3A_392 = tpu.memref_slice %arg6[%mul3A_370, %dma_wait3A_391] : memref<125x80xi32, #tpu.memory_space<vmem>> -> memref<1x40xi32, #tpu.memory_space<vmem>>
      %dma_wait3A_393 = tpu.memref_squeeze %dma_wait3A_392 : memref<1x40xi32, #tpu.memory_space<vmem>> -> memref<40xi32, #tpu.memory_space<vmem>>
      %dma_wait3A_394 = arith.constant 0 : i32
      %dma_wait3A_395 = arith.constant 0 : i32
      %dma_wait3A_396 = tpu.memref_slice %arg2[%dma_wait3A_394, %dma_wait3A_395] : memref<20000x128xf32, #tpu.memory_space<hbm>> -> memref<20000x128xf32, #tpu.memory_space<hbm>>
      tpu.wait_indirect_dma semaphore(%arg15 : memref<!tpu.dma_semaphore, #tpu.memory_space<semaphore_mem>>) src(%dma_wait3A_396 : memref<20000x128xf32, #tpu.memory_space<hbm>>) dst(%dma_wait3A_390 : memref<40x128xf32, #tpu.memory_space<vmem>>)
      %add3A_397 = arith.constant 2 : i32
      %add3A_398 = arith.addi %mul3A_370, %add3A_397 : i32
      %dma_start3A_399 = arith.constant 0 : i32
      %dma_start3A_400 = arith.constant 0 : i32
      %dma_start3A_401 = tpu.memref_slice %arg12[%dma_start3A_399, %dma_start3A_400] : memref<80x128xf32, #tpu.memory_space<vmem>> -> memref<40x128xf32, #tpu.memory_space<vmem>>
      %dma_start3A_402 = arith.constant 0 : i32
      %dma_start3A_403 = tpu.memref_slice %arg6[%add3A_398, %dma_start3A_402] : memref<125x80xi32, #tpu.memory_space<vmem>> -> memref<1x40xi32, #tpu.memory_space<vmem>>
      %dma_start3A_404 = tpu.memref_squeeze %dma_start3A_403 : memref<1x40xi32, #tpu.memory_space<vmem>> -> memref<40xi32, #tpu.memory_space<vmem>>
      %dma_start3A_405 = arith.constant 0 : i32
      %dma_start3A_406 = arith.constant 0 : i32
      %dma_start3A_407 = tpu.memref_slice %arg2[%dma_start3A_405, %dma_start3A_406] : memref<20000x128xf32, #tpu.memory_space<hbm>> -> memref<20000x128xf32, #tpu.memory_space<hbm>>
      tpu.enqueue_indirect_dma source(%dma_start3A_407 : memref<20000x128xf32, #tpu.memory_space<hbm>>) target(%dma_start3A_401 : memref<40x128xf32, #tpu.memory_space<vmem>>) offsets(%dma_start3A_404 : memref<40xi32, #tpu.memory_space<vmem>>) semaphore(%arg18 : memref<!tpu.dma_semaphore, #tpu.memory_space<semaphore_mem>>)
      %dma_start3A_408 = arith.constant 40 : i32
      %dma_start3A_409 = arith.constant 0 : i32
      %dma_start3A_410 = tpu.memref_slice %arg12[%dma_start3A_408, %dma_start3A_409] : memref<80x128xf32, #tpu.memory_space<vmem>> -> memref<40x128xf32, #tpu.memory_space<vmem>>
      %dma_start3A_411 = arith.constant 40 : i32
      %dma_start3A_412 = tpu.memref_slice %arg6[%add3A_398, %dma_start3A_411] : memref<125x80xi32, #tpu.memory_space<vmem>> -> memref<1x40xi32, #tpu.memory_space<vmem>>
      %dma_start3A_413 = tpu.memref_squeeze %dma_start3A_412 : memref<1x40xi32, #tpu.memory_space<vmem>> -> memref<40xi32, #tpu.memory_space<vmem>>
      %dma_start3A_414 = arith.constant 0 : i32
      %dma_start3A_415 = arith.constant 0 : i32
      %dma_start3A_416 = tpu.memref_slice %arg2[%dma_start3A_414, %dma_start3A_415] : memref<20000x128xf32, #tpu.memory_space<hbm>> -> memref<20000x128xf32, #tpu.memory_space<hbm>>
      tpu.enqueue_indirect_dma source(%dma_start3A_416 : memref<20000x128xf32, #tpu.memory_space<hbm>>) target(%dma_start3A_410 : memref<40x128xf32, #tpu.memory_space<vmem>>) offsets(%dma_start3A_413 : memref<40xi32, #tpu.memory_space<vmem>>) semaphore(%arg19 : memref<!tpu.dma_semaphore, #tpu.memory_space<semaphore_mem>>)
      %dma_wait3A_417 = arith.constant 0 : i32
      %dma_wait3A_418 = tpu.memref_slice %arg4[%arg1, %mul3A_370, %dma_wait3A_417] : memref<16x125x80xi32, #tpu.memory_space<hbm>> -> memref<1x1x80xi32, #tpu.memory_space<hbm>>
      %dma_wait3A_419 = tpu.memref_squeeze %dma_wait3A_418 : memref<1x1x80xi32, #tpu.memory_space<hbm>> -> memref<80xi32, #tpu.memory_space<hbm>>
      %dma_wait3A_420 = arith.constant 0 : i32
      %dma_wait3A_421 = tpu.memref_slice %arg4[%arg1, %mul3A_370, %dma_wait3A_420] : memref<16x125x80xi32, #tpu.memory_space<hbm>> -> memref<1x1x80xi32, #tpu.memory_space<hbm>>
      %dma_wait3A_422 = tpu.memref_squeeze %dma_wait3A_421 : memref<1x1x80xi32, #tpu.memory_space<hbm>> -> memref<80xi32, #tpu.memory_space<hbm>>
      tpu.wait_dma2 semaphore(%arg20 : memref<!tpu.dma_semaphore, #tpu.memory_space<semaphore_mem>>) src(%dma_wait3A_422 : memref<80xi32, #tpu.memory_space<hbm>>) dst(%arg7 : memref<80xi32, #tpu.memory_space<vmem>>)
      "tpu.region"() ({
        %run_scoped3A = tpu.sem_alloc : memref<!tpu.dma_semaphore, #tpu.memory_space<semaphore_mem>>
        %dma_start3A_536 = arith.constant 0 : i32
        %dma_start3A_537 = arith.constant 0 : i32
        %dma_start3A_538 = tpu.memref_slice %arg13[%dma_start3A_536, %dma_start3A_537] : memref<10240x128xf32, #tpu.memory_space<vmem_shared>> -> memref<10240x128xf32, #tpu.memory_space<vmem_shared>>
        tpu.enqueue_indirect_dma source(%arg10 : memref<80x128xf32, #tpu.memory_space<vmem>>) target(%dma_start3A_538 : memref<10240x128xf32, #tpu.memory_space<vmem_shared>>) offsets(%arg7 : memref<80xi32, #tpu.memory_space<vmem>>) semaphore(%run_scoped3A : memref<!tpu.dma_semaphore, #tpu.memory_space<semaphore_mem>>) {add = true}
        %dma_wait3A_539 = arith.constant 0 : i32
        %dma_wait3A_540 = arith.constant 0 : i32
        %dma_wait3A_541 = tpu.memref_slice %arg13[%dma_wait3A_539, %dma_wait3A_540] : memref<10240x128xf32, #tpu.memory_space<vmem_shared>> -> memref<10240x128xf32, #tpu.memory_space<vmem_shared>>
        tpu.wait_indirect_dma semaphore(%run_scoped3A : memref<!tpu.dma_semaphore, #tpu.memory_space<semaphore_mem>>) src(%arg10 : memref<80x128xf32, #tpu.memory_space<vmem>>) dst(%dma_wait3A_541 : memref<10240x128xf32, #tpu.memory_space<vmem_shared>>)
        tpu.yield
      }) : () -> ()
      %add3A_423 = arith.constant 3 : i32
      %add3A_424 = arith.addi %mul3A_370, %add3A_423 : i32
      %dma_start3A_425 = arith.constant 0 : i32
      %dma_start3A_426 = tpu.memref_slice %arg4[%arg1, %add3A_424, %dma_start3A_425] : memref<16x125x80xi32, #tpu.memory_space<hbm>> -> memref<1x1x80xi32, #tpu.memory_space<hbm>>
      %dma_start3A_427 = tpu.memref_squeeze %dma_start3A_426 : memref<1x1x80xi32, #tpu.memory_space<hbm>> -> memref<80xi32, #tpu.memory_space<hbm>>
      %dma_start3A_428 = arith.constant 0 : i32
      %dma_start3A_429 = tpu.memref_slice %arg4[%arg1, %add3A_424, %dma_start3A_428] : memref<16x125x80xi32, #tpu.memory_space<hbm>> -> memref<1x1x80xi32, #tpu.memory_space<hbm>>
      %dma_start3A_430 = tpu.memref_squeeze %dma_start3A_429 : memref<1x1x80xi32, #tpu.memory_space<hbm>> -> memref<80xi32, #tpu.memory_space<hbm>>
      tpu.enqueue_dma source(%dma_start3A_430 : memref<80xi32, #tpu.memory_space<hbm>>) target(%arg7 : memref<80xi32, #tpu.memory_space<vmem>>) target_semaphore(%arg20 : memref<!tpu.dma_semaphore, #tpu.memory_space<semaphore_mem>>)
      %add3A_431 = arith.constant 1 : i32
      %add3A_432 = arith.addi %mul3A_370, %add3A_431 : i32
      %dma_wait3A_433 = arith.constant 0 : i32
      %dma_wait3A_434 = arith.constant 0 : i32
      %dma_wait3A_435 = tpu.memref_slice %arg11[%dma_wait3A_433, %dma_wait3A_434] : memref<80x128xf32, #tpu.memory_space<vmem>> -> memref<40x128xf32, #tpu.memory_space<vmem>>
      %dma_wait3A_436 = arith.constant 0 : i32
      %dma_wait3A_437 = tpu.memref_slice %arg6[%add3A_432, %dma_wait3A_436] : memref<125x80xi32, #tpu.memory_space<vmem>> -> memref<1x40xi32, #tpu.memory_space<vmem>>
      %dma_wait3A_438 = tpu.memref_squeeze %dma_wait3A_437 : memref<1x40xi32, #tpu.memory_space<vmem>> -> memref<40xi32, #tpu.memory_space<vmem>>
      %dma_wait3A_439 = arith.constant 0 : i32
      %dma_wait3A_440 = arith.constant 0 : i32
      %dma_wait3A_441 = tpu.memref_slice %arg2[%dma_wait3A_439, %dma_wait3A_440] : memref<20000x128xf32, #tpu.memory_space<hbm>> -> memref<20000x128xf32, #tpu.memory_space<hbm>>
      tpu.wait_indirect_dma semaphore(%arg16 : memref<!tpu.dma_semaphore, #tpu.memory_space<semaphore_mem>>) src(%dma_wait3A_441 : memref<20000x128xf32, #tpu.memory_space<hbm>>) dst(%dma_wait3A_435 : memref<40x128xf32, #tpu.memory_space<vmem>>)
      %dma_wait3A_442 = arith.constant 40 : i32
      %dma_wait3A_443 = arith.constant 0 : i32
      %dma_wait3A_444 = tpu.memref_slice %arg11[%dma_wait3A_442, %dma_wait3A_443] : memref<80x128xf32, #tpu.memory_space<vmem>> -> memref<40x128xf32, #tpu.memory_space<vmem>>
      %dma_wait3A_445 = arith.constant 40 : i32
      %dma_wait3A_446 = tpu.memref_slice %arg6[%add3A_432, %dma_wait3A_445] : memref<125x80xi32, #tpu.memory_space<vmem>> -> memref<1x40xi32, #tpu.memory_space<vmem>>
      %dma_wait3A_447 = tpu.memref_squeeze %dma_wait3A_446 : memref<1x40xi32, #tpu.memory_space<vmem>> -> memref<40xi32, #tpu.memory_space<vmem>>
      %dma_wait3A_448 = arith.constant 0 : i32
      %dma_wait3A_449 = arith.constant 0 : i32
      %dma_wait3A_450 = tpu.memref_slice %arg2[%dma_wait3A_448, %dma_wait3A_449] : memref<20000x128xf32, #tpu.memory_space<hbm>> -> memref<20000x128xf32, #tpu.memory_space<hbm>>
      tpu.wait_indirect_dma semaphore(%arg17 : memref<!tpu.dma_semaphore, #tpu.memory_space<semaphore_mem>>) src(%dma_wait3A_450 : memref<20000x128xf32, #tpu.memory_space<hbm>>) dst(%dma_wait3A_444 : memref<40x128xf32, #tpu.memory_space<vmem>>)
      %add3A_451 = arith.constant 3 : i32
      %add3A_452 = arith.addi %mul3A_370, %add3A_451 : i32
      %dma_start3A_453 = arith.constant 0 : i32
      %dma_start3A_454 = arith.constant 0 : i32
      %dma_start3A_455 = tpu.memref_slice %arg10[%dma_start3A_453, %dma_start3A_454] : memref<80x128xf32, #tpu.memory_space<vmem>> -> memref<40x128xf32, #tpu.memory_space<vmem>>
      %dma_start3A_456 = arith.constant 0 : i32
      %dma_start3A_457 = tpu.memref_slice %arg6[%add3A_452, %dma_start3A_456] : memref<125x80xi32, #tpu.memory_space<vmem>> -> memref<1x40xi32, #tpu.memory_space<vmem>>
      %dma_start3A_458 = tpu.memref_squeeze %dma_start3A_457 : memref<1x40xi32, #tpu.memory_space<vmem>> -> memref<40xi32, #tpu.memory_space<vmem>>
      %dma_start3A_459 = arith.constant 0 : i32
      %dma_start3A_460 = arith.constant 0 : i32
      %dma_start3A_461 = tpu.memref_slice %arg2[%dma_start3A_459, %dma_start3A_460] : memref<20000x128xf32, #tpu.memory_space<hbm>> -> memref<20000x128xf32, #tpu.memory_space<hbm>>
      tpu.enqueue_indirect_dma source(%dma_start3A_461 : memref<20000x128xf32, #tpu.memory_space<hbm>>) target(%dma_start3A_455 : memref<40x128xf32, #tpu.memory_space<vmem>>) offsets(%dma_start3A_458 : memref<40xi32, #tpu.memory_space<vmem>>) semaphore(%arg14 : memref<!tpu.dma_semaphore, #tpu.memory_space<semaphore_mem>>)
      %dma_start3A_462 = arith.constant 40 : i32
      %dma_start3A_463 = arith.constant 0 : i32
      %dma_start3A_464 = tpu.memref_slice %arg10[%dma_start3A_462, %dma_start3A_463] : memref<80x128xf32, #tpu.memory_space<vmem>> -> memref<40x128xf32, #tpu.memory_space<vmem>>
      %dma_start3A_465 = arith.constant 40 : i32
      %dma_start3A_466 = tpu.memref_slice %arg6[%add3A_452, %dma_start3A_465] : memref<125x80xi32, #tpu.memory_space<vmem>> -> memref<1x40xi32, #tpu.memory_space<vmem>>
      %dma_start3A_467 = tpu.memref_squeeze %dma_start3A_466 : memref<1x40xi32, #tpu.memory_space<vmem>> -> memref<40xi32, #tpu.memory_space<vmem>>
      %dma_start3A_468 = arith.constant 0 : i32
      %dma_start3A_469 = arith.constant 0 : i32
      %dma_start3A_470 = tpu.memref_slice %arg2[%dma_start3A_468, %dma_start3A_469] : memref<20000x128xf32, #tpu.memory_space<hbm>> -> memref<20000x128xf32, #tpu.memory_space<hbm>>
      tpu.enqueue_indirect_dma source(%dma_start3A_470 : memref<20000x128xf32, #tpu.memory_space<hbm>>) target(%dma_start3A_464 : memref<40x128xf32, #tpu.memory_space<vmem>>) offsets(%dma_start3A_467 : memref<40xi32, #tpu.memory_space<vmem>>) semaphore(%arg15 : memref<!tpu.dma_semaphore, #tpu.memory_space<semaphore_mem>>)
      %add3A_471 = arith.constant 1 : i32
      %add3A_472 = arith.addi %mul3A_370, %add3A_471 : i32
      %dma_wait3A_473 = arith.constant 0 : i32
      %dma_wait3A_474 = tpu.memref_slice %arg4[%arg1, %add3A_472, %dma_wait3A_473] : memref<16x125x80xi32, #tpu.memory_space<hbm>> -> memref<1x1x80xi32, #tpu.memory_space<hbm>>
      %dma_wait3A_475 = tpu.memref_squeeze %dma_wait3A_474 : memref<1x1x80xi32, #tpu.memory_space<hbm>> -> memref<80xi32, #tpu.memory_space<hbm>>
      %dma_wait3A_476 = arith.constant 0 : i32
      %dma_wait3A_477 = tpu.memref_slice %arg4[%arg1, %add3A_472, %dma_wait3A_476] : memref<16x125x80xi32, #tpu.memory_space<hbm>> -> memref<1x1x80xi32, #tpu.memory_space<hbm>>
      %dma_wait3A_478 = tpu.memref_squeeze %dma_wait3A_477 : memref<1x1x80xi32, #tpu.memory_space<hbm>> -> memref<80xi32, #tpu.memory_space<hbm>>
      tpu.wait_dma2 semaphore(%arg21 : memref<!tpu.dma_semaphore, #tpu.memory_space<semaphore_mem>>) src(%dma_wait3A_478 : memref<80xi32, #tpu.memory_space<hbm>>) dst(%arg8 : memref<80xi32, #tpu.memory_space<vmem>>)
      "tpu.region"() ({
        %run_scoped3A = tpu.sem_alloc : memref<!tpu.dma_semaphore, #tpu.memory_space<semaphore_mem>>
        %dma_start3A_536 = arith.constant 0 : i32
        %dma_start3A_537 = arith.constant 0 : i32
        %dma_start3A_538 = tpu.memref_slice %arg13[%dma_start3A_536, %dma_start3A_537] : memref<10240x128xf32, #tpu.memory_space<vmem_shared>> -> memref<10240x128xf32, #tpu.memory_space<vmem_shared>>
        tpu.enqueue_indirect_dma source(%arg11 : memref<80x128xf32, #tpu.memory_space<vmem>>) target(%dma_start3A_538 : memref<10240x128xf32, #tpu.memory_space<vmem_shared>>) offsets(%arg8 : memref<80xi32, #tpu.memory_space<vmem>>) semaphore(%run_scoped3A : memref<!tpu.dma_semaphore, #tpu.memory_space<semaphore_mem>>) {add = true}
        %dma_wait3A_539 = arith.constant 0 : i32
        %dma_wait3A_540 = arith.constant 0 : i32
        %dma_wait3A_541 = tpu.memref_slice %arg13[%dma_wait3A_539, %dma_wait3A_540] : memref<10240x128xf32, #tpu.memory_space<vmem_shared>> -> memref<10240x128xf32, #tpu.memory_space<vmem_shared>>
        tpu.wait_indirect_dma semaphore(%run_scoped3A : memref<!tpu.dma_semaphore, #tpu.memory_space<semaphore_mem>>) src(%arg11 : memref<80x128xf32, #tpu.memory_space<vmem>>) dst(%dma_wait3A_541 : memref<10240x128xf32, #tpu.memory_space<vmem_shared>>)
        tpu.yield
      }) : () -> ()
      %add3A_479 = arith.constant 4 : i32
      %add3A_480 = arith.addi %mul3A_370, %add3A_479 : i32
      %dma_start3A_481 = arith.constant 0 : i32
      %dma_start3A_482 = tpu.memref_slice %arg4[%arg1, %add3A_480, %dma_start3A_481] : memref<16x125x80xi32, #tpu.memory_space<hbm>> -> memref<1x1x80xi32, #tpu.memory_space<hbm>>
      %dma_start3A_483 = tpu.memref_squeeze %dma_start3A_482 : memref<1x1x80xi32, #tpu.memory_space<hbm>> -> memref<80xi32, #tpu.memory_space<hbm>>
      %dma_start3A_484 = arith.constant 0 : i32
      %dma_start3A_485 = tpu.memref_slice %arg4[%arg1, %add3A_480, %dma_start3A_484] : memref<16x125x80xi32, #tpu.memory_space<hbm>> -> memref<1x1x80xi32, #tpu.memory_space<hbm>>
      %dma_start3A_486 = tpu.memref_squeeze %dma_start3A_485 : memref<1x1x80xi32, #tpu.memory_space<hbm>> -> memref<80xi32, #tpu.memory_space<hbm>>
      tpu.enqueue_dma source(%dma_start3A_486 : memref<80xi32, #tpu.memory_space<hbm>>) target(%arg8 : memref<80xi32, #tpu.memory_space<vmem>>) target_semaphore(%arg21 : memref<!tpu.dma_semaphore, #tpu.memory_space<semaphore_mem>>)
      %add3A_487 = arith.constant 2 : i32
      %add3A_488 = arith.addi %mul3A_370, %add3A_487 : i32
      %dma_wait3A_489 = arith.constant 0 : i32
      %dma_wait3A_490 = arith.constant 0 : i32
      %dma_wait3A_491 = tpu.memref_slice %arg12[%dma_wait3A_489, %dma_wait3A_490] : memref<80x128xf32, #tpu.memory_space<vmem>> -> memref<40x128xf32, #tpu.memory_space<vmem>>
      %dma_wait3A_492 = arith.constant 0 : i32
      %dma_wait3A_493 = tpu.memref_slice %arg6[%add3A_488, %dma_wait3A_492] : memref<125x80xi32, #tpu.memory_space<vmem>> -> memref<1x40xi32, #tpu.memory_space<vmem>>
      %dma_wait3A_494 = tpu.memref_squeeze %dma_wait3A_493 : memref<1x40xi32, #tpu.memory_space<vmem>> -> memref<40xi32, #tpu.memory_space<vmem>>
      %dma_wait3A_495 = arith.constant 0 : i32
      %dma_wait3A_496 = arith.constant 0 : i32
      %dma_wait3A_497 = tpu.memref_slice %arg2[%dma_wait3A_495, %dma_wait3A_496] : memref<20000x128xf32, #tpu.memory_space<hbm>> -> memref<20000x128xf32, #tpu.memory_space<hbm>>
      tpu.wait_indirect_dma semaphore(%arg18 : memref<!tpu.dma_semaphore, #tpu.memory_space<semaphore_mem>>) src(%dma_wait3A_497 : memref<20000x128xf32, #tpu.memory_space<hbm>>) dst(%dma_wait3A_491 : memref<40x128xf32, #tpu.memory_space<vmem>>)
      %dma_wait3A_498 = arith.constant 40 : i32
      %dma_wait3A_499 = arith.constant 0 : i32
      %dma_wait3A_500 = tpu.memref_slice %arg12[%dma_wait3A_498, %dma_wait3A_499] : memref<80x128xf32, #tpu.memory_space<vmem>> -> memref<40x128xf32, #tpu.memory_space<vmem>>
      %dma_wait3A_501 = arith.constant 40 : i32
      %dma_wait3A_502 = tpu.memref_slice %arg6[%add3A_488, %dma_wait3A_501] : memref<125x80xi32, #tpu.memory_space<vmem>> -> memref<1x40xi32, #tpu.memory_space<vmem>>
      %dma_wait3A_503 = tpu.memref_squeeze %dma_wait3A_502 : memref<1x40xi32, #tpu.memory_space<vmem>> -> memref<40xi32, #tpu.memory_space<vmem>>
      %dma_wait3A_504 = arith.constant 0 : i32
      %dma_wait3A_505 = arith.constant 0 : i32
      %dma_wait3A_506 = tpu.memref_slice %arg2[%dma_wait3A_504, %dma_wait3A_505] : memref<20000x128xf32, #tpu.memory_space<hbm>> -> memref<20000x128xf32, #tpu.memory_space<hbm>>
      tpu.wait_indirect_dma semaphore(%arg19 : memref<!tpu.dma_semaphore, #tpu.memory_space<semaphore_mem>>) src(%dma_wait3A_506 : memref<20000x128xf32, #tpu.memory_space<hbm>>) dst(%dma_wait3A_500 : memref<40x128xf32, #tpu.memory_space<vmem>>)
      %add3A_507 = arith.constant 4 : i32
      %add3A_508 = arith.addi %mul3A_370, %add3A_507 : i32
      %dma_start3A_509 = arith.constant 0 : i32
      %dma_start3A_510 = arith.constant 0 : i32
      %dma_start3A_511 = tpu.memref_slice %arg11[%dma_start3A_509, %dma_start3A_510] : memref<80x128xf32, #tpu.memory_space<vmem>> -> memref<40x128xf32, #tpu.memory_space<vmem>>
      %dma_start3A_512 = arith.constant 0 : i32
      %dma_start3A_513 = tpu.memref_slice %arg6[%add3A_508, %dma_start3A_512] : memref<125x80xi32, #tpu.memory_space<vmem>> -> memref<1x40xi32, #tpu.memory_space<vmem>>
      %dma_start3A_514 = tpu.memref_squeeze %dma_start3A_513 : memref<1x40xi32, #tpu.memory_space<vmem>> -> memref<40xi32, #tpu.memory_space<vmem>>
      %dma_start3A_515 = arith.constant 0 : i32
      %dma_start3A_516 = arith.constant 0 : i32
      %dma_start3A_517 = tpu.memref_slice %arg2[%dma_start3A_515, %dma_start3A_516] : memref<20000x128xf32, #tpu.memory_space<hbm>> -> memref<20000x128xf32, #tpu.memory_space<hbm>>
      tpu.enqueue_indirect_dma source(%dma_start3A_517 : memref<20000x128xf32, #tpu.memory_space<hbm>>) target(%dma_start3A_511 : memref<40x128xf32, #tpu.memory_space<vmem>>) offsets(%dma_start3A_514 : memref<40xi32, #tpu.memory_space<vmem>>) semaphore(%arg16 : memref<!tpu.dma_semaphore, #tpu.memory_space<semaphore_mem>>)
      %dma_start3A_518 = arith.constant 40 : i32
      %dma_start3A_519 = arith.constant 0 : i32
      %dma_start3A_520 = tpu.memref_slice %arg11[%dma_start3A_518, %dma_start3A_519] : memref<80x128xf32, #tpu.memory_space<vmem>> -> memref<40x128xf32, #tpu.memory_space<vmem>>
      %dma_start3A_521 = arith.constant 40 : i32
      %dma_start3A_522 = tpu.memref_slice %arg6[%add3A_508, %dma_start3A_521] : memref<125x80xi32, #tpu.memory_space<vmem>> -> memref<1x40xi32, #tpu.memory_space<vmem>>
      %dma_start3A_523 = tpu.memref_squeeze %dma_start3A_522 : memref<1x40xi32, #tpu.memory_space<vmem>> -> memref<40xi32, #tpu.memory_space<vmem>>
      %dma_start3A_524 = arith.constant 0 : i32
      %dma_start3A_525 = arith.constant 0 : i32
      %dma_start3A_526 = tpu.memref_slice %arg2[%dma_start3A_524, %dma_start3A_525] : memref<20000x128xf32, #tpu.memory_space<hbm>> -> memref<20000x128xf32, #tpu.memory_space<hbm>>
      tpu.enqueue_indirect_dma source(%dma_start3A_526 : memref<20000x128xf32, #tpu.memory_space<hbm>>) target(%dma_start3A_520 : memref<40x128xf32, #tpu.memory_space<vmem>>) offsets(%dma_start3A_523 : memref<40xi32, #tpu.memory_space<vmem>>) semaphore(%arg17 : memref<!tpu.dma_semaphore, #tpu.memory_space<semaphore_mem>>)
      %add3A_527 = arith.constant 2 : i32
      %add3A_528 = arith.addi %mul3A_370, %add3A_527 : i32
      %dma_wait3A_529 = arith.constant 0 : i32
      %dma_wait3A_530 = tpu.memref_slice %arg4[%arg1, %add3A_528, %dma_wait3A_529] : memref<16x125x80xi32, #tpu.memory_space<hbm>> -> memref<1x1x80xi32, #tpu.memory_space<hbm>>
      %dma_wait3A_531 = tpu.memref_squeeze %dma_wait3A_530 : memref<1x1x80xi32, #tpu.memory_space<hbm>> -> memref<80xi32, #tpu.memory_space<hbm>>
      %dma_wait3A_532 = arith.constant 0 : i32
      %dma_wait3A_533 = tpu.memref_slice %arg4[%arg1, %add3A_528, %dma_wait3A_532] : memref<16x125x80xi32, #tpu.memory_space<hbm>> -> memref<1x1x80xi32, #tpu.memory_space<hbm>>
      %dma_wait3A_534 = tpu.memref_squeeze %dma_wait3A_533 : memref<1x1x80xi32, #tpu.memory_space<hbm>> -> memref<80xi32, #tpu.memory_space<hbm>>
      tpu.wait_dma2 semaphore(%arg22 : memref<!tpu.dma_semaphore, #tpu.memory_space<semaphore_mem>>) src(%dma_wait3A_534 : memref<80xi32, #tpu.memory_space<hbm>>) dst(%arg9 : memref<80xi32, #tpu.memory_space<vmem>>)
      "tpu.region"() ({
        %run_scoped3A = tpu.sem_alloc : memref<!tpu.dma_semaphore, #tpu.memory_space<semaphore_mem>>
        %dma_start3A_536 = arith.constant 0 : i32
        %dma_start3A_537 = arith.constant 0 : i32
        %dma_start3A_538 = tpu.memref_slice %arg13[%dma_start3A_536, %dma_start3A_537] : memref<10240x128xf32, #tpu.memory_space<vmem_shared>> -> memref<10240x128xf32, #tpu.memory_space<vmem_shared>>
        tpu.enqueue_indirect_dma source(%arg12 : memref<80x128xf32, #tpu.memory_space<vmem>>) target(%dma_start3A_538 : memref<10240x128xf32, #tpu.memory_space<vmem_shared>>) offsets(%arg9 : memref<80xi32, #tpu.memory_space<vmem>>) semaphore(%run_scoped3A : memref<!tpu.dma_semaphore, #tpu.memory_space<semaphore_mem>>) {add = true}
        %dma_wait3A_539 = arith.constant 0 : i32
        %dma_wait3A_540 = arith.constant 0 : i32
        %dma_wait3A_541 = tpu.memref_slice %arg13[%dma_wait3A_539, %dma_wait3A_540] : memref<10240x128xf32, #tpu.memory_space<vmem_shared>> -> memref<10240x128xf32, #tpu.memory_space<vmem_shared>>
        tpu.wait_indirect_dma semaphore(%run_scoped3A : memref<!tpu.dma_semaphore, #tpu.memory_space<semaphore_mem>>) src(%arg12 : memref<80x128xf32, #tpu.memory_space<vmem>>) dst(%dma_wait3A_541 : memref<10240x128xf32, #tpu.memory_space<vmem_shared>>)
        tpu.yield
      }) : () -> ()
      %scan3A_535 = arith.constant 0 : i32
      scf.yield %scan3A_535 : i32
    }
    %scan3A_199 = arith.constant 41 : i32
    %dma_wait3A_200 = arith.constant 123 : i32
    %dma_wait3A_201 = arith.constant 0 : i32
    %dma_wait3A_202 = arith.constant 0 : i32
    %dma_wait3A_203 = tpu.memref_slice %arg10[%dma_wait3A_201, %dma_wait3A_202] : memref<80x128xf32, #tpu.memory_space<vmem>> -> memref<40x128xf32, #tpu.memory_space<vmem>>
    %dma_wait3A_204 = arith.constant 0 : i32
    %dma_wait3A_205 = tpu.memref_slice %arg6[%dma_wait3A_200, %dma_wait3A_204] : memref<125x80xi32, #tpu.memory_space<vmem>> -> memref<1x40xi32, #tpu.memory_space<vmem>>
    %dma_wait3A_206 = tpu.memref_squeeze %dma_wait3A_205 : memref<1x40xi32, #tpu.memory_space<vmem>> -> memref<40xi32, #tpu.memory_space<vmem>>
    %dma_wait3A_207 = arith.constant 0 : i32
    %dma_wait3A_208 = arith.constant 0 : i32
    %dma_wait3A_209 = tpu.memref_slice %arg2[%dma_wait3A_207, %dma_wait3A_208] : memref<20000x128xf32, #tpu.memory_space<hbm>> -> memref<20000x128xf32, #tpu.memory_space<hbm>>
    tpu.wait_indirect_dma semaphore(%arg14 : memref<!tpu.dma_semaphore, #tpu.memory_space<semaphore_mem>>) src(%dma_wait3A_209 : memref<20000x128xf32, #tpu.memory_space<hbm>>) dst(%dma_wait3A_203 : memref<40x128xf32, #tpu.memory_space<vmem>>)
    %dma_wait3A_210 = arith.constant 123 : i32
    %dma_wait3A_211 = arith.constant 40 : i32
    %dma_wait3A_212 = arith.constant 0 : i32
    %dma_wait3A_213 = tpu.memref_slice %arg10[%dma_wait3A_211, %dma_wait3A_212] : memref<80x128xf32, #tpu.memory_space<vmem>> -> memref<40x128xf32, #tpu.memory_space<vmem>>
    %dma_wait3A_214 = arith.constant 40 : i32
    %dma_wait3A_215 = tpu.memref_slice %arg6[%dma_wait3A_210, %dma_wait3A_214] : memref<125x80xi32, #tpu.memory_space<vmem>> -> memref<1x40xi32, #tpu.memory_space<vmem>>
    %dma_wait3A_216 = tpu.memref_squeeze %dma_wait3A_215 : memref<1x40xi32, #tpu.memory_space<vmem>> -> memref<40xi32, #tpu.memory_space<vmem>>
    %dma_wait3A_217 = arith.constant 0 : i32
    %dma_wait3A_218 = arith.constant 0 : i32
    %dma_wait3A_219 = tpu.memref_slice %arg2[%dma_wait3A_217, %dma_wait3A_218] : memref<20000x128xf32, #tpu.memory_space<hbm>> -> memref<20000x128xf32, #tpu.memory_space<hbm>>
    tpu.wait_indirect_dma semaphore(%arg15 : memref<!tpu.dma_semaphore, #tpu.memory_space<semaphore_mem>>) src(%dma_wait3A_219 : memref<20000x128xf32, #tpu.memory_space<hbm>>) dst(%dma_wait3A_213 : memref<40x128xf32, #tpu.memory_space<vmem>>)
    %dma_wait3A_220 = arith.constant 0 : i32
    %dma_wait3A_221 = arith.constant 0 : i32
    %dma_wait3A_222 = tpu.memref_slice %arg4[%arg1, %dma_wait3A_220, %dma_wait3A_221] : memref<16x125x80xi32, #tpu.memory_space<hbm>> -> memref<1x1x80xi32, #tpu.memory_space<hbm>>
    %dma_wait3A_223 = tpu.memref_squeeze %dma_wait3A_222 : memref<1x1x80xi32, #tpu.memory_space<hbm>> -> memref<80xi32, #tpu.memory_space<hbm>>
    %dma_wait3A_224 = arith.constant 0 : i32
    %dma_wait3A_225 = tpu.memref_slice %arg4[%arg1, %dma_wait3A_220, %dma_wait3A_224] : memref<16x125x80xi32, #tpu.memory_space<hbm>> -> memref<1x1x80xi32, #tpu.memory_space<hbm>>
    %dma_wait3A_226 = tpu.memref_squeeze %dma_wait3A_225 : memref<1x1x80xi32, #tpu.memory_space<hbm>> -> memref<80xi32, #tpu.memory_space<hbm>>
    tpu.wait_dma2 semaphore(%arg20 : memref<!tpu.dma_semaphore, #tpu.memory_space<semaphore_mem>>) src(%dma_wait3A_226 : memref<80xi32, #tpu.memory_space<hbm>>) dst(%arg7 : memref<80xi32, #tpu.memory_space<vmem>>)
    "tpu.region"() ({
      %run_scoped3A = tpu.sem_alloc : memref<!tpu.dma_semaphore, #tpu.memory_space<semaphore_mem>>
      %dma_start3A_367 = arith.constant 0 : i32
      %dma_start3A_368 = arith.constant 0 : i32
      %dma_start3A_369 = tpu.memref_slice %arg13[%dma_start3A_367, %dma_start3A_368] : memref<10240x128xf32, #tpu.memory_space<vmem_shared>> -> memref<10240x128xf32, #tpu.memory_space<vmem_shared>>
      tpu.enqueue_indirect_dma source(%arg10 : memref<80x128xf32, #tpu.memory_space<vmem>>) target(%dma_start3A_369 : memref<10240x128xf32, #tpu.memory_space<vmem_shared>>) offsets(%arg7 : memref<80xi32, #tpu.memory_space<vmem>>) semaphore(%run_scoped3A : memref<!tpu.dma_semaphore, #tpu.memory_space<semaphore_mem>>) {add = true}
      %dma_wait3A_370 = arith.constant 0 : i32
      %dma_wait3A_371 = arith.constant 0 : i32
      %dma_wait3A_372 = tpu.memref_slice %arg13[%dma_wait3A_370, %dma_wait3A_371] : memref<10240x128xf32, #tpu.memory_space<vmem_shared>> -> memref<10240x128xf32, #tpu.memory_space<vmem_shared>>
      tpu.wait_indirect_dma semaphore(%run_scoped3A : memref<!tpu.dma_semaphore, #tpu.memory_space<semaphore_mem>>) src(%arg10 : memref<80x128xf32, #tpu.memory_space<vmem>>) dst(%dma_wait3A_372 : memref<10240x128xf32, #tpu.memory_space<vmem_shared>>)
      tpu.yield
    }) : () -> ()
    %dma_wait3A_227 = arith.constant 124 : i32
    %dma_wait3A_228 = arith.constant 0 : i32
    %dma_wait3A_229 = arith.constant 0 : i32
    %dma_wait3A_230 = tpu.memref_slice %arg11[%dma_wait3A_228, %dma_wait3A_229] : memref<80x128xf32, #tpu.memory_space<vmem>> -> memref<40x128xf32, #tpu.memory_space<vmem>>
    %dma_wait3A_231 = arith.constant 0 : i32
    %dma_wait3A_232 = tpu.memref_slice %arg6[%dma_wait3A_227, %dma_wait3A_231] : memref<125x80xi32, #tpu.memory_space<vmem>> -> memref<1x40xi32, #tpu.memory_space<vmem>>
    %dma_wait3A_233 = tpu.memref_squeeze %dma_wait3A_232 : memref<1x40xi32, #tpu.memory_space<vmem>> -> memref<40xi32, #tpu.memory_space<vmem>>
    %dma_wait3A_234 = arith.constant 0 : i32
    %dma_wait3A_235 = arith.constant 0 : i32
    %dma_wait3A_236 = tpu.memref_slice %arg2[%dma_wait3A_234, %dma_wait3A_235] : memref<20000x128xf32, #tpu.memory_space<hbm>> -> memref<20000x128xf32, #tpu.memory_space<hbm>>
    tpu.wait_indirect_dma semaphore(%arg16 : memref<!tpu.dma_semaphore, #tpu.memory_space<semaphore_mem>>) src(%dma_wait3A_236 : memref<20000x128xf32, #tpu.memory_space<hbm>>) dst(%dma_wait3A_230 : memref<40x128xf32, #tpu.memory_space<vmem>>)
    %dma_wait3A_237 = arith.constant 124 : i32
    %dma_wait3A_238 = arith.constant 40 : i32
    %dma_wait3A_239 = arith.constant 0 : i32
    %dma_wait3A_240 = tpu.memref_slice %arg11[%dma_wait3A_238, %dma_wait3A_239] : memref<80x128xf32, #tpu.memory_space<vmem>> -> memref<40x128xf32, #tpu.memory_space<vmem>>
    %dma_wait3A_241 = arith.constant 40 : i32
    %dma_wait3A_242 = tpu.memref_slice %arg6[%dma_wait3A_237, %dma_wait3A_241] : memref<125x80xi32, #tpu.memory_space<vmem>> -> memref<1x40xi32, #tpu.memory_space<vmem>>
    %dma_wait3A_243 = tpu.memref_squeeze %dma_wait3A_242 : memref<1x40xi32, #tpu.memory_space<vmem>> -> memref<40xi32, #tpu.memory_space<vmem>>
    %dma_wait3A_244 = arith.constant 0 : i32
    %dma_wait3A_245 = arith.constant 0 : i32
    %dma_wait3A_246 = tpu.memref_slice %arg2[%dma_wait3A_244, %dma_wait3A_245] : memref<20000x128xf32, #tpu.memory_space<hbm>> -> memref<20000x128xf32, #tpu.memory_space<hbm>>
    tpu.wait_indirect_dma semaphore(%arg17 : memref<!tpu.dma_semaphore, #tpu.memory_space<semaphore_mem>>) src(%dma_wait3A_246 : memref<20000x128xf32, #tpu.memory_space<hbm>>) dst(%dma_wait3A_240 : memref<40x128xf32, #tpu.memory_space<vmem>>)
    %dma_wait3A_247 = arith.constant 0 : i32
    %dma_wait3A_248 = arith.constant 0 : i32
    %dma_wait3A_249 = tpu.memref_slice %arg4[%arg1, %dma_wait3A_247, %dma_wait3A_248] : memref<16x125x80xi32, #tpu.memory_space<hbm>> -> memref<1x1x80xi32, #tpu.memory_space<hbm>>
    %dma_wait3A_250 = tpu.memref_squeeze %dma_wait3A_249 : memref<1x1x80xi32, #tpu.memory_space<hbm>> -> memref<80xi32, #tpu.memory_space<hbm>>
    %dma_wait3A_251 = arith.constant 0 : i32
    %dma_wait3A_252 = tpu.memref_slice %arg4[%arg1, %dma_wait3A_247, %dma_wait3A_251] : memref<16x125x80xi32, #tpu.memory_space<hbm>> -> memref<1x1x80xi32, #tpu.memory_space<hbm>>
    %dma_wait3A_253 = tpu.memref_squeeze %dma_wait3A_252 : memref<1x1x80xi32, #tpu.memory_space<hbm>> -> memref<80xi32, #tpu.memory_space<hbm>>
    tpu.wait_dma2 semaphore(%arg21 : memref<!tpu.dma_semaphore, #tpu.memory_space<semaphore_mem>>) src(%dma_wait3A_253 : memref<80xi32, #tpu.memory_space<hbm>>) dst(%arg8 : memref<80xi32, #tpu.memory_space<vmem>>)
    "tpu.region"() ({
      %run_scoped3A = tpu.sem_alloc : memref<!tpu.dma_semaphore, #tpu.memory_space<semaphore_mem>>
      %dma_start3A_367 = arith.constant 0 : i32
      %dma_start3A_368 = arith.constant 0 : i32
      %dma_start3A_369 = tpu.memref_slice %arg13[%dma_start3A_367, %dma_start3A_368] : memref<10240x128xf32, #tpu.memory_space<vmem_shared>> -> memref<10240x128xf32, #tpu.memory_space<vmem_shared>>
      tpu.enqueue_indirect_dma source(%arg11 : memref<80x128xf32, #tpu.memory_space<vmem>>) target(%dma_start3A_369 : memref<10240x128xf32, #tpu.memory_space<vmem_shared>>) offsets(%arg8 : memref<80xi32, #tpu.memory_space<vmem>>) semaphore(%run_scoped3A : memref<!tpu.dma_semaphore, #tpu.memory_space<semaphore_mem>>) {add = true}
      %dma_wait3A_370 = arith.constant 0 : i32
      %dma_wait3A_371 = arith.constant 0 : i32
      %dma_wait3A_372 = tpu.memref_slice %arg13[%dma_wait3A_370, %dma_wait3A_371] : memref<10240x128xf32, #tpu.memory_space<vmem_shared>> -> memref<10240x128xf32, #tpu.memory_space<vmem_shared>>
      tpu.wait_indirect_dma semaphore(%run_scoped3A : memref<!tpu.dma_semaphore, #tpu.memory_space<semaphore_mem>>) src(%arg11 : memref<80x128xf32, #tpu.memory_space<vmem>>) dst(%dma_wait3A_372 : memref<10240x128xf32, #tpu.memory_space<vmem_shared>>)
      tpu.yield
    }) : () -> ()
    %barrier3A_254 = arith.constant 0 : index
    tpu.barrier barrier_id(%barrier3A_254)
    %mul3A_255 = arith.constant 640 : i32
    %mul3A_256 = arith.muli %arg1, %mul3A_255 : i32
    %dma_start3A_257 = arith.constant 0 : i32
    %dma_start3A_258 = tpu.memref_slice %arg13[%mul3A_256, %dma_start3A_257] : memref<10240x128xf32, #tpu.memory_space<vmem_shared>> -> memref<80x128xf32, #tpu.memory_space<vmem_shared>>
    %dma_start3A_259 = arith.constant 0 : i32
    %dma_start3A_260 = tpu.memref_slice %arg13[%mul3A_256, %dma_start3A_259] : memref<10240x128xf32, #tpu.memory_space<vmem_shared>> -> memref<80x128xf32, #tpu.memory_space<vmem_shared>>
    tpu.enqueue_dma source(%dma_start3A_260 : memref<80x128xf32, #tpu.memory_space<vmem_shared>>) target(%arg10 : memref<80x128xf32, #tpu.memory_space<vmem>>) target_semaphore(%arg14 : memref<!tpu.dma_semaphore, #tpu.memory_space<semaphore_mem>>)
    %mul3A_261 = arith.constant 640 : i32
    %mul3A_262 = arith.muli %arg1, %mul3A_261 : i32
    %add3A_263 = arith.constant 0 : i32
    %add3A_264 = arith.addi %mul3A_262, %add3A_263 : i32
    %dma_wait3A_265 = arith.constant 0 : i32
    %dma_wait3A_266 = tpu.memref_slice %arg13[%add3A_264, %dma_wait3A_265] : memref<10240x128xf32, #tpu.memory_space<vmem_shared>> -> memref<80x128xf32, #tpu.memory_space<vmem_shared>>
    %dma_wait3A_267 = arith.constant 0 : i32
    %dma_wait3A_268 = tpu.memref_slice %arg13[%add3A_264, %dma_wait3A_267] : memref<10240x128xf32, #tpu.memory_space<vmem_shared>> -> memref<80x128xf32, #tpu.memory_space<vmem_shared>>
    tpu.wait_dma2 semaphore(%arg14 : memref<!tpu.dma_semaphore, #tpu.memory_space<semaphore_mem>>) src(%dma_wait3A_268 : memref<80x128xf32, #tpu.memory_space<vmem_shared>>) dst(%arg10 : memref<80x128xf32, #tpu.memory_space<vmem>>)
    %add3A_269 = arith.constant 80 : i32
    %add3A_270 = arith.addi %add3A_264, %add3A_269 : i32
    %dma_start3A_271 = arith.constant 0 : i32
    %dma_start3A_272 = tpu.memref_slice %arg13[%add3A_270, %dma_start3A_271] : memref<10240x128xf32, #tpu.memory_space<vmem_shared>> -> memref<80x128xf32, #tpu.memory_space<vmem_shared>>
    %dma_start3A_273 = arith.constant 0 : i32
    %dma_start3A_274 = tpu.memref_slice %arg13[%add3A_270, %dma_start3A_273] : memref<10240x128xf32, #tpu.memory_space<vmem_shared>> -> memref<80x128xf32, #tpu.memory_space<vmem_shared>>
    tpu.enqueue_dma source(%dma_start3A_274 : memref<80x128xf32, #tpu.memory_space<vmem_shared>>) target(%arg11 : memref<80x128xf32, #tpu.memory_space<vmem>>) target_semaphore(%arg16 : memref<!tpu.dma_semaphore, #tpu.memory_space<semaphore_mem>>)
    "tpu.region"() ({
      %run_scoped3A = tpu.sem_alloc : memref<!tpu.dma_semaphore, #tpu.memory_space<semaphore_mem>>
      %dma_start3A_367 = arith.constant 0 : i32
      %dma_start3A_368 = tpu.memref_slice %arg5[%arg0, %add3A_264, %dma_start3A_367] : memref<2x10240x128xf32, #tpu.memory_space<hbm>> -> memref<1x80x128xf32, #tpu.memory_space<hbm>>
      %dma_start3A_369 = tpu.memref_squeeze %dma_start3A_368 : memref<1x80x128xf32, #tpu.memory_space<hbm>> -> memref<80x128xf32, #tpu.memory_space<hbm>>
      %dma_start3A_370 = arith.constant 0 : i32
      %dma_start3A_371 = tpu.memref_slice %arg5[%arg0, %add3A_264, %dma_start3A_370] : memref<2x10240x128xf32, #tpu.memory_space<hbm>> -> memref<1x80x128xf32, #tpu.memory_space<hbm>>
      %dma_start3A_372 = tpu.memref_squeeze %dma_start3A_371 : memref<1x80x128xf32, #tpu.memory_space<hbm>> -> memref<80x128xf32, #tpu.memory_space<hbm>>
      tpu.enqueue_dma source(%arg10 : memref<80x128xf32, #tpu.memory_space<vmem>>) target(%dma_start3A_372 : memref<80x128xf32, #tpu.memory_space<hbm>>) target_semaphore(%run_scoped3A : memref<!tpu.dma_semaphore, #tpu.memory_space<semaphore_mem>>)
      %dma_wait3A_373 = arith.constant 0 : i32
      %dma_wait3A_374 = tpu.memref_slice %arg5[%arg0, %add3A_264, %dma_wait3A_373] : memref<2x10240x128xf32, #tpu.memory_space<hbm>> -> memref<1x80x128xf32, #tpu.memory_space<hbm>>
      %dma_wait3A_375 = tpu.memref_squeeze %dma_wait3A_374 : memref<1x80x128xf32, #tpu.memory_space<hbm>> -> memref<80x128xf32, #tpu.memory_space<hbm>>
      %dma_wait3A_376 = arith.constant 0 : i32
      %dma_wait3A_377 = tpu.memref_slice %arg5[%arg0, %add3A_264, %dma_wait3A_376] : memref<2x10240x128xf32, #tpu.memory_space<hbm>> -> memref<1x80x128xf32, #tpu.memory_space<hbm>>
      %dma_wait3A_378 = tpu.memref_squeeze %dma_wait3A_377 : memref<1x80x128xf32, #tpu.memory_space<hbm>> -> memref<80x128xf32, #tpu.memory_space<hbm>>
      tpu.wait_dma2 semaphore(%run_scoped3A : memref<!tpu.dma_semaphore, #tpu.memory_space<semaphore_mem>>) src(%arg10 : memref<80x128xf32, #tpu.memory_space<vmem>>) dst(%dma_wait3A_378 : memref<80x128xf32, #tpu.memory_space<hbm>>)
      tpu.yield
    }) : () -> ()
    %mul3A_275 = arith.constant 640 : i32
    %mul3A_276 = arith.muli %arg1, %mul3A_275 : i32
    %add3A_277 = arith.constant 80 : i32
    %add3A_278 = arith.addi %mul3A_276, %add3A_277 : i32
    %dma_wait3A_279 = arith.constant 0 : i32
    %dma_wait3A_280 = tpu.memref_slice %arg13[%add3A_278, %dma_wait3A_279] : memref<10240x128xf32, #tpu.memory_space<vmem_shared>> -> memref<80x128xf32, #tpu.memory_space<vmem_shared>>
    %dma_wait3A_281 = arith.constant 0 : i32
    %dma_wait3A_282 = tpu.memref_slice %arg13[%add3A_278, %dma_wait3A_281] : memref<10240x128xf32, #tpu.memory_space<vmem_shared>> -> memref<80x128xf32, #tpu.memory_space<vmem_shared>>
    tpu.wait_dma2 semaphore(%arg16 : memref<!tpu.dma_semaphore, #tpu.memory_space<semaphore_mem>>) src(%dma_wait3A_282 : memref<80x128xf32, #tpu.memory_space<vmem_shared>>) dst(%arg11 : memref<80x128xf32, #tpu.memory_space<vmem>>)
    %add3A_283 = arith.constant 80 : i32
    %add3A_284 = arith.addi %add3A_278, %add3A_283 : i32
    %dma_start3A_285 = arith.constant 0 : i32
    %dma_start3A_286 = tpu.memref_slice %arg13[%add3A_284, %dma_start3A_285] : memref<10240x128xf32, #tpu.memory_space<vmem_shared>> -> memref<80x128xf32, #tpu.memory_space<vmem_shared>>
    %dma_start3A_287 = arith.constant 0 : i32
    %dma_start3A_288 = tpu.memref_slice %arg13[%add3A_284, %dma_start3A_287] : memref<10240x128xf32, #tpu.memory_space<vmem_shared>> -> memref<80x128xf32, #tpu.memory_space<vmem_shared>>
    tpu.enqueue_dma source(%dma_start3A_288 : memref<80x128xf32, #tpu.memory_space<vmem_shared>>) target(%arg10 : memref<80x128xf32, #tpu.memory_space<vmem>>) target_semaphore(%arg14 : memref<!tpu.dma_semaphore, #tpu.memory_space<semaphore_mem>>)
    "tpu.region"() ({
      %run_scoped3A = tpu.sem_alloc : memref<!tpu.dma_semaphore, #tpu.memory_space<semaphore_mem>>
      %dma_start3A_367 = arith.constant 0 : i32
      %dma_start3A_368 = tpu.memref_slice %arg5[%arg0, %add3A_278, %dma_start3A_367] : memref<2x10240x128xf32, #tpu.memory_space<hbm>> -> memref<1x80x128xf32, #tpu.memory_space<hbm>>
      %dma_start3A_369 = tpu.memref_squeeze %dma_start3A_368 : memref<1x80x128xf32, #tpu.memory_space<hbm>> -> memref<80x128xf32, #tpu.memory_space<hbm>>
      %dma_start3A_370 = arith.constant 0 : i32
      %dma_start3A_371 = tpu.memref_slice %arg5[%arg0, %add3A_278, %dma_start3A_370] : memref<2x10240x128xf32, #tpu.memory_space<hbm>> -> memref<1x80x128xf32, #tpu.memory_space<hbm>>
      %dma_start3A_372 = tpu.memref_squeeze %dma_start3A_371 : memref<1x80x128xf32, #tpu.memory_space<hbm>> -> memref<80x128xf32, #tpu.memory_space<hbm>>
      tpu.enqueue_dma source(%arg11 : memref<80x128xf32, #tpu.memory_space<vmem>>) target(%dma_start3A_372 : memref<80x128xf32, #tpu.memory_space<hbm>>) target_semaphore(%run_scoped3A : memref<!tpu.dma_semaphore, #tpu.memory_space<semaphore_mem>>)
      %dma_wait3A_373 = arith.constant 0 : i32
      %dma_wait3A_374 = tpu.memref_slice %arg5[%arg0, %add3A_278, %dma_wait3A_373] : memref<2x10240x128xf32, #tpu.memory_space<hbm>> -> memref<1x80x128xf32, #tpu.memory_space<hbm>>
      %dma_wait3A_375 = tpu.memref_squeeze %dma_wait3A_374 : memref<1x80x128xf32, #tpu.memory_space<hbm>> -> memref<80x128xf32, #tpu.memory_space<hbm>>
      %dma_wait3A_376 = arith.constant 0 : i32
      %dma_wait3A_377 = tpu.memref_slice %arg5[%arg0, %add3A_278, %dma_wait3A_376] : memref<2x10240x128xf32, #tpu.memory_space<hbm>> -> memref<1x80x128xf32, #tpu.memory_space<hbm>>
      %dma_wait3A_378 = tpu.memref_squeeze %dma_wait3A_377 : memref<1x80x128xf32, #tpu.memory_space<hbm>> -> memref<80x128xf32, #tpu.memory_space<hbm>>
      tpu.wait_dma2 semaphore(%run_scoped3A : memref<!tpu.dma_semaphore, #tpu.memory_space<semaphore_mem>>) src(%arg11 : memref<80x128xf32, #tpu.memory_space<vmem>>) dst(%dma_wait3A_378 : memref<80x128xf32, #tpu.memory_space<hbm>>)
      tpu.yield
    }) : () -> ()
    %mul3A_289 = arith.constant 640 : i32
    %mul3A_290 = arith.muli %arg1, %mul3A_289 : i32
    %add3A_291 = arith.constant 160 : i32
    %add3A_292 = arith.addi %mul3A_290, %add3A_291 : i32
    %dma_wait3A_293 = arith.constant 0 : i32
    %dma_wait3A_294 = tpu.memref_slice %arg13[%add3A_292, %dma_wait3A_293] : memref<10240x128xf32, #tpu.memory_space<vmem_shared>> -> memref<80x128xf32, #tpu.memory_space<vmem_shared>>
    %dma_wait3A_295 = arith.constant 0 : i32
    %dma_wait3A_296 = tpu.memref_slice %arg13[%add3A_292, %dma_wait3A_295] : memref<10240x128xf32, #tpu.memory_space<vmem_shared>> -> memref<80x128xf32, #tpu.memory_space<vmem_shared>>
    tpu.wait_dma2 semaphore(%arg14 : memref<!tpu.dma_semaphore, #tpu.memory_space<semaphore_mem>>) src(%dma_wait3A_296 : memref<80x128xf32, #tpu.memory_space<vmem_shared>>) dst(%arg10 : memref<80x128xf32, #tpu.memory_space<vmem>>)
    %add3A_297 = arith.constant 80 : i32
    %add3A_298 = arith.addi %add3A_292, %add3A_297 : i32
    %dma_start3A_299 = arith.constant 0 : i32
    %dma_start3A_300 = tpu.memref_slice %arg13[%add3A_298, %dma_start3A_299] : memref<10240x128xf32, #tpu.memory_space<vmem_shared>> -> memref<80x128xf32, #tpu.memory_space<vmem_shared>>
    %dma_start3A_301 = arith.constant 0 : i32
    %dma_start3A_302 = tpu.memref_slice %arg13[%add3A_298, %dma_start3A_301] : memref<10240x128xf32, #tpu.memory_space<vmem_shared>> -> memref<80x128xf32, #tpu.memory_space<vmem_shared>>
    tpu.enqueue_dma source(%dma_start3A_302 : memref<80x128xf32, #tpu.memory_space<vmem_shared>>) target(%arg11 : memref<80x128xf32, #tpu.memory_space<vmem>>) target_semaphore(%arg16 : memref<!tpu.dma_semaphore, #tpu.memory_space<semaphore_mem>>)
    "tpu.region"() ({
      %run_scoped3A = tpu.sem_alloc : memref<!tpu.dma_semaphore, #tpu.memory_space<semaphore_mem>>
      %dma_start3A_367 = arith.constant 0 : i32
      %dma_start3A_368 = tpu.memref_slice %arg5[%arg0, %add3A_292, %dma_start3A_367] : memref<2x10240x128xf32, #tpu.memory_space<hbm>> -> memref<1x80x128xf32, #tpu.memory_space<hbm>>
      %dma_start3A_369 = tpu.memref_squeeze %dma_start3A_368 : memref<1x80x128xf32, #tpu.memory_space<hbm>> -> memref<80x128xf32, #tpu.memory_space<hbm>>
      %dma_start3A_370 = arith.constant 0 : i32
      %dma_start3A_371 = tpu.memref_slice %arg5[%arg0, %add3A_292, %dma_start3A_370] : memref<2x10240x128xf32, #tpu.memory_space<hbm>> -> memref<1x80x128xf32, #tpu.memory_space<hbm>>
      %dma_start3A_372 = tpu.memref_squeeze %dma_start3A_371 : memref<1x80x128xf32, #tpu.memory_space<hbm>> -> memref<80x128xf32, #tpu.memory_space<hbm>>
      tpu.enqueue_dma source(%arg10 : memref<80x128xf32, #tpu.memory_space<vmem>>) target(%dma_start3A_372 : memref<80x128xf32, #tpu.memory_space<hbm>>) target_semaphore(%run_scoped3A : memref<!tpu.dma_semaphore, #tpu.memory_space<semaphore_mem>>)
      %dma_wait3A_373 = arith.constant 0 : i32
      %dma_wait3A_374 = tpu.memref_slice %arg5[%arg0, %add3A_292, %dma_wait3A_373] : memref<2x10240x128xf32, #tpu.memory_space<hbm>> -> memref<1x80x128xf32, #tpu.memory_space<hbm>>
      %dma_wait3A_375 = tpu.memref_squeeze %dma_wait3A_374 : memref<1x80x128xf32, #tpu.memory_space<hbm>> -> memref<80x128xf32, #tpu.memory_space<hbm>>
      %dma_wait3A_376 = arith.constant 0 : i32
      %dma_wait3A_377 = tpu.memref_slice %arg5[%arg0, %add3A_292, %dma_wait3A_376] : memref<2x10240x128xf32, #tpu.memory_space<hbm>> -> memref<1x80x128xf32, #tpu.memory_space<hbm>>
      %dma_wait3A_378 = tpu.memref_squeeze %dma_wait3A_377 : memref<1x80x128xf32, #tpu.memory_space<hbm>> -> memref<80x128xf32, #tpu.memory_space<hbm>>
      tpu.wait_dma2 semaphore(%run_scoped3A : memref<!tpu.dma_semaphore, #tpu.memory_space<semaphore_mem>>) src(%arg10 : memref<80x128xf32, #tpu.memory_space<vmem>>) dst(%dma_wait3A_378 : memref<80x128xf32, #tpu.memory_space<hbm>>)
      tpu.yield
    }) : () -> ()
    %mul3A_303 = arith.constant 640 : i32
    %mul3A_304 = arith.muli %arg1, %mul3A_303 : i32
    %add3A_305 = arith.constant 240 : i32
    %add3A_306 = arith.addi %mul3A_304, %add3A_305 : i32
    %dma_wait3A_307 = arith.constant 0 : i32
    %dma_wait3A_308 = tpu.memref_slice %arg13[%add3A_306, %dma_wait3A_307] : memref<10240x128xf32, #tpu.memory_space<vmem_shared>> -> memref<80x128xf32, #tpu.memory_space<vmem_shared>>
    %dma_wait3A_309 = arith.constant 0 : i32
    %dma_wait3A_310 = tpu.memref_slice %arg13[%add3A_306, %dma_wait3A_309] : memref<10240x128xf32, #tpu.memory_space<vmem_shared>> -> memref<80x128xf32, #tpu.memory_space<vmem_shared>>
    tpu.wait_dma2 semaphore(%arg16 : memref<!tpu.dma_semaphore, #tpu.memory_space<semaphore_mem>>) src(%dma_wait3A_310 : memref<80x128xf32, #tpu.memory_space<vmem_shared>>) dst(%arg11 : memref<80x128xf32, #tpu.memory_space<vmem>>)
    %add3A_311 = arith.constant 80 : i32
    %add3A_312 = arith.addi %add3A_306, %add3A_311 : i32
    %dma_start3A_313 = arith.constant 0 : i32
    %dma_start3A_314 = tpu.memref_slice %arg13[%add3A_312, %dma_start3A_313] : memref<10240x128xf32, #tpu.memory_space<vmem_shared>> -> memref<80x128xf32, #tpu.memory_space<vmem_shared>>
    %dma_start3A_315 = arith.constant 0 : i32
    %dma_start3A_316 = tpu.memref_slice %arg13[%add3A_312, %dma_start3A_315] : memref<10240x128xf32, #tpu.memory_space<vmem_shared>> -> memref<80x128xf32, #tpu.memory_space<vmem_shared>>
    tpu.enqueue_dma source(%dma_start3A_316 : memref<80x128xf32, #tpu.memory_space<vmem_shared>>) target(%arg10 : memref<80x128xf32, #tpu.memory_space<vmem>>) target_semaphore(%arg14 : memref<!tpu.dma_semaphore, #tpu.memory_space<semaphore_mem>>)
    "tpu.region"() ({
      %run_scoped3A = tpu.sem_alloc : memref<!tpu.dma_semaphore, #tpu.memory_space<semaphore_mem>>
      %dma_start3A_367 = arith.constant 0 : i32
      %dma_start3A_368 = tpu.memref_slice %arg5[%arg0, %add3A_306, %dma_start3A_367] : memref<2x10240x128xf32, #tpu.memory_space<hbm>> -> memref<1x80x128xf32, #tpu.memory_space<hbm>>
      %dma_start3A_369 = tpu.memref_squeeze %dma_start3A_368 : memref<1x80x128xf32, #tpu.memory_space<hbm>> -> memref<80x128xf32, #tpu.memory_space<hbm>>
      %dma_start3A_370 = arith.constant 0 : i32
      %dma_start3A_371 = tpu.memref_slice %arg5[%arg0, %add3A_306, %dma_start3A_370] : memref<2x10240x128xf32, #tpu.memory_space<hbm>> -> memref<1x80x128xf32, #tpu.memory_space<hbm>>
      %dma_start3A_372 = tpu.memref_squeeze %dma_start3A_371 : memref<1x80x128xf32, #tpu.memory_space<hbm>> -> memref<80x128xf32, #tpu.memory_space<hbm>>
      tpu.enqueue_dma source(%arg11 : memref<80x128xf32, #tpu.memory_space<vmem>>) target(%dma_start3A_372 : memref<80x128xf32, #tpu.memory_space<hbm>>) target_semaphore(%run_scoped3A : memref<!tpu.dma_semaphore, #tpu.memory_space<semaphore_mem>>)
      %dma_wait3A_373 = arith.constant 0 : i32
      %dma_wait3A_374 = tpu.memref_slice %arg5[%arg0, %add3A_306, %dma_wait3A_373] : memref<2x10240x128xf32, #tpu.memory_space<hbm>> -> memref<1x80x128xf32, #tpu.memory_space<hbm>>
      %dma_wait3A_375 = tpu.memref_squeeze %dma_wait3A_374 : memref<1x80x128xf32, #tpu.memory_space<hbm>> -> memref<80x128xf32, #tpu.memory_space<hbm>>
      %dma_wait3A_376 = arith.constant 0 : i32
      %dma_wait3A_377 = tpu.memref_slice %arg5[%arg0, %add3A_306, %dma_wait3A_376] : memref<2x10240x128xf32, #tpu.memory_space<hbm>> -> memref<1x80x128xf32, #tpu.memory_space<hbm>>
      %dma_wait3A_378 = tpu.memref_squeeze %dma_wait3A_377 : memref<1x80x128xf32, #tpu.memory_space<hbm>> -> memref<80x128xf32, #tpu.memory_space<hbm>>
      tpu.wait_dma2 semaphore(%run_scoped3A : memref<!tpu.dma_semaphore, #tpu.memory_space<semaphore_mem>>) src(%arg11 : memref<80x128xf32, #tpu.memory_space<vmem>>) dst(%dma_wait3A_378 : memref<80x128xf32, #tpu.memory_space<hbm>>)
      tpu.yield
    }) : () -> ()
    %mul3A_317 = arith.constant 640 : i32
    %mul3A_318 = arith.muli %arg1, %mul3A_317 : i32
    %add3A_319 = arith.constant 320 : i32
    %add3A_320 = arith.addi %mul3A_318, %add3A_319 : i32
    %dma_wait3A_321 = arith.constant 0 : i32
    %dma_wait3A_322 = tpu.memref_slice %arg13[%add3A_320, %dma_wait3A_321] : memref<10240x128xf32, #tpu.memory_space<vmem_shared>> -> memref<80x128xf32, #tpu.memory_space<vmem_shared>>
    %dma_wait3A_323 = arith.constant 0 : i32
    %dma_wait3A_324 = tpu.memref_slice %arg13[%add3A_320, %dma_wait3A_323] : memref<10240x128xf32, #tpu.memory_space<vmem_shared>> -> memref<80x128xf32, #tpu.memory_space<vmem_shared>>
    tpu.wait_dma2 semaphore(%arg14 : memref<!tpu.dma_semaphore, #tpu.memory_space<semaphore_mem>>) src(%dma_wait3A_324 : memref<80x128xf32, #tpu.memory_space<vmem_shared>>) dst(%arg10 : memref<80x128xf32, #tpu.memory_space<vmem>>)
    %add3A_325 = arith.constant 80 : i32
    %add3A_326 = arith.addi %add3A_320, %add3A_325 : i32
    %dma_start3A_327 = arith.constant 0 : i32
    %dma_start3A_328 = tpu.memref_slice %arg13[%add3A_326, %dma_start3A_327] : memref<10240x128xf32, #tpu.memory_space<vmem_shared>> -> memref<80x128xf32, #tpu.memory_space<vmem_shared>>
    %dma_start3A_329 = arith.constant 0 : i32
    %dma_start3A_330 = tpu.memref_slice %arg13[%add3A_326, %dma_start3A_329] : memref<10240x128xf32, #tpu.memory_space<vmem_shared>> -> memref<80x128xf32, #tpu.memory_space<vmem_shared>>
    tpu.enqueue_dma source(%dma_start3A_330 : memref<80x128xf32, #tpu.memory_space<vmem_shared>>) target(%arg11 : memref<80x128xf32, #tpu.memory_space<vmem>>) target_semaphore(%arg16 : memref<!tpu.dma_semaphore, #tpu.memory_space<semaphore_mem>>)
    "tpu.region"() ({
      %run_scoped3A = tpu.sem_alloc : memref<!tpu.dma_semaphore, #tpu.memory_space<semaphore_mem>>
      %dma_start3A_367 = arith.constant 0 : i32
      %dma_start3A_368 = tpu.memref_slice %arg5[%arg0, %add3A_320, %dma_start3A_367] : memref<2x10240x128xf32, #tpu.memory_space<hbm>> -> memref<1x80x128xf32, #tpu.memory_space<hbm>>
      %dma_start3A_369 = tpu.memref_squeeze %dma_start3A_368 : memref<1x80x128xf32, #tpu.memory_space<hbm>> -> memref<80x128xf32, #tpu.memory_space<hbm>>
      %dma_start3A_370 = arith.constant 0 : i32
      %dma_start3A_371 = tpu.memref_slice %arg5[%arg0, %add3A_320, %dma_start3A_370] : memref<2x10240x128xf32, #tpu.memory_space<hbm>> -> memref<1x80x128xf32, #tpu.memory_space<hbm>>
      %dma_start3A_372 = tpu.memref_squeeze %dma_start3A_371 : memref<1x80x128xf32, #tpu.memory_space<hbm>> -> memref<80x128xf32, #tpu.memory_space<hbm>>
      tpu.enqueue_dma source(%arg10 : memref<80x128xf32, #tpu.memory_space<vmem>>) target(%dma_start3A_372 : memref<80x128xf32, #tpu.memory_space<hbm>>) target_semaphore(%run_scoped3A : memref<!tpu.dma_semaphore, #tpu.memory_space<semaphore_mem>>)
      %dma_wait3A_373 = arith.constant 0 : i32
      %dma_wait3A_374 = tpu.memref_slice %arg5[%arg0, %add3A_320, %dma_wait3A_373] : memref<2x10240x128xf32, #tpu.memory_space<hbm>> -> memref<1x80x128xf32, #tpu.memory_space<hbm>>
      %dma_wait3A_375 = tpu.memref_squeeze %dma_wait3A_374 : memref<1x80x128xf32, #tpu.memory_space<hbm>> -> memref<80x128xf32, #tpu.memory_space<hbm>>
      %dma_wait3A_376 = arith.constant 0 : i32
      %dma_wait3A_377 = tpu.memref_slice %arg5[%arg0, %add3A_320, %dma_wait3A_376] : memref<2x10240x128xf32, #tpu.memory_space<hbm>> -> memref<1x80x128xf32, #tpu.memory_space<hbm>>
      %dma_wait3A_378 = tpu.memref_squeeze %dma_wait3A_377 : memref<1x80x128xf32, #tpu.memory_space<hbm>> -> memref<80x128xf32, #tpu.memory_space<hbm>>
      tpu.wait_dma2 semaphore(%run_scoped3A : memref<!tpu.dma_semaphore, #tpu.memory_space<semaphore_mem>>) src(%arg10 : memref<80x128xf32, #tpu.memory_space<vmem>>) dst(%dma_wait3A_378 : memref<80x128xf32, #tpu.memory_space<hbm>>)
      tpu.yield
    }) : () -> ()
    %mul3A_331 = arith.constant 640 : i32
    %mul3A_332 = arith.muli %arg1, %mul3A_331 : i32
    %add3A_333 = arith.constant 400 : i32
    %add3A_334 = arith.addi %mul3A_332, %add3A_333 : i32
    %dma_wait3A_335 = arith.constant 0 : i32
    %dma_wait3A_336 = tpu.memref_slice %arg13[%add3A_334, %dma_wait3A_335] : memref<10240x128xf32, #tpu.memory_space<vmem_shared>> -> memref<80x128xf32, #tpu.memory_space<vmem_shared>>
    %dma_wait3A_337 = arith.constant 0 : i32
    %dma_wait3A_338 = tpu.memref_slice %arg13[%add3A_334, %dma_wait3A_337] : memref<10240x128xf32, #tpu.memory_space<vmem_shared>> -> memref<80x128xf32, #tpu.memory_space<vmem_shared>>
    tpu.wait_dma2 semaphore(%arg16 : memref<!tpu.dma_semaphore, #tpu.memory_space<semaphore_mem>>) src(%dma_wait3A_338 : memref<80x128xf32, #tpu.memory_space<vmem_shared>>) dst(%arg11 : memref<80x128xf32, #tpu.memory_space<vmem>>)
    %add3A_339 = arith.constant 80 : i32
    %add3A_340 = arith.addi %add3A_334, %add3A_339 : i32
    %dma_start3A_341 = arith.constant 0 : i32
    %dma_start3A_342 = tpu.memref_slice %arg13[%add3A_340, %dma_start3A_341] : memref<10240x128xf32, #tpu.memory_space<vmem_shared>> -> memref<80x128xf32, #tpu.memory_space<vmem_shared>>
    %dma_start3A_343 = arith.constant 0 : i32
    %dma_start3A_344 = tpu.memref_slice %arg13[%add3A_340, %dma_start3A_343] : memref<10240x128xf32, #tpu.memory_space<vmem_shared>> -> memref<80x128xf32, #tpu.memory_space<vmem_shared>>
    tpu.enqueue_dma source(%dma_start3A_344 : memref<80x128xf32, #tpu.memory_space<vmem_shared>>) target(%arg10 : memref<80x128xf32, #tpu.memory_space<vmem>>) target_semaphore(%arg14 : memref<!tpu.dma_semaphore, #tpu.memory_space<semaphore_mem>>)
    "tpu.region"() ({
      %run_scoped3A = tpu.sem_alloc : memref<!tpu.dma_semaphore, #tpu.memory_space<semaphore_mem>>
      %dma_start3A_367 = arith.constant 0 : i32
      %dma_start3A_368 = tpu.memref_slice %arg5[%arg0, %add3A_334, %dma_start3A_367] : memref<2x10240x128xf32, #tpu.memory_space<hbm>> -> memref<1x80x128xf32, #tpu.memory_space<hbm>>
      %dma_start3A_369 = tpu.memref_squeeze %dma_start3A_368 : memref<1x80x128xf32, #tpu.memory_space<hbm>> -> memref<80x128xf32, #tpu.memory_space<hbm>>
      %dma_start3A_370 = arith.constant 0 : i32
      %dma_start3A_371 = tpu.memref_slice %arg5[%arg0, %add3A_334, %dma_start3A_370] : memref<2x10240x128xf32, #tpu.memory_space<hbm>> -> memref<1x80x128xf32, #tpu.memory_space<hbm>>
      %dma_start3A_372 = tpu.memref_squeeze %dma_start3A_371 : memref<1x80x128xf32, #tpu.memory_space<hbm>> -> memref<80x128xf32, #tpu.memory_space<hbm>>
      tpu.enqueue_dma source(%arg11 : memref<80x128xf32, #tpu.memory_space<vmem>>) target(%dma_start3A_372 : memref<80x128xf32, #tpu.memory_space<hbm>>) target_semaphore(%run_scoped3A : memref<!tpu.dma_semaphore, #tpu.memory_space<semaphore_mem>>)
      %dma_wait3A_373 = arith.constant 0 : i32
      %dma_wait3A_374 = tpu.memref_slice %arg5[%arg0, %add3A_334, %dma_wait3A_373] : memref<2x10240x128xf32, #tpu.memory_space<hbm>> -> memref<1x80x128xf32, #tpu.memory_space<hbm>>
      %dma_wait3A_375 = tpu.memref_squeeze %dma_wait3A_374 : memref<1x80x128xf32, #tpu.memory_space<hbm>> -> memref<80x128xf32, #tpu.memory_space<hbm>>
      %dma_wait3A_376 = arith.constant 0 : i32
      %dma_wait3A_377 = tpu.memref_slice %arg5[%arg0, %add3A_334, %dma_wait3A_376] : memref<2x10240x128xf32, #tpu.memory_space<hbm>> -> memref<1x80x128xf32, #tpu.memory_space<hbm>>
      %dma_wait3A_378 = tpu.memref_squeeze %dma_wait3A_377 : memref<1x80x128xf32, #tpu.memory_space<hbm>> -> memref<80x128xf32, #tpu.memory_space<hbm>>
      tpu.wait_dma2 semaphore(%run_scoped3A : memref<!tpu.dma_semaphore, #tpu.memory_space<semaphore_mem>>) src(%arg11 : memref<80x128xf32, #tpu.memory_space<vmem>>) dst(%dma_wait3A_378 : memref<80x128xf32, #tpu.memory_space<hbm>>)
      tpu.yield
    }) : () -> ()
    %mul3A_345 = arith.constant 640 : i32
    %mul3A_346 = arith.muli %arg1, %mul3A_345 : i32
    %add3A_347 = arith.constant 480 : i32
    %add3A_348 = arith.addi %mul3A_346, %add3A_347 : i32
    %dma_wait3A_349 = arith.constant 0 : i32
    %dma_wait3A_350 = tpu.memref_slice %arg13[%add3A_348, %dma_wait3A_349] : memref<10240x128xf32, #tpu.memory_space<vmem_shared>> -> memref<80x128xf32, #tpu.memory_space<vmem_shared>>
    %dma_wait3A_351 = arith.constant 0 : i32
    %dma_wait3A_352 = tpu.memref_slice %arg13[%add3A_348, %dma_wait3A_351] : memref<10240x128xf32, #tpu.memory_space<vmem_shared>> -> memref<80x128xf32, #tpu.memory_space<vmem_shared>>
    tpu.wait_dma2 semaphore(%arg14 : memref<!tpu.dma_semaphore, #tpu.memory_space<semaphore_mem>>) src(%dma_wait3A_352 : memref<80x128xf32, #tpu.memory_space<vmem_shared>>) dst(%arg10 : memref<80x128xf32, #tpu.memory_space<vmem>>)
    %add3A_353 = arith.constant 80 : i32
    %add3A_354 = arith.addi %add3A_348, %add3A_353 : i32
    %dma_start3A_355 = arith.constant 0 : i32
    %dma_start3A_356 = tpu.memref_slice %arg13[%add3A_354, %dma_start3A_355] : memref<10240x128xf32, #tpu.memory_space<vmem_shared>> -> memref<80x128xf32, #tpu.memory_space<vmem_shared>>
    %dma_start3A_357 = arith.constant 0 : i32
    %dma_start3A_358 = tpu.memref_slice %arg13[%add3A_354, %dma_start3A_357] : memref<10240x128xf32, #tpu.memory_space<vmem_shared>> -> memref<80x128xf32, #tpu.memory_space<vmem_shared>>
    tpu.enqueue_dma source(%dma_start3A_358 : memref<80x128xf32, #tpu.memory_space<vmem_shared>>) target(%arg11 : memref<80x128xf32, #tpu.memory_space<vmem>>) target_semaphore(%arg16 : memref<!tpu.dma_semaphore, #tpu.memory_space<semaphore_mem>>)
    "tpu.region"() ({
      %run_scoped3A = tpu.sem_alloc : memref<!tpu.dma_semaphore, #tpu.memory_space<semaphore_mem>>
      %dma_start3A_367 = arith.constant 0 : i32
      %dma_start3A_368 = tpu.memref_slice %arg5[%arg0, %add3A_348, %dma_start3A_367] : memref<2x10240x128xf32, #tpu.memory_space<hbm>> -> memref<1x80x128xf32, #tpu.memory_space<hbm>>
      %dma_start3A_369 = tpu.memref_squeeze %dma_start3A_368 : memref<1x80x128xf32, #tpu.memory_space<hbm>> -> memref<80x128xf32, #tpu.memory_space<hbm>>
      %dma_start3A_370 = arith.constant 0 : i32
      %dma_start3A_371 = tpu.memref_slice %arg5[%arg0, %add3A_348, %dma_start3A_370] : memref<2x10240x128xf32, #tpu.memory_space<hbm>> -> memref<1x80x128xf32, #tpu.memory_space<hbm>>
      %dma_start3A_372 = tpu.memref_squeeze %dma_start3A_371 : memref<1x80x128xf32, #tpu.memory_space<hbm>> -> memref<80x128xf32, #tpu.memory_space<hbm>>
      tpu.enqueue_dma source(%arg10 : memref<80x128xf32, #tpu.memory_space<vmem>>) target(%dma_start3A_372 : memref<80x128xf32, #tpu.memory_space<hbm>>) target_semaphore(%run_scoped3A : memref<!tpu.dma_semaphore, #tpu.memory_space<semaphore_mem>>)
      %dma_wait3A_373 = arith.constant 0 : i32
      %dma_wait3A_374 = tpu.memref_slice %arg5[%arg0, %add3A_348, %dma_wait3A_373] : memref<2x10240x128xf32, #tpu.memory_space<hbm>> -> memref<1x80x128xf32, #tpu.memory_space<hbm>>
      %dma_wait3A_375 = tpu.memref_squeeze %dma_wait3A_374 : memref<1x80x128xf32, #tpu.memory_space<hbm>> -> memref<80x128xf32, #tpu.memory_space<hbm>>
      %dma_wait3A_376 = arith.constant 0 : i32
      %dma_wait3A_377 = tpu.memref_slice %arg5[%arg0, %add3A_348, %dma_wait3A_376] : memref<2x10240x128xf32, #tpu.memory_space<hbm>> -> memref<1x80x128xf32, #tpu.memory_space<hbm>>
      %dma_wait3A_378 = tpu.memref_squeeze %dma_wait3A_377 : memref<1x80x128xf32, #tpu.memory_space<hbm>> -> memref<80x128xf32, #tpu.memory_space<hbm>>
      tpu.wait_dma2 semaphore(%run_scoped3A : memref<!tpu.dma_semaphore, #tpu.memory_space<semaphore_mem>>) src(%arg10 : memref<80x128xf32, #tpu.memory_space<vmem>>) dst(%dma_wait3A_378 : memref<80x128xf32, #tpu.memory_space<hbm>>)
      tpu.yield
    }) : () -> ()
    %mul3A_359 = arith.constant 640 : i32
    %mul3A_360 = arith.muli %arg1, %mul3A_359 : i32
    %add3A_361 = arith.constant 560 : i32
    %add3A_362 = arith.addi %mul3A_360, %add3A_361 : i32
    %dma_wait3A_363 = arith.constant 0 : i32
    %dma_wait3A_364 = tpu.memref_slice %arg13[%add3A_362, %dma_wait3A_363] : memref<10240x128xf32, #tpu.memory_space<vmem_shared>> -> memref<80x128xf32, #tpu.memory_space<vmem_shared>>
    %dma_wait3A_365 = arith.constant 0 : i32
    %dma_wait3A_366 = tpu.memref_slice %arg13[%add3A_362, %dma_wait3A_365] : memref<10240x128xf32, #tpu.memory_space<vmem_shared>> -> memref<80x128xf32, #tpu.memory_space<vmem_shared>>
    tpu.wait_dma2 semaphore(%arg16 : memref<!tpu.dma_semaphore, #tpu.memory_space<semaphore_mem>>) src(%dma_wait3A_366 : memref<80x128xf32, #tpu.memory_space<vmem_shared>>) dst(%arg11 : memref<80x128xf32, #tpu.memory_space<vmem>>)
    "tpu.region"() ({
      %run_scoped3A = tpu.sem_alloc : memref<!tpu.dma_semaphore, #tpu.memory_space<semaphore_mem>>
      %dma_start3A_367 = arith.constant 0 : i32
      %dma_start3A_368 = tpu.memref_slice %arg5[%arg0, %add3A_362, %dma_start3A_367] : memref<2x10240x128xf32, #tpu.memory_space<hbm>> -> memref<1x80x128xf32, #tpu.memory_space<hbm>>
      %dma_start3A_369 = tpu.memref_squeeze %dma_start3A_368 : memref<1x80x128xf32, #tpu.memory_space<hbm>> -> memref<80x128xf32, #tpu.memory_space<hbm>>
      %dma_start3A_370 = arith.constant 0 : i32
      %dma_start3A_371 = tpu.memref_slice %arg5[%arg0, %add3A_362, %dma_start3A_370] : memref<2x10240x128xf32, #tpu.memory_space<hbm>> -> memref<1x80x128xf32, #tpu.memory_space<hbm>>
      %dma_start3A_372 = tpu.memref_squeeze %dma_start3A_371 : memref<1x80x128xf32, #tpu.memory_space<hbm>> -> memref<80x128xf32, #tpu.memory_space<hbm>>
      tpu.enqueue_dma source(%arg11 : memref<80x128xf32, #tpu.memory_space<vmem>>) target(%dma_start3A_372 : memref<80x128xf32, #tpu.memory_space<hbm>>) target_semaphore(%run_scoped3A : memref<!tpu.dma_semaphore, #tpu.memory_space<semaphore_mem>>)
      %dma_wait3A_373 = arith.constant 0 : i32
      %dma_wait3A_374 = tpu.memref_slice %arg5[%arg0, %add3A_362, %dma_wait3A_373] : memref<2x10240x128xf32, #tpu.memory_space<hbm>> -> memref<1x80x128xf32, #tpu.memory_space<hbm>>
      %dma_wait3A_375 = tpu.memref_squeeze %dma_wait3A_374 : memref<1x80x128xf32, #tpu.memory_space<hbm>> -> memref<80x128xf32, #tpu.memory_space<hbm>>
      %dma_wait3A_376 = arith.constant 0 : i32
      %dma_wait3A_377 = tpu.memref_slice %arg5[%arg0, %add3A_362, %dma_wait3A_376] : memref<2x10240x128xf32, #tpu.memory_space<hbm>> -> memref<1x80x128xf32, #tpu.memory_space<hbm>>
      %dma_wait3A_378 = tpu.memref_squeeze %dma_wait3A_377 : memref<1x80x128xf32, #tpu.memory_space<hbm>> -> memref<80x128xf32, #tpu.memory_space<hbm>>
      tpu.wait_dma2 semaphore(%run_scoped3A : memref<!tpu.dma_semaphore, #tpu.memory_space<semaphore_mem>>) src(%arg11 : memref<80x128xf32, #tpu.memory_space<vmem>>) dst(%dma_wait3A_378 : memref<80x128xf32, #tpu.memory_space<hbm>>)
      tpu.yield
    }) : () -> ()
    return
  }
}

#map = affine_map<(d0, d1) -> (0, 0)>
#map1 = affine_map<(d0, d1) -> (0, 0, 0)>
module attributes {stable_mosaic.version = 14 : i64} {
  func.func @seg_sum(%arg0: i32, %arg1: i32, %arg2: memref<20000x128xf32, #tpu.memory_space<hbm>>, %arg3: memref<16x125x80xi32, #tpu.memory_space<hbm>>, %arg4: memref<16x125x80xi32, #tpu.memory_space<hbm>>, %arg5: memref<2x10240x128xf32, #tpu.memory_space<hbm>>, %arg6: memref<125x80xi32, #tpu.memory_space<vmem>>, %arg7: memref<80xi32, #tpu.memory_space<vmem>>, %arg8: memref<80xi32, #tpu.memory_space<vmem>>, %arg9: memref<80xi32, #tpu.memory_space<vmem>>, %arg10: memref<80x128xf32, #tpu.memory_space<vmem>>, %arg11: memref<80x128xf32, #tpu.memory_space<vmem>>, %arg12: memref<80x128xf32, #tpu.memory_space<vmem>>, %arg13: memref<10240x128xf32, #tpu.memory_space<vmem_shared>>, %arg14: memref<!tpu.dma_semaphore, #tpu.memory_space<semaphore_mem>>, %arg15: memref<!tpu.dma_semaphore, #tpu.memory_space<semaphore_mem>>, %arg16: memref<!tpu.dma_semaphore, #tpu.memory_space<semaphore_mem>>, %arg17: memref<!tpu.dma_semaphore, #tpu.memory_space<semaphore_mem>>, %arg18: memref<!tpu.dma_semaphore, #tpu.memory_space<semaphore_mem>>, %arg19: memref<!tpu.dma_semaphore, #tpu.memory_space<semaphore_mem>>, %arg20: memref<!tpu.dma_semaphore, #tpu.memory_space<semaphore_mem>>, %arg21: memref<!tpu.dma_semaphore, #tpu.memory_space<semaphore_mem>>, %arg22: memref<!tpu.dma_semaphore, #tpu.memory_space<semaphore_mem>>) attributes {dimension_semantics = [#tpu.dimension_semantics<core_parallel>, #tpu.dimension_semantics<subcore_parallel>], iteration_bounds = array<i64: 2, 16>, scalar_prefetch = 0 : i64, scratch_operands = 17 : i64, tpu.core_type = #tpu.core_type<sc_vector_subcore>, window_params = [{transform_indices = #map}, {transform_indices = #map1}, {transform_indices = #map1}, {transform_indices = #map1}]} {
    %scan3A = arith.constant 0 : i32
    %scan3A_0 = arith.constant 0 : i32
    %scan3A_1 = arith.constant 80 : i32
    %scan3A_2 = arith.addi %scan3A_0, %scan3A_1 : i32
    %scan3A_3 = arith.constant 1 : i32
    %scan3A_4 = scf.for %scan3A_367 = %scan3A_0 to %scan3A_2 step %scan3A_3 iter_args(%scan3A_368 = %scan3A) -> (i32)  : i32 {
      %broadcast_in_dim3A = arith.constant 0.000000e+00 : f32
      %broadcast_in_dim3A_369 = vector.broadcast %broadcast_in_dim3A : f32 to vector<16xf32>
      %swap3A = arith.index_cast %scan3A_367 : i32 to index
      %swap3A_370 = arith.constant 0 : index
      %swap3A_371 = tpu.vector_load %arg10[%swap3A, %swap3A_370] {strides = array<i32>} : memref<80x128xf32, #tpu.memory_space<vmem>>, vector<1x16xf32>,
      %swap3A_372 = vector.shape_cast %swap3A_371 : vector<1x16xf32> to vector<16xf32>
      %swap3A_373 = vector.shape_cast %broadcast_in_dim3A_369 : vector<16xf32> to vector<1x16xf32>
      tpu.vector_store %arg10[%swap3A, %swap3A_370], %swap3A_373 {strides = array<i32>} : memref<80x128xf32, #tpu.memory_space<vmem>>, vector<1x16xf32>,
      %broadcast_in_dim3A_374 = arith.constant 0.000000e+00 : f32
      %broadcast_in_dim3A_375 = vector.broadcast %broadcast_in_dim3A_374 : f32 to vector<16xf32>
      %swap3A_376 = arith.index_cast %scan3A_367 : i32 to index
      %swap3A_377 = arith.constant 16 : index
      %swap3A_378 = tpu.vector_load %arg10[%swap3A_376, %swap3A_377] {strides = array<i32>} : memref<80x128xf32, #tpu.memory_space<vmem>>, vector<1x16xf32>,
      %swap3A_379 = vector.shape_cast %swap3A_378 : vector<1x16xf32> to vector<16xf32>
      %swap3A_380 = vector.shape_cast %broadcast_in_dim3A_375 : vector<16xf32> to vector<1x16xf32>
      tpu.vector_store %arg10[%swap3A_376, %swap3A_377], %swap3A_380 {strides = array<i32>} : memref<80x128xf32, #tpu.memory_space<vmem>>, vector<1x16xf32>,
      %broadcast_in_dim3A_381 = arith.constant 0.000000e+00 : f32
      %broadcast_in_dim3A_382 = vector.broadcast %broadcast_in_dim3A_381 : f32 to vector<16xf32>
      %swap3A_383 = arith.index_cast %scan3A_367 : i32 to index
      %swap3A_384 = arith.constant 32 : index
      %swap3A_385 = tpu.vector_load %arg10[%swap3A_383, %swap3A_384] {strides = array<i32>} : memref<80x128xf32, #tpu.memory_space<vmem>>, vector<1x16xf32>,
      %swap3A_386 = vector.shape_cast %swap3A_385 : vector<1x16xf32> to vector<16xf32>
      %swap3A_387 = vector.shape_cast %broadcast_in_dim3A_382 : vector<16xf32> to vector<1x16xf32>
      tpu.vector_store %arg10[%swap3A_383, %swap3A_384], %swap3A_387 {strides = array<i32>} : memref<80x128xf32, #tpu.memory_space<vmem>>, vector<1x16xf32>,
      %broadcast_in_dim3A_388 = arith.constant 0.000000e+00 : f32
      %broadcast_in_dim3A_389 = vector.broadcast %broadcast_in_dim3A_388 : f32 to vector<16xf32>
      %swap3A_390 = arith.index_cast %scan3A_367 : i32 to index
      %swap3A_391 = arith.constant 48 : index
      %swap3A_392 = tpu.vector_load %arg10[%swap3A_390, %swap3A_391] {strides = array<i32>} : memref<80x128xf32, #tpu.memory_space<vmem>>, vector<1x16xf32>,
      %swap3A_393 = vector.shape_cast %swap3A_392 : vector<1x16xf32> to vector<16xf32>
      %swap3A_394 = vector.shape_cast %broadcast_in_dim3A_389 : vector<16xf32> to vector<1x16xf32>
      tpu.vector_store %arg10[%swap3A_390, %swap3A_391], %swap3A_394 {strides = array<i32>} : memref<80x128xf32, #tpu.memory_space<vmem>>, vector<1x16xf32>,
      %broadcast_in_dim3A_395 = arith.constant 0.000000e+00 : f32
      %broadcast_in_dim3A_396 = vector.broadcast %broadcast_in_dim3A_395 : f32 to vector<16xf32>
      %swap3A_397 = arith.index_cast %scan3A_367 : i32 to index
      %swap3A_398 = arith.constant 64 : index
      %swap3A_399 = tpu.vector_load %arg10[%swap3A_397, %swap3A_398] {strides = array<i32>} : memref<80x128xf32, #tpu.memory_space<vmem>>, vector<1x16xf32>,
      %swap3A_400 = vector.shape_cast %swap3A_399 : vector<1x16xf32> to vector<16xf32>
      %swap3A_401 = vector.shape_cast %broadcast_in_dim3A_396 : vector<16xf32> to vector<1x16xf32>
      tpu.vector_store %arg10[%swap3A_397, %swap3A_398], %swap3A_401 {strides = array<i32>} : memref<80x128xf32, #tpu.memory_space<vmem>>, vector<1x16xf32>,
      %broadcast_in_dim3A_402 = arith.constant 0.000000e+00 : f32
      %broadcast_in_dim3A_403 = vector.broadcast %broadcast_in_dim3A_402 : f32 to vector<16xf32>
      %swap3A_404 = arith.index_cast %scan3A_367 : i32 to index
      %swap3A_405 = arith.constant 80 : index
      %swap3A_406 = tpu.vector_load %arg10[%swap3A_404, %swap3A_405] {strides = array<i32>} : memref<80x128xf32, #tpu.memory_space<vmem>>, vector<1x16xf32>,
      %swap3A_407 = vector.shape_cast %swap3A_406 : vector<1x16xf32> to vector<16xf32>
      %swap3A_408 = vector.shape_cast %broadcast_in_dim3A_403 : vector<16xf32> to vector<1x16xf32>
      tpu.vector_store %arg10[%swap3A_404, %swap3A_405], %swap3A_408 {strides = array<i32>} : memref<80x128xf32, #tpu.memory_space<vmem>>, vector<1x16xf32>,
      %broadcast_in_dim3A_409 = arith.constant 0.000000e+00 : f32
      %broadcast_in_dim3A_410 = vector.broadcast %broadcast_in_dim3A_409 : f32 to vector<16xf32>
      %swap3A_411 = arith.index_cast %scan3A_367 : i32 to index
      %swap3A_412 = arith.constant 96 : index
      %swap3A_413 = tpu.vector_load %arg10[%swap3A_411, %swap3A_412] {strides = array<i32>} : memref<80x128xf32, #tpu.memory_space<vmem>>, vector<1x16xf32>,
      %swap3A_414 = vector.shape_cast %swap3A_413 : vector<1x16xf32> to vector<16xf32>
      %swap3A_415 = vector.shape_cast %broadcast_in_dim3A_410 : vector<16xf32> to vector<1x16xf32>
      tpu.vector_store %arg10[%swap3A_411, %swap3A_412], %swap3A_415 {strides = array<i32>} : memref<80x128xf32, #tpu.memory_space<vmem>>, vector<1x16xf32>,
      %broadcast_in_dim3A_416 = arith.constant 0.000000e+00 : f32
      %broadcast_in_dim3A_417 = vector.broadcast %broadcast_in_dim3A_416 : f32 to vector<16xf32>
      %swap3A_418 = arith.index_cast %scan3A_367 : i32 to index
      %swap3A_419 = arith.constant 112 : index
      %swap3A_420 = tpu.vector_load %arg10[%swap3A_418, %swap3A_419] {strides = array<i32>} : memref<80x128xf32, #tpu.memory_space<vmem>>, vector<1x16xf32>,
      %swap3A_421 = vector.shape_cast %swap3A_420 : vector<1x16xf32> to vector<16xf32>
      %swap3A_422 = vector.shape_cast %broadcast_in_dim3A_417 : vector<16xf32> to vector<1x16xf32>
      tpu.vector_store %arg10[%swap3A_418, %swap3A_419], %swap3A_422 {strides = array<i32>} : memref<80x128xf32, #tpu.memory_space<vmem>>, vector<1x16xf32>,
      %scan3A_423 = arith.constant 0 : i32
      scf.yield %scan3A_423 : i32
    }
    %scan3A_5 = arith.constant 80 : i32
    %mul3A = arith.constant 640 : i32
    %mul3A_6 = arith.muli %arg1, %mul3A : i32
    %add3A = arith.constant 0 : i32
    %add3A_7 = arith.addi %mul3A_6, %add3A : i32
    %dma_start3A = arith.constant 0 : i32
    %dma_start3A_8 = tpu.memref_slice %arg13[%add3A_7, %dma_start3A] : memref<10240x128xf32, #tpu.memory_space<vmem_shared>> -> memref<80x128xf32, #tpu.memory_space<vmem_shared>>
    %dma_start3A_9 = arith.constant 0 : i32
    %dma_start3A_10 = tpu.memref_slice %arg13[%add3A_7, %dma_start3A_9] : memref<10240x128xf32, #tpu.memory_space<vmem_shared>> -> memref<80x128xf32, #tpu.memory_space<vmem_shared>>
    tpu.enqueue_dma source(%arg10 : memref<80x128xf32, #tpu.memory_space<vmem>>) target(%dma_start3A_10 : memref<80x128xf32, #tpu.memory_space<vmem_shared>>) target_semaphore(%arg14 : memref<!tpu.dma_semaphore, #tpu.memory_space<semaphore_mem>>)
    %mul3A_11 = arith.constant 640 : i32
    %mul3A_12 = arith.muli %arg1, %mul3A_11 : i32
    %add3A_13 = arith.constant 80 : i32
    %add3A_14 = arith.addi %mul3A_12, %add3A_13 : i32
    %dma_start3A_15 = arith.constant 0 : i32
    %dma_start3A_16 = tpu.memref_slice %arg13[%add3A_14, %dma_start3A_15] : memref<10240x128xf32, #tpu.memory_space<vmem_shared>> -> memref<80x128xf32, #tpu.memory_space<vmem_shared>>
    %dma_start3A_17 = arith.constant 0 : i32
    %dma_start3A_18 = tpu.memref_slice %arg13[%add3A_14, %dma_start3A_17] : memref<10240x128xf32, #tpu.memory_space<vmem_shared>> -> memref<80x128xf32, #tpu.memory_space<vmem_shared>>
    tpu.enqueue_dma source(%arg10 : memref<80x128xf32, #tpu.memory_space<vmem>>) target(%dma_start3A_18 : memref<80x128xf32, #tpu.memory_space<vmem_shared>>) target_semaphore(%arg14 : memref<!tpu.dma_semaphore, #tpu.memory_space<semaphore_mem>>)
    %mul3A_19 = arith.constant 640 : i32
    %mul3A_20 = arith.muli %arg1, %mul3A_19 : i32
    %add3A_21 = arith.constant 160 : i32
    %add3A_22 = arith.addi %mul3A_20, %add3A_21 : i32
    %dma_start3A_23 = arith.constant 0 : i32
    %dma_start3A_24 = tpu.memref_slice %arg13[%add3A_22, %dma_start3A_23] : memref<10240x128xf32, #tpu.memory_space<vmem_shared>> -> memref<80x128xf32, #tpu.memory_space<vmem_shared>>
    %dma_start3A_25 = arith.constant 0 : i32
    %dma_start3A_26 = tpu.memref_slice %arg13[%add3A_22, %dma_start3A_25] : memref<10240x128xf32, #tpu.memory_space<vmem_shared>> -> memref<80x128xf32, #tpu.memory_space<vmem_shared>>
    tpu.enqueue_dma source(%arg10 : memref<80x128xf32, #tpu.memory_space<vmem>>) target(%dma_start3A_26 : memref<80x128xf32, #tpu.memory_space<vmem_shared>>) target_semaphore(%arg14 : memref<!tpu.dma_semaphore, #tpu.memory_space<semaphore_mem>>)
    %mul3A_27 = arith.constant 640 : i32
    %mul3A_28 = arith.muli %arg1, %mul3A_27 : i32
    %add3A_29 = arith.constant 240 : i32
    %add3A_30 = arith.addi %mul3A_28, %add3A_29 : i32
    %dma_start3A_31 = arith.constant 0 : i32
    %dma_start3A_32 = tpu.memref_slice %arg13[%add3A_30, %dma_start3A_31] : memref<10240x128xf32, #tpu.memory_space<vmem_shared>> -> memref<80x128xf32, #tpu.memory_space<vmem_shared>>
    %dma_start3A_33 = arith.constant 0 : i32
    %dma_start3A_34 = tpu.memref_slice %arg13[%add3A_30, %dma_start3A_33] : memref<10240x128xf32, #tpu.memory_space<vmem_shared>> -> memref<80x128xf32, #tpu.memory_space<vmem_shared>>
    tpu.enqueue_dma source(%arg10 : memref<80x128xf32, #tpu.memory_space<vmem>>) target(%dma_start3A_34 : memref<80x128xf32, #tpu.memory_space<vmem_shared>>) target_semaphore(%arg14 : memref<!tpu.dma_semaphore, #tpu.memory_space<semaphore_mem>>)
    %mul3A_35 = arith.constant 640 : i32
    %mul3A_36 = arith.muli %arg1, %mul3A_35 : i32
    %add3A_37 = arith.constant 320 : i32
    %add3A_38 = arith.addi %mul3A_36, %add3A_37 : i32
    %dma_start3A_39 = arith.constant 0 : i32
    %dma_start3A_40 = tpu.memref_slice %arg13[%add3A_38, %dma_start3A_39] : memref<10240x128xf32, #tpu.memory_space<vmem_shared>> -> memref<80x128xf32, #tpu.memory_space<vmem_shared>>
    %dma_start3A_41 = arith.constant 0 : i32
    %dma_start3A_42 = tpu.memref_slice %arg13[%add3A_38, %dma_start3A_41] : memref<10240x128xf32, #tpu.memory_space<vmem_shared>> -> memref<80x128xf32, #tpu.memory_space<vmem_shared>>
    tpu.enqueue_dma source(%arg10 : memref<80x128xf32, #tpu.memory_space<vmem>>) target(%dma_start3A_42 : memref<80x128xf32, #tpu.memory_space<vmem_shared>>) target_semaphore(%arg14 : memref<!tpu.dma_semaphore, #tpu.memory_space<semaphore_mem>>)
    %mul3A_43 = arith.constant 640 : i32
    %mul3A_44 = arith.muli %arg1, %mul3A_43 : i32
    %add3A_45 = arith.constant 400 : i32
    %add3A_46 = arith.addi %mul3A_44, %add3A_45 : i32
    %dma_start3A_47 = arith.constant 0 : i32
    %dma_start3A_48 = tpu.memref_slice %arg13[%add3A_46, %dma_start3A_47] : memref<10240x128xf32, #tpu.memory_space<vmem_shared>> -> memref<80x128xf32, #tpu.memory_space<vmem_shared>>
    %dma_start3A_49 = arith.constant 0 : i32
    %dma_start3A_50 = tpu.memref_slice %arg13[%add3A_46, %dma_start3A_49] : memref<10240x128xf32, #tpu.memory_space<vmem_shared>> -> memref<80x128xf32, #tpu.memory_space<vmem_shared>>
    tpu.enqueue_dma source(%arg10 : memref<80x128xf32, #tpu.memory_space<vmem>>) target(%dma_start3A_50 : memref<80x128xf32, #tpu.memory_space<vmem_shared>>) target_semaphore(%arg14 : memref<!tpu.dma_semaphore, #tpu.memory_space<semaphore_mem>>)
    %mul3A_51 = arith.constant 640 : i32
    %mul3A_52 = arith.muli %arg1, %mul3A_51 : i32
    %add3A_53 = arith.constant 480 : i32
    %add3A_54 = arith.addi %mul3A_52, %add3A_53 : i32
    %dma_start3A_55 = arith.constant 0 : i32
    %dma_start3A_56 = tpu.memref_slice %arg13[%add3A_54, %dma_start3A_55] : memref<10240x128xf32, #tpu.memory_space<vmem_shared>> -> memref<80x128xf32, #tpu.memory_space<vmem_shared>>
    %dma_start3A_57 = arith.constant 0 : i32
    %dma_start3A_58 = tpu.memref_slice %arg13[%add3A_54, %dma_start3A_57] : memref<10240x128xf32, #tpu.memory_space<vmem_shared>> -> memref<80x128xf32, #tpu.memory_space<vmem_shared>>
    tpu.enqueue_dma source(%arg10 : memref<80x128xf32, #tpu.memory_space<vmem>>) target(%dma_start3A_58 : memref<80x128xf32, #tpu.memory_space<vmem_shared>>) target_semaphore(%arg14 : memref<!tpu.dma_semaphore, #tpu.memory_space<semaphore_mem>>)
    %mul3A_59 = arith.constant 640 : i32
    %mul3A_60 = arith.muli %arg1, %mul3A_59 : i32
    %add3A_61 = arith.constant 560 : i32
    %add3A_62 = arith.addi %mul3A_60, %add3A_61 : i32
    %dma_start3A_63 = arith.constant 0 : i32
    %dma_start3A_64 = tpu.memref_slice %arg13[%add3A_62, %dma_start3A_63] : memref<10240x128xf32, #tpu.memory_space<vmem_shared>> -> memref<80x128xf32, #tpu.memory_space<vmem_shared>>
    %dma_start3A_65 = arith.constant 0 : i32
    %dma_start3A_66 = tpu.memref_slice %arg13[%add3A_62, %dma_start3A_65] : memref<10240x128xf32, #tpu.memory_space<vmem_shared>> -> memref<80x128xf32, #tpu.memory_space<vmem_shared>>
    tpu.enqueue_dma source(%arg10 : memref<80x128xf32, #tpu.memory_space<vmem>>) target(%dma_start3A_66 : memref<80x128xf32, #tpu.memory_space<vmem_shared>>) target_semaphore(%arg14 : memref<!tpu.dma_semaphore, #tpu.memory_space<semaphore_mem>>)
    "tpu.region"() ({
      %run_scoped3A = tpu.sem_alloc : memref<!tpu.dma_semaphore, #tpu.memory_space<semaphore_mem>>
      %dma_start3A_367 = arith.constant 0 : i32
      %dma_start3A_368 = arith.constant 0 : i32
      %dma_start3A_369 = tpu.memref_slice %arg3[%arg1, %dma_start3A_367, %dma_start3A_368] : memref<16x125x80xi32, #tpu.memory_space<hbm>> -> memref<1x125x80xi32, #tpu.memory_space<hbm>>
      %dma_start3A_370 = tpu.memref_squeeze %dma_start3A_369 : memref<1x125x80xi32, #tpu.memory_space<hbm>> -> memref<125x80xi32, #tpu.memory_space<hbm>>
      %dma_start3A_371 = arith.constant 0 : i32
      %dma_start3A_372 = arith.constant 0 : i32
      %dma_start3A_373 = tpu.memref_slice %arg3[%arg1, %dma_start3A_371, %dma_start3A_372] : memref<16x125x80xi32, #tpu.memory_space<hbm>> -> memref<1x125x80xi32, #tpu.memory_space<hbm>>
      %dma_start3A_374 = tpu.memref_squeeze %dma_start3A_373 : memref<1x125x80xi32, #tpu.memory_space<hbm>> -> memref<125x80xi32, #tpu.memory_space<hbm>>
      tpu.enqueue_dma source(%dma_start3A_374 : memref<125x80xi32, #tpu.memory_space<hbm>>) target(%arg6 : memref<125x80xi32, #tpu.memory_space<vmem>>) target_semaphore(%run_scoped3A : memref<!tpu.dma_semaphore, #tpu.memory_space<semaphore_mem>>)
      %dma_wait3A_375 = arith.constant 0 : i32
      %dma_wait3A_376 = arith.constant 0 : i32
      %dma_wait3A_377 = tpu.memref_slice %arg3[%arg1, %dma_wait3A_375, %dma_wait3A_376] : memref<16x125x80xi32, #tpu.memory_space<hbm>> -> memref<1x125x80xi32, #tpu.memory_space<hbm>>
      %dma_wait3A_378 = tpu.memref_squeeze %dma_wait3A_377 : memref<1x125x80xi32, #tpu.memory_space<hbm>> -> memref<125x80xi32, #tpu.memory_space<hbm>>
      %dma_wait3A_379 = arith.constant 0 : i32
      %dma_wait3A_380 = arith.constant 0 : i32
      %dma_wait3A_381 = tpu.memref_slice %arg3[%arg1, %dma_wait3A_379, %dma_wait3A_380] : memref<16x125x80xi32, #tpu.memory_space<hbm>> -> memref<1x125x80xi32, #tpu.memory_space<hbm>>
      %dma_wait3A_382 = tpu.memref_squeeze %dma_wait3A_381 : memref<1x125x80xi32, #tpu.memory_space<hbm>> -> memref<125x80xi32, #tpu.memory_space<hbm>>
      tpu.wait_dma2 semaphore(%run_scoped3A : memref<!tpu.dma_semaphore, #tpu.memory_space<semaphore_mem>>) src(%dma_wait3A_382 : memref<125x80xi32, #tpu.memory_space<hbm>>) dst(%arg6 : memref<125x80xi32, #tpu.memory_space<vmem>>)
      tpu.yield
    }) : () -> ()
    %dma_start3A_67 = arith.constant 0 : i32
    %dma_start3A_68 = arith.constant 0 : i32
    %dma_start3A_69 = tpu.memref_slice %arg4[%arg1, %dma_start3A_67, %dma_start3A_68] : memref<16x125x80xi32, #tpu.memory_space<hbm>> -> memref<1x1x80xi32, #tpu.memory_space<hbm>>
    %dma_start3A_70 = tpu.memref_squeeze %dma_start3A_69 : memref<1x1x80xi32, #tpu.memory_space<hbm>> -> memref<80xi32, #tpu.memory_space<hbm>>
    %dma_start3A_71 = arith.constant 0 : i32
    %dma_start3A_72 = tpu.memref_slice %arg4[%arg1, %dma_start3A_67, %dma_start3A_71] : memref<16x125x80xi32, #tpu.memory_space<hbm>> -> memref<1x1x80xi32, #tpu.memory_space<hbm>>
    %dma_start3A_73 = tpu.memref_squeeze %dma_start3A_72 : memref<1x1x80xi32, #tpu.memory_space<hbm>> -> memref<80xi32, #tpu.memory_space<hbm>>
    tpu.enqueue_dma source(%dma_start3A_73 : memref<80xi32, #tpu.memory_space<hbm>>) target(%arg7 : memref<80xi32, #tpu.memory_space<vmem>>) target_semaphore(%arg20 : memref<!tpu.dma_semaphore, #tpu.memory_space<semaphore_mem>>)
    %dma_start3A_74 = arith.constant 1 : i32
    %dma_start3A_75 = arith.constant 0 : i32
    %dma_start3A_76 = tpu.memref_slice %arg4[%arg1, %dma_start3A_74, %dma_start3A_75] : memref<16x125x80xi32, #tpu.memory_space<hbm>> -> memref<1x1x80xi32, #tpu.memory_space<hbm>>
    %dma_start3A_77 = tpu.memref_squeeze %dma_start3A_76 : memref<1x1x80xi32, #tpu.memory_space<hbm>> -> memref<80xi32, #tpu.memory_space<hbm>>
    %dma_start3A_78 = arith.constant 0 : i32
    %dma_start3A_79 = tpu.memref_slice %arg4[%arg1, %dma_start3A_74, %dma_start3A_78] : memref<16x125x80xi32, #tpu.memory_space<hbm>> -> memref<1x1x80xi32, #tpu.memory_space<hbm>>
    %dma_start3A_80 = tpu.memref_squeeze %dma_start3A_79 : memref<1x1x80xi32, #tpu.memory_space<hbm>> -> memref<80xi32, #tpu.memory_space<hbm>>
    tpu.enqueue_dma source(%dma_start3A_80 : memref<80xi32, #tpu.memory_space<hbm>>) target(%arg8 : memref<80xi32, #tpu.memory_space<vmem>>) target_semaphore(%arg21 : memref<!tpu.dma_semaphore, #tpu.memory_space<semaphore_mem>>)
    %mul3A_81 = arith.constant 1 : i32
    %mul3A_82 = arith.muli %arg0, %mul3A_81 : i32
    %scan3A_83 = arith.constant 0 : i32
    %scan3A_84 = arith.constant 0 : i32
    %scan3A_85 = arith.constant 125 : i32
    %scan3A_86 = arith.addi %scan3A_84, %scan3A_85 : i32
    %scan3A_87 = arith.constant 1 : i32
    %scan3A_88 = scf.for %scan3A_367 = %scan3A_84 to %scan3A_86 step %scan3A_87 iter_args(%scan3A_368 = %scan3A_83) -> (i32)  : i32 {
      %get3A = arith.index_cast %scan3A_367 : i32 to index
      %get3A_369 = arith.constant 0 : index
      %get3A_370 = tpu.vector_load %arg6[%get3A, %get3A_369] {strides = array<i32>} : memref<125x80xi32, #tpu.memory_space<vmem>>, vector<1x16xi32>,
      %get3A_371 = vector.shape_cast %get3A_370 : vector<1x16xi32> to vector<16xi32>
      %mul3A_372 = arith.constant 2 : i32
      %mul3A_373 = vector.broadcast %mul3A_372 : i32 to vector<16xi32>
      %mul3A_374 = arith.muli %get3A_371, %mul3A_373 : vector<16xi32>
      %add3A_375 = vector.broadcast %mul3A_82 : i32 to vector<16xi32>
      %add3A_376 = arith.addi %mul3A_374, %add3A_375 : vector<16xi32>
      %swap3A = arith.index_cast %scan3A_367 : i32 to index
      %swap3A_377 = arith.constant 0 : index
      %swap3A_378 = tpu.vector_load %arg6[%swap3A, %swap3A_377] {strides = array<i32>} : memref<125x80xi32, #tpu.memory_space<vmem>>, vector<1x16xi32>,
      %swap3A_379 = vector.shape_cast %swap3A_378 : vector<1x16xi32> to vector<16xi32>
      %swap3A_380 = vector.shape_cast %add3A_376 : vector<16xi32> to vector<1x16xi32>
      tpu.vector_store %arg6[%swap3A, %swap3A_377], %swap3A_380 {strides = array<i32>} : memref<125x80xi32, #tpu.memory_space<vmem>>, vector<1x16xi32>,
      %get3A_381 = arith.index_cast %scan3A_367 : i32 to index
      %get3A_382 = arith.constant 16 : index
      %get3A_383 = tpu.vector_load %arg6[%get3A_381, %get3A_382] {strides = array<i32>} : memref<125x80xi32, #tpu.memory_space<vmem>>, vector<1x16xi32>,
      %get3A_384 = vector.shape_cast %get3A_383 : vector<1x16xi32> to vector<16xi32>
      %mul3A_385 = arith.constant 2 : i32
      %mul3A_386 = vector.broadcast %mul3A_385 : i32 to vector<16xi32>
      %mul3A_387 = arith.muli %get3A_384, %mul3A_386 : vector<16xi32>
      %add3A_388 = vector.broadcast %mul3A_82 : i32 to vector<16xi32>
      %add3A_389 = arith.addi %mul3A_387, %add3A_388 : vector<16xi32>
      %swap3A_390 = arith.index_cast %scan3A_367 : i32 to index
      %swap3A_391 = arith.constant 16 : index
      %swap3A_392 = tpu.vector_load %arg6[%swap3A_390, %swap3A_391] {strides = array<i32>} : memref<125x80xi32, #tpu.memory_space<vmem>>, vector<1x16xi32>,
      %swap3A_393 = vector.shape_cast %swap3A_392 : vector<1x16xi32> to vector<16xi32>
      %swap3A_394 = vector.shape_cast %add3A_389 : vector<16xi32> to vector<1x16xi32>
      tpu.vector_store %arg6[%swap3A_390, %swap3A_391], %swap3A_394 {strides = array<i32>} : memref<125x80xi32, #tpu.memory_space<vmem>>, vector<1x16xi32>,
      %get3A_395 = arith.index_cast %scan3A_367 : i32 to index
      %get3A_396 = arith.constant 32 : index
      %get3A_397 = tpu.vector_load %arg6[%get3A_395, %get3A_396] {strides = array<i32>} : memref<125x80xi32, #tpu.memory_space<vmem>>, vector<1x16xi32>,
      %get3A_398 = vector.shape_cast %get3A_397 : vector<1x16xi32> to vector<16xi32>
      %mul3A_399 = arith.constant 2 : i32
      %mul3A_400 = vector.broadcast %mul3A_399 : i32 to vector<16xi32>
      %mul3A_401 = arith.muli %get3A_398, %mul3A_400 : vector<16xi32>
      %add3A_402 = vector.broadcast %mul3A_82 : i32 to vector<16xi32>
      %add3A_403 = arith.addi %mul3A_401, %add3A_402 : vector<16xi32>
      %swap3A_404 = arith.index_cast %scan3A_367 : i32 to index
      %swap3A_405 = arith.constant 32 : index
      %swap3A_406 = tpu.vector_load %arg6[%swap3A_404, %swap3A_405] {strides = array<i32>} : memref<125x80xi32, #tpu.memory_space<vmem>>, vector<1x16xi32>,
      %swap3A_407 = vector.shape_cast %swap3A_406 : vector<1x16xi32> to vector<16xi32>
      %swap3A_408 = vector.shape_cast %add3A_403 : vector<16xi32> to vector<1x16xi32>
      tpu.vector_store %arg6[%swap3A_404, %swap3A_405], %swap3A_408 {strides = array<i32>} : memref<125x80xi32, #tpu.memory_space<vmem>>, vector<1x16xi32>,
      %get3A_409 = arith.index_cast %scan3A_367 : i32 to index
      %get3A_410 = arith.constant 48 : index
      %get3A_411 = tpu.vector_load %arg6[%get3A_409, %get3A_410] {strides = array<i32>} : memref<125x80xi32, #tpu.memory_space<vmem>>, vector<1x16xi32>,
      %get3A_412 = vector.shape_cast %get3A_411 : vector<1x16xi32> to vector<16xi32>
      %mul3A_413 = arith.constant 2 : i32
      %mul3A_414 = vector.broadcast %mul3A_413 : i32 to vector<16xi32>
      %mul3A_415 = arith.muli %get3A_412, %mul3A_414 : vector<16xi32>
      %add3A_416 = vector.broadcast %mul3A_82 : i32 to vector<16xi32>
      %add3A_417 = arith.addi %mul3A_415, %add3A_416 : vector<16xi32>
      %swap3A_418 = arith.index_cast %scan3A_367 : i32 to index
      %swap3A_419 = arith.constant 48 : index
      %swap3A_420 = tpu.vector_load %arg6[%swap3A_418, %swap3A_419] {strides = array<i32>} : memref<125x80xi32, #tpu.memory_space<vmem>>, vector<1x16xi32>,
      %swap3A_421 = vector.shape_cast %swap3A_420 : vector<1x16xi32> to vector<16xi32>
      %swap3A_422 = vector.shape_cast %add3A_417 : vector<16xi32> to vector<1x16xi32>
      tpu.vector_store %arg6[%swap3A_418, %swap3A_419], %swap3A_422 {strides = array<i32>} : memref<125x80xi32, #tpu.memory_space<vmem>>, vector<1x16xi32>,
      %get3A_423 = arith.index_cast %scan3A_367 : i32 to index
      %get3A_424 = arith.constant 64 : index
      %get3A_425 = tpu.vector_load %arg6[%get3A_423, %get3A_424] {strides = array<i32>} : memref<125x80xi32, #tpu.memory_space<vmem>>, vector<1x16xi32>,
      %get3A_426 = vector.shape_cast %get3A_425 : vector<1x16xi32> to vector<16xi32>
      %mul3A_427 = arith.constant 2 : i32
      %mul3A_428 = vector.broadcast %mul3A_427 : i32 to vector<16xi32>
      %mul3A_429 = arith.muli %get3A_426, %mul3A_428 : vector<16xi32>
      %add3A_430 = vector.broadcast %mul3A_82 : i32 to vector<16xi32>
      %add3A_431 = arith.addi %mul3A_429, %add3A_430 : vector<16xi32>
      %swap3A_432 = arith.index_cast %scan3A_367 : i32 to index
      %swap3A_433 = arith.constant 64 : index
      %swap3A_434 = tpu.vector_load %arg6[%swap3A_432, %swap3A_433] {strides = array<i32>} : memref<125x80xi32, #tpu.memory_space<vmem>>, vector<1x16xi32>,
      %swap3A_435 = vector.shape_cast %swap3A_434 : vector<1x16xi32> to vector<16xi32>
      %swap3A_436 = vector.shape_cast %add3A_431 : vector<16xi32> to vector<1x16xi32>
      tpu.vector_store %arg6[%swap3A_432, %swap3A_433], %swap3A_436 {strides = array<i32>} : memref<125x80xi32, #tpu.memory_space<vmem>>, vector<1x16xi32>,
      %scan3A_437 = arith.constant 0 : i32
      scf.yield %scan3A_437 : i32
    }
    %scan3A_89 = arith.constant 125 : i32
    %mul3A_90 = arith.constant 640 : i32
    %mul3A_91 = arith.muli %arg1, %mul3A_90 : i32
    %add3A_92 = arith.constant 0 : i32
    %add3A_93 = arith.addi %mul3A_91, %add3A_92 : i32
    %dma_wait3A = arith.constant 0 : i32
    %dma_wait3A_94 = tpu.memref_slice %arg13[%add3A_93, %dma_wait3A] : memref<10240x128xf32, #tpu.memory_space<vmem_shared>> -> memref<80x128xf32, #tpu.memory_space<vmem_shared>>
    %dma_wait3A_95 = arith.constant 0 : i32
    %dma_wait3A_96 = tpu.memref_slice %arg13[%add3A_93, %dma_wait3A_95] : memref<10240x128xf32, #tpu.memory_space<vmem_shared>> -> memref<80x128xf32, #tpu.memory_space<vmem_shared>>
    tpu.wait_dma2 semaphore(%arg14 : memref<!tpu.dma_semaphore, #tpu.memory_space<semaphore_mem>>) src(%arg10 : memref<80x128xf32, #tpu.memory_space<vmem>>) dst(%dma_wait3A_96 : memref<80x128xf32, #tpu.memory_space<vmem_shared>>)
    %mul3A_97 = arith.constant 640 : i32
    %mul3A_98 = arith.muli %arg1, %mul3A_97 : i32
    %add3A_99 = arith.constant 80 : i32
    %add3A_100 = arith.addi %mul3A_98, %add3A_99 : i32
    %dma_wait3A_101 = arith.constant 0 : i32
    %dma_wait3A_102 = tpu.memref_slice %arg13[%add3A_100, %dma_wait3A_101] : memref<10240x128xf32, #tpu.memory_space<vmem_shared>> -> memref<80x128xf32, #tpu.memory_space<vmem_shared>>
    %dma_wait3A_103 = arith.constant 0 : i32
    %dma_wait3A_104 = tpu.memref_slice %arg13[%add3A_100, %dma_wait3A_103] : memref<10240x128xf32, #tpu.memory_space<vmem_shared>> -> memref<80x128xf32, #tpu.memory_space<vmem_shared>>
    tpu.wait_dma2 semaphore(%arg14 : memref<!tpu.dma_semaphore, #tpu.memory_space<semaphore_mem>>) src(%arg10 : memref<80x128xf32, #tpu.memory_space<vmem>>) dst(%dma_wait3A_104 : memref<80x128xf32, #tpu.memory_space<vmem_shared>>)
    %mul3A_105 = arith.constant 640 : i32
    %mul3A_106 = arith.muli %arg1, %mul3A_105 : i32
    %add3A_107 = arith.constant 160 : i32
    %add3A_108 = arith.addi %mul3A_106, %add3A_107 : i32
    %dma_wait3A_109 = arith.constant 0 : i32
    %dma_wait3A_110 = tpu.memref_slice %arg13[%add3A_108, %dma_wait3A_109] : memref<10240x128xf32, #tpu.memory_space<vmem_shared>> -> memref<80x128xf32, #tpu.memory_space<vmem_shared>>
    %dma_wait3A_111 = arith.constant 0 : i32
    %dma_wait3A_112 = tpu.memref_slice %arg13[%add3A_108, %dma_wait3A_111] : memref<10240x128xf32, #tpu.memory_space<vmem_shared>> -> memref<80x128xf32, #tpu.memory_space<vmem_shared>>
    tpu.wait_dma2 semaphore(%arg14 : memref<!tpu.dma_semaphore, #tpu.memory_space<semaphore_mem>>) src(%arg10 : memref<80x128xf32, #tpu.memory_space<vmem>>) dst(%dma_wait3A_112 : memref<80x128xf32, #tpu.memory_space<vmem_shared>>)
    %mul3A_113 = arith.constant 640 : i32
    %mul3A_114 = arith.muli %arg1, %mul3A_113 : i32
    %add3A_115 = arith.constant 240 : i32
    %add3A_116 = arith.addi %mul3A_114, %add3A_115 : i32
    %dma_wait3A_117 = arith.constant 0 : i32
    %dma_wait3A_118 = tpu.memref_slice %arg13[%add3A_116, %dma_wait3A_117] : memref<10240x128xf32, #tpu.memory_space<vmem_shared>> -> memref<80x128xf32, #tpu.memory_space<vmem_shared>>
    %dma_wait3A_119 = arith.constant 0 : i32
    %dma_wait3A_120 = tpu.memref_slice %arg13[%add3A_116, %dma_wait3A_119] : memref<10240x128xf32, #tpu.memory_space<vmem_shared>> -> memref<80x128xf32, #tpu.memory_space<vmem_shared>>
    tpu.wait_dma2 semaphore(%arg14 : memref<!tpu.dma_semaphore, #tpu.memory_space<semaphore_mem>>) src(%arg10 : memref<80x128xf32, #tpu.memory_space<vmem>>) dst(%dma_wait3A_120 : memref<80x128xf32, #tpu.memory_space<vmem_shared>>)
    %mul3A_121 = arith.constant 640 : i32
    %mul3A_122 = arith.muli %arg1, %mul3A_121 : i32
    %add3A_123 = arith.constant 320 : i32
    %add3A_124 = arith.addi %mul3A_122, %add3A_123 : i32
    %dma_wait3A_125 = arith.constant 0 : i32
    %dma_wait3A_126 = tpu.memref_slice %arg13[%add3A_124, %dma_wait3A_125] : memref<10240x128xf32, #tpu.memory_space<vmem_shared>> -> memref<80x128xf32, #tpu.memory_space<vmem_shared>>
    %dma_wait3A_127 = arith.constant 0 : i32
    %dma_wait3A_128 = tpu.memref_slice %arg13[%add3A_124, %dma_wait3A_127] : memref<10240x128xf32, #tpu.memory_space<vmem_shared>> -> memref<80x128xf32, #tpu.memory_space<vmem_shared>>
    tpu.wait_dma2 semaphore(%arg14 : memref<!tpu.dma_semaphore, #tpu.memory_space<semaphore_mem>>) src(%arg10 : memref<80x128xf32, #tpu.memory_space<vmem>>) dst(%dma_wait3A_128 : memref<80x128xf32, #tpu.memory_space<vmem_shared>>)
    %mul3A_129 = arith.constant 640 : i32
    %mul3A_130 = arith.muli %arg1, %mul3A_129 : i32
    %add3A_131 = arith.constant 400 : i32
    %add3A_132 = arith.addi %mul3A_130, %add3A_131 : i32
    %dma_wait3A_133 = arith.constant 0 : i32
    %dma_wait3A_134 = tpu.memref_slice %arg13[%add3A_132, %dma_wait3A_133] : memref<10240x128xf32, #tpu.memory_space<vmem_shared>> -> memref<80x128xf32, #tpu.memory_space<vmem_shared>>
    %dma_wait3A_135 = arith.constant 0 : i32
    %dma_wait3A_136 = tpu.memref_slice %arg13[%add3A_132, %dma_wait3A_135] : memref<10240x128xf32, #tpu.memory_space<vmem_shared>> -> memref<80x128xf32, #tpu.memory_space<vmem_shared>>
    tpu.wait_dma2 semaphore(%arg14 : memref<!tpu.dma_semaphore, #tpu.memory_space<semaphore_mem>>) src(%arg10 : memref<80x128xf32, #tpu.memory_space<vmem>>) dst(%dma_wait3A_136 : memref<80x128xf32, #tpu.memory_space<vmem_shared>>)
    %mul3A_137 = arith.constant 640 : i32
    %mul3A_138 = arith.muli %arg1, %mul3A_137 : i32
    %add3A_139 = arith.constant 480 : i32
    %add3A_140 = arith.addi %mul3A_138, %add3A_139 : i32
    %dma_wait3A_141 = arith.constant 0 : i32
    %dma_wait3A_142 = tpu.memref_slice %arg13[%add3A_140, %dma_wait3A_141] : memref<10240x128xf32, #tpu.memory_space<vmem_shared>> -> memref<80x128xf32, #tpu.memory_space<vmem_shared>>
    %dma_wait3A_143 = arith.constant 0 : i32
    %dma_wait3A_144 = tpu.memref_slice %arg13[%add3A_140, %dma_wait3A_143] : memref<10240x128xf32, #tpu.memory_space<vmem_shared>> -> memref<80x128xf32, #tpu.memory_space<vmem_shared>>
    tpu.wait_dma2 semaphore(%arg14 : memref<!tpu.dma_semaphore, #tpu.memory_space<semaphore_mem>>) src(%arg10 : memref<80x128xf32, #tpu.memory_space<vmem>>) dst(%dma_wait3A_144 : memref<80x128xf32, #tpu.memory_space<vmem_shared>>)
    %mul3A_145 = arith.constant 640 : i32
    %mul3A_146 = arith.muli %arg1, %mul3A_145 : i32
    %add3A_147 = arith.constant 560 : i32
    %add3A_148 = arith.addi %mul3A_146, %add3A_147 : i32
    %dma_wait3A_149 = arith.constant 0 : i32
    %dma_wait3A_150 = tpu.memref_slice %arg13[%add3A_148, %dma_wait3A_149] : memref<10240x128xf32, #tpu.memory_space<vmem_shared>> -> memref<80x128xf32, #tpu.memory_space<vmem_shared>>
    %dma_wait3A_151 = arith.constant 0 : i32
    %dma_wait3A_152 = tpu.memref_slice %arg13[%add3A_148, %dma_wait3A_151] : memref<10240x128xf32, #tpu.memory_space<vmem_shared>> -> memref<80x128xf32, #tpu.memory_space<vmem_shared>>
    tpu.wait_dma2 semaphore(%arg14 : memref<!tpu.dma_semaphore, #tpu.memory_space<semaphore_mem>>) src(%arg10 : memref<80x128xf32, #tpu.memory_space<vmem>>) dst(%dma_wait3A_152 : memref<80x128xf32, #tpu.memory_space<vmem_shared>>)
    %dma_start3A_153 = arith.constant 0 : i32
    %dma_start3A_154 = arith.constant 0 : i32
    %dma_start3A_155 = arith.constant 0 : i32
    %dma_start3A_156 = tpu.memref_slice %arg10[%dma_start3A_154, %dma_start3A_155] : memref<80x128xf32, #tpu.memory_space<vmem>> -> memref<40x128xf32, #tpu.memory_space<vmem>>
    %dma_start3A_157 = arith.constant 0 : i32
    %dma_start3A_158 = tpu.memref_slice %arg6[%dma_start3A_153, %dma_start3A_157] : memref<125x80xi32, #tpu.memory_space<vmem>> -> memref<1x40xi32, #tpu.memory_space<vmem>>
    %dma_start3A_159 = tpu.memref_squeeze %dma_start3A_158 : memref<1x40xi32, #tpu.memory_space<vmem>> -> memref<40xi32, #tpu.memory_space<vmem>>
    %dma_start3A_160 = arith.constant 0 : i32
    %dma_start3A_161 = arith.constant 0 : i32
    %dma_start3A_162 = tpu.memref_slice %arg2[%dma_start3A_160, %dma_start3A_161] : memref<20000x128xf32, #tpu.memory_space<hbm>> -> memref<20000x128xf32, #tpu.memory_space<hbm>>
    tpu.enqueue_indirect_dma source(%dma_start3A_162 : memref<20000x128xf32, #tpu.memory_space<hbm>>) target(%dma_start3A_156 : memref<40x128xf32, #tpu.memory_space<vmem>>) offsets(%dma_start3A_159 : memref<40xi32, #tpu.memory_space<vmem>>) semaphore(%arg14 : memref<!tpu.dma_semaphore, #tpu.memory_space<semaphore_mem>>)
    %dma_start3A_163 = arith.constant 0 : i32
    %dma_start3A_164 = arith.constant 40 : i32
    %dma_start3A_165 = arith.constant 0 : i32
    %dma_start3A_166 = tpu.memref_slice %arg10[%dma_start3A_164, %dma_start3A_165] : memref<80x128xf32, #tpu.memory_space<vmem>> -> memref<40x128xf32, #tpu.memory_space<vmem>>
    %dma_start3A_167 = arith.constant 40 : i32
    %dma_start3A_168 = tpu.memref_slice %arg6[%dma_start3A_163, %dma_start3A_167] : memref<125x80xi32, #tpu.memory_space<vmem>> -> memref<1x40xi32, #tpu.memory_space<vmem>>
    %dma_start3A_169 = tpu.memref_squeeze %dma_start3A_168 : memref<1x40xi32, #tpu.memory_space<vmem>> -> memref<40xi32, #tpu.memory_space<vmem>>
    %dma_start3A_170 = arith.constant 0 : i32
    %dma_start3A_171 = arith.constant 0 : i32
    %dma_start3A_172 = tpu.memref_slice %arg2[%dma_start3A_170, %dma_start3A_171] : memref<20000x128xf32, #tpu.memory_space<hbm>> -> memref<20000x128xf32, #tpu.memory_space<hbm>>
    tpu.enqueue_indirect_dma source(%dma_start3A_172 : memref<20000x128xf32, #tpu.memory_space<hbm>>) target(%dma_start3A_166 : memref<40x128xf32, #tpu.memory_space<vmem>>) offsets(%dma_start3A_169 : memref<40xi32, #tpu.memory_space<vmem>>) semaphore(%arg15 : memref<!tpu.dma_semaphore, #tpu.memory_space<semaphore_mem>>)
    %dma_start3A_173 = arith.constant 1 : i32
    %dma_start3A_174 = arith.constant 0 : i32
    %dma_start3A_175 = arith.constant 0 : i32
    %dma_start3A_176 = tpu.memref_slice %arg11[%dma_start3A_174, %dma_start3A_175] : memref<80x128xf32, #tpu.memory_space<vmem>> -> memref<40x128xf32, #tpu.memory_space<vmem>>
    %dma_start3A_177 = arith.constant 0 : i32
    %dma_start3A_178 = tpu.memref_slice %arg6[%dma_start3A_173, %dma_start3A_177] : memref<125x80xi32, #tpu.memory_space<vmem>> -> memref<1x40xi32, #tpu.memory_space<vmem>>
    %dma_start3A_179 = tpu.memref_squeeze %dma_start3A_178 : memref<1x40xi32, #tpu.memory_space<vmem>> -> memref<40xi32, #tpu.memory_space<vmem>>
    %dma_start3A_180 = arith.constant 0 : i32
    %dma_start3A_181 = arith.constant 0 : i32
    %dma_start3A_182 = tpu.memref_slice %arg2[%dma_start3A_180, %dma_start3A_181] : memref<20000x128xf32, #tpu.memory_space<hbm>> -> memref<20000x128xf32, #tpu.memory_space<hbm>>
    tpu.enqueue_indirect_dma source(%dma_start3A_182 : memref<20000x128xf32, #tpu.memory_space<hbm>>) target(%dma_start3A_176 : memref<40x128xf32, #tpu.memory_space<vmem>>) offsets(%dma_start3A_179 : memref<40xi32, #tpu.memory_space<vmem>>) semaphore(%arg16 : memref<!tpu.dma_semaphore, #tpu.memory_space<semaphore_mem>>)
    %dma_start3A_183 = arith.constant 1 : i32
    %dma_start3A_184 = arith.constant 40 : i32
    %dma_start3A_185 = arith.constant 0 : i32
    %dma_start3A_186 = tpu.memref_slice %arg11[%dma_start3A_184, %dma_start3A_185] : memref<80x128xf32, #tpu.memory_space<vmem>> -> memref<40x128xf32, #tpu.memory_space<vmem>>
    %dma_start3A_187 = arith.constant 40 : i32
    %dma_start3A_188 = tpu.memref_slice %arg6[%dma_start3A_183, %dma_start3A_187] : memref<125x80xi32, #tpu.memory_space<vmem>> -> memref<1x40xi32, #tpu.memory_space<vmem>>
    %dma_start3A_189 = tpu.memref_squeeze %dma_start3A_188 : memref<1x40xi32, #tpu.memory_space<vmem>> -> memref<40xi32, #tpu.memory_space<vmem>>
    %dma_start3A_190 = arith.constant 0 : i32
    %dma_start3A_191 = arith.constant 0 : i32
    %dma_start3A_192 = tpu.memref_slice %arg2[%dma_start3A_190, %dma_start3A_191] : memref<20000x128xf32, #tpu.memory_space<hbm>> -> memref<20000x128xf32, #tpu.memory_space<hbm>>
    tpu.enqueue_indirect_dma source(%dma_start3A_192 : memref<20000x128xf32, #tpu.memory_space<hbm>>) target(%dma_start3A_186 : memref<40x128xf32, #tpu.memory_space<vmem>>) offsets(%dma_start3A_189 : memref<40xi32, #tpu.memory_space<vmem>>) semaphore(%arg17 : memref<!tpu.dma_semaphore, #tpu.memory_space<semaphore_mem>>)
    %barrier3A = arith.constant 0 : index
    tpu.barrier barrier_id(%barrier3A)
    %scan3A_193 = arith.constant 0 : i32
    %scan3A_194 = arith.constant 0 : i32
    %scan3A_195 = arith.constant 41 : i32
    %scan3A_196 = arith.addi %scan3A_194, %scan3A_195 : i32
    %scan3A_197 = arith.constant 1 : i32
    %scan3A_198 = scf.for %scan3A_367 = %scan3A_194 to %scan3A_196 step %scan3A_197 iter_args(%scan3A_368 = %scan3A_193) -> (i32)  : i32 {
      %mul3A_369 = arith.constant 3 : i32
      %mul3A_370 = arith.muli %mul3A_369, %scan3A_367 : i32
      %add3A_371 = arith.constant 2 : i32
      %add3A_372 = arith.addi %mul3A_370, %add3A_371 : i32
      %dma_start3A_373 = arith.constant 0 : i32
      %dma_start3A_374 = tpu.memref_slice %arg4[%arg1, %add3A_372, %dma_start3A_373] : memref<16x125x80xi32, #tpu.memory_space<hbm>> -> memref<1x1x80xi32, #tpu.memory_space<hbm>>
      %dma_start3A_375 = tpu.memref_squeeze %dma_start3A_374 : memref<1x1x80xi32, #tpu.memory_space<hbm>> -> memref<80xi32, #tpu.memory_space<hbm>>
      %dma_start3A_376 = arith.constant 0 : i32
      %dma_start3A_377 = tpu.memref_slice %arg4[%arg1, %add3A_372, %dma_start3A_376] : memref<16x125x80xi32, #tpu.memory_space<hbm>> -> memref<1x1x80xi32, #tpu.memory_space<hbm>>
      %dma_start3A_378 = tpu.memref_squeeze %dma_start3A_377 : memref<1x1x80xi32, #tpu.memory_space<hbm>> -> memref<80xi32, #tpu.memory_space<hbm>>
      tpu.enqueue_dma source(%dma_start3A_378 : memref<80xi32, #tpu.memory_space<hbm>>) target(%arg9 : memref<80xi32, #tpu.memory_space<vmem>>) target_semaphore(%arg22 : memref<!tpu.dma_semaphore, #tpu.memory_space<semaphore_mem>>)
      %dma_wait3A_379 = arith.constant 0 : i32
      %dma_wait3A_380 = arith.constant 0 : i32
      %dma_wait3A_381 = tpu.memref_slice %arg10[%dma_wait3A_379, %dma_wait3A_380] : memref<80x128xf32, #tpu.memory_space<vmem>> -> memref<40x128xf32, #tpu.memory_space<vmem>>
      %dma_wait3A_382 = arith.constant 0 : i32
      %dma_wait3A_383 = tpu.memref_slice %arg6[%mul3A_370, %dma_wait3A_382] : memref<125x80xi32, #tpu.memory_space<vmem>> -> memref<1x40xi32, #tpu.memory_space<vmem>>
      %dma_wait3A_384 = tpu.memref_squeeze %dma_wait3A_383 : memref<1x40xi32, #tpu.memory_space<vmem>> -> memref<40xi32, #tpu.memory_space<vmem>>
      %dma_wait3A_385 = arith.constant 0 : i32
      %dma_wait3A_386 = arith.constant 0 : i32
      %dma_wait3A_387 = tpu.memref_slice %arg2[%dma_wait3A_385, %dma_wait3A_386] : memref<20000x128xf32, #tpu.memory_space<hbm>> -> memref<20000x128xf32, #tpu.memory_space<hbm>>
      tpu.wait_indirect_dma semaphore(%arg14 : memref<!tpu.dma_semaphore, #tpu.memory_space<semaphore_mem>>) src(%dma_wait3A_387 : memref<20000x128xf32, #tpu.memory_space<hbm>>) dst(%dma_wait3A_381 : memref<40x128xf32, #tpu.memory_space<vmem>>)
      %dma_wait3A_388 = arith.constant 40 : i32
      %dma_wait3A_389 = arith.constant 0 : i32
      %dma_wait3A_390 = tpu.memref_slice %arg10[%dma_wait3A_388, %dma_wait3A_389] : memref<80x128xf32, #tpu.memory_space<vmem>> -> memref<40x128xf32, #tpu.memory_space<vmem>>
      %dma_wait3A_391 = arith.constant 40 : i32
      %dma_wait3A_392 = tpu.memref_slice %arg6[%mul3A_370, %dma_wait3A_391] : memref<125x80xi32, #tpu.memory_space<vmem>> -> memref<1x40xi32, #tpu.memory_space<vmem>>
      %dma_wait3A_393 = tpu.memref_squeeze %dma_wait3A_392 : memref<1x40xi32, #tpu.memory_space<vmem>> -> memref<40xi32, #tpu.memory_space<vmem>>
      %dma_wait3A_394 = arith.constant 0 : i32
      %dma_wait3A_395 = arith.constant 0 : i32
      %dma_wait3A_396 = tpu.memref_slice %arg2[%dma_wait3A_394, %dma_wait3A_395] : memref<20000x128xf32, #tpu.memory_space<hbm>> -> memref<20000x128xf32, #tpu.memory_space<hbm>>
      tpu.wait_indirect_dma semaphore(%arg15 : memref<!tpu.dma_semaphore, #tpu.memory_space<semaphore_mem>>) src(%dma_wait3A_396 : memref<20000x128xf32, #tpu.memory_space<hbm>>) dst(%dma_wait3A_390 : memref<40x128xf32, #tpu.memory_space<vmem>>)
      %add3A_397 = arith.constant 2 : i32
      %add3A_398 = arith.addi %mul3A_370, %add3A_397 : i32
      %dma_start3A_399 = arith.constant 0 : i32
      %dma_start3A_400 = arith.constant 0 : i32
      %dma_start3A_401 = tpu.memref_slice %arg12[%dma_start3A_399, %dma_start3A_400] : memref<80x128xf32, #tpu.memory_space<vmem>> -> memref<40x128xf32, #tpu.memory_space<vmem>>
      %dma_start3A_402 = arith.constant 0 : i32
      %dma_start3A_403 = tpu.memref_slice %arg6[%add3A_398, %dma_start3A_402] : memref<125x80xi32, #tpu.memory_space<vmem>> -> memref<1x40xi32, #tpu.memory_space<vmem>>
      %dma_start3A_404 = tpu.memref_squeeze %dma_start3A_403 : memref<1x40xi32, #tpu.memory_space<vmem>> -> memref<40xi32, #tpu.memory_space<vmem>>
      %dma_start3A_405 = arith.constant 0 : i32
      %dma_start3A_406 = arith.constant 0 : i32
      %dma_start3A_407 = tpu.memref_slice %arg2[%dma_start3A_405, %dma_start3A_406] : memref<20000x128xf32, #tpu.memory_space<hbm>> -> memref<20000x128xf32, #tpu.memory_space<hbm>>
      tpu.enqueue_indirect_dma source(%dma_start3A_407 : memref<20000x128xf32, #tpu.memory_space<hbm>>) target(%dma_start3A_401 : memref<40x128xf32, #tpu.memory_space<vmem>>) offsets(%dma_start3A_404 : memref<40xi32, #tpu.memory_space<vmem>>) semaphore(%arg18 : memref<!tpu.dma_semaphore, #tpu.memory_space<semaphore_mem>>)
      %dma_start3A_408 = arith.constant 40 : i32
      %dma_start3A_409 = arith.constant 0 : i32
      %dma_start3A_410 = tpu.memref_slice %arg12[%dma_start3A_408, %dma_start3A_409] : memref<80x128xf32, #tpu.memory_space<vmem>> -> memref<40x128xf32, #tpu.memory_space<vmem>>
      %dma_start3A_411 = arith.constant 40 : i32
      %dma_start3A_412 = tpu.memref_slice %arg6[%add3A_398, %dma_start3A_411] : memref<125x80xi32, #tpu.memory_space<vmem>> -> memref<1x40xi32, #tpu.memory_space<vmem>>
      %dma_start3A_413 = tpu.memref_squeeze %dma_start3A_412 : memref<1x40xi32, #tpu.memory_space<vmem>> -> memref<40xi32, #tpu.memory_space<vmem>>
      %dma_start3A_414 = arith.constant 0 : i32
      %dma_start3A_415 = arith.constant 0 : i32
      %dma_start3A_416 = tpu.memref_slice %arg2[%dma_start3A_414, %dma_start3A_415] : memref<20000x128xf32, #tpu.memory_space<hbm>> -> memref<20000x128xf32, #tpu.memory_space<hbm>>
      tpu.enqueue_indirect_dma source(%dma_start3A_416 : memref<20000x128xf32, #tpu.memory_space<hbm>>) target(%dma_start3A_410 : memref<40x128xf32, #tpu.memory_space<vmem>>) offsets(%dma_start3A_413 : memref<40xi32, #tpu.memory_space<vmem>>) semaphore(%arg19 : memref<!tpu.dma_semaphore, #tpu.memory_space<semaphore_mem>>)
      %dma_wait3A_417 = arith.constant 0 : i32
      %dma_wait3A_418 = tpu.memref_slice %arg4[%arg1, %mul3A_370, %dma_wait3A_417] : memref<16x125x80xi32, #tpu.memory_space<hbm>> -> memref<1x1x80xi32, #tpu.memory_space<hbm>>
      %dma_wait3A_419 = tpu.memref_squeeze %dma_wait3A_418 : memref<1x1x80xi32, #tpu.memory_space<hbm>> -> memref<80xi32, #tpu.memory_space<hbm>>
      %dma_wait3A_420 = arith.constant 0 : i32
      %dma_wait3A_421 = tpu.memref_slice %arg4[%arg1, %mul3A_370, %dma_wait3A_420] : memref<16x125x80xi32, #tpu.memory_space<hbm>> -> memref<1x1x80xi32, #tpu.memory_space<hbm>>
      %dma_wait3A_422 = tpu.memref_squeeze %dma_wait3A_421 : memref<1x1x80xi32, #tpu.memory_space<hbm>> -> memref<80xi32, #tpu.memory_space<hbm>>
      tpu.wait_dma2 semaphore(%arg20 : memref<!tpu.dma_semaphore, #tpu.memory_space<semaphore_mem>>) src(%dma_wait3A_422 : memref<80xi32, #tpu.memory_space<hbm>>) dst(%arg7 : memref<80xi32, #tpu.memory_space<vmem>>)
      "tpu.region"() ({
        %run_scoped3A = tpu.sem_alloc : memref<!tpu.dma_semaphore, #tpu.memory_space<semaphore_mem>>
        %dma_start3A_536 = arith.constant 0 : i32
        %dma_start3A_537 = arith.constant 0 : i32
        %dma_start3A_538 = tpu.memref_slice %arg13[%dma_start3A_536, %dma_start3A_537] : memref<10240x128xf32, #tpu.memory_space<vmem_shared>> -> memref<10240x128xf32, #tpu.memory_space<vmem_shared>>
        tpu.enqueue_indirect_dma source(%arg10 : memref<80x128xf32, #tpu.memory_space<vmem>>) target(%dma_start3A_538 : memref<10240x128xf32, #tpu.memory_space<vmem_shared>>) offsets(%arg7 : memref<80xi32, #tpu.memory_space<vmem>>) semaphore(%run_scoped3A : memref<!tpu.dma_semaphore, #tpu.memory_space<semaphore_mem>>) {add = true}
        %dma_wait3A_539 = arith.constant 0 : i32
        %dma_wait3A_540 = arith.constant 0 : i32
        %dma_wait3A_541 = tpu.memref_slice %arg13[%dma_wait3A_539, %dma_wait3A_540] : memref<10240x128xf32, #tpu.memory_space<vmem_shared>> -> memref<10240x128xf32, #tpu.memory_space<vmem_shared>>
        tpu.wait_indirect_dma semaphore(%run_scoped3A : memref<!tpu.dma_semaphore, #tpu.memory_space<semaphore_mem>>) src(%arg10 : memref<80x128xf32, #tpu.memory_space<vmem>>) dst(%dma_wait3A_541 : memref<10240x128xf32, #tpu.memory_space<vmem_shared>>)
        tpu.yield
      }) : () -> ()
      %add3A_423 = arith.constant 3 : i32
      %add3A_424 = arith.addi %mul3A_370, %add3A_423 : i32
      %dma_start3A_425 = arith.constant 0 : i32
      %dma_start3A_426 = tpu.memref_slice %arg4[%arg1, %add3A_424, %dma_start3A_425] : memref<16x125x80xi32, #tpu.memory_space<hbm>> -> memref<1x1x80xi32, #tpu.memory_space<hbm>>
      %dma_start3A_427 = tpu.memref_squeeze %dma_start3A_426 : memref<1x1x80xi32, #tpu.memory_space<hbm>> -> memref<80xi32, #tpu.memory_space<hbm>>
      %dma_start3A_428 = arith.constant 0 : i32
      %dma_start3A_429 = tpu.memref_slice %arg4[%arg1, %add3A_424, %dma_start3A_428] : memref<16x125x80xi32, #tpu.memory_space<hbm>> -> memref<1x1x80xi32, #tpu.memory_space<hbm>>
      %dma_start3A_430 = tpu.memref_squeeze %dma_start3A_429 : memref<1x1x80xi32, #tpu.memory_space<hbm>> -> memref<80xi32, #tpu.memory_space<hbm>>
      tpu.enqueue_dma source(%dma_start3A_430 : memref<80xi32, #tpu.memory_space<hbm>>) target(%arg7 : memref<80xi32, #tpu.memory_space<vmem>>) target_semaphore(%arg20 : memref<!tpu.dma_semaphore, #tpu.memory_space<semaphore_mem>>)
      %add3A_431 = arith.constant 1 : i32
      %add3A_432 = arith.addi %mul3A_370, %add3A_431 : i32
      %dma_wait3A_433 = arith.constant 0 : i32
      %dma_wait3A_434 = arith.constant 0 : i32
      %dma_wait3A_435 = tpu.memref_slice %arg11[%dma_wait3A_433, %dma_wait3A_434] : memref<80x128xf32, #tpu.memory_space<vmem>> -> memref<40x128xf32, #tpu.memory_space<vmem>>
      %dma_wait3A_436 = arith.constant 0 : i32
      %dma_wait3A_437 = tpu.memref_slice %arg6[%add3A_432, %dma_wait3A_436] : memref<125x80xi32, #tpu.memory_space<vmem>> -> memref<1x40xi32, #tpu.memory_space<vmem>>
      %dma_wait3A_438 = tpu.memref_squeeze %dma_wait3A_437 : memref<1x40xi32, #tpu.memory_space<vmem>> -> memref<40xi32, #tpu.memory_space<vmem>>
      %dma_wait3A_439 = arith.constant 0 : i32
      %dma_wait3A_440 = arith.constant 0 : i32
      %dma_wait3A_441 = tpu.memref_slice %arg2[%dma_wait3A_439, %dma_wait3A_440] : memref<20000x128xf32, #tpu.memory_space<hbm>> -> memref<20000x128xf32, #tpu.memory_space<hbm>>
      tpu.wait_indirect_dma semaphore(%arg16 : memref<!tpu.dma_semaphore, #tpu.memory_space<semaphore_mem>>) src(%dma_wait3A_441 : memref<20000x128xf32, #tpu.memory_space<hbm>>) dst(%dma_wait3A_435 : memref<40x128xf32, #tpu.memory_space<vmem>>)
      %dma_wait3A_442 = arith.constant 40 : i32
      %dma_wait3A_443 = arith.constant 0 : i32
      %dma_wait3A_444 = tpu.memref_slice %arg11[%dma_wait3A_442, %dma_wait3A_443] : memref<80x128xf32, #tpu.memory_space<vmem>> -> memref<40x128xf32, #tpu.memory_space<vmem>>
      %dma_wait3A_445 = arith.constant 40 : i32
      %dma_wait3A_446 = tpu.memref_slice %arg6[%add3A_432, %dma_wait3A_445] : memref<125x80xi32, #tpu.memory_space<vmem>> -> memref<1x40xi32, #tpu.memory_space<vmem>>
      %dma_wait3A_447 = tpu.memref_squeeze %dma_wait3A_446 : memref<1x40xi32, #tpu.memory_space<vmem>> -> memref<40xi32, #tpu.memory_space<vmem>>
      %dma_wait3A_448 = arith.constant 0 : i32
      %dma_wait3A_449 = arith.constant 0 : i32
      %dma_wait3A_450 = tpu.memref_slice %arg2[%dma_wait3A_448, %dma_wait3A_449] : memref<20000x128xf32, #tpu.memory_space<hbm>> -> memref<20000x128xf32, #tpu.memory_space<hbm>>
      tpu.wait_indirect_dma semaphore(%arg17 : memref<!tpu.dma_semaphore, #tpu.memory_space<semaphore_mem>>) src(%dma_wait3A_450 : memref<20000x128xf32, #tpu.memory_space<hbm>>) dst(%dma_wait3A_444 : memref<40x128xf32, #tpu.memory_space<vmem>>)
      %add3A_451 = arith.constant 3 : i32
      %add3A_452 = arith.addi %mul3A_370, %add3A_451 : i32
      %dma_start3A_453 = arith.constant 0 : i32
      %dma_start3A_454 = arith.constant 0 : i32
      %dma_start3A_455 = tpu.memref_slice %arg10[%dma_start3A_453, %dma_start3A_454] : memref<80x128xf32, #tpu.memory_space<vmem>> -> memref<40x128xf32, #tpu.memory_space<vmem>>
      %dma_start3A_456 = arith.constant 0 : i32
      %dma_start3A_457 = tpu.memref_slice %arg6[%add3A_452, %dma_start3A_456] : memref<125x80xi32, #tpu.memory_space<vmem>> -> memref<1x40xi32, #tpu.memory_space<vmem>>
      %dma_start3A_458 = tpu.memref_squeeze %dma_start3A_457 : memref<1x40xi32, #tpu.memory_space<vmem>> -> memref<40xi32, #tpu.memory_space<vmem>>
      %dma_start3A_459 = arith.constant 0 : i32
      %dma_start3A_460 = arith.constant 0 : i32
      %dma_start3A_461 = tpu.memref_slice %arg2[%dma_start3A_459, %dma_start3A_460] : memref<20000x128xf32, #tpu.memory_space<hbm>> -> memref<20000x128xf32, #tpu.memory_space<hbm>>
      tpu.enqueue_indirect_dma source(%dma_start3A_461 : memref<20000x128xf32, #tpu.memory_space<hbm>>) target(%dma_start3A_455 : memref<40x128xf32, #tpu.memory_space<vmem>>) offsets(%dma_start3A_458 : memref<40xi32, #tpu.memory_space<vmem>>) semaphore(%arg14 : memref<!tpu.dma_semaphore, #tpu.memory_space<semaphore_mem>>)
      %dma_start3A_462 = arith.constant 40 : i32
      %dma_start3A_463 = arith.constant 0 : i32
      %dma_start3A_464 = tpu.memref_slice %arg10[%dma_start3A_462, %dma_start3A_463] : memref<80x128xf32, #tpu.memory_space<vmem>> -> memref<40x128xf32, #tpu.memory_space<vmem>>
      %dma_start3A_465 = arith.constant 40 : i32
      %dma_start3A_466 = tpu.memref_slice %arg6[%add3A_452, %dma_start3A_465] : memref<125x80xi32, #tpu.memory_space<vmem>> -> memref<1x40xi32, #tpu.memory_space<vmem>>
      %dma_start3A_467 = tpu.memref_squeeze %dma_start3A_466 : memref<1x40xi32, #tpu.memory_space<vmem>> -> memref<40xi32, #tpu.memory_space<vmem>>
      %dma_start3A_468 = arith.constant 0 : i32
      %dma_start3A_469 = arith.constant 0 : i32
      %dma_start3A_470 = tpu.memref_slice %arg2[%dma_start3A_468, %dma_start3A_469] : memref<20000x128xf32, #tpu.memory_space<hbm>> -> memref<20000x128xf32, #tpu.memory_space<hbm>>
      tpu.enqueue_indirect_dma source(%dma_start3A_470 : memref<20000x128xf32, #tpu.memory_space<hbm>>) target(%dma_start3A_464 : memref<40x128xf32, #tpu.memory_space<vmem>>) offsets(%dma_start3A_467 : memref<40xi32, #tpu.memory_space<vmem>>) semaphore(%arg15 : memref<!tpu.dma_semaphore, #tpu.memory_space<semaphore_mem>>)
      %add3A_471 = arith.constant 1 : i32
      %add3A_472 = arith.addi %mul3A_370, %add3A_471 : i32
      %dma_wait3A_473 = arith.constant 0 : i32
      %dma_wait3A_474 = tpu.memref_slice %arg4[%arg1, %add3A_472, %dma_wait3A_473] : memref<16x125x80xi32, #tpu.memory_space<hbm>> -> memref<1x1x80xi32, #tpu.memory_space<hbm>>
      %dma_wait3A_475 = tpu.memref_squeeze %dma_wait3A_474 : memref<1x1x80xi32, #tpu.memory_space<hbm>> -> memref<80xi32, #tpu.memory_space<hbm>>
      %dma_wait3A_476 = arith.constant 0 : i32
      %dma_wait3A_477 = tpu.memref_slice %arg4[%arg1, %add3A_472, %dma_wait3A_476] : memref<16x125x80xi32, #tpu.memory_space<hbm>> -> memref<1x1x80xi32, #tpu.memory_space<hbm>>
      %dma_wait3A_478 = tpu.memref_squeeze %dma_wait3A_477 : memref<1x1x80xi32, #tpu.memory_space<hbm>> -> memref<80xi32, #tpu.memory_space<hbm>>
      tpu.wait_dma2 semaphore(%arg21 : memref<!tpu.dma_semaphore, #tpu.memory_space<semaphore_mem>>) src(%dma_wait3A_478 : memref<80xi32, #tpu.memory_space<hbm>>) dst(%arg8 : memref<80xi32, #tpu.memory_space<vmem>>)
      "tpu.region"() ({
        %run_scoped3A = tpu.sem_alloc : memref<!tpu.dma_semaphore, #tpu.memory_space<semaphore_mem>>
        %dma_start3A_536 = arith.constant 0 : i32
        %dma_start3A_537 = arith.constant 0 : i32
        %dma_start3A_538 = tpu.memref_slice %arg13[%dma_start3A_536, %dma_start3A_537] : memref<10240x128xf32, #tpu.memory_space<vmem_shared>> -> memref<10240x128xf32, #tpu.memory_space<vmem_shared>>
        tpu.enqueue_indirect_dma source(%arg11 : memref<80x128xf32, #tpu.memory_space<vmem>>) target(%dma_start3A_538 : memref<10240x128xf32, #tpu.memory_space<vmem_shared>>) offsets(%arg8 : memref<80xi32, #tpu.memory_space<vmem>>) semaphore(%run_scoped3A : memref<!tpu.dma_semaphore, #tpu.memory_space<semaphore_mem>>) {add = true}
        %dma_wait3A_539 = arith.constant 0 : i32
        %dma_wait3A_540 = arith.constant 0 : i32
        %dma_wait3A_541 = tpu.memref_slice %arg13[%dma_wait3A_539, %dma_wait3A_540] : memref<10240x128xf32, #tpu.memory_space<vmem_shared>> -> memref<10240x128xf32, #tpu.memory_space<vmem_shared>>
        tpu.wait_indirect_dma semaphore(%run_scoped3A : memref<!tpu.dma_semaphore, #tpu.memory_space<semaphore_mem>>) src(%arg11 : memref<80x128xf32, #tpu.memory_space<vmem>>) dst(%dma_wait3A_541 : memref<10240x128xf32, #tpu.memory_space<vmem_shared>>)
        tpu.yield
      }) : () -> ()
      %add3A_479 = arith.constant 4 : i32
      %add3A_480 = arith.addi %mul3A_370, %add3A_479 : i32
      %dma_start3A_481 = arith.constant 0 : i32
      %dma_start3A_482 = tpu.memref_slice %arg4[%arg1, %add3A_480, %dma_start3A_481] : memref<16x125x80xi32, #tpu.memory_space<hbm>> -> memref<1x1x80xi32, #tpu.memory_space<hbm>>
      %dma_start3A_483 = tpu.memref_squeeze %dma_start3A_482 : memref<1x1x80xi32, #tpu.memory_space<hbm>> -> memref<80xi32, #tpu.memory_space<hbm>>
      %dma_start3A_484 = arith.constant 0 : i32
      %dma_start3A_485 = tpu.memref_slice %arg4[%arg1, %add3A_480, %dma_start3A_484] : memref<16x125x80xi32, #tpu.memory_space<hbm>> -> memref<1x1x80xi32, #tpu.memory_space<hbm>>
      %dma_start3A_486 = tpu.memref_squeeze %dma_start3A_485 : memref<1x1x80xi32, #tpu.memory_space<hbm>> -> memref<80xi32, #tpu.memory_space<hbm>>
      tpu.enqueue_dma source(%dma_start3A_486 : memref<80xi32, #tpu.memory_space<hbm>>) target(%arg8 : memref<80xi32, #tpu.memory_space<vmem>>) target_semaphore(%arg21 : memref<!tpu.dma_semaphore, #tpu.memory_space<semaphore_mem>>)
      %add3A_487 = arith.constant 2 : i32
      %add3A_488 = arith.addi %mul3A_370, %add3A_487 : i32
      %dma_wait3A_489 = arith.constant 0 : i32
      %dma_wait3A_490 = arith.constant 0 : i32
      %dma_wait3A_491 = tpu.memref_slice %arg12[%dma_wait3A_489, %dma_wait3A_490] : memref<80x128xf32, #tpu.memory_space<vmem>> -> memref<40x128xf32, #tpu.memory_space<vmem>>
      %dma_wait3A_492 = arith.constant 0 : i32
      %dma_wait3A_493 = tpu.memref_slice %arg6[%add3A_488, %dma_wait3A_492] : memref<125x80xi32, #tpu.memory_space<vmem>> -> memref<1x40xi32, #tpu.memory_space<vmem>>
      %dma_wait3A_494 = tpu.memref_squeeze %dma_wait3A_493 : memref<1x40xi32, #tpu.memory_space<vmem>> -> memref<40xi32, #tpu.memory_space<vmem>>
      %dma_wait3A_495 = arith.constant 0 : i32
      %dma_wait3A_496 = arith.constant 0 : i32
      %dma_wait3A_497 = tpu.memref_slice %arg2[%dma_wait3A_495, %dma_wait3A_496] : memref<20000x128xf32, #tpu.memory_space<hbm>> -> memref<20000x128xf32, #tpu.memory_space<hbm>>
      tpu.wait_indirect_dma semaphore(%arg18 : memref<!tpu.dma_semaphore, #tpu.memory_space<semaphore_mem>>) src(%dma_wait3A_497 : memref<20000x128xf32, #tpu.memory_space<hbm>>) dst(%dma_wait3A_491 : memref<40x128xf32, #tpu.memory_space<vmem>>)
      %dma_wait3A_498 = arith.constant 40 : i32
      %dma_wait3A_499 = arith.constant 0 : i32
      %dma_wait3A_500 = tpu.memref_slice %arg12[%dma_wait3A_498, %dma_wait3A_499] : memref<80x128xf32, #tpu.memory_space<vmem>> -> memref<40x128xf32, #tpu.memory_space<vmem>>
      %dma_wait3A_501 = arith.constant 40 : i32
      %dma_wait3A_502 = tpu.memref_slice %arg6[%add3A_488, %dma_wait3A_501] : memref<125x80xi32, #tpu.memory_space<vmem>> -> memref<1x40xi32, #tpu.memory_space<vmem>>
      %dma_wait3A_503 = tpu.memref_squeeze %dma_wait3A_502 : memref<1x40xi32, #tpu.memory_space<vmem>> -> memref<40xi32, #tpu.memory_space<vmem>>
      %dma_wait3A_504 = arith.constant 0 : i32
      %dma_wait3A_505 = arith.constant 0 : i32
      %dma_wait3A_506 = tpu.memref_slice %arg2[%dma_wait3A_504, %dma_wait3A_505] : memref<20000x128xf32, #tpu.memory_space<hbm>> -> memref<20000x128xf32, #tpu.memory_space<hbm>>
      tpu.wait_indirect_dma semaphore(%arg19 : memref<!tpu.dma_semaphore, #tpu.memory_space<semaphore_mem>>) src(%dma_wait3A_506 : memref<20000x128xf32, #tpu.memory_space<hbm>>) dst(%dma_wait3A_500 : memref<40x128xf32, #tpu.memory_space<vmem>>)
      %add3A_507 = arith.constant 4 : i32
      %add3A_508 = arith.addi %mul3A_370, %add3A_507 : i32
      %dma_start3A_509 = arith.constant 0 : i32
      %dma_start3A_510 = arith.constant 0 : i32
      %dma_start3A_511 = tpu.memref_slice %arg11[%dma_start3A_509, %dma_start3A_510] : memref<80x128xf32, #tpu.memory_space<vmem>> -> memref<40x128xf32, #tpu.memory_space<vmem>>
      %dma_start3A_512 = arith.constant 0 : i32
      %dma_start3A_513 = tpu.memref_slice %arg6[%add3A_508, %dma_start3A_512] : memref<125x80xi32, #tpu.memory_space<vmem>> -> memref<1x40xi32, #tpu.memory_space<vmem>>
      %dma_start3A_514 = tpu.memref_squeeze %dma_start3A_513 : memref<1x40xi32, #tpu.memory_space<vmem>> -> memref<40xi32, #tpu.memory_space<vmem>>
      %dma_start3A_515 = arith.constant 0 : i32
      %dma_start3A_516 = arith.constant 0 : i32
      %dma_start3A_517 = tpu.memref_slice %arg2[%dma_start3A_515, %dma_start3A_516] : memref<20000x128xf32, #tpu.memory_space<hbm>> -> memref<20000x128xf32, #tpu.memory_space<hbm>>
      tpu.enqueue_indirect_dma source(%dma_start3A_517 : memref<20000x128xf32, #tpu.memory_space<hbm>>) target(%dma_start3A_511 : memref<40x128xf32, #tpu.memory_space<vmem>>) offsets(%dma_start3A_514 : memref<40xi32, #tpu.memory_space<vmem>>) semaphore(%arg16 : memref<!tpu.dma_semaphore, #tpu.memory_space<semaphore_mem>>)
      %dma_start3A_518 = arith.constant 40 : i32
      %dma_start3A_519 = arith.constant 0 : i32
      %dma_start3A_520 = tpu.memref_slice %arg11[%dma_start3A_518, %dma_start3A_519] : memref<80x128xf32, #tpu.memory_space<vmem>> -> memref<40x128xf32, #tpu.memory_space<vmem>>
      %dma_start3A_521 = arith.constant 40 : i32
      %dma_start3A_522 = tpu.memref_slice %arg6[%add3A_508, %dma_start3A_521] : memref<125x80xi32, #tpu.memory_space<vmem>> -> memref<1x40xi32, #tpu.memory_space<vmem>>
      %dma_start3A_523 = tpu.memref_squeeze %dma_start3A_522 : memref<1x40xi32, #tpu.memory_space<vmem>> -> memref<40xi32, #tpu.memory_space<vmem>>
      %dma_start3A_524 = arith.constant 0 : i32
      %dma_start3A_525 = arith.constant 0 : i32
      %dma_start3A_526 = tpu.memref_slice %arg2[%dma_start3A_524, %dma_start3A_525] : memref<20000x128xf32, #tpu.memory_space<hbm>> -> memref<20000x128xf32, #tpu.memory_space<hbm>>
      tpu.enqueue_indirect_dma source(%dma_start3A_526 : memref<20000x128xf32, #tpu.memory_space<hbm>>) target(%dma_start3A_520 : memref<40x128xf32, #tpu.memory_space<vmem>>) offsets(%dma_start3A_523 : memref<40xi32, #tpu.memory_space<vmem>>) semaphore(%arg17 : memref<!tpu.dma_semaphore, #tpu.memory_space<semaphore_mem>>)
      %add3A_527 = arith.constant 2 : i32
      %add3A_528 = arith.addi %mul3A_370, %add3A_527 : i32
      %dma_wait3A_529 = arith.constant 0 : i32
      %dma_wait3A_530 = tpu.memref_slice %arg4[%arg1, %add3A_528, %dma_wait3A_529] : memref<16x125x80xi32, #tpu.memory_space<hbm>> -> memref<1x1x80xi32, #tpu.memory_space<hbm>>
      %dma_wait3A_531 = tpu.memref_squeeze %dma_wait3A_530 : memref<1x1x80xi32, #tpu.memory_space<hbm>> -> memref<80xi32, #tpu.memory_space<hbm>>
      %dma_wait3A_532 = arith.constant 0 : i32
      %dma_wait3A_533 = tpu.memref_slice %arg4[%arg1, %add3A_528, %dma_wait3A_532] : memref<16x125x80xi32, #tpu.memory_space<hbm>> -> memref<1x1x80xi32, #tpu.memory_space<hbm>>
      %dma_wait3A_534 = tpu.memref_squeeze %dma_wait3A_533 : memref<1x1x80xi32, #tpu.memory_space<hbm>> -> memref<80xi32, #tpu.memory_space<hbm>>
      tpu.wait_dma2 semaphore(%arg22 : memref<!tpu.dma_semaphore, #tpu.memory_space<semaphore_mem>>) src(%dma_wait3A_534 : memref<80xi32, #tpu.memory_space<hbm>>) dst(%arg9 : memref<80xi32, #tpu.memory_space<vmem>>)
      "tpu.region"() ({
        %run_scoped3A = tpu.sem_alloc : memref<!tpu.dma_semaphore, #tpu.memory_space<semaphore_mem>>
        %dma_start3A_536 = arith.constant 0 : i32
        %dma_start3A_537 = arith.constant 0 : i32
        %dma_start3A_538 = tpu.memref_slice %arg13[%dma_start3A_536, %dma_start3A_537] : memref<10240x128xf32, #tpu.memory_space<vmem_shared>> -> memref<10240x128xf32, #tpu.memory_space<vmem_shared>>
        tpu.enqueue_indirect_dma source(%arg12 : memref<80x128xf32, #tpu.memory_space<vmem>>) target(%dma_start3A_538 : memref<10240x128xf32, #tpu.memory_space<vmem_shared>>) offsets(%arg9 : memref<80xi32, #tpu.memory_space<vmem>>) semaphore(%run_scoped3A : memref<!tpu.dma_semaphore, #tpu.memory_space<semaphore_mem>>) {add = true}
        %dma_wait3A_539 = arith.constant 0 : i32
        %dma_wait3A_540 = arith.constant 0 : i32
        %dma_wait3A_541 = tpu.memref_slice %arg13[%dma_wait3A_539, %dma_wait3A_540] : memref<10240x128xf32, #tpu.memory_space<vmem_shared>> -> memref<10240x128xf32, #tpu.memory_space<vmem_shared>>
        tpu.wait_indirect_dma semaphore(%run_scoped3A : memref<!tpu.dma_semaphore, #tpu.memory_space<semaphore_mem>>) src(%arg12 : memref<80x128xf32, #tpu.memory_space<vmem>>) dst(%dma_wait3A_541 : memref<10240x128xf32, #tpu.memory_space<vmem_shared>>)
        tpu.yield
      }) : () -> ()
      %scan3A_535 = arith.constant 0 : i32
      scf.yield %scan3A_535 : i32
    }
    %scan3A_199 = arith.constant 41 : i32
    %dma_wait3A_200 = arith.constant 123 : i32
    %dma_wait3A_201 = arith.constant 0 : i32
    %dma_wait3A_202 = arith.constant 0 : i32
    %dma_wait3A_203 = tpu.memref_slice %arg10[%dma_wait3A_201, %dma_wait3A_202] : memref<80x128xf32, #tpu.memory_space<vmem>> -> memref<40x128xf32, #tpu.memory_space<vmem>>
    %dma_wait3A_204 = arith.constant 0 : i32
    %dma_wait3A_205 = tpu.memref_slice %arg6[%dma_wait3A_200, %dma_wait3A_204] : memref<125x80xi32, #tpu.memory_space<vmem>> -> memref<1x40xi32, #tpu.memory_space<vmem>>
    %dma_wait3A_206 = tpu.memref_squeeze %dma_wait3A_205 : memref<1x40xi32, #tpu.memory_space<vmem>> -> memref<40xi32, #tpu.memory_space<vmem>>
    %dma_wait3A_207 = arith.constant 0 : i32
    %dma_wait3A_208 = arith.constant 0 : i32
    %dma_wait3A_209 = tpu.memref_slice %arg2[%dma_wait3A_207, %dma_wait3A_208] : memref<20000x128xf32, #tpu.memory_space<hbm>> -> memref<20000x128xf32, #tpu.memory_space<hbm>>
    tpu.wait_indirect_dma semaphore(%arg14 : memref<!tpu.dma_semaphore, #tpu.memory_space<semaphore_mem>>) src(%dma_wait3A_209 : memref<20000x128xf32, #tpu.memory_space<hbm>>) dst(%dma_wait3A_203 : memref<40x128xf32, #tpu.memory_space<vmem>>)
    %dma_wait3A_210 = arith.constant 123 : i32
    %dma_wait3A_211 = arith.constant 40 : i32
    %dma_wait3A_212 = arith.constant 0 : i32
    %dma_wait3A_213 = tpu.memref_slice %arg10[%dma_wait3A_211, %dma_wait3A_212] : memref<80x128xf32, #tpu.memory_space<vmem>> -> memref<40x128xf32, #tpu.memory_space<vmem>>
    %dma_wait3A_214 = arith.constant 40 : i32
    %dma_wait3A_215 = tpu.memref_slice %arg6[%dma_wait3A_210, %dma_wait3A_214] : memref<125x80xi32, #tpu.memory_space<vmem>> -> memref<1x40xi32, #tpu.memory_space<vmem>>
    %dma_wait3A_216 = tpu.memref_squeeze %dma_wait3A_215 : memref<1x40xi32, #tpu.memory_space<vmem>> -> memref<40xi32, #tpu.memory_space<vmem>>
    %dma_wait3A_217 = arith.constant 0 : i32
    %dma_wait3A_218 = arith.constant 0 : i32
    %dma_wait3A_219 = tpu.memref_slice %arg2[%dma_wait3A_217, %dma_wait3A_218] : memref<20000x128xf32, #tpu.memory_space<hbm>> -> memref<20000x128xf32, #tpu.memory_space<hbm>>
    tpu.wait_indirect_dma semaphore(%arg15 : memref<!tpu.dma_semaphore, #tpu.memory_space<semaphore_mem>>) src(%dma_wait3A_219 : memref<20000x128xf32, #tpu.memory_space<hbm>>) dst(%dma_wait3A_213 : memref<40x128xf32, #tpu.memory_space<vmem>>)
    %dma_wait3A_220 = arith.constant 0 : i32
    %dma_wait3A_221 = arith.constant 0 : i32
    %dma_wait3A_222 = tpu.memref_slice %arg4[%arg1, %dma_wait3A_220, %dma_wait3A_221] : memref<16x125x80xi32, #tpu.memory_space<hbm>> -> memref<1x1x80xi32, #tpu.memory_space<hbm>>
    %dma_wait3A_223 = tpu.memref_squeeze %dma_wait3A_222 : memref<1x1x80xi32, #tpu.memory_space<hbm>> -> memref<80xi32, #tpu.memory_space<hbm>>
    %dma_wait3A_224 = arith.constant 0 : i32
    %dma_wait3A_225 = tpu.memref_slice %arg4[%arg1, %dma_wait3A_220, %dma_wait3A_224] : memref<16x125x80xi32, #tpu.memory_space<hbm>> -> memref<1x1x80xi32, #tpu.memory_space<hbm>>
    %dma_wait3A_226 = tpu.memref_squeeze %dma_wait3A_225 : memref<1x1x80xi32, #tpu.memory_space<hbm>> -> memref<80xi32, #tpu.memory_space<hbm>>
    tpu.wait_dma2 semaphore(%arg20 : memref<!tpu.dma_semaphore, #tpu.memory_space<semaphore_mem>>) src(%dma_wait3A_226 : memref<80xi32, #tpu.memory_space<hbm>>) dst(%arg7 : memref<80xi32, #tpu.memory_space<vmem>>)
    "tpu.region"() ({
      %run_scoped3A = tpu.sem_alloc : memref<!tpu.dma_semaphore, #tpu.memory_space<semaphore_mem>>
      %dma_start3A_367 = arith.constant 0 : i32
      %dma_start3A_368 = arith.constant 0 : i32
      %dma_start3A_369 = tpu.memref_slice %arg13[%dma_start3A_367, %dma_start3A_368] : memref<10240x128xf32, #tpu.memory_space<vmem_shared>> -> memref<10240x128xf32, #tpu.memory_space<vmem_shared>>
      tpu.enqueue_indirect_dma source(%arg10 : memref<80x128xf32, #tpu.memory_space<vmem>>) target(%dma_start3A_369 : memref<10240x128xf32, #tpu.memory_space<vmem_shared>>) offsets(%arg7 : memref<80xi32, #tpu.memory_space<vmem>>) semaphore(%run_scoped3A : memref<!tpu.dma_semaphore, #tpu.memory_space<semaphore_mem>>) {add = true}
      %dma_wait3A_370 = arith.constant 0 : i32
      %dma_wait3A_371 = arith.constant 0 : i32
      %dma_wait3A_372 = tpu.memref_slice %arg13[%dma_wait3A_370, %dma_wait3A_371] : memref<10240x128xf32, #tpu.memory_space<vmem_shared>> -> memref<10240x128xf32, #tpu.memory_space<vmem_shared>>
      tpu.wait_indirect_dma semaphore(%run_scoped3A : memref<!tpu.dma_semaphore, #tpu.memory_space<semaphore_mem>>) src(%arg10 : memref<80x128xf32, #tpu.memory_space<vmem>>) dst(%dma_wait3A_372 : memref<10240x128xf32, #tpu.memory_space<vmem_shared>>)
      tpu.yield
    }) : () -> ()
    %dma_wait3A_227 = arith.constant 124 : i32
    %dma_wait3A_228 = arith.constant 0 : i32
    %dma_wait3A_229 = arith.constant 0 : i32
    %dma_wait3A_230 = tpu.memref_slice %arg11[%dma_wait3A_228, %dma_wait3A_229] : memref<80x128xf32, #tpu.memory_space<vmem>> -> memref<40x128xf32, #tpu.memory_space<vmem>>
    %dma_wait3A_231 = arith.constant 0 : i32
    %dma_wait3A_232 = tpu.memref_slice %arg6[%dma_wait3A_227, %dma_wait3A_231] : memref<125x80xi32, #tpu.memory_space<vmem>> -> memref<1x40xi32, #tpu.memory_space<vmem>>
    %dma_wait3A_233 = tpu.memref_squeeze %dma_wait3A_232 : memref<1x40xi32, #tpu.memory_space<vmem>> -> memref<40xi32, #tpu.memory_space<vmem>>
    %dma_wait3A_234 = arith.constant 0 : i32
    %dma_wait3A_235 = arith.constant 0 : i32
    %dma_wait3A_236 = tpu.memref_slice %arg2[%dma_wait3A_234, %dma_wait3A_235] : memref<20000x128xf32, #tpu.memory_space<hbm>> -> memref<20000x128xf32, #tpu.memory_space<hbm>>
    tpu.wait_indirect_dma semaphore(%arg16 : memref<!tpu.dma_semaphore, #tpu.memory_space<semaphore_mem>>) src(%dma_wait3A_236 : memref<20000x128xf32, #tpu.memory_space<hbm>>) dst(%dma_wait3A_230 : memref<40x128xf32, #tpu.memory_space<vmem>>)
    %dma_wait3A_237 = arith.constant 124 : i32
    %dma_wait3A_238 = arith.constant 40 : i32
    %dma_wait3A_239 = arith.constant 0 : i32
    %dma_wait3A_240 = tpu.memref_slice %arg11[%dma_wait3A_238, %dma_wait3A_239] : memref<80x128xf32, #tpu.memory_space<vmem>> -> memref<40x128xf32, #tpu.memory_space<vmem>>
    %dma_wait3A_241 = arith.constant 40 : i32
    %dma_wait3A_242 = tpu.memref_slice %arg6[%dma_wait3A_237, %dma_wait3A_241] : memref<125x80xi32, #tpu.memory_space<vmem>> -> memref<1x40xi32, #tpu.memory_space<vmem>>
    %dma_wait3A_243 = tpu.memref_squeeze %dma_wait3A_242 : memref<1x40xi32, #tpu.memory_space<vmem>> -> memref<40xi32, #tpu.memory_space<vmem>>
    %dma_wait3A_244 = arith.constant 0 : i32
    %dma_wait3A_245 = arith.constant 0 : i32
    %dma_wait3A_246 = tpu.memref_slice %arg2[%dma_wait3A_244, %dma_wait3A_245] : memref<20000x128xf32, #tpu.memory_space<hbm>> -> memref<20000x128xf32, #tpu.memory_space<hbm>>
    tpu.wait_indirect_dma semaphore(%arg17 : memref<!tpu.dma_semaphore, #tpu.memory_space<semaphore_mem>>) src(%dma_wait3A_246 : memref<20000x128xf32, #tpu.memory_space<hbm>>) dst(%dma_wait3A_240 : memref<40x128xf32, #tpu.memory_space<vmem>>)
    %dma_wait3A_247 = arith.constant 0 : i32
    %dma_wait3A_248 = arith.constant 0 : i32
    %dma_wait3A_249 = tpu.memref_slice %arg4[%arg1, %dma_wait3A_247, %dma_wait3A_248] : memref<16x125x80xi32, #tpu.memory_space<hbm>> -> memref<1x1x80xi32, #tpu.memory_space<hbm>>
    %dma_wait3A_250 = tpu.memref_squeeze %dma_wait3A_249 : memref<1x1x80xi32, #tpu.memory_space<hbm>> -> memref<80xi32, #tpu.memory_space<hbm>>
    %dma_wait3A_251 = arith.constant 0 : i32
    %dma_wait3A_252 = tpu.memref_slice %arg4[%arg1, %dma_wait3A_247, %dma_wait3A_251] : memref<16x125x80xi32, #tpu.memory_space<hbm>> -> memref<1x1x80xi32, #tpu.memory_space<hbm>>
    %dma_wait3A_253 = tpu.memref_squeeze %dma_wait3A_252 : memref<1x1x80xi32, #tpu.memory_space<hbm>> -> memref<80xi32, #tpu.memory_space<hbm>>
    tpu.wait_dma2 semaphore(%arg21 : memref<!tpu.dma_semaphore, #tpu.memory_space<semaphore_mem>>) src(%dma_wait3A_253 : memref<80xi32, #tpu.memory_space<hbm>>) dst(%arg8 : memref<80xi32, #tpu.memory_space<vmem>>)
    "tpu.region"() ({
      %run_scoped3A = tpu.sem_alloc : memref<!tpu.dma_semaphore, #tpu.memory_space<semaphore_mem>>
      %dma_start3A_367 = arith.constant 0 : i32
      %dma_start3A_368 = arith.constant 0 : i32
      %dma_start3A_369 = tpu.memref_slice %arg13[%dma_start3A_367, %dma_start3A_368] : memref<10240x128xf32, #tpu.memory_space<vmem_shared>> -> memref<10240x128xf32, #tpu.memory_space<vmem_shared>>
      tpu.enqueue_indirect_dma source(%arg11 : memref<80x128xf32, #tpu.memory_space<vmem>>) target(%dma_start3A_369 : memref<10240x128xf32, #tpu.memory_space<vmem_shared>>) offsets(%arg8 : memref<80xi32, #tpu.memory_space<vmem>>) semaphore(%run_scoped3A : memref<!tpu.dma_semaphore, #tpu.memory_space<semaphore_mem>>) {add = true}
      %dma_wait3A_370 = arith.constant 0 : i32
      %dma_wait3A_371 = arith.constant 0 : i32
      %dma_wait3A_372 = tpu.memref_slice %arg13[%dma_wait3A_370, %dma_wait3A_371] : memref<10240x128xf32, #tpu.memory_space<vmem_shared>> -> memref<10240x128xf32, #tpu.memory_space<vmem_shared>>
      tpu.wait_indirect_dma semaphore(%run_scoped3A : memref<!tpu.dma_semaphore, #tpu.memory_space<semaphore_mem>>) src(%arg11 : memref<80x128xf32, #tpu.memory_space<vmem>>) dst(%dma_wait3A_372 : memref<10240x128xf32, #tpu.memory_space<vmem_shared>>)
      tpu.yield
    }) : () -> ()
    %barrier3A_254 = arith.constant 0 : index
    tpu.barrier barrier_id(%barrier3A_254)
    %mul3A_255 = arith.constant 640 : i32
    %mul3A_256 = arith.muli %arg1, %mul3A_255 : i32
    %dma_start3A_257 = arith.constant 0 : i32
    %dma_start3A_258 = tpu.memref_slice %arg13[%mul3A_256, %dma_start3A_257] : memref<10240x128xf32, #tpu.memory_space<vmem_shared>> -> memref<80x128xf32, #tpu.memory_space<vmem_shared>>
    %dma_start3A_259 = arith.constant 0 : i32
    %dma_start3A_260 = tpu.memref_slice %arg13[%mul3A_256, %dma_start3A_259] : memref<10240x128xf32, #tpu.memory_space<vmem_shared>> -> memref<80x128xf32, #tpu.memory_space<vmem_shared>>
    tpu.enqueue_dma source(%dma_start3A_260 : memref<80x128xf32, #tpu.memory_space<vmem_shared>>) target(%arg10 : memref<80x128xf32, #tpu.memory_space<vmem>>) target_semaphore(%arg14 : memref<!tpu.dma_semaphore, #tpu.memory_space<semaphore_mem>>)
    %mul3A_261 = arith.constant 640 : i32
    %mul3A_262 = arith.muli %arg1, %mul3A_261 : i32
    %add3A_263 = arith.constant 0 : i32
    %add3A_264 = arith.addi %mul3A_262, %add3A_263 : i32
    %dma_wait3A_265 = arith.constant 0 : i32
    %dma_wait3A_266 = tpu.memref_slice %arg13[%add3A_264, %dma_wait3A_265] : memref<10240x128xf32, #tpu.memory_space<vmem_shared>> -> memref<80x128xf32, #tpu.memory_space<vmem_shared>>
    %dma_wait3A_267 = arith.constant 0 : i32
    %dma_wait3A_268 = tpu.memref_slice %arg13[%add3A_264, %dma_wait3A_267] : memref<10240x128xf32, #tpu.memory_space<vmem_shared>> -> memref<80x128xf32, #tpu.memory_space<vmem_shared>>
    tpu.wait_dma2 semaphore(%arg14 : memref<!tpu.dma_semaphore, #tpu.memory_space<semaphore_mem>>) src(%dma_wait3A_268 : memref<80x128xf32, #tpu.memory_space<vmem_shared>>) dst(%arg10 : memref<80x128xf32, #tpu.memory_space<vmem>>)
    %add3A_269 = arith.constant 80 : i32
    %add3A_270 = arith.addi %add3A_264, %add3A_269 : i32
    %dma_start3A_271 = arith.constant 0 : i32
    %dma_start3A_272 = tpu.memref_slice %arg13[%add3A_270, %dma_start3A_271] : memref<10240x128xf32, #tpu.memory_space<vmem_shared>> -> memref<80x128xf32, #tpu.memory_space<vmem_shared>>
    %dma_start3A_273 = arith.constant 0 : i32
    %dma_start3A_274 = tpu.memref_slice %arg13[%add3A_270, %dma_start3A_273] : memref<10240x128xf32, #tpu.memory_space<vmem_shared>> -> memref<80x128xf32, #tpu.memory_space<vmem_shared>>
    tpu.enqueue_dma source(%dma_start3A_274 : memref<80x128xf32, #tpu.memory_space<vmem_shared>>) target(%arg11 : memref<80x128xf32, #tpu.memory_space<vmem>>) target_semaphore(%arg16 : memref<!tpu.dma_semaphore, #tpu.memory_space<semaphore_mem>>)
    "tpu.region"() ({
      %run_scoped3A = tpu.sem_alloc : memref<!tpu.dma_semaphore, #tpu.memory_space<semaphore_mem>>
      %dma_start3A_367 = arith.constant 0 : i32
      %dma_start3A_368 = tpu.memref_slice %arg5[%arg0, %add3A_264, %dma_start3A_367] : memref<2x10240x128xf32, #tpu.memory_space<hbm>> -> memref<1x80x128xf32, #tpu.memory_space<hbm>>
      %dma_start3A_369 = tpu.memref_squeeze %dma_start3A_368 : memref<1x80x128xf32, #tpu.memory_space<hbm>> -> memref<80x128xf32, #tpu.memory_space<hbm>>
      %dma_start3A_370 = arith.constant 0 : i32
      %dma_start3A_371 = tpu.memref_slice %arg5[%arg0, %add3A_264, %dma_start3A_370] : memref<2x10240x128xf32, #tpu.memory_space<hbm>> -> memref<1x80x128xf32, #tpu.memory_space<hbm>>
      %dma_start3A_372 = tpu.memref_squeeze %dma_start3A_371 : memref<1x80x128xf32, #tpu.memory_space<hbm>> -> memref<80x128xf32, #tpu.memory_space<hbm>>
      tpu.enqueue_dma source(%arg10 : memref<80x128xf32, #tpu.memory_space<vmem>>) target(%dma_start3A_372 : memref<80x128xf32, #tpu.memory_space<hbm>>) target_semaphore(%run_scoped3A : memref<!tpu.dma_semaphore, #tpu.memory_space<semaphore_mem>>)
      %dma_wait3A_373 = arith.constant 0 : i32
      %dma_wait3A_374 = tpu.memref_slice %arg5[%arg0, %add3A_264, %dma_wait3A_373] : memref<2x10240x128xf32, #tpu.memory_space<hbm>> -> memref<1x80x128xf32, #tpu.memory_space<hbm>>
      %dma_wait3A_375 = tpu.memref_squeeze %dma_wait3A_374 : memref<1x80x128xf32, #tpu.memory_space<hbm>> -> memref<80x128xf32, #tpu.memory_space<hbm>>
      %dma_wait3A_376 = arith.constant 0 : i32
      %dma_wait3A_377 = tpu.memref_slice %arg5[%arg0, %add3A_264, %dma_wait3A_376] : memref<2x10240x128xf32, #tpu.memory_space<hbm>> -> memref<1x80x128xf32, #tpu.memory_space<hbm>>
      %dma_wait3A_378 = tpu.memref_squeeze %dma_wait3A_377 : memref<1x80x128xf32, #tpu.memory_space<hbm>> -> memref<80x128xf32, #tpu.memory_space<hbm>>
      tpu.wait_dma2 semaphore(%run_scoped3A : memref<!tpu.dma_semaphore, #tpu.memory_space<semaphore_mem>>) src(%arg10 : memref<80x128xf32, #tpu.memory_space<vmem>>) dst(%dma_wait3A_378 : memref<80x128xf32, #tpu.memory_space<hbm>>)
      tpu.yield
    }) : () -> ()
    %mul3A_275 = arith.constant 640 : i32
    %mul3A_276 = arith.muli %arg1, %mul3A_275 : i32
    %add3A_277 = arith.constant 80 : i32
    %add3A_278 = arith.addi %mul3A_276, %add3A_277 : i32
    %dma_wait3A_279 = arith.constant 0 : i32
    %dma_wait3A_280 = tpu.memref_slice %arg13[%add3A_278, %dma_wait3A_279] : memref<10240x128xf32, #tpu.memory_space<vmem_shared>> -> memref<80x128xf32, #tpu.memory_space<vmem_shared>>
    %dma_wait3A_281 = arith.constant 0 : i32
    %dma_wait3A_282 = tpu.memref_slice %arg13[%add3A_278, %dma_wait3A_281] : memref<10240x128xf32, #tpu.memory_space<vmem_shared>> -> memref<80x128xf32, #tpu.memory_space<vmem_shared>>
    tpu.wait_dma2 semaphore(%arg16 : memref<!tpu.dma_semaphore, #tpu.memory_space<semaphore_mem>>) src(%dma_wait3A_282 : memref<80x128xf32, #tpu.memory_space<vmem_shared>>) dst(%arg11 : memref<80x128xf32, #tpu.memory_space<vmem>>)
    %add3A_283 = arith.constant 80 : i32
    %add3A_284 = arith.addi %add3A_278, %add3A_283 : i32
    %dma_start3A_285 = arith.constant 0 : i32
    %dma_start3A_286 = tpu.memref_slice %arg13[%add3A_284, %dma_start3A_285] : memref<10240x128xf32, #tpu.memory_space<vmem_shared>> -> memref<80x128xf32, #tpu.memory_space<vmem_shared>>
    %dma_start3A_287 = arith.constant 0 : i32
    %dma_start3A_288 = tpu.memref_slice %arg13[%add3A_284, %dma_start3A_287] : memref<10240x128xf32, #tpu.memory_space<vmem_shared>> -> memref<80x128xf32, #tpu.memory_space<vmem_shared>>
    tpu.enqueue_dma source(%dma_start3A_288 : memref<80x128xf32, #tpu.memory_space<vmem_shared>>) target(%arg10 : memref<80x128xf32, #tpu.memory_space<vmem>>) target_semaphore(%arg14 : memref<!tpu.dma_semaphore, #tpu.memory_space<semaphore_mem>>)
    "tpu.region"() ({
      %run_scoped3A = tpu.sem_alloc : memref<!tpu.dma_semaphore, #tpu.memory_space<semaphore_mem>>
      %dma_start3A_367 = arith.constant 0 : i32
      %dma_start3A_368 = tpu.memref_slice %arg5[%arg0, %add3A_278, %dma_start3A_367] : memref<2x10240x128xf32, #tpu.memory_space<hbm>> -> memref<1x80x128xf32, #tpu.memory_space<hbm>>
      %dma_start3A_369 = tpu.memref_squeeze %dma_start3A_368 : memref<1x80x128xf32, #tpu.memory_space<hbm>> -> memref<80x128xf32, #tpu.memory_space<hbm>>
      %dma_start3A_370 = arith.constant 0 : i32
      %dma_start3A_371 = tpu.memref_slice %arg5[%arg0, %add3A_278, %dma_start3A_370] : memref<2x10240x128xf32, #tpu.memory_space<hbm>> -> memref<1x80x128xf32, #tpu.memory_space<hbm>>
      %dma_start3A_372 = tpu.memref_squeeze %dma_start3A_371 : memref<1x80x128xf32, #tpu.memory_space<hbm>> -> memref<80x128xf32, #tpu.memory_space<hbm>>
      tpu.enqueue_dma source(%arg11 : memref<80x128xf32, #tpu.memory_space<vmem>>) target(%dma_start3A_372 : memref<80x128xf32, #tpu.memory_space<hbm>>) target_semaphore(%run_scoped3A : memref<!tpu.dma_semaphore, #tpu.memory_space<semaphore_mem>>)
      %dma_wait3A_373 = arith.constant 0 : i32
      %dma_wait3A_374 = tpu.memref_slice %arg5[%arg0, %add3A_278, %dma_wait3A_373] : memref<2x10240x128xf32, #tpu.memory_space<hbm>> -> memref<1x80x128xf32, #tpu.memory_space<hbm>>
      %dma_wait3A_375 = tpu.memref_squeeze %dma_wait3A_374 : memref<1x80x128xf32, #tpu.memory_space<hbm>> -> memref<80x128xf32, #tpu.memory_space<hbm>>
      %dma_wait3A_376 = arith.constant 0 : i32
      %dma_wait3A_377 = tpu.memref_slice %arg5[%arg0, %add3A_278, %dma_wait3A_376] : memref<2x10240x128xf32, #tpu.memory_space<hbm>> -> memref<1x80x128xf32, #tpu.memory_space<hbm>>
      %dma_wait3A_378 = tpu.memref_squeeze %dma_wait3A_377 : memref<1x80x128xf32, #tpu.memory_space<hbm>> -> memref<80x128xf32, #tpu.memory_space<hbm>>
      tpu.wait_dma2 semaphore(%run_scoped3A : memref<!tpu.dma_semaphore, #tpu.memory_space<semaphore_mem>>) src(%arg11 : memref<80x128xf32, #tpu.memory_space<vmem>>) dst(%dma_wait3A_378 : memref<80x128xf32, #tpu.memory_space<hbm>>)
      tpu.yield
    }) : () -> ()
    %mul3A_289 = arith.constant 640 : i32
    %mul3A_290 = arith.muli %arg1, %mul3A_289 : i32
    %add3A_291 = arith.constant 160 : i32
    %add3A_292 = arith.addi %mul3A_290, %add3A_291 : i32
    %dma_wait3A_293 = arith.constant 0 : i32
    %dma_wait3A_294 = tpu.memref_slice %arg13[%add3A_292, %dma_wait3A_293] : memref<10240x128xf32, #tpu.memory_space<vmem_shared>> -> memref<80x128xf32, #tpu.memory_space<vmem_shared>>
    %dma_wait3A_295 = arith.constant 0 : i32
    %dma_wait3A_296 = tpu.memref_slice %arg13[%add3A_292, %dma_wait3A_295] : memref<10240x128xf32, #tpu.memory_space<vmem_shared>> -> memref<80x128xf32, #tpu.memory_space<vmem_shared>>
    tpu.wait_dma2 semaphore(%arg14 : memref<!tpu.dma_semaphore, #tpu.memory_space<semaphore_mem>>) src(%dma_wait3A_296 : memref<80x128xf32, #tpu.memory_space<vmem_shared>>) dst(%arg10 : memref<80x128xf32, #tpu.memory_space<vmem>>)
    %add3A_297 = arith.constant 80 : i32
    %add3A_298 = arith.addi %add3A_292, %add3A_297 : i32
    %dma_start3A_299 = arith.constant 0 : i32
    %dma_start3A_300 = tpu.memref_slice %arg13[%add3A_298, %dma_start3A_299] : memref<10240x128xf32, #tpu.memory_space<vmem_shared>> -> memref<80x128xf32, #tpu.memory_space<vmem_shared>>
    %dma_start3A_301 = arith.constant 0 : i32
    %dma_start3A_302 = tpu.memref_slice %arg13[%add3A_298, %dma_start3A_301] : memref<10240x128xf32, #tpu.memory_space<vmem_shared>> -> memref<80x128xf32, #tpu.memory_space<vmem_shared>>
    tpu.enqueue_dma source(%dma_start3A_302 : memref<80x128xf32, #tpu.memory_space<vmem_shared>>) target(%arg11 : memref<80x128xf32, #tpu.memory_space<vmem>>) target_semaphore(%arg16 : memref<!tpu.dma_semaphore, #tpu.memory_space<semaphore_mem>>)
    "tpu.region"() ({
      %run_scoped3A = tpu.sem_alloc : memref<!tpu.dma_semaphore, #tpu.memory_space<semaphore_mem>>
      %dma_start3A_367 = arith.constant 0 : i32
      %dma_start3A_368 = tpu.memref_slice %arg5[%arg0, %add3A_292, %dma_start3A_367] : memref<2x10240x128xf32, #tpu.memory_space<hbm>> -> memref<1x80x128xf32, #tpu.memory_space<hbm>>
      %dma_start3A_369 = tpu.memref_squeeze %dma_start3A_368 : memref<1x80x128xf32, #tpu.memory_space<hbm>> -> memref<80x128xf32, #tpu.memory_space<hbm>>
      %dma_start3A_370 = arith.constant 0 : i32
      %dma_start3A_371 = tpu.memref_slice %arg5[%arg0, %add3A_292, %dma_start3A_370] : memref<2x10240x128xf32, #tpu.memory_space<hbm>> -> memref<1x80x128xf32, #tpu.memory_space<hbm>>
      %dma_start3A_372 = tpu.memref_squeeze %dma_start3A_371 : memref<1x80x128xf32, #tpu.memory_space<hbm>> -> memref<80x128xf32, #tpu.memory_space<hbm>>
      tpu.enqueue_dma source(%arg10 : memref<80x128xf32, #tpu.memory_space<vmem>>) target(%dma_start3A_372 : memref<80x128xf32, #tpu.memory_space<hbm>>) target_semaphore(%run_scoped3A : memref<!tpu.dma_semaphore, #tpu.memory_space<semaphore_mem>>)
      %dma_wait3A_373 = arith.constant 0 : i32
      %dma_wait3A_374 = tpu.memref_slice %arg5[%arg0, %add3A_292, %dma_wait3A_373] : memref<2x10240x128xf32, #tpu.memory_space<hbm>> -> memref<1x80x128xf32, #tpu.memory_space<hbm>>
      %dma_wait3A_375 = tpu.memref_squeeze %dma_wait3A_374 : memref<1x80x128xf32, #tpu.memory_space<hbm>> -> memref<80x128xf32, #tpu.memory_space<hbm>>
      %dma_wait3A_376 = arith.constant 0 : i32
      %dma_wait3A_377 = tpu.memref_slice %arg5[%arg0, %add3A_292, %dma_wait3A_376] : memref<2x10240x128xf32, #tpu.memory_space<hbm>> -> memref<1x80x128xf32, #tpu.memory_space<hbm>>
      %dma_wait3A_378 = tpu.memref_squeeze %dma_wait3A_377 : memref<1x80x128xf32, #tpu.memory_space<hbm>> -> memref<80x128xf32, #tpu.memory_space<hbm>>
      tpu.wait_dma2 semaphore(%run_scoped3A : memref<!tpu.dma_semaphore, #tpu.memory_space<semaphore_mem>>) src(%arg10 : memref<80x128xf32, #tpu.memory_space<vmem>>) dst(%dma_wait3A_378 : memref<80x128xf32, #tpu.memory_space<hbm>>)
      tpu.yield
    }) : () -> ()
    %mul3A_303 = arith.constant 640 : i32
    %mul3A_304 = arith.muli %arg1, %mul3A_303 : i32
    %add3A_305 = arith.constant 240 : i32
    %add3A_306 = arith.addi %mul3A_304, %add3A_305 : i32
    %dma_wait3A_307 = arith.constant 0 : i32
    %dma_wait3A_308 = tpu.memref_slice %arg13[%add3A_306, %dma_wait3A_307] : memref<10240x128xf32, #tpu.memory_space<vmem_shared>> -> memref<80x128xf32, #tpu.memory_space<vmem_shared>>
    %dma_wait3A_309 = arith.constant 0 : i32
    %dma_wait3A_310 = tpu.memref_slice %arg13[%add3A_306, %dma_wait3A_309] : memref<10240x128xf32, #tpu.memory_space<vmem_shared>> -> memref<80x128xf32, #tpu.memory_space<vmem_shared>>
    tpu.wait_dma2 semaphore(%arg16 : memref<!tpu.dma_semaphore, #tpu.memory_space<semaphore_mem>>) src(%dma_wait3A_310 : memref<80x128xf32, #tpu.memory_space<vmem_shared>>) dst(%arg11 : memref<80x128xf32, #tpu.memory_space<vmem>>)
    %add3A_311 = arith.constant 80 : i32
    %add3A_312 = arith.addi %add3A_306, %add3A_311 : i32
    %dma_start3A_313 = arith.constant 0 : i32
    %dma_start3A_314 = tpu.memref_slice %arg13[%add3A_312, %dma_start3A_313] : memref<10240x128xf32, #tpu.memory_space<vmem_shared>> -> memref<80x128xf32, #tpu.memory_space<vmem_shared>>
    %dma_start3A_315 = arith.constant 0 : i32
    %dma_start3A_316 = tpu.memref_slice %arg13[%add3A_312, %dma_start3A_315] : memref<10240x128xf32, #tpu.memory_space<vmem_shared>> -> memref<80x128xf32, #tpu.memory_space<vmem_shared>>
    tpu.enqueue_dma source(%dma_start3A_316 : memref<80x128xf32, #tpu.memory_space<vmem_shared>>) target(%arg10 : memref<80x128xf32, #tpu.memory_space<vmem>>) target_semaphore(%arg14 : memref<!tpu.dma_semaphore, #tpu.memory_space<semaphore_mem>>)
    "tpu.region"() ({
      %run_scoped3A = tpu.sem_alloc : memref<!tpu.dma_semaphore, #tpu.memory_space<semaphore_mem>>
      %dma_start3A_367 = arith.constant 0 : i32
      %dma_start3A_368 = tpu.memref_slice %arg5[%arg0, %add3A_306, %dma_start3A_367] : memref<2x10240x128xf32, #tpu.memory_space<hbm>> -> memref<1x80x128xf32, #tpu.memory_space<hbm>>
      %dma_start3A_369 = tpu.memref_squeeze %dma_start3A_368 : memref<1x80x128xf32, #tpu.memory_space<hbm>> -> memref<80x128xf32, #tpu.memory_space<hbm>>
      %dma_start3A_370 = arith.constant 0 : i32
      %dma_start3A_371 = tpu.memref_slice %arg5[%arg0, %add3A_306, %dma_start3A_370] : memref<2x10240x128xf32, #tpu.memory_space<hbm>> -> memref<1x80x128xf32, #tpu.memory_space<hbm>>
      %dma_start3A_372 = tpu.memref_squeeze %dma_start3A_371 : memref<1x80x128xf32, #tpu.memory_space<hbm>> -> memref<80x128xf32, #tpu.memory_space<hbm>>
      tpu.enqueue_dma source(%arg11 : memref<80x128xf32, #tpu.memory_space<vmem>>) target(%dma_start3A_372 : memref<80x128xf32, #tpu.memory_space<hbm>>) target_semaphore(%run_scoped3A : memref<!tpu.dma_semaphore, #tpu.memory_space<semaphore_mem>>)
      %dma_wait3A_373 = arith.constant 0 : i32
      %dma_wait3A_374 = tpu.memref_slice %arg5[%arg0, %add3A_306, %dma_wait3A_373] : memref<2x10240x128xf32, #tpu.memory_space<hbm>> -> memref<1x80x128xf32, #tpu.memory_space<hbm>>
      %dma_wait3A_375 = tpu.memref_squeeze %dma_wait3A_374 : memref<1x80x128xf32, #tpu.memory_space<hbm>> -> memref<80x128xf32, #tpu.memory_space<hbm>>
      %dma_wait3A_376 = arith.constant 0 : i32
      %dma_wait3A_377 = tpu.memref_slice %arg5[%arg0, %add3A_306, %dma_wait3A_376] : memref<2x10240x128xf32, #tpu.memory_space<hbm>> -> memref<1x80x128xf32, #tpu.memory_space<hbm>>
      %dma_wait3A_378 = tpu.memref_squeeze %dma_wait3A_377 : memref<1x80x128xf32, #tpu.memory_space<hbm>> -> memref<80x128xf32, #tpu.memory_space<hbm>>
      tpu.wait_dma2 semaphore(%run_scoped3A : memref<!tpu.dma_semaphore, #tpu.memory_space<semaphore_mem>>) src(%arg11 : memref<80x128xf32, #tpu.memory_space<vmem>>) dst(%dma_wait3A_378 : memref<80x128xf32, #tpu.memory_space<hbm>>)
      tpu.yield
    }) : () -> ()
    %mul3A_317 = arith.constant 640 : i32
    %mul3A_318 = arith.muli %arg1, %mul3A_317 : i32
    %add3A_319 = arith.constant 320 : i32
    %add3A_320 = arith.addi %mul3A_318, %add3A_319 : i32
    %dma_wait3A_321 = arith.constant 0 : i32
    %dma_wait3A_322 = tpu.memref_slice %arg13[%add3A_320, %dma_wait3A_321] : memref<10240x128xf32, #tpu.memory_space<vmem_shared>> -> memref<80x128xf32, #tpu.memory_space<vmem_shared>>
    %dma_wait3A_323 = arith.constant 0 : i32
    %dma_wait3A_324 = tpu.memref_slice %arg13[%add3A_320, %dma_wait3A_323] : memref<10240x128xf32, #tpu.memory_space<vmem_shared>> -> memref<80x128xf32, #tpu.memory_space<vmem_shared>>
    tpu.wait_dma2 semaphore(%arg14 : memref<!tpu.dma_semaphore, #tpu.memory_space<semaphore_mem>>) src(%dma_wait3A_324 : memref<80x128xf32, #tpu.memory_space<vmem_shared>>) dst(%arg10 : memref<80x128xf32, #tpu.memory_space<vmem>>)
    %add3A_325 = arith.constant 80 : i32
    %add3A_326 = arith.addi %add3A_320, %add3A_325 : i32
    %dma_start3A_327 = arith.constant 0 : i32
    %dma_start3A_328 = tpu.memref_slice %arg13[%add3A_326, %dma_start3A_327] : memref<10240x128xf32, #tpu.memory_space<vmem_shared>> -> memref<80x128xf32, #tpu.memory_space<vmem_shared>>
    %dma_start3A_329 = arith.constant 0 : i32
    %dma_start3A_330 = tpu.memref_slice %arg13[%add3A_326, %dma_start3A_329] : memref<10240x128xf32, #tpu.memory_space<vmem_shared>> -> memref<80x128xf32, #tpu.memory_space<vmem_shared>>
    tpu.enqueue_dma source(%dma_start3A_330 : memref<80x128xf32, #tpu.memory_space<vmem_shared>>) target(%arg11 : memref<80x128xf32, #tpu.memory_space<vmem>>) target_semaphore(%arg16 : memref<!tpu.dma_semaphore, #tpu.memory_space<semaphore_mem>>)
    "tpu.region"() ({
      %run_scoped3A = tpu.sem_alloc : memref<!tpu.dma_semaphore, #tpu.memory_space<semaphore_mem>>
      %dma_start3A_367 = arith.constant 0 : i32
      %dma_start3A_368 = tpu.memref_slice %arg5[%arg0, %add3A_320, %dma_start3A_367] : memref<2x10240x128xf32, #tpu.memory_space<hbm>> -> memref<1x80x128xf32, #tpu.memory_space<hbm>>
      %dma_start3A_369 = tpu.memref_squeeze %dma_start3A_368 : memref<1x80x128xf32, #tpu.memory_space<hbm>> -> memref<80x128xf32, #tpu.memory_space<hbm>>
      %dma_start3A_370 = arith.constant 0 : i32
      %dma_start3A_371 = tpu.memref_slice %arg5[%arg0, %add3A_320, %dma_start3A_370] : memref<2x10240x128xf32, #tpu.memory_space<hbm>> -> memref<1x80x128xf32, #tpu.memory_space<hbm>>
      %dma_start3A_372 = tpu.memref_squeeze %dma_start3A_371 : memref<1x80x128xf32, #tpu.memory_space<hbm>> -> memref<80x128xf32, #tpu.memory_space<hbm>>
      tpu.enqueue_dma source(%arg10 : memref<80x128xf32, #tpu.memory_space<vmem>>) target(%dma_start3A_372 : memref<80x128xf32, #tpu.memory_space<hbm>>) target_semaphore(%run_scoped3A : memref<!tpu.dma_semaphore, #tpu.memory_space<semaphore_mem>>)
      %dma_wait3A_373 = arith.constant 0 : i32
      %dma_wait3A_374 = tpu.memref_slice %arg5[%arg0, %add3A_320, %dma_wait3A_373] : memref<2x10240x128xf32, #tpu.memory_space<hbm>> -> memref<1x80x128xf32, #tpu.memory_space<hbm>>
      %dma_wait3A_375 = tpu.memref_squeeze %dma_wait3A_374 : memref<1x80x128xf32, #tpu.memory_space<hbm>> -> memref<80x128xf32, #tpu.memory_space<hbm>>
      %dma_wait3A_376 = arith.constant 0 : i32
      %dma_wait3A_377 = tpu.memref_slice %arg5[%arg0, %add3A_320, %dma_wait3A_376] : memref<2x10240x128xf32, #tpu.memory_space<hbm>> -> memref<1x80x128xf32, #tpu.memory_space<hbm>>
      %dma_wait3A_378 = tpu.memref_squeeze %dma_wait3A_377 : memref<1x80x128xf32, #tpu.memory_space<hbm>> -> memref<80x128xf32, #tpu.memory_space<hbm>>
      tpu.wait_dma2 semaphore(%run_scoped3A : memref<!tpu.dma_semaphore, #tpu.memory_space<semaphore_mem>>) src(%arg10 : memref<80x128xf32, #tpu.memory_space<vmem>>) dst(%dma_wait3A_378 : memref<80x128xf32, #tpu.memory_space<hbm>>)
      tpu.yield
    }) : () -> ()
    %mul3A_331 = arith.constant 640 : i32
    %mul3A_332 = arith.muli %arg1, %mul3A_331 : i32
    %add3A_333 = arith.constant 400 : i32
    %add3A_334 = arith.addi %mul3A_332, %add3A_333 : i32
    %dma_wait3A_335 = arith.constant 0 : i32
    %dma_wait3A_336 = tpu.memref_slice %arg13[%add3A_334, %dma_wait3A_335] : memref<10240x128xf32, #tpu.memory_space<vmem_shared>> -> memref<80x128xf32, #tpu.memory_space<vmem_shared>>
    %dma_wait3A_337 = arith.constant 0 : i32
    %dma_wait3A_338 = tpu.memref_slice %arg13[%add3A_334, %dma_wait3A_337] : memref<10240x128xf32, #tpu.memory_space<vmem_shared>> -> memref<80x128xf32, #tpu.memory_space<vmem_shared>>
    tpu.wait_dma2 semaphore(%arg16 : memref<!tpu.dma_semaphore, #tpu.memory_space<semaphore_mem>>) src(%dma_wait3A_338 : memref<80x128xf32, #tpu.memory_space<vmem_shared>>) dst(%arg11 : memref<80x128xf32, #tpu.memory_space<vmem>>)
    %add3A_339 = arith.constant 80 : i32
    %add3A_340 = arith.addi %add3A_334, %add3A_339 : i32
    %dma_start3A_341 = arith.constant 0 : i32
    %dma_start3A_342 = tpu.memref_slice %arg13[%add3A_340, %dma_start3A_341] : memref<10240x128xf32, #tpu.memory_space<vmem_shared>> -> memref<80x128xf32, #tpu.memory_space<vmem_shared>>
    %dma_start3A_343 = arith.constant 0 : i32
    %dma_start3A_344 = tpu.memref_slice %arg13[%add3A_340, %dma_start3A_343] : memref<10240x128xf32, #tpu.memory_space<vmem_shared>> -> memref<80x128xf32, #tpu.memory_space<vmem_shared>>
    tpu.enqueue_dma source(%dma_start3A_344 : memref<80x128xf32, #tpu.memory_space<vmem_shared>>) target(%arg10 : memref<80x128xf32, #tpu.memory_space<vmem>>) target_semaphore(%arg14 : memref<!tpu.dma_semaphore, #tpu.memory_space<semaphore_mem>>)
    "tpu.region"() ({
      %run_scoped3A = tpu.sem_alloc : memref<!tpu.dma_semaphore, #tpu.memory_space<semaphore_mem>>
      %dma_start3A_367 = arith.constant 0 : i32
      %dma_start3A_368 = tpu.memref_slice %arg5[%arg0, %add3A_334, %dma_start3A_367] : memref<2x10240x128xf32, #tpu.memory_space<hbm>> -> memref<1x80x128xf32, #tpu.memory_space<hbm>>
      %dma_start3A_369 = tpu.memref_squeeze %dma_start3A_368 : memref<1x80x128xf32, #tpu.memory_space<hbm>> -> memref<80x128xf32, #tpu.memory_space<hbm>>
      %dma_start3A_370 = arith.constant 0 : i32
      %dma_start3A_371 = tpu.memref_slice %arg5[%arg0, %add3A_334, %dma_start3A_370] : memref<2x10240x128xf32, #tpu.memory_space<hbm>> -> memref<1x80x128xf32, #tpu.memory_space<hbm>>
      %dma_start3A_372 = tpu.memref_squeeze %dma_start3A_371 : memref<1x80x128xf32, #tpu.memory_space<hbm>> -> memref<80x128xf32, #tpu.memory_space<hbm>>
      tpu.enqueue_dma source(%arg11 : memref<80x128xf32, #tpu.memory_space<vmem>>) target(%dma_start3A_372 : memref<80x128xf32, #tpu.memory_space<hbm>>) target_semaphore(%run_scoped3A : memref<!tpu.dma_semaphore, #tpu.memory_space<semaphore_mem>>)
      %dma_wait3A_373 = arith.constant 0 : i32
      %dma_wait3A_374 = tpu.memref_slice %arg5[%arg0, %add3A_334, %dma_wait3A_373] : memref<2x10240x128xf32, #tpu.memory_space<hbm>> -> memref<1x80x128xf32, #tpu.memory_space<hbm>>
      %dma_wait3A_375 = tpu.memref_squeeze %dma_wait3A_374 : memref<1x80x128xf32, #tpu.memory_space<hbm>> -> memref<80x128xf32, #tpu.memory_space<hbm>>
      %dma_wait3A_376 = arith.constant 0 : i32
      %dma_wait3A_377 = tpu.memref_slice %arg5[%arg0, %add3A_334, %dma_wait3A_376] : memref<2x10240x128xf32, #tpu.memory_space<hbm>> -> memref<1x80x128xf32, #tpu.memory_space<hbm>>
      %dma_wait3A_378 = tpu.memref_squeeze %dma_wait3A_377 : memref<1x80x128xf32, #tpu.memory_space<hbm>> -> memref<80x128xf32, #tpu.memory_space<hbm>>
      tpu.wait_dma2 semaphore(%run_scoped3A : memref<!tpu.dma_semaphore, #tpu.memory_space<semaphore_mem>>) src(%arg11 : memref<80x128xf32, #tpu.memory_space<vmem>>) dst(%dma_wait3A_378 : memref<80x128xf32, #tpu.memory_space<hbm>>)
      tpu.yield
    }) : () -> ()
    %mul3A_345 = arith.constant 640 : i32
    %mul3A_346 = arith.muli %arg1, %mul3A_345 : i32
    %add3A_347 = arith.constant 480 : i32
    %add3A_348 = arith.addi %mul3A_346, %add3A_347 : i32
    %dma_wait3A_349 = arith.constant 0 : i32
    %dma_wait3A_350 = tpu.memref_slice %arg13[%add3A_348, %dma_wait3A_349] : memref<10240x128xf32, #tpu.memory_space<vmem_shared>> -> memref<80x128xf32, #tpu.memory_space<vmem_shared>>
    %dma_wait3A_351 = arith.constant 0 : i32
    %dma_wait3A_352 = tpu.memref_slice %arg13[%add3A_348, %dma_wait3A_351] : memref<10240x128xf32, #tpu.memory_space<vmem_shared>> -> memref<80x128xf32, #tpu.memory_space<vmem_shared>>
    tpu.wait_dma2 semaphore(%arg14 : memref<!tpu.dma_semaphore, #tpu.memory_space<semaphore_mem>>) src(%dma_wait3A_352 : memref<80x128xf32, #tpu.memory_space<vmem_shared>>) dst(%arg10 : memref<80x128xf32, #tpu.memory_space<vmem>>)
    %add3A_353 = arith.constant 80 : i32
    %add3A_354 = arith.addi %add3A_348, %add3A_353 : i32
    %dma_start3A_355 = arith.constant 0 : i32
    %dma_start3A_356 = tpu.memref_slice %arg13[%add3A_354, %dma_start3A_355] : memref<10240x128xf32, #tpu.memory_space<vmem_shared>> -> memref<80x128xf32, #tpu.memory_space<vmem_shared>>
    %dma_start3A_357 = arith.constant 0 : i32
    %dma_start3A_358 = tpu.memref_slice %arg13[%add3A_354, %dma_start3A_357] : memref<10240x128xf32, #tpu.memory_space<vmem_shared>> -> memref<80x128xf32, #tpu.memory_space<vmem_shared>>
    tpu.enqueue_dma source(%dma_start3A_358 : memref<80x128xf32, #tpu.memory_space<vmem_shared>>) target(%arg11 : memref<80x128xf32, #tpu.memory_space<vmem>>) target_semaphore(%arg16 : memref<!tpu.dma_semaphore, #tpu.memory_space<semaphore_mem>>)
    "tpu.region"() ({
      %run_scoped3A = tpu.sem_alloc : memref<!tpu.dma_semaphore, #tpu.memory_space<semaphore_mem>>
      %dma_start3A_367 = arith.constant 0 : i32
      %dma_start3A_368 = tpu.memref_slice %arg5[%arg0, %add3A_348, %dma_start3A_367] : memref<2x10240x128xf32, #tpu.memory_space<hbm>> -> memref<1x80x128xf32, #tpu.memory_space<hbm>>
      %dma_start3A_369 = tpu.memref_squeeze %dma_start3A_368 : memref<1x80x128xf32, #tpu.memory_space<hbm>> -> memref<80x128xf32, #tpu.memory_space<hbm>>
      %dma_start3A_370 = arith.constant 0 : i32
      %dma_start3A_371 = tpu.memref_slice %arg5[%arg0, %add3A_348, %dma_start3A_370] : memref<2x10240x128xf32, #tpu.memory_space<hbm>> -> memref<1x80x128xf32, #tpu.memory_space<hbm>>
      %dma_start3A_372 = tpu.memref_squeeze %dma_start3A_371 : memref<1x80x128xf32, #tpu.memory_space<hbm>> -> memref<80x128xf32, #tpu.memory_space<hbm>>
      tpu.enqueue_dma source(%arg10 : memref<80x128xf32, #tpu.memory_space<vmem>>) target(%dma_start3A_372 : memref<80x128xf32, #tpu.memory_space<hbm>>) target_semaphore(%run_scoped3A : memref<!tpu.dma_semaphore, #tpu.memory_space<semaphore_mem>>)
      %dma_wait3A_373 = arith.constant 0 : i32
      %dma_wait3A_374 = tpu.memref_slice %arg5[%arg0, %add3A_348, %dma_wait3A_373] : memref<2x10240x128xf32, #tpu.memory_space<hbm>> -> memref<1x80x128xf32, #tpu.memory_space<hbm>>
      %dma_wait3A_375 = tpu.memref_squeeze %dma_wait3A_374 : memref<1x80x128xf32, #tpu.memory_space<hbm>> -> memref<80x128xf32, #tpu.memory_space<hbm>>
      %dma_wait3A_376 = arith.constant 0 : i32
      %dma_wait3A_377 = tpu.memref_slice %arg5[%arg0, %add3A_348, %dma_wait3A_376] : memref<2x10240x128xf32, #tpu.memory_space<hbm>> -> memref<1x80x128xf32, #tpu.memory_space<hbm>>
      %dma_wait3A_378 = tpu.memref_squeeze %dma_wait3A_377 : memref<1x80x128xf32, #tpu.memory_space<hbm>> -> memref<80x128xf32, #tpu.memory_space<hbm>>
      tpu.wait_dma2 semaphore(%run_scoped3A : memref<!tpu.dma_semaphore, #tpu.memory_space<semaphore_mem>>) src(%arg10 : memref<80x128xf32, #tpu.memory_space<vmem>>) dst(%dma_wait3A_378 : memref<80x128xf32, #tpu.memory_space<hbm>>)
      tpu.yield
    }) : () -> ()
    %mul3A_359 = arith.constant 640 : i32
    %mul3A_360 = arith.muli %arg1, %mul3A_359 : i32
    %add3A_361 = arith.constant 560 : i32
    %add3A_362 = arith.addi %mul3A_360, %add3A_361 : i32
    %dma_wait3A_363 = arith.constant 0 : i32
    %dma_wait3A_364 = tpu.memref_slice %arg13[%add3A_362, %dma_wait3A_363] : memref<10240x128xf32, #tpu.memory_space<vmem_shared>> -> memref<80x128xf32, #tpu.memory_space<vmem_shared>>
    %dma_wait3A_365 = arith.constant 0 : i32
    %dma_wait3A_366 = tpu.memref_slice %arg13[%add3A_362, %dma_wait3A_365] : memref<10240x128xf32, #tpu.memory_space<vmem_shared>> -> memref<80x128xf32, #tpu.memory_space<vmem_shared>>
    tpu.wait_dma2 semaphore(%arg16 : memref<!tpu.dma_semaphore, #tpu.memory_space<semaphore_mem>>) src(%dma_wait3A_366 : memref<80x128xf32, #tpu.memory_space<vmem_shared>>) dst(%arg11 : memref<80x128xf32, #tpu.memory_space<vmem>>)
    "tpu.region"() ({
      %run_scoped3A = tpu.sem_alloc : memref<!tpu.dma_semaphore, #tpu.memory_space<semaphore_mem>>
      %dma_start3A_367 = arith.constant 0 : i32
      %dma_start3A_368 = tpu.memref_slice %arg5[%arg0, %add3A_362, %dma_start3A_367] : memref<2x10240x128xf32, #tpu.memory_space<hbm>> -> memref<1x80x128xf32, #tpu.memory_space<hbm>>
      %dma_start3A_369 = tpu.memref_squeeze %dma_start3A_368 : memref<1x80x128xf32, #tpu.memory_space<hbm>> -> memref<80x128xf32, #tpu.memory_space<hbm>>
      %dma_start3A_370 = arith.constant 0 : i32
      %dma_start3A_371 = tpu.memref_slice %arg5[%arg0, %add3A_362, %dma_start3A_370] : memref<2x10240x128xf32, #tpu.memory_space<hbm>> -> memref<1x80x128xf32, #tpu.memory_space<hbm>>
      %dma_start3A_372 = tpu.memref_squeeze %dma_start3A_371 : memref<1x80x128xf32, #tpu.memory_space<hbm>> -> memref<80x128xf32, #tpu.memory_space<hbm>>
      tpu.enqueue_dma source(%arg11 : memref<80x128xf32, #tpu.memory_space<vmem>>) target(%dma_start3A_372 : memref<80x128xf32, #tpu.memory_space<hbm>>) target_semaphore(%run_scoped3A : memref<!tpu.dma_semaphore, #tpu.memory_space<semaphore_mem>>)
      %dma_wait3A_373 = arith.constant 0 : i32
      %dma_wait3A_374 = tpu.memref_slice %arg5[%arg0, %add3A_362, %dma_wait3A_373] : memref<2x10240x128xf32, #tpu.memory_space<hbm>> -> memref<1x80x128xf32, #tpu.memory_space<hbm>>
      %dma_wait3A_375 = tpu.memref_squeeze %dma_wait3A_374 : memref<1x80x128xf32, #tpu.memory_space<hbm>> -> memref<80x128xf32, #tpu.memory_space<hbm>>
      %dma_wait3A_376 = arith.constant 0 : i32
      %dma_wait3A_377 = tpu.memref_slice %arg5[%arg0, %add3A_362, %dma_wait3A_376] : memref<2x10240x128xf32, #tpu.memory_space<hbm>> -> memref<1x80x128xf32, #tpu.memory_space<hbm>>
      %dma_wait3A_378 = tpu.memref_squeeze %dma_wait3A_377 : memref<1x80x128xf32, #tpu.memory_space<hbm>> -> memref<80x128xf32, #tpu.memory_space<hbm>>
      tpu.wait_dma2 semaphore(%run_scoped3A : memref<!tpu.dma_semaphore, #tpu.memory_space<semaphore_mem>>) src(%arg11 : memref<80x128xf32, #tpu.memory_space<vmem>>) dst(%dma_wait3A_378 : memref<80x128xf32, #tpu.memory_space<hbm>>)
      tpu.yield
    }) : () -> ()
    return
  }
}

module attributes {stable_mosaic.version = 14 : i64} {
  func.func @_layer1_body(%arg0: i32, %arg1: memref<2x1000x128xf32, #tpu.memory_space<vmem>>, %arg2: memref<1000x256xf32, #tpu.memory_space<vmem>>, %arg3: memref<256x256xf32, #tpu.memory_space<vmem>>, %arg4: memref<256x256xf32, #tpu.memory_space<vmem>>, %arg5: memref<1x256xf32, #tpu.memory_space<vmem>>, %arg6: memref<2x1000x128xf32, #tpu.memory_space<vmem>>) attributes {dimension_semantics = [#tpu.dimension_semantics<arbitrary>], iteration_bounds = array<i64: 10>, scalar_prefetch = 0 : i64, scratch_operands = 0 : i64, tpu.core_type = #tpu.core_type<tc>, window_params = [{transform_indices = @transform_0, window_bounds = array<i64: 2, 1000, 128>}, {transform_indices = @transform_1, window_bounds = array<i64: 1000, 256>}, {pipeline_mode = #tpu.pipeline_mode<synchronous>, transform_indices = @transform_2, window_bounds = array<i64: 256, 256>}, {pipeline_mode = #tpu.pipeline_mode<synchronous>, transform_indices = @transform_3, window_bounds = array<i64: 256, 256>}, {pipeline_mode = #tpu.pipeline_mode<synchronous>, transform_indices = @transform_4, window_bounds = array<i64: 1, 256>}, {transform_indices = @transform_5, window_bounds = array<i64: 2, 1000, 128>}]} {
    %get3A = arith.constant 0 : index
    %get3A_0 = arith.constant 0 : index
    %get3A_1 = vector.load %arg3[%get3A, %get3A_0] : memref<256x256xf32, #tpu.memory_space<vmem>>, vector<256x256xf32>
    %get3A_2 = arith.constant 0 : index
    %get3A_3 = arith.constant 0 : index
    %get3A_4 = arith.constant 0 : index
    %get3A_5 = vector.load %arg1[%get3A_2, %get3A_3, %get3A_4] : memref<2x1000x128xf32, #tpu.memory_space<vmem>>, vector<1x1000x128xf32>
    %get3A_6 = vector.shape_cast %get3A_5 : vector<1x1000x128xf32> to vector<1000x128xf32>
    %slice3A = vector.extract_strided_slice %get3A_1 {offsets = [0, 0], sizes = [128, 256], strides = [1, 1]} : vector<256x256xf32> to vector<128x256xf32>
    %dot_general3A = arith.constant dense<0.000000e+00> : vector<1000x256xf32>
    %dot_general3A_7 = tpu.matmul %get3A_6, %slice3A, %dot_general3A {dimension_numbers = #tpu.dot_dimension_numbers<[1], [0], [0], [1], [0, 0, 1, 1], [], []>, transpose_lhs_hint = false} : vector<1000x128xf32>, vector<128x256xf32>, vector<1000x256xf32> -> vector<1000x256xf32>
    %get3A_8 = arith.constant 1 : index
    %get3A_9 = arith.constant 0 : index
    %get3A_10 = arith.constant 0 : index
    %get3A_11 = vector.load %arg1[%get3A_8, %get3A_9, %get3A_10] : memref<2x1000x128xf32, #tpu.memory_space<vmem>>, vector<1x1000x128xf32>
    %get3A_12 = vector.shape_cast %get3A_11 : vector<1x1000x128xf32> to vector<1000x128xf32>
    %slice3A_13 = vector.extract_strided_slice %get3A_1 {offsets = [128, 0], sizes = [128, 256], strides = [1, 1]} : vector<256x256xf32> to vector<128x256xf32>
    %dot_general3A_14 = arith.constant dense<0.000000e+00> : vector<1000x256xf32>
    %dot_general3A_15 = tpu.matmul %get3A_12, %slice3A_13, %dot_general3A_14 {dimension_numbers = #tpu.dot_dimension_numbers<[1], [0], [0], [1], [0, 0, 1, 1], [], []>, transpose_lhs_hint = false} : vector<1000x128xf32>, vector<128x256xf32>, vector<1000x256xf32> -> vector<1000x256xf32>
    %add3A = arith.addf %dot_general3A_7, %dot_general3A_15 : vector<1000x256xf32>
    %get3A_16 = arith.constant 0 : index
    %get3A_17 = arith.constant 0 : index
    %get3A_18 = vector.load %arg2[%get3A_16, %get3A_17] : memref<1000x256xf32, #tpu.memory_space<vmem>>, vector<1000x256xf32>
    %get3A_19 = arith.constant 0 : index
    %get3A_20 = arith.constant 0 : index
    %get3A_21 = vector.load %arg4[%get3A_19, %get3A_20] : memref<256x256xf32, #tpu.memory_space<vmem>>, vector<256x256xf32>
    %dot_general3A_22 = arith.constant dense<0.000000e+00> : vector<1000x256xf32>
    %dot_general3A_23 = tpu.matmul %get3A_18, %get3A_21, %dot_general3A_22 {dimension_numbers = #tpu.dot_dimension_numbers<[1], [0], [0], [1], [0, 0, 1, 1], [], []>, transpose_lhs_hint = false} : vector<1000x256xf32>, vector<256x256xf32>, vector<1000x256xf32> -> vector<1000x256xf32>
    %add3A_24 = arith.addf %add3A, %dot_general3A_23 : vector<1000x256xf32>
    %get3A_25 = arith.constant 0 : index
    %get3A_26 = arith.constant 0 : index
    %get3A_27 = vector.load %arg5[%get3A_25, %get3A_26] : memref<1x256xf32, #tpu.memory_space<vmem>>, vector<1x256xf32>
    %add3A_28 = vector.broadcast %get3A_27 : vector<1x256xf32> to vector<1000x256xf32>
    %add3A_29 = arith.addf %add3A_24, %add3A_28 : vector<1000x256xf32>
    %max3A = arith.constant 0.000000e+00 : f32
    %max3A_30 = vector.broadcast %max3A : f32 to vector<1000x256xf32>
    %max3A_31 = arith.maximumf %add3A_29, %max3A_30 : vector<1000x256xf32>
    %slice3A_32 = vector.extract_strided_slice %max3A_31 {offsets = [0, 0], sizes = [1000, 128], strides = [1, 1]} : vector<1000x256xf32> to vector<1000x128xf32>
    %swap3A = arith.constant 0 : index
    %swap3A_33 = arith.constant 0 : index
    %swap3A_34 = arith.constant 0 : index
    %swap3A_35 = vector.load %arg6[%swap3A, %swap3A_33, %swap3A_34] : memref<2x1000x128xf32, #tpu.memory_space<vmem>>, vector<1x1000x128xf32>
    %swap3A_36 = vector.shape_cast %swap3A_35 : vector<1x1000x128xf32> to vector<1000x128xf32>
    %swap3A_37 = vector.shape_cast %slice3A_32 : vector<1000x128xf32> to vector<1x1000x128xf32>
    tpu.vector_store %arg6[%swap3A, %swap3A_33, %swap3A_34], %swap3A_37 {strides = array<i32>} : memref<2x1000x128xf32, #tpu.memory_space<vmem>>, vector<1x1000x128xf32>,
    %slice3A_38 = vector.extract_strided_slice %max3A_31 {offsets = [0, 128], sizes = [1000, 128], strides = [1, 1]} : vector<1000x256xf32> to vector<1000x128xf32>
    %swap3A_39 = arith.constant 1 : index
    %swap3A_40 = arith.constant 0 : index
    %swap3A_41 = arith.constant 0 : index
    %swap3A_42 = vector.load %arg6[%swap3A_39, %swap3A_40, %swap3A_41] : memref<2x1000x128xf32, #tpu.memory_space<vmem>>, vector<1x1000x128xf32>
    %swap3A_43 = vector.shape_cast %swap3A_42 : vector<1x1000x128xf32> to vector<1000x128xf32>
    %swap3A_44 = vector.shape_cast %slice3A_38 : vector<1000x128xf32> to vector<1x1000x128xf32>
    tpu.vector_store %arg6[%swap3A_39, %swap3A_40, %swap3A_41], %swap3A_44 {strides = array<i32>} : memref<2x1000x128xf32, #tpu.memory_space<vmem>>, vector<1x1000x128xf32>,
    return
  }
  func.func @transform_0(%arg0: i32) -> (i32, i32, i32) {
    %c0_i32 = arith.constant 0 : i32
    %c0_i32_0 = arith.constant 0 : i32
    %c0_i32_1 = arith.constant 0 : i32
    return %c0_i32, %arg0, %c0_i32_0 : i32, i32, i32
  }
  func.func @transform_1(%arg0: i32) -> (i32, i32) {
    %c0_i32 = arith.constant 0 : i32
    %c0_i32_0 = arith.constant 0 : i32
    return %arg0, %c0_i32 : i32, i32
  }
  func.func @transform_2(%arg0: i32) -> (i32, i32) {
    %c0_i32 = arith.constant 0 : i32
    %c0_i32_0 = arith.constant 0 : i32
    %c0_i32_1 = arith.constant 0 : i32
    return %c0_i32, %c0_i32_0 : i32, i32
  }
  func.func @transform_3(%arg0: i32) -> (i32, i32) {
    %c0_i32 = arith.constant 0 : i32
    %c0_i32_0 = arith.constant 0 : i32
    %c0_i32_1 = arith.constant 0 : i32
    return %c0_i32, %c0_i32_0 : i32, i32
  }
  func.func @transform_4(%arg0: i32) -> (i32, i32) {
    %c0_i32 = arith.constant 0 : i32
    %c0_i32_0 = arith.constant 0 : i32
    %c0_i32_1 = arith.constant 0 : i32
    return %c0_i32, %c0_i32_0 : i32, i32
  }
  func.func @transform_5(%arg0: i32) -> (i32, i32, i32) {
    %c0_i32 = arith.constant 0 : i32
    %c0_i32_0 = arith.constant 0 : i32
    %c0_i32_1 = arith.constant 0 : i32
    return %c0_i32, %arg0, %c0_i32_0 : i32, i32, i32
  }
}

module attributes {stable_mosaic.version = 14 : i64} {
  func.func @_layer2_body(%arg0: i32, %arg1: memref<2x1000x128xf32, #tpu.memory_space<vmem>>, %arg2: memref<2x1000x128xf32, #tpu.memory_space<vmem>>, %arg3: memref<256x256xf32, #tpu.memory_space<vmem>>, %arg4: memref<256x256xf32, #tpu.memory_space<vmem>>, %arg5: memref<1x256xf32, #tpu.memory_space<vmem>>, %arg6: memref<1000x256xf32, #tpu.memory_space<vmem>>) attributes {dimension_semantics = [#tpu.dimension_semantics<arbitrary>], iteration_bounds = array<i64: 10>, scalar_prefetch = 0 : i64, scratch_operands = 0 : i64, tpu.core_type = #tpu.core_type<tc>, window_params = [{transform_indices = @transform_0, window_bounds = array<i64: 2, 1000, 128>}, {transform_indices = @transform_1, window_bounds = array<i64: 2, 1000, 128>}, {pipeline_mode = #tpu.pipeline_mode<synchronous>, transform_indices = @transform_2, window_bounds = array<i64: 256, 256>}, {pipeline_mode = #tpu.pipeline_mode<synchronous>, transform_indices = @transform_3, window_bounds = array<i64: 256, 256>}, {pipeline_mode = #tpu.pipeline_mode<synchronous>, transform_indices = @transform_4, window_bounds = array<i64: 1, 256>}, {transform_indices = @transform_5, window_bounds = array<i64: 1000, 256>}]} {
    %get3A = arith.constant 0 : index
    %get3A_0 = arith.constant 0 : index
    %get3A_1 = vector.load %arg3[%get3A, %get3A_0] : memref<256x256xf32, #tpu.memory_space<vmem>>, vector<256x256xf32>
    %get3A_2 = arith.constant 0 : index
    %get3A_3 = arith.constant 0 : index
    %get3A_4 = vector.load %arg4[%get3A_2, %get3A_3] : memref<256x256xf32, #tpu.memory_space<vmem>>, vector<256x256xf32>
    %get3A_5 = arith.constant 0 : index
    %get3A_6 = arith.constant 0 : index
    %get3A_7 = arith.constant 0 : index
    %get3A_8 = vector.load %arg1[%get3A_5, %get3A_6, %get3A_7] : memref<2x1000x128xf32, #tpu.memory_space<vmem>>, vector<1x1000x128xf32>
    %get3A_9 = vector.shape_cast %get3A_8 : vector<1x1000x128xf32> to vector<1000x128xf32>
    %slice3A = vector.extract_strided_slice %get3A_1 {offsets = [0, 0], sizes = [128, 256], strides = [1, 1]} : vector<256x256xf32> to vector<128x256xf32>
    %dot_general3A = arith.constant dense<0.000000e+00> : vector<1000x256xf32>
    %dot_general3A_10 = tpu.matmul %get3A_9, %slice3A, %dot_general3A {dimension_numbers = #tpu.dot_dimension_numbers<[1], [0], [0], [1], [0, 0, 1, 1], [], []>, transpose_lhs_hint = false} : vector<1000x128xf32>, vector<128x256xf32>, vector<1000x256xf32> -> vector<1000x256xf32>
    %get3A_11 = arith.constant 1 : index
    %get3A_12 = arith.constant 0 : index
    %get3A_13 = arith.constant 0 : index
    %get3A_14 = vector.load %arg1[%get3A_11, %get3A_12, %get3A_13] : memref<2x1000x128xf32, #tpu.memory_space<vmem>>, vector<1x1000x128xf32>
    %get3A_15 = vector.shape_cast %get3A_14 : vector<1x1000x128xf32> to vector<1000x128xf32>
    %slice3A_16 = vector.extract_strided_slice %get3A_1 {offsets = [128, 0], sizes = [128, 256], strides = [1, 1]} : vector<256x256xf32> to vector<128x256xf32>
    %dot_general3A_17 = arith.constant dense<0.000000e+00> : vector<1000x256xf32>
    %dot_general3A_18 = tpu.matmul %get3A_15, %slice3A_16, %dot_general3A_17 {dimension_numbers = #tpu.dot_dimension_numbers<[1], [0], [0], [1], [0, 0, 1, 1], [], []>, transpose_lhs_hint = false} : vector<1000x128xf32>, vector<128x256xf32>, vector<1000x256xf32> -> vector<1000x256xf32>
    %add3A = arith.addf %dot_general3A_10, %dot_general3A_18 : vector<1000x256xf32>
    %get3A_19 = arith.constant 0 : index
    %get3A_20 = arith.constant 0 : index
    %get3A_21 = arith.constant 0 : index
    %get3A_22 = vector.load %arg2[%get3A_19, %get3A_20, %get3A_21] : memref<2x1000x128xf32, #tpu.memory_space<vmem>>, vector<1x1000x128xf32>
    %get3A_23 = vector.shape_cast %get3A_22 : vector<1x1000x128xf32> to vector<1000x128xf32>
    %slice3A_24 = vector.extract_strided_slice %get3A_4 {offsets = [0, 0], sizes = [128, 256], strides = [1, 1]} : vector<256x256xf32> to vector<128x256xf32>
    %dot_general3A_25 = arith.constant dense<0.000000e+00> : vector<1000x256xf32>
    %dot_general3A_26 = tpu.matmul %get3A_23, %slice3A_24, %dot_general3A_25 {dimension_numbers = #tpu.dot_dimension_numbers<[1], [0], [0], [1], [0, 0, 1, 1], [], []>, transpose_lhs_hint = false} : vector<1000x128xf32>, vector<128x256xf32>, vector<1000x256xf32> -> vector<1000x256xf32>
    %add3A_27 = arith.addf %add3A, %dot_general3A_26 : vector<1000x256xf32>
    %get3A_28 = arith.constant 1 : index
    %get3A_29 = arith.constant 0 : index
    %get3A_30 = arith.constant 0 : index
    %get3A_31 = vector.load %arg2[%get3A_28, %get3A_29, %get3A_30] : memref<2x1000x128xf32, #tpu.memory_space<vmem>>, vector<1x1000x128xf32>
    %get3A_32 = vector.shape_cast %get3A_31 : vector<1x1000x128xf32> to vector<1000x128xf32>
    %slice3A_33 = vector.extract_strided_slice %get3A_4 {offsets = [128, 0], sizes = [128, 256], strides = [1, 1]} : vector<256x256xf32> to vector<128x256xf32>
    %dot_general3A_34 = arith.constant dense<0.000000e+00> : vector<1000x256xf32>
    %dot_general3A_35 = tpu.matmul %get3A_32, %slice3A_33, %dot_general3A_34 {dimension_numbers = #tpu.dot_dimension_numbers<[1], [0], [0], [1], [0, 0, 1, 1], [], []>, transpose_lhs_hint = false} : vector<1000x128xf32>, vector<128x256xf32>, vector<1000x256xf32> -> vector<1000x256xf32>
    %add3A_36 = arith.addf %add3A_27, %dot_general3A_35 : vector<1000x256xf32>
    %get3A_37 = arith.constant 0 : index
    %get3A_38 = arith.constant 0 : index
    %get3A_39 = vector.load %arg5[%get3A_37, %get3A_38] : memref<1x256xf32, #tpu.memory_space<vmem>>, vector<1x256xf32>
    %add3A_40 = vector.broadcast %get3A_39 : vector<1x256xf32> to vector<1000x256xf32>
    %add3A_41 = arith.addf %add3A_36, %add3A_40 : vector<1000x256xf32>
    %swap3A = arith.constant 0 : index
    %swap3A_42 = arith.constant 0 : index
    %swap3A_43 = vector.load %arg6[%swap3A, %swap3A_42] : memref<1000x256xf32, #tpu.memory_space<vmem>>, vector<1000x256xf32>
    tpu.vector_store %arg6[%swap3A, %swap3A_42], %add3A_41 {strides = array<i32>} : memref<1000x256xf32, #tpu.memory_space<vmem>>, vector<1000x256xf32>,
    return
  }
  func.func @transform_0(%arg0: i32) -> (i32, i32, i32) {
    %c0_i32 = arith.constant 0 : i32
    %c0_i32_0 = arith.constant 0 : i32
    %c0_i32_1 = arith.constant 0 : i32
    return %c0_i32, %arg0, %c0_i32_0 : i32, i32, i32
  }
  func.func @transform_1(%arg0: i32) -> (i32, i32, i32) {
    %c0_i32 = arith.constant 0 : i32
    %c0_i32_0 = arith.constant 0 : i32
    %c0_i32_1 = arith.constant 0 : i32
    return %c0_i32, %arg0, %c0_i32_0 : i32, i32, i32
  }
  func.func @transform_2(%arg0: i32) -> (i32, i32) {
    %c0_i32 = arith.constant 0 : i32
    %c0_i32_0 = arith.constant 0 : i32
    %c0_i32_1 = arith.constant 0 : i32
    return %c0_i32, %c0_i32_0 : i32, i32
  }
  func.func @transform_3(%arg0: i32) -> (i32, i32) {
    %c0_i32 = arith.constant 0 : i32
    %c0_i32_0 = arith.constant 0 : i32
    %c0_i32_1 = arith.constant 0 : i32
    return %c0_i32, %c0_i32_0 : i32, i32
  }
  func.func @transform_4(%arg0: i32) -> (i32, i32) {
    %c0_i32 = arith.constant 0 : i32
    %c0_i32_0 = arith.constant 0 : i32
    %c0_i32_1 = arith.constant 0 : i32
    return %c0_i32, %c0_i32_0 : i32, i32
  }
  func.func @transform_5(%arg0: i32) -> (i32, i32) {
    %c0_i32 = arith.constant 0 : i32
    %c0_i32_0 = arith.constant 0 : i32
    return %arg0, %c0_i32 : i32, i32
  }
}

</mosaic_0001>

<sc_bundles>
// kernel: kernel.6.cloned.1.call-start
scs
__scs_entry_jumppad:
0x0: {  	(pc) =	sbr.rel $0x88, $3  }
0x1: {  	(tag) =	ssettag $0x0;
	lr =	simm.s32 $0x1  }
0x2: {  	[smem:$0x3F99] =	sst lr;
	_ =	strace $0xD0000000  }
0x3: {  	_ = 	snop  }
0x4: {  	_ = 	snop  }
0x5: {  	_ = 	snop  }
0x6: {  	_ = 	snop  }
0x7: {  	_ = 	snop  }
__scs_overlays_trampoline_lowered:
0x8: {  	[smem:$0x3FA8] =	sst s0  }
0x9: {  	[smem:$0x3FA9] =	sst s1  }
0xa: {  	[smem:$0x3FAA] =	sst s2  }
0xb: {  	[smem:$0x3FAB] =	sst s3  }
0xc: {  	[smem:$0x3FAC] =	sst s4  }
0xd: {  	[smem:$0x3FAD] =	sst s5  }
0xe: {  	[smem:$0x3FAE] =	sst s6  }
0xf: {  	[smem:$0x3FAF] =	sst s7  }
0x10: {  	[smem:$0x3FB0] =	sst s8  }
0x11: {  	[smem:$0x3FB1] =	sst s9;
	s0 =	simm.s32 @!p0 $0x0  }
0x12: {  	s1 =	sld [smem:$0x3F97];
	s0 =	simm.s32 @p0 $0x1  }
0x13: {  	[smem:$0x3FB2] =	sst s0;
	s0 =	simm.s32 @!p1 $0x0  }
0x14: {  	s2 =	sld [smem:$0x3F96];
	s0 =	simm.s32 @p1 $0x1  }
0x15: {  	[smem:$0x3FB3] =	sst s0;
	s0 =	simm.s32 @!p2 $0x0  }
0x16: {  	s3 =	sld [smem:$0x3FDB];
	s0 =	simm.s32 @p2 $0x1  }
0x17: {  	s4 =	simm.s32 $0x1BF5;
	[smem:$0x3FB5] =	sst s0  }
0x18: {  	s0 =	sld [smem:$0x3F98];
	_ =	swait.ge [sflag:s4], $0x0  }
0x19: {  	s7 =	sld [smem:$0x3F99]  }
0x1a: {  	s8 =	sadd.s32 $0xFFFFE003, lr  }
0x1b: {  	s9 =	sadd.s32 $0xFFFFFEF7, lr;
	s5 =	simm.s32 $0xFFFFFFFF;
	p2 =	slt.u32 s8, $0xFFFFF086  }
0x1c: {  	p1 =	slt.u32 s9, $0xF7A;
	s5 =	simm.s32 @!p2 $0x0  }
0x1d: {  	s5 =	simm.s32 @p1 $0x1;
	p0 =	seq.s32 s7, s2  }
0x1e: {  	s7 =	smul.u32 @!p0 $0xF7A, s2;
	p2 =	seq.s32 @!p0 s5, $0x0  }
0x1f: {  	s9 =	smul.u32 $0xF7A, s1;
	s8 =	simm.s32 @!p0 $0x1BF5;
	p2 =	por !p2, p0  }
0x20: {  	[sflag:s8] =	ssyncset.s32 @!p0 $0xFFFFF086;
	s6 =	sadd.s32 @!p0 s3, s7;
	s7 =	simm.s32 @!p0 $0x108  }
0x21: {  	s3 =	sadd.s32 s3, s9;
	s6 =	sadd.s32 @!p0 $0x88, s6;
	s7 =	simm.s32 @p2 $0x1082  }
0x22: {  	[simem:s7], [sflag:s8] =	dma.local @!p0 [hbm:s6], $0xF7A  }
0x23: {  	s9 =	sor.u32 $0xD0000000, s2;
	s6 =	simm.s32 $0x108;
	_ =	swait.ge @!p0 [sflag:s8], $0x0  }
0x24: {  	s3 =	sadd.s32 $0x88, s3;
	s6 =	simm.s32 @!p1 $0x1082;
	[sflag:s4] =	ssyncset.s32 $0xFFFFF086  }
0x25: {  	[simem:s6], [sflag:s4] =	dma.local [hbm:s3], $0xF7A  }
0x26: {  	[smem:$0x3F99] =	sst s1;
	(tag) =	ssettag s2;
	_ =	strace s9  }
0x27: {  	s1 =	sld [smem:$0x3FA9]  }
0x28: {  	s2 =	sld [smem:$0x3FAA]  }
0x29: {  	s4 =	sld [smem:$0x3FAC]  }
0x2a: {  	p0 =	seq.s32 s5, $0x0;
	s5 =	sld [smem:$0x3FAD]  }
0x2b: {  	s6 =	sld [smem:$0x3FAE]  }
0x2c: {  	s7 =	sld [smem:$0x3FAF]  }
0x2d: {  	s3 =	simm.s32 $0x108;
	s8 =	sld [smem:$0x3FB0]  }
0x2e: {  	s3 =	simm.s32 @!p0 $0x1082;
	s9 =	sld [smem:$0x3FB1]  }
0x2f: {  	lr =	sadd.s32 s0, s3;
	s0 =	sld [smem:$0x3FA8]  }
0x30: {  	s3 =	sld [smem:$0x3FAB]  }
0x31: {  	[smem:$0x3FB4] =	sst s10  }
0x32: {  	s10 =	sld [smem:$0x3FB2];
	_ =	sdelay $0x3  }
0x33: {  	p0 =	seq.s32 s10, $0x1;
	s10 =	sld [smem:$0x3FB4];
	_ =	sdelay $0x3  }
0x34: {  	[smem:$0x3FB4] =	sst s10  }
0x35: {  	s10 =	sld [smem:$0x3FB3];
	_ =	sdelay $0x3  }
0x36: {  	p1 =	seq.s32 s10, $0x1;
	s10 =	sld [smem:$0x3FB4];
	_ =	sdelay $0x3  }
0x37: {  	[smem:$0x3FB4] =	sst s10  }
0x38: {  	s10 =	sld [smem:$0x3FB5]  }
0x39: {  	_ = 	snop;
	(pc) =	sbr.ind lr, $3  }
0x3a: {  	_ = 	snop  }
0x3b: {  	_ = 	snop  }
0x3c: {  	p2 =	seq.s32 s10, $0x1;
	s10 =	sld [smem:$0x3FB4]  }
0x3d: {  	_ =	shalt  }
0x3e: {  	_ =	shalt  }
0x3f: {  	_ =	shalt  }
0x40: {  	_ =	shalt  }
0x41: {  	_ =	shalt  }
0x42: {  	_ =	shalt  }
0x43: {  	_ =	shalt  }
0x44: {  	_ =	shalt  }
0x45: {  	_ =	shalt  }
0x46: {  	_ =	shalt  }
0x47: {  	_ =	shalt  }
0x48: {  	_ =	shalt  }
0x49: {  	_ =	shalt  }
0x4a: {  	_ =	shalt  }
0x4b: {  	_ =	shalt  }
0x4c: {  	_ =	shalt  }
0x4d: {  	_ =	shalt  }
0x4e: {  	_ =	shalt  }
0x4f: {  	_ =	shalt  }
0x50: {  	_ =	shalt  }
0x51: {  	_ =	shalt  }
0x52: {  	_ =	shalt  }
0x53: {  	_ =	shalt  }
0x54: {  	_ =	shalt  }
0x55: {  	_ =	shalt  }
0x56: {  	_ =	shalt  }
0x57: {  	_ =	shalt  }
0x58: {  	_ =	shalt  }
0x59: {  	_ =	shalt  }
0x5a: {  	_ =	shalt  }
0x5b: {  	_ =	shalt  }
0x5c: {  	_ =	shalt  }
0x5d: {  	_ =	shalt  }
0x5e: {  	_ =	shalt  }
0x5f: {  	_ =	shalt  }
0x60: {  	_ =	shalt  }
0x61: {  	_ =	shalt  }
0x62: {  	_ =	shalt  }
0x63: {  	_ =	shalt  }
0x64: {  	_ =	shalt  }
0x65: {  	_ =	shalt  }
0x66: {  	_ =	shalt  }
0x67: {  	_ =	shalt  }
0x68: {  	_ =	shalt  }
0x69: {  	_ =	shalt  }
0x6a: {  	_ =	shalt  }
0x6b: {  	_ =	shalt  }
0x6c: {  	_ =	shalt  }
0x6d: {  	_ =	shalt  }
0x6e: {  	_ =	shalt  }
0x6f: {  	_ =	shalt  }
0x70: {  	_ =	shalt  }
0x71: {  	_ =	shalt  }
0x72: {  	_ =	shalt  }
0x73: {  	_ =	shalt  }
0x74: {  	_ =	shalt  }
0x75: {  	_ =	shalt  }
0x76: {  	_ =	shalt  }
0x77: {  	_ =	shalt  }
0x78: {  	_ =	shalt  }
0x79: {  	_ =	shalt  }
0x7a: {  	_ =	shalt  }
0x7b: {  	_ =	shalt  }
0x7c: {  	_ =	shalt  }
0x7d: {  	_ =	shalt  }
0x7e: {  	_ =	shalt  }
0x7f: {  	_ =	shalt  }
0x80: {  	_ =	shalt  }
0x81: {  	_ =	shalt  }
0x82: {  	_ =	shalt  }
0x83: {  	_ =	shalt  }
0x84: {  	_ =	shalt  }
0x85: {  	_ =	shalt  }
0x86: {  	_ =	shalt  }
0x87: {  	_ =	shalt  }
.Lfunc_end0:
.L_simem_size_0:
called_computation_lowered:
.L_overlay_start_0:
0x88: {  	s2 =	sld [smem:$0x3FD9]  }
0x89: {  	s3 =	sld [smem:$0x3FFE];
	_ =	sdelay $0x1  }
0x8a: {  	s1 =	srdreg.scid  }
0x8b: {  	s0 =	sand.u32 $0x1, s1  }
0x8c: {  	s17 =	sshll.u32 s0, $0xA;
	s2 =	sadd.s32 s3, s2  }
0x8d: {  	s2 =	sadd.s32 s2, s17  }
0x8e: {  	[smem:$0x3FC0] =	sst s2  }
0x8f: {  	_ = 	snop  }
0x90: {  	s2 =	sld [smem:$0x3FD0];
	(tm) =	ssettm $0x1  }
0x91: {  	s18 =	sld [smem:$0x3FFB];
	_ =	sdelay $0x3  }
0x92: {  	_ =	strace s18  }
0x93: {  	s3 =	sld [smem:$0x3FFC];
	_ =	sdelay $0x3  }
0x94: {  	_ =	strace s3  }
0x95: {  	s3 =	sld [smem:$0x3FFD];
	_ =	sdelay $0x3  }
0x96: {  	_ =	strace s3  }
0x97: {  	_ =	strace $0x8FFFFFFF  }
0x98: {  	s19 =	sld [smem:$0x3FDB];
	_ =	sdelay $0x1  }
0x99: {  	s4 =	simm.s32 $_scs_section_size  }
0x9a: {  	s5 =	simm.s32 $_size__tile_overlayer_lowered;
	s6 =	simm.s32 $_tile_overlayer_lowered  }
0x9b: {  	s22 =	simm.s32 $0x1BFF;
	s21 =	sshll.u32 s6, $0x1;
	s3 =	sadd.s32 s4, s19  }
0x9c: {  	s7 =	simm.s32 $0x0;
	s20 =	sshll.u32 s5, $0x1;
	s5 =	sadd.s32 s21, s3  }
0x9d: {  	[timem:s7], [sflag:s22] =	dma.local [hbm:s5], s20  }
0x9e: {  	_ =	swait.ge [sflag:s22], s20  }
0x9f: {  	s4 =	ssub.s32 $0x0, s20;
	[sflag:s22] =	ssyncset.done $0x0  }
0xa0: {  	[sflag:s22] =	ssyncadd.s32 s4;
	_ =	sdelay $0x1  }
0xa1: {  	s23 =	simm.s32 $0x1B8B  }
0xa2: {  	_ =	swait.ge [sflag:s23], $0x1  }
0xa3: {  	[sflag:s23] =	ssyncset.done $0x0  }
0xa4: {  	s25 =	simm.s32 $0x1B8E;
	s24 =	sld [smem:$0x3FFE];
	[sflag:s23] =	ssyncadd.s32 $0xFFFFFFFF  }
0xa5: {  	s26 =	simm.s32 $execute0_lowered;
	[smem:$0x3FD2] =	sst s25  }
0xa6: {  	s5 =	sshll.u32 s26, $0x1;
	_ =	strace $0x80000046;
	[dreg:$0x1] =	wrdreg $0xFFFFFFFF  }
0xa7: {  	s28 =	simm.s32 $_size_execute0_lowered;
	s3 =	sadd.s32 s3, s5;
	[dreg:$0x0] =	wrdreg $0x0  }
0xa8: {  	s5 =	sshll.u32 s28, $0x1;
	[dreg:$0x2] =	wrdreg s3  }
0xa9: {  	[dreg:$0x3] =	wrdreg s5  }
0xaa: {  	[dreg:$0x4] =	wrdreg $0xC0  }
0xab: {  	_ =	task [dreg:s7], $0x5FFFF  }
0xac: {  	[dreg:$0x1] =	wrdreg $0xFFFFFFFF  }
0xad: {  	[dreg:$0x0] =	wrdreg $0x60  }
0xae: {  	[dreg:$0x2] =	wrdreg s2  }
0xaf: {  	[dreg:$0x3] =	wrdreg s24  }
0xb0: {  	[dreg:$0x4] =	wrdreg $0xB9800  }
0xb1: {  	[dreg:$0x5] =	wrdreg $0x9  }
0xb2: {  	_ =	task.clear_ibuf [dreg:s7], $0x6FFFF;
	_ =	strace $0x90000046  }
0xb3: {  	s29 =	simm.s32 $0x9;
	_ =	strace $0x80000048  }
0xb4: {  	_ =	swait.ge [sflag:s29], $0x1  }
0xb5: {  	[sflag:s29] =	ssyncadd.s32 $0xFFFFFFFF  }
0xb6: {  	_ =	strace $0x90000048  }
0xb7: {  	_ =	sfence  }
0xb8: {  	s30 =	sld [smem:$0x0];
	_ =	sdelay $0x2  }
0xb9: {  	s31 =	sshll.u32 s1, $0xD;
	s1 =	sshrl.u32 s1, $0x2  }
0xba: {  	s3 =	sand.u32 $0x4000, s31;
	s1 =	sadd.s32 s1, s30  }
0xbb: {  	s0 =	sor.u32 s3, s0;
	s1 =	sshll.u32 s1, $0x11  }
0xbc: {  	s0 =	sor.u32 s1, s0  }
0xbd: {  	s0 =	sadd.s32 $0x8F2B, s0  }
0xbe: {  	[sflag:s0] =	ssyncadd.remote.s32 $0x1  }
0xbf: {  	_ =	sfence.sel $0xFFFF  }
0xc0: {  	[dreg:$0x0] =	wrdreg $0xFFFFFFFF;
	(pc) =	sbr.abs _section_cstart, $3  }
0xc1: {  	[dreg:$0x1] =	wrdreg $0xFFFFFFFF  }
0xc2: {  	_ =	task.clear_ibuf [dreg:s7], $0x2FFFF;
	_ =	strace $0x9FFFFFFF  }
0xc3: {  	(tm) =	ssettm $0x7FFFFFFF  }
tec
execute0_lowered:
.L_overlay_start_1:
0x0: {  	(tag) =	ssettag $0x1  }
0x1: {  	s1 =	rddreg [dreg:$0x0]  }
0x2: {  	s0 =	rddreg [dreg:$0x1]  }
0x3: {  	s2 =	rddreg [dreg:$0x2];
	s4 =	simm.s32 $0x0;
	s3 =	srdreg.scid  }
0x4: {  	s18 =	stileid.u32;
	s28 =	simm.s32 $0x4180;
	s29 =	simm.s32 $0xA  }
0x5: {  	s30 =	simm.s32 $0x4000;
	s31 =	simm.s32 $0x4080;
	[smem:$0x7FF] =	sst s4  }
0x6: {  	s14 =	sand.u32 $0x1, s3;
	s5 =	smul.u32 $0x14000, s18;
	s6 =	sadd.s32 $0x11E00, s0  }
0x7: {  	s8 =	smul.u32 $0x50000, s18;
	_ =	strace $0x80000047;
	s3 =	ssub.s32 $0x2, s14  }
0x8: {  	s9 =	smul.u32 $0x140000, s14;
	v0 =	vmov s14;
	s14 =	simm.s32 $0x6;
	s7 =	sshrl.u32 s3, $0x1  }
0x9: {  	s10 =	sadd.s32 $0x5000, s5;
	s11 =	sadd.s32 $0x7800, s5;
	s12 =	sadd.s32 $0xA000, s5  }
0xa: {  	s15 =	sadd.s32 $0xC800, s5;
	s16 =	sadd.s32 $0xF000, s5;
	s8 =	sshrl.u32 s8, $0x2  }
0xb: {  	s3 =	ssub.s32 s3, s7;
	s7 =	sor.u32 $0x2800, s5;
	s13 =	sadd.s32 s5, s9  }
0xc: {  	s5 =	sadd.s32 $0x11800, s5;
	s24 =	sadd.s32 s9, s10;
	s26 =	sadd.s32 s9, s11  }
0xd: {  	s19 =	sadd.s32 s9, s12;
	s21 =	sadd.s32 s9, s15;
	s11 =	sadd.s32 s11, s2  }
0xe: {  	s13 =	sshrl.u32 s13, $0x3;
	s17 =	sadd.s32 s9, s7;
	s25 =	sshrl.u32 s24, $0x3  }
0xf: {  	s20 =	sshrl.u32 s19, $0x3;
	s22 =	sshrl.u32 s21, $0x3;
	s19 =	sadd.s32 s8, s2  }
0x10: {  	s21 =	sadd.s32 s10, s2;
	[dreg:$0x10] =	wrdreg s11;
	s3 =	smax.u32 s3, $0x1  }
0x11: {  	s8 =	simm.s32 $0x4100;
	s10 =	simm.s32 $0x9180;
	[dreg:$0x17] =	wrdreg s3  }
0x12: {  	s11 =	simm.s32 $0x7;
	s13 =	sadd.s32 s6, s13;
	[dreg:$0xd] =	wrdreg s19  }
0x13: {  	s23 =	sshrl.u32 s17, $0x3;
	s17 =	sshrl.u32 s26, $0x3;
	[dreg:$0xf] =	wrdreg s21  }
0x14: {  	s3 =	simm.s32 $0x28;
	[dreg:$0x5] =	wrdreg s13;
	s13 =	sadd.s32 s6, s23  }
0x15: {  	s23 =	sadd.s32 s9, s16;
	[dreg:$0x6] =	wrdreg s13;
	s13 =	sadd.s32 s6, s25  }
0x16: {  	s9 =	sadd.s32 s9, s5;
	s25 =	simm.s32 $0xA580;
	[dreg:$0x7] =	wrdreg s13  }
0x17: {  	s24 =	sshrl.u32 s23, $0x3;
	s23 =	sadd.s32 s16, s2;
	[dreg:$0x4] =	wrdreg s25  }
0x18: {  	s9 =	sshrl.u32 s9, $0x3;
	s13 =	sadd.s32 s6, s17;
	[dreg:$0x13] =	wrdreg s23  }
0x19: {  	s17 =	sadd.s32 s12, s2;
	s12 =	simm.s32 $0x50;
	[dreg:$0x8] =	wrdreg s13  }
0x1a: {  	s23 =	simm.s32 $0x5;
	s13 =	sadd.s32 s6, s20;
	[dreg:$0x11] =	wrdreg s17  }
0x1b: {  	s20 =	sadd.s32 s7, s2;
	s7 =	simm.s32 $0x7D80;
	[dreg:$0x9] =	wrdreg s13  }
0x1c: {  	s17 =	simm.s32 $0x0;
	s13 =	sadd.s32 s6, s22;
	[dreg:$0xe] =	wrdreg s20  }
0x1d: {  	s22 =	sadd.s32 s15, s2;
	s15 =	simm.s32 $0x9;
	[dreg:$0xa] =	wrdreg s13  }
0x1e: {  	s13 =	sadd.s32 s6, s24;
	s6 =	sadd.s32 s6, s9;
	[dreg:$0x12] =	wrdreg s22  }
0x1f: {  	s24 =	sadd.s32 s5, s2;
	s5 =	simm.s32 $0x5580;
	s9 =	simm.s32 $0x2  }
0x20: {  	s22 =	simm.s32 $0x3;
	[dreg:$0xc] =	wrdreg s6;
	s6 =	sshll.u32 s18, $0xB  }
0x21: {  	[dreg:$0xb] =	wrdreg s13;
	s13 =	sadd.s32 $0x1E00, s0;
	s26 =	sadd.s32 s6, s0  }
0x22: {  	[dreg:$0x14] =	wrdreg s24;
	s24 =	simm.s32 $0x4;
	s25 =	sadd.s32 $0x9E00, s26  }
0x23: {  	s26 =	sadd.s32 s13, s6;
	s6 =	simm.s32 $0x6980;
	[dreg:$0x15] =	wrdreg s25  }
0x24: {  	s25 =	sshll.u32 s18, $0xE;
	[dreg:$0x16] =	wrdreg s26;
	s0 =	sadd.s32 $0x10, s26  }
0x25: {  	v1 =	vimm.f32 $0.0e+00;
	s26 =	simm.s32 $0x8;
	[dreg:$0x18] =	wrdreg s0;
	s0 =	simm.s32 $0x1  }
.LBB2_1:
0x26: {  	[dreg:$0x19] =	wrdreg s17;
	s17 =	simm.s32 $0x0;
	s18 =	simm.s32 $0x200  }
.LBB2_2:
0x27: {  	p0 =	sne.s32 s18, $0x9E00;
	[tilespmem:s17+$0x41F0] =	vst v1  }
0x28: {  	[tilespmem:s17+$0x4180] =	vst v1  }
0x29: {  	[tilespmem:s17+$0x4190] =	vst v1  }
.Ltmp0:
0x2a: {  	[tilespmem:s17+$0x41A0] =	vst v1;
	(pc) =	sbr.rel @p0 .LBB2_2-.Ltmp0, $4  }
0x2b: {  	[tilespmem:s17+$0x41B0] =	vst v1  }
0x2c: {  	[tilespmem:s17+$0x41C0] =	vst v1  }
0x2d: {  	[tilespmem:s17+$0x41D0] =	vst v1  }
0x2e: {  	[tilespmem:s17+$0x41E0] =	vst v1;
	s17 =	sshra.s32 s18, $0x2;
	s18 =	sadd.s32 $0x200, s18  }
0x2f: {  	[tilespmem:s17+$0x41F0] =	vst v1  }
0x30: {  	[tilespmem:s17+$0x4180] =	vst v1  }
0x31: {  	[tilespmem:s17+$0x4190] =	vst v1  }
0x32: {  	[tilespmem:s17+$0x41A0] =	vst v1  }
0x33: {  	[tilespmem:s17+$0x41B0] =	vst v1  }
0x34: {  	[tilespmem:s17+$0x41C0] =	vst v1  }
0x35: {  	[tilespmem:s17+$0x41D0] =	vst v1  }
0x36: {  	[tilespmem:s17+$0x41E0] =	vst v1  }
0x37: {  	[spmem:s19] =	stream.linear.scatter [tilespmem:s28], [sflag:$0x1], $0x2800, $0x38;
	[tilespmem:$0x1F980] =	vst v63  }
0x38: {  	_ = 	snop  }
0x39: {  	[spmem:s20] =	stream.linear.scatter [tilespmem:s28], [sflag:$0x1], $0x2800, $0x38;
	[tilespmem:$0x1F980] =	vst v63  }
0x3a: {  	_ = 	snop  }
0x3b: {  	[spmem:s21] =	stream.linear.scatter [tilespmem:s28], [sflag:$0x1], $0x2800, $0x38;
	[tilespmem:$0x1F980] =	vst v63  }
0x3c: {  	s16 =	rddreg [dreg:$0x10]  }
0x3d: {  	[spmem:s16] =	stream.linear.scatter [tilespmem:s28], [sflag:$0x1], $0x2800, $0x38;
	[tilespmem:$0x1F980] =	vst v63  }
0x3e: {  	s19 =	rddreg [dreg:$0x11]  }
0x3f: {  	[spmem:s19] =	stream.linear.scatter [tilespmem:s28], [sflag:$0x1], $0x2800, $0x38;
	[tilespmem:$0x1F980] =	vst v63  }
0x40: {  	s20 =	rddreg [dreg:$0x12]  }
0x41: {  	[spmem:s20] =	stream.linear.scatter [tilespmem:s28], [sflag:$0x1], $0x2800, $0x38;
	[tilespmem:$0x1F980] =	vst v63  }
0x42: {  	s21 =	rddreg [dreg:$0x13]  }
0x43: {  	[spmem:s21] =	stream.linear.scatter [tilespmem:s28], [sflag:$0x1], $0x2800, $0x38;
	[tilespmem:$0x1F980] =	vst v63  }
0x44: {  	s17 =	rddreg [dreg:$0x14]  }
0x45: {  	[spmem:s17] =	stream.linear.scatter [tilespmem:s28], [sflag:$0x1], $0x2800, $0x38;
	[tilespmem:$0x1F980] =	vst v63  }
0x46: {  	s18 =	simm.s32 $0x0;
	s19 =	rddreg [dreg:$0x15]  }
0x47: {  	[tilespmem:s18], [sflag:$0xA] =	stream.linear.gather [hbm4b:s19+s18], $0x3E80, $0x38;
	[tilespmem:$0x1F980] =	vst v63  }
0x48: {  	_ =	swait.ge [sflag:s29], $0x3E80  }
0x49: {  	[sflag:s29] =	ssyncset.done $0x0  }
0x4a: {  	s20 =	rddreg [dreg:$0x16];
	[sflag:s29] =	ssyncadd.s32 $0xFFFFC180  }
0x4b: {  	[tilespmem:s30], [sflag:$0x7] =	stream.linear.gather [hbm4b:s20+s18], $0x80, $0x38;
	[tilespmem:$0x1F980] =	vst v63  }
0x4c: {  	s17 =	simm.s32 $0x0;
	s21 =	rddreg [dreg:$0x18]  }
0x4d: {  	[tilespmem:s31], [sflag:$0x8] =	stream.linear.gather [hbm4b:s21+s18], $0x80, $0x38;
	[tilespmem:$0x1F980] =	vst v63  }
0x4e: {  	v4 =	vld [tilespmem:s17+$0x0]  }
0x4f: {  	v5 =	vld [tilespmem:s17+$0x10]  }
0x50: {  	v3 =	vld [tilespmem:s17+$0x20]  }
0x51: {  	s18 =	simm.s32 $0x200;
	v2 =	vld [tilespmem:s17+$0x30]  }
.LBB2_4:
0x52: {  	p0 =	sne.s32 s18, $0xF800;
	v6 =	vld [tilespmem:s17+$0x40]  }
0x53: {  	v4 =	vshll.u32 v4, $0x1  }
0x54: {  	v4 =	vor.u32 v0, v4;
	v5 =	vshll.u32 v5, $0x1  }
.Ltmp1:
0x55: {  	s19 =	sshra.s32 s18, $0x2;
	[tilespmem:s17+$0x0] =	vst v4;
	v5 =	vor.u32 v0, v5;
	v3 =	vshll.u32 v3, $0x1;
	(pc) =	sbr.rel @p0 .LBB2_4-.Ltmp1, $4  }
0x56: {  	v4 =	vld [tilespmem:s19+$0x0];
	[tilespmem:s17+$0x10] =	vst v5;
	v3 =	vor.u32 v0, v3;
	v2 =	vshll.u32 v2, $0x1  }
0x57: {  	v5 =	vld [tilespmem:s19+$0x10];
	[tilespmem:s17+$0x20] =	vst v3;
	v2 =	vor.u32 v0, v2;
	v6 =	vshll.u32 v6, $0x1  }
0x58: {  	v3 =	vld [tilespmem:s19+$0x20];
	[tilespmem:s17+$0x30] =	vst v2;
	v6 =	vor.u32 v0, v6  }
0x59: {  	s18 =	sadd.s32 $0x200, s18;
	v2 =	vld [tilespmem:s19+$0x30];
	[tilespmem:s17+$0x40] =	vst v6;
	s17 =	smov.u32 s19  }
0x5a: {  	v6 =	vld [tilespmem:s17+$0x40]  }
0x5b: {  	v4 =	vshll.u32 v4, $0x1  }
0x5c: {  	v4 =	vor.u32 v0, v4;
	v5 =	vshll.u32 v5, $0x1  }
0x5d: {  	[tilespmem:s17+$0x0] =	vst v4;
	v63 =	vor.u32 v0, v5;
	v3 =	vshll.u32 v3, $0x1  }
0x5e: {  	[tilespmem:s17+$0x10] =	vst v63;
	v3 =	vor.u32 v0, v3;
	v2 =	vshll.u32 v2, $0x1  }
0x5f: {  	[tilespmem:s17+$0x20] =	vst v3;
	v2 =	vor.u32 v0, v2;
	v3 =	vshll.u32 v6, $0x1  }
0x60: {  	[tilespmem:s17+$0x30] =	vst v2;
	v2 =	vor.u32 v0, v3  }
0x61: {  	[tilespmem:s17+$0x40] =	vst v2  }
0x62: {  	_ =	swait.ge [sflag:s0], $0x2800  }
0x63: {  	[sflag:s0] =	ssyncset.done $0x0  }
0x64: {  	[sflag:s0] =	ssyncadd.s32 $0xFFFFD800  }
0x65: {  	_ =	swait.ge [sflag:s0], $0x2800  }
0x66: {  	[sflag:s0] =	ssyncset.done $0x0  }
0x67: {  	[sflag:s0] =	ssyncadd.s32 $0xFFFFD800  }
0x68: {  	_ =	swait.ge [sflag:s0], $0x2800  }
0x69: {  	[sflag:s0] =	ssyncset.done $0x0  }
0x6a: {  	[sflag:s0] =	ssyncadd.s32 $0xFFFFD800  }
0x6b: {  	_ =	swait.ge [sflag:s0], $0x2800  }
0x6c: {  	[sflag:s0] =	ssyncset.done $0x0  }
0x6d: {  	[sflag:s0] =	ssyncadd.s32 $0xFFFFD800  }
0x6e: {  	_ =	swait.ge [sflag:s0], $0x2800  }
0x6f: {  	[sflag:s0] =	ssyncset.done $0x0  }
0x70: {  	[sflag:s0] =	ssyncadd.s32 $0xFFFFD800  }
0x71: {  	_ =	swait.ge [sflag:s0], $0x2800  }
0x72: {  	[sflag:s0] =	ssyncset.done $0x0  }
0x73: {  	[sflag:s0] =	ssyncadd.s32 $0xFFFFD800  }
0x74: {  	_ =	swait.ge [sflag:s0], $0x2800  }
0x75: {  	[sflag:s0] =	ssyncset.done $0x0  }
0x76: {  	[sflag:s0] =	ssyncadd.s32 $0xFFFFD800  }
0x77: {  	_ =	swait.ge [sflag:s0], $0x2800  }
0x78: {  	[sflag:s0] =	ssyncset.done $0x0  }
0x79: {  	s16 =	simm.s32 $0x0;
	[sflag:s0] =	ssyncadd.s32 $0xFFFFD800  }
0x7a: {  	[tilespmem:s28], [sflag:$0x1] =	stream.indirect.gather [hbm4b:s1+s3], $0x80, s16, s3, $0xb8;
	[tilespmem:$0x1F980] =	vst v63  }
0x7b: {  	_ = 	snop  }
0x7c: {  	[tilespmem:s5], [sflag:$0x2] =	stream.indirect.gather [hbm4b:s1+s3], $0x80, s3, s3, $0xb8;
	[tilespmem:$0x1F980] =	vst v63  }
0x7d: {  	s16 =	simm.s32 $0x80  }
0x7e: {  	[tilespmem:s6], [sflag:$0x3] =	stream.indirect.gather [hbm4b:s1+s3], $0x80, s16, s3, $0xb8;
	[tilespmem:$0x1F980] =	vst v63  }
0x7f: {  	s18 =	simm.s32 $0xA8;
	s19 =	simm.s32 $0x100  }
0x80: {  	[tilespmem:s7], [sflag:$0x4] =	stream.indirect.gather [hbm4b:s1+s3], $0x80, s18, s3, $0xb8;
	[tilespmem:$0x1F980] =	vst v63  }
0x81: {  	s18 =	sand.u32 $0xFC00, s19  }
0x82: {  	s17 =	sand.u32 $0x380, s19;
	s18 =	sadd.s32 s25, s18  }
0x83: {  	s17 =	sor.u32 s17, s18  }
0x84: {  	s17 =	sshrl.u32 s17, $0x3  }
0x85: {  	[bflag:$0x0] =	sbarrier.arrive $0xFFFF;
	s17 =	sadd.s32 s13, s17  }
0x86: {  	[tilespmem:s8], [sflag:$0x9] =	stream.linear.gather [hbm4b:s17+s4], $0x80, $0x38;
	[tilespmem:$0x1F980] =	vst v63  }
0x87: {  	_ =	swait.ge [sflag:s0], $0x1400  }
0x88: {  	[sflag:s0] =	ssyncset.done $0x0  }
0x89: {  	[sflag:s0] =	ssyncadd.s32 $0xFFFFEC00  }
0x8a: {  	_ =	swait.ge [sflag:s9], $0x1400  }
0x8b: {  	[sflag:s9] =	ssyncset.done $0x0  }
0x8c: {  	s20 =	simm.s32 $0x100;
	[sflag:s9] =	ssyncadd.s32 $0xFFFFEC00  }
0x8d: {  	[tilespmem:s10], [sflag:$0x5] =	stream.indirect.gather [hbm4b:s1+s3], $0x80, s20, s3, $0xb8;
	[tilespmem:$0x1F980] =	vst v63  }
0x8e: {  	s16 =	simm.s32 $0x128;
	s21 =	rddreg [dreg:$0x4]  }
0x8f: {  	[tilespmem:s21], [sflag:$0x6] =	stream.indirect.gather [hbm4b:s1+s3], $0x80, s16, s3, $0xb8;
	[tilespmem:$0x1F980] =	vst v63  }
0x90: {  	s19 =	simm.s32 $0x180;
	_ =	swait.ge [sflag:s11], $0x80  }
0x91: {  	s20 =	sand.u32 $0xFC00, s19;
	[sflag:s11] =	ssyncset.done $0x0  }
0x92: {  	s17 =	sand.u32 $0x380, s19;
	s18 =	sadd.s32 s25, s20;
	[sflag:s11] =	ssyncadd.s32 $0xFFFFFF80  }
0x93: {  	[spmem:s2] =	stream.indirect.scatter.add.f32 [tilespmem:s28], [sflag:$0xA], $0x80, s30, s12, $0xb8;
	[tilespmem:$0x1F980] =	vst v63  }
0x94: {  	s17 =	sor.u32 s17, s18;
	_ =	swait.ge [sflag:s29], $0x2800  }
0x95: {  	s17 =	sshrl.u32 s17, $0x3;
	[sflag:s29] =	ssyncset.done $0x0  }
0x96: {  	s17 =	sadd.s32 s13, s17;
	[sflag:s29] =	ssyncadd.s32 $0xFFFFD800  }
0x97: {  	[tilespmem:s30], [sflag:$0x7] =	stream.linear.gather [hbm4b:s17+s4], $0x80, $0x38;
	[tilespmem:$0x1F980] =	vst v63  }
0x98: {  	_ =	swait.ge [sflag:s22], $0x1400  }
0x99: {  	[sflag:s22] =	ssyncset.done $0x0  }
0x9a: {  	[sflag:s22] =	ssyncadd.s32 $0xFFFFEC00  }
0x9b: {  	_ =	swait.ge [sflag:s24], $0x1400  }
0x9c: {  	[sflag:s24] =	ssyncset.done $0x0  }
0x9d: {  	s21 =	simm.s32 $0x180;
	[sflag:s24] =	ssyncadd.s32 $0xFFFFEC00  }
0x9e: {  	[tilespmem:s28], [sflag:$0x1] =	stream.indirect.gather [hbm4b:s1+s3], $0x80, s21, s3, $0xb8;
	[tilespmem:$0x1F980] =	vst v63  }
0x9f: {  	s16 =	simm.s32 $0x1A8  }
0xa0: {  	[tilespmem:s5], [sflag:$0x2] =	stream.indirect.gather [hbm4b:s1+s3], $0x80, s16, s3, $0xb8;
	[tilespmem:$0x1F980] =	vst v63  }
0xa1: {  	s18 =	simm.s32 $0x200;
	_ =	swait.ge [sflag:s26], $0x80  }
0xa2: {  	s19 =	sand.u32 $0xFC00, s18;
	[sflag:s26] =	ssyncset.done $0x0  }
0xa3: {  	s17 =	sand.u32 $0x380, s18;
	s18 =	sadd.s32 s25, s19;
	[sflag:s26] =	ssyncadd.s32 $0xFFFFFF80  }
0xa4: {  	[spmem:s2] =	stream.indirect.scatter.add.f32 [tilespmem:s6], [sflag:$0xA], $0x80, s31, s12, $0xb8;
	[tilespmem:$0x1F980] =	vst v63  }
0xa5: {  	s17 =	sor.u32 s17, s18;
	_ =	swait.ge [sflag:s29], $0x2800  }
0xa6: {  	s17 =	sshrl.u32 s17, $0x3;
	[sflag:s29] =	ssyncset.done $0x0  }
0xa7: {  	s17 =	sadd.s32 s13, s17;
	[sflag:s29] =	ssyncadd.s32 $0xFFFFD800  }
0xa8: {  	[tilespmem:s31], [sflag:$0x8] =	stream.linear.gather [hbm4b:s17+s4], $0x80, $0x38;
	[tilespmem:$0x1F980] =	vst v63  }
0xa9: {  	_ =	swait.ge [sflag:s23], $0x1400  }
0xaa: {  	[sflag:s23] =	ssyncset.done $0x0  }
0xab: {  	[sflag:s23] =	ssyncadd.s32 $0xFFFFEC00  }
0xac: {  	_ =	swait.ge [sflag:s14], $0x1400  }
0xad: {  	[sflag:s14] =	ssyncset.done $0x0  }
0xae: {  	s20 =	simm.s32 $0x200;
	[sflag:s14] =	ssyncadd.s32 $0xFFFFEC00  }
0xaf: {  	[tilespmem:s6], [sflag:$0x3] =	stream.indirect.gather [hbm4b:s1+s3], $0x80, s20, s3, $0xb8;
	[tilespmem:$0x1F980] =	vst v63  }
0xb0: {  	s21 =	simm.s32 $0x228  }
0xb1: {  	[tilespmem:s7], [sflag:$0x4] =	stream.indirect.gather [hbm4b:s1+s3], $0x80, s21, s3, $0xb8;
	[tilespmem:$0x1F980] =	vst v63  }
0xb2: {  	s19 =	simm.s32 $0xC00;
	s18 =	simm.s32 $0x600;
	s21 =	simm.s32 $0x280  }
0xb3: {  	s17 =	simm.s32 $0x380;
	s20 =	sand.u32 $0xFC00, s21;
	_ =	swait.ge [sflag:s15], $0x80  }
.LBB2_6:
0xb4: {  	[sflag:s15] =	ssyncset.done $0x0  }
0xb5: {  	s20 =	sadd.s32 s25, s20;
	s21 =	sand.u32 $0x380, s21;
	[sflag:s15] =	ssyncadd.s32 $0xFFFFFF80  }
0xb6: {  	[spmem:s2] =	stream.indirect.scatter.add.f32 [tilespmem:s10], [sflag:$0xA], $0x80, s8, s12, $0xb8;
	[tilespmem:$0x1F980] =	vst v63  }
0xb7: {  	s20 =	sor.u32 s21, s20;
	_ =	swait.ge [sflag:s29], $0x2800  }
0xb8: {  	s20 =	sshrl.u32 s20, $0x3;
	[sflag:s29] =	ssyncset.done $0x0  }
0xb9: {  	s20 =	sadd.s32 s13, s20;
	[sflag:s29] =	ssyncadd.s32 $0xFFFFD800  }
0xba: {  	[tilespmem:s8], [sflag:$0x9] =	stream.linear.gather [hbm4b:s20+s4], $0x80, $0x38;
	[tilespmem:$0x1F980] =	vst v63  }
0xbb: {  	_ =	swait.ge [sflag:s0], $0x1400  }
0xbc: {  	[sflag:s0] =	ssyncset.done $0x0  }
0xbd: {  	[sflag:s0] =	ssyncadd.s32 $0xFFFFEC00  }
0xbe: {  	_ =	swait.ge [sflag:s9], $0x1400  }
0xbf: {  	s16 =	smov.u32 s19;
	s20 =	sshra.s32 s18, $0x2;
	[sflag:s9] =	ssyncset.done $0x0  }
0xc0: {  	s18 =	smov.u32 s16;
	s16 =	sadd.s32 $0x100, s20;
	[sflag:s9] =	ssyncadd.s32 $0xFFFFEC00  }
0xc1: {  	[tilespmem:s10], [sflag:$0x5] =	stream.indirect.gather [hbm4b:s1+s3], $0x80, s16, s3, $0xb8;
	[tilespmem:$0x1F980] =	vst v63  }
0xc2: {  	s21 =	rddreg [dreg:$0x4];
	s16 =	sadd.s32 $0x128, s20  }
0xc3: {  	[tilespmem:s21], [sflag:$0x6] =	stream.indirect.gather [hbm4b:s1+s3], $0x80, s16, s3, $0xb8;
	[tilespmem:$0x1F980] =	vst v63  }
0xc4: {  	s16 =	sadd.s32 $0xFFFFFF80, s17;
	_ =	swait.ge [sflag:s11], $0x80  }
0xc5: {  	s21 =	sand.u32 $0xFC00, s16;
	[sflag:s11] =	ssyncset.done $0x0  }
0xc6: {  	s16 =	sand.u32 $0x380, s16;
	s21 =	sadd.s32 s25, s21;
	[sflag:s11] =	ssyncadd.s32 $0xFFFFFF80  }
0xc7: {  	[spmem:s2] =	stream.indirect.scatter.add.f32 [tilespmem:s28], [sflag:$0xA], $0x80, s30, s12, $0xb8;
	[tilespmem:$0x1F980] =	vst v63  }
0xc8: {  	s16 =	sor.u32 s16, s21;
	_ =	swait.ge [sflag:s29], $0x2800  }
0xc9: {  	s16 =	sshrl.u32 s16, $0x3;
	[sflag:s29] =	ssyncset.done $0x0  }
0xca: {  	s16 =	sadd.s32 s13, s16;
	[sflag:s29] =	ssyncadd.s32 $0xFFFFD800  }
0xcb: {  	[tilespmem:s30], [sflag:$0x7] =	stream.linear.gather [hbm4b:s16+s4], $0x80, $0x38;
	[tilespmem:$0x1F980] =	vst v63  }
0xcc: {  	_ =	swait.ge [sflag:s22], $0x1400  }
0xcd: {  	[sflag:s22] =	ssyncset.done $0x0  }
0xce: {  	[sflag:s22] =	ssyncadd.s32 $0xFFFFEC00  }
0xcf: {  	_ =	swait.ge [sflag:s24], $0x1400  }
0xd0: {  	[sflag:s24] =	ssyncset.done $0x0  }
0xd1: {  	s21 =	sadd.s32 $0x180, s20;
	[sflag:s24] =	ssyncadd.s32 $0xFFFFEC00  }
0xd2: {  	[tilespmem:s28], [sflag:$0x1] =	stream.indirect.gather [hbm4b:s1+s3], $0x80, s21, s3, $0xb8;
	[tilespmem:$0x1F980] =	vst v63  }
0xd3: {  	s21 =	sadd.s32 $0x1A8, s20  }
0xd4: {  	[tilespmem:s5], [sflag:$0x2] =	stream.indirect.gather [hbm4b:s1+s3], $0x80, s21, s3, $0xb8;
	[tilespmem:$0x1F980] =	vst v63  }
0xd5: {  	_ =	swait.ge [sflag:s26], $0x80  }
0xd6: {  	s16 =	sand.u32 $0xFC00, s17;
	[sflag:s26] =	ssyncset.done $0x0  }
0xd7: {  	s16 =	sadd.s32 s25, s16;
	s21 =	sand.u32 $0x380, s17;
	[sflag:s26] =	ssyncadd.s32 $0xFFFFFF80  }
0xd8: {  	[spmem:s2] =	stream.indirect.scatter.add.f32 [tilespmem:s6], [sflag:$0xA], $0x80, s31, s12, $0xb8;
	[tilespmem:$0x1F980] =	vst v63  }
0xd9: {  	s16 =	sor.u32 s21, s16;
	_ =	swait.ge [sflag:s29], $0x2800  }
0xda: {  	s16 =	sshrl.u32 s16, $0x3;
	[sflag:s29] =	ssyncset.done $0x0  }
0xdb: {  	s16 =	sadd.s32 s13, s16;
	[sflag:s29] =	ssyncadd.s32 $0xFFFFD800  }
0xdc: {  	[tilespmem:s31], [sflag:$0x8] =	stream.linear.gather [hbm4b:s16+s4], $0x80, $0x38;
	[tilespmem:$0x1F980] =	vst v63  }
0xdd: {  	_ =	swait.ge [sflag:s23], $0x1400  }
0xde: {  	[sflag:s23] =	ssyncset.done $0x0  }
0xdf: {  	[sflag:s23] =	ssyncadd.s32 $0xFFFFEC00  }
0xe0: {  	_ =	swait.ge [sflag:s14], $0x1400  }
0xe1: {  	p0 =	sne.s32 s19, $0xF000;
	s17 =	sadd.s32 $0x180, s17;
	[sflag:s14] =	ssyncset.done $0x0  }
.Ltmp2:
0xe2: {  	s21 =	sadd.s32 $0x200, s20;
	[sflag:s14] =	ssyncadd.s32 $0xFFFFEC00;
	(pc) =	sbr.rel @p0 .LBB2_6-.Ltmp2, $4  }
0xe3: {  	[tilespmem:s6], [sflag:$0x3] =	stream.indirect.gather [hbm4b:s1+s3], $0x80, s21, s3, $0xb8;
	[tilespmem:$0x1F980] =	vst v63  }
0xe4: {  	s20 =	sadd.s32 $0x228, s20;
	s21 =	sadd.s32 $0xFFFFFF00, s17  }
0xe5: {  	[tilespmem:s7], [sflag:$0x4] =	stream.indirect.gather [hbm4b:s1+s3], $0x80, s20, s3, $0xb8;
	[tilespmem:$0x1F980] =	vst v63  }
0xe6: {  	s19 =	sadd.s32 $0x600, s19;
	s20 =	sand.u32 $0xFC00, s21;
	_ =	swait.ge [sflag:s15], $0x80  }
0xe7: {  	[sflag:s15] =	ssyncset.done $0x0  }
0xe8: {  	s16 =	sadd.s32 s25, s20;
	s19 =	sand.u32 $0x380, s21;
	[sflag:s15] =	ssyncadd.s32 $0xFFFFFF80  }
0xe9: {  	[spmem:s2] =	stream.indirect.scatter.add.f32 [tilespmem:s10], [sflag:$0xA], $0x80, s8, s12, $0xb8;
	[tilespmem:$0x1F980] =	vst v63  }
0xea: {  	s16 =	sor.u32 s19, s16;
	_ =	swait.ge [sflag:s29], $0x2800  }
0xeb: {  	s16 =	sshrl.u32 s16, $0x3;
	[sflag:s29] =	ssyncset.done $0x0  }
0xec: {  	s16 =	sadd.s32 s13, s16;
	[sflag:s29] =	ssyncadd.s32 $0xFFFFD800  }
0xed: {  	[tilespmem:s8], [sflag:$0x9] =	stream.linear.gather [hbm4b:s16+s4], $0x80, $0x38;
	[tilespmem:$0x1F980] =	vst v63  }
0xee: {  	_ =	swait.ge [sflag:s0], $0x1400  }
0xef: {  	[sflag:s0] =	ssyncset.done $0x0  }
0xf0: {  	[sflag:s0] =	ssyncadd.s32 $0xFFFFEC00  }
0xf1: {  	_ =	swait.ge [sflag:s9], $0x1400  }
0xf2: {  	s16 =	sshra.s32 s18, $0x2;
	[sflag:s9] =	ssyncset.done $0x0  }
0xf3: {  	s18 =	sadd.s32 $0x100, s16;
	[sflag:s9] =	ssyncadd.s32 $0xFFFFEC00  }
0xf4: {  	[tilespmem:s10], [sflag:$0x5] =	stream.indirect.gather [hbm4b:s1+s3], $0x80, s18, s3, $0xb8;
	[tilespmem:$0x1F980] =	vst v63  }
0xf5: {  	s21 =	sadd.s32 $0x128, s16;
	s20 =	rddreg [dreg:$0x4]  }
0xf6: {  	[tilespmem:s20], [sflag:$0x6] =	stream.indirect.gather [hbm4b:s1+s3], $0x80, s21, s3, $0xb8;
	[tilespmem:$0x1F980] =	vst v63  }
0xf7: {  	s20 =	sadd.s32 $0xFFFFFF80, s17;
	_ =	swait.ge [sflag:s11], $0x80  }
0xf8: {  	s21 =	sand.u32 $0xFC00, s20;
	[sflag:s11] =	ssyncset.done $0x0  }
0xf9: {  	s18 =	sand.u32 $0x380, s20;
	s19 =	sadd.s32 s25, s21;
	[sflag:s11] =	ssyncadd.s32 $0xFFFFFF80  }
0xfa: {  	[spmem:s2] =	stream.indirect.scatter.add.f32 [tilespmem:s28], [sflag:$0xA], $0x80, s30, s12, $0xb8;
	[tilespmem:$0x1F980] =	vst v63  }
0xfb: {  	s18 =	sor.u32 s18, s19;
	_ =	swait.ge [sflag:s29], $0x2800  }
0xfc: {  	s18 =	sshrl.u32 s18, $0x3;
	[sflag:s29] =	ssyncset.done $0x0  }
0xfd: {  	s18 =	sadd.s32 s13, s18;
	[sflag:s29] =	ssyncadd.s32 $0xFFFFD800  }
0xfe: {  	[tilespmem:s30], [sflag:$0x7] =	stream.linear.gather [hbm4b:s18+s4], $0x80, $0x38;
	[tilespmem:$0x1F980] =	vst v63  }
0xff: {  	_ =	swait.ge [sflag:s22], $0x1400  }
0x100: {  	[sflag:s22] =	ssyncset.done $0x0  }
0x101: {  	[sflag:s22] =	ssyncadd.s32 $0xFFFFEC00  }
0x102: {  	_ =	swait.ge [sflag:s24], $0x1400  }
0x103: {  	[sflag:s24] =	ssyncset.done $0x0  }
0x104: {  	s19 =	sadd.s32 $0x180, s16;
	[sflag:s24] =	ssyncadd.s32 $0xFFFFEC00  }
0x105: {  	[tilespmem:s28], [sflag:$0x1] =	stream.indirect.gather [hbm4b:s1+s3], $0x80, s19, s3, $0xb8;
	[tilespmem:$0x1F980] =	vst v63  }
0x106: {  	s20 =	sadd.s32 $0x1A8, s16  }
0x107: {  	[tilespmem:s5], [sflag:$0x2] =	stream.indirect.gather [hbm4b:s1+s3], $0x80, s20, s3, $0xb8;
	[tilespmem:$0x1F980] =	vst v63  }
0x108: {  	_ =	swait.ge [sflag:s26], $0x80  }
0x109: {  	s21 =	sand.u32 $0xFC00, s17;
	[sflag:s26] =	ssyncset.done $0x0  }
0x10a: {  	s18 =	sadd.s32 s25, s21;
	s19 =	sand.u32 $0x380, s17;
	[sflag:s26] =	ssyncadd.s32 $0xFFFFFF80  }
0x10b: {  	[spmem:s2] =	stream.indirect.scatter.add.f32 [tilespmem:s6], [sflag:$0xA], $0x80, s31, s12, $0xb8;
	[tilespmem:$0x1F980] =	vst v63  }
0x10c: {  	s17 =	sor.u32 s19, s18;
	_ =	swait.ge [sflag:s29], $0x2800  }
0x10d: {  	s17 =	sshrl.u32 s17, $0x3;
	[sflag:s29] =	ssyncset.done $0x0  }
0x10e: {  	s17 =	sadd.s32 s13, s17;
	[sflag:s29] =	ssyncadd.s32 $0xFFFFD800  }
0x10f: {  	[tilespmem:s31], [sflag:$0x8] =	stream.linear.gather [hbm4b:s17+s4], $0x80, $0x38;
	[tilespmem:$0x1F980] =	vst v63  }
0x110: {  	_ =	swait.ge [sflag:s23], $0x1400  }
0x111: {  	[sflag:s23] =	ssyncset.done $0x0  }
0x112: {  	[sflag:s23] =	ssyncadd.s32 $0xFFFFEC00  }
0x113: {  	_ =	swait.ge [sflag:s14], $0x1400  }
0x114: {  	[sflag:s14] =	ssyncset.done $0x0  }
0x115: {  	s20 =	sadd.s32 $0x200, s16;
	[sflag:s14] =	ssyncadd.s32 $0xFFFFEC00  }
0x116: {  	[tilespmem:s6], [sflag:$0x3] =	stream.indirect.gather [hbm4b:s1+s3], $0x80, s20, s3, $0xb8;
	[tilespmem:$0x1F980] =	vst v63  }
0x117: {  	s16 =	sadd.s32 $0x228, s16  }
0x118: {  	[tilespmem:s7], [sflag:$0x4] =	stream.indirect.gather [hbm4b:s1+s3], $0x80, s16, s3, $0xb8;
	[tilespmem:$0x1F980] =	vst v63  }
0x119: {  	_ =	swait.ge [sflag:s15], $0x80  }
0x11a: {  	[sflag:s15] =	ssyncset.done $0x0  }
0x11b: {  	[sflag:s15] =	ssyncadd.s32 $0xFFFFFF80  }
0x11c: {  	[spmem:s2] =	stream.indirect.scatter.add.f32 [tilespmem:s10], [sflag:$0xA], $0x80, s8, s12, $0xb8;
	[tilespmem:$0x1F980] =	vst v63  }
0x11d: {  	_ =	swait.ge [sflag:s29], $0x2800  }
0x11e: {  	[sflag:s29] =	ssyncset.done $0x0  }
0x11f: {  	[sflag:s29] =	ssyncadd.s32 $0xFFFFD800  }
0x120: {  	_ =	swait.ge [sflag:s0], $0x1400  }
0x121: {  	[sflag:s0] =	ssyncset.done $0x0  }
0x122: {  	[sflag:s0] =	ssyncadd.s32 $0xFFFFEC00  }
0x123: {  	_ =	swait.ge [sflag:s9], $0x1400  }
0x124: {  	[sflag:s9] =	ssyncset.done $0x0  }
0x125: {  	[sflag:s9] =	ssyncadd.s32 $0xFFFFEC00  }
0x126: {  	_ =	swait.ge [sflag:s11], $0x80  }
0x127: {  	[sflag:s11] =	ssyncset.done $0x0  }
0x128: {  	[sflag:s11] =	ssyncadd.s32 $0xFFFFFF80  }
0x129: {  	[spmem:s2] =	stream.indirect.scatter.add.f32 [tilespmem:s28], [sflag:$0xA], $0x80, s30, s12, $0xb8;
	[tilespmem:$0x1F980] =	vst v63  }
0x12a: {  	_ =	swait.ge [sflag:s29], $0x2800  }
0x12b: {  	[sflag:s29] =	ssyncset.done $0x0  }
0x12c: {  	[sflag:s29] =	ssyncadd.s32 $0xFFFFD800  }
0x12d: {  	_ =	swait.ge [sflag:s22], $0x1400  }
0x12e: {  	[sflag:s22] =	ssyncset.done $0x0  }
0x12f: {  	[sflag:s22] =	ssyncadd.s32 $0xFFFFEC00  }
0x130: {  	_ =	swait.ge [sflag:s24], $0x1400  }
0x131: {  	[sflag:s24] =	ssyncset.done $0x0  }
0x132: {  	[sflag:s24] =	ssyncadd.s32 $0xFFFFEC00  }
0x133: {  	_ =	swait.ge [sflag:s26], $0x80  }
0x134: {  	[sflag:s26] =	ssyncset.done $0x0  }
0x135: {  	[sflag:s26] =	ssyncadd.s32 $0xFFFFFF80  }
0x136: {  	[spmem:s2] =	stream.indirect.scatter.add.f32 [tilespmem:s6], [sflag:$0xA], $0x80, s31, s12, $0xb8;
	[tilespmem:$0x1F980] =	vst v63  }
0x137: {  	_ =	swait.ge [sflag:s29], $0x2800  }
0x138: {  	[sflag:s29] =	ssyncset.done $0x0  }
0x139: {  	[sflag:s29] =	ssyncadd.s32 $0xFFFFD800  }
0x13a: {  	[bflag:$0x0] =	sbarrier.arrive $0xFFFF  }
0x13b: {  	s19 =	rddreg [dreg:$0xd]  }
0x13c: {  	[tilespmem:s28], [sflag:$0x1] =	stream.linear.gather [spmem:s19], $0x2800, $0x38;
	[tilespmem:$0x1F980] =	vst v63  }
0x13d: {  	_ =	swait.ge [sflag:s0], $0x2800  }
0x13e: {  	[sflag:s0] =	ssyncset.done $0x0  }
0x13f: {  	s20 =	rddreg [dreg:$0xe];
	[sflag:s0] =	ssyncadd.s32 $0xFFFFD800  }
0x140: {  	[tilespmem:s6], [sflag:$0x3] =	stream.linear.gather [spmem:s20], $0x2800, $0x38;
	[tilespmem:$0x1F980] =	vst v63  }
0x141: {  	s21 =	rddreg [dreg:$0x5]  }
0x142: {  	[hbm4b:s21+s4] =	stream.linear.scatter [tilespmem:s28], [sflag:$0xA], $0x2800, $0x38;
	[tilespmem:$0x1F980] =	vst v63  }
0x143: {  	_ =	swait.ge [sflag:s29], $0x2800  }
0x144: {  	[sflag:s29] =	ssyncset.done $0x0  }
0x145: {  	[sflag:s29] =	ssyncadd.s32 $0xFFFFD800  }
0x146: {  	_ =	swait.ge [sflag:s22], $0x2800  }
0x147: {  	[sflag:s22] =	ssyncset.done $0x0  }
0x148: {  	s21 =	rddreg [dreg:$0xf];
	[sflag:s22] =	ssyncadd.s32 $0xFFFFD800  }
0x149: {  	[tilespmem:s28], [sflag:$0x1] =	stream.linear.gather [spmem:s21], $0x2800, $0x38;
	[tilespmem:$0x1F980] =	vst v63  }
0x14a: {  	s17 =	rddreg [dreg:$0x6]  }
0x14b: {  	[hbm4b:s17+s4] =	stream.linear.scatter [tilespmem:s6], [sflag:$0xA], $0x2800, $0x38;
	[tilespmem:$0x1F980] =	vst v63  }
0x14c: {  	_ =	swait.ge [sflag:s29], $0x2800  }
0x14d: {  	[sflag:s29] =	ssyncset.done $0x0  }
0x14e: {  	[sflag:s29] =	ssyncadd.s32 $0xFFFFD800  }
0x14f: {  	_ =	swait.ge [sflag:s0], $0x2800  }
0x150: {  	[sflag:s0] =	ssyncset.done $0x0  }
0x151: {  	s18 =	rddreg [dreg:$0x10];
	[sflag:s0] =	ssyncadd.s32 $0xFFFFD800  }
0x152: {  	[tilespmem:s6], [sflag:$0x3] =	stream.linear.gather [spmem:s18], $0x2800, $0x38;
	[tilespmem:$0x1F980] =	vst v63  }
0x153: {  	s17 =	rddreg [dreg:$0x7]  }
0x154: {  	[hbm4b:s17+s4] =	stream.linear.scatter [tilespmem:s28], [sflag:$0xA], $0x2800, $0x38;
	[tilespmem:$0x1F980] =	vst v63  }
0x155: {  	_ =	swait.ge [sflag:s29], $0x2800  }
0x156: {  	[sflag:s29] =	ssyncset.done $0x0  }
0x157: {  	[sflag:s29] =	ssyncadd.s32 $0xFFFFD800  }
0x158: {  	_ =	swait.ge [sflag:s22], $0x2800  }
0x159: {  	[sflag:s22] =	ssyncset.done $0x0  }
0x15a: {  	s18 =	rddreg [dreg:$0x11];
	[sflag:s22] =	ssyncadd.s32 $0xFFFFD800  }
0x15b: {  	[tilespmem:s28], [sflag:$0x1] =	stream.linear.gather [spmem:s18], $0x2800, $0x38;
	[tilespmem:$0x1F980] =	vst v63  }
0x15c: {  	s17 =	rddreg [dreg:$0x8]  }
0x15d: {  	[hbm4b:s17+s4] =	stream.linear.scatter [tilespmem:s6], [sflag:$0xA], $0x2800, $0x38;
	[tilespmem:$0x1F980] =	vst v63  }
0x15e: {  	_ =	swait.ge [sflag:s29], $0x2800  }
0x15f: {  	[sflag:s29] =	ssyncset.done $0x0  }
0x160: {  	[sflag:s29] =	ssyncadd.s32 $0xFFFFD800  }
0x161: {  	_ =	swait.ge [sflag:s0], $0x2800  }
0x162: {  	[sflag:s0] =	ssyncset.done $0x0  }
0x163: {  	s18 =	rddreg [dreg:$0x12];
	[sflag:s0] =	ssyncadd.s32 $0xFFFFD800  }
0x164: {  	[tilespmem:s6], [sflag:$0x3] =	stream.linear.gather [spmem:s18], $0x2800, $0x38;
	[tilespmem:$0x1F980] =	vst v63  }
0x165: {  	s17 =	rddreg [dreg:$0x9]  }
0x166: {  	[hbm4b:s17+s4] =	stream.linear.scatter [tilespmem:s28], [sflag:$0xA], $0x2800, $0x38;
	[tilespmem:$0x1F980] =	vst v63  }
0x167: {  	_ =	swait.ge [sflag:s29], $0x2800  }
0x168: {  	[sflag:s29] =	ssyncset.done $0x0  }
0x169: {  	[sflag:s29] =	ssyncadd.s32 $0xFFFFD800  }
0x16a: {  	_ =	swait.ge [sflag:s22], $0x2800  }
0x16b: {  	[sflag:s22] =	ssyncset.done $0x0  }
0x16c: {  	s18 =	rddreg [dreg:$0x13];
	[sflag:s22] =	ssyncadd.s32 $0xFFFFD800  }
0x16d: {  	[tilespmem:s28], [sflag:$0x1] =	stream.linear.gather [spmem:s18], $0x2800, $0x38;
	[tilespmem:$0x1F980] =	vst v63  }
0x16e: {  	s17 =	rddreg [dreg:$0xa]  }
0x16f: {  	[hbm4b:s17+s4] =	stream.linear.scatter [tilespmem:s6], [sflag:$0xA], $0x2800, $0x38;
	[tilespmem:$0x1F980] =	vst v63  }
0x170: {  	_ =	swait.ge [sflag:s29], $0x2800  }
0x171: {  	[sflag:s29] =	ssyncset.done $0x0  }
0x172: {  	[sflag:s29] =	ssyncadd.s32 $0xFFFFD800  }
0x173: {  	_ =	swait.ge [sflag:s0], $0x2800  }
0x174: {  	[sflag:s0] =	ssyncset.done $0x0  }
0x175: {  	s18 =	rddreg [dreg:$0x14];
	[sflag:s0] =	ssyncadd.s32 $0xFFFFD800  }
0x176: {  	[tilespmem:s6], [sflag:$0x3] =	stream.linear.gather [spmem:s18], $0x2800, $0x38;
	[tilespmem:$0x1F980] =	vst v63  }
0x177: {  	s17 =	rddreg [dreg:$0xb]  }
0x178: {  	[hbm4b:s17+s4] =	stream.linear.scatter [tilespmem:s28], [sflag:$0xA], $0x2800, $0x38;
	[tilespmem:$0x1F980] =	vst v63  }
0x179: {  	_ =	swait.ge [sflag:s29], $0x2800  }
0x17a: {  	[sflag:s29] =	ssyncset.done $0x0  }
0x17b: {  	[sflag:s29] =	ssyncadd.s32 $0xFFFFD800  }
0x17c: {  	_ =	swait.ge [sflag:s22], $0x2800  }
0x17d: {  	[sflag:s22] =	ssyncset.done $0x0  }
0x17e: {  	s18 =	rddreg [dreg:$0xc];
	[sflag:s22] =	ssyncadd.s32 $0xFFFFD800  }
0x17f: {  	[hbm4b:s18+s4] =	stream.linear.scatter [tilespmem:s6], [sflag:$0xA], $0x2800, $0x38;
	[tilespmem:$0x1F980] =	vst v63  }
0x180: {  	_ =	swait.ge [sflag:s29], $0x2800  }
0x181: {  	s16 =	rddreg [dreg:$0x19]  }
0x182: {  	s18 =	rddreg [dreg:$0x17];
	s17 =	sadd.s32 $0x1, s16  }
0x183: {  	p0 =	sne.s32 s17, s18  }
.Ltmp3:
0x184: {  	_ = 	snop;
	(pc) =	sbr.rel @p0 .LBB2_1-.Ltmp3, $3  }
0x185: {  	_ =	sdelay $0x1  }
0x186: {  	[sflag:s29] =	ssyncset.done $0x0  }
0x187: {  	[sflag:s29] =	ssyncadd.s32 $0xFFFFD800  }
0x188: {  	_ =	sfence.sel $0x180000  }
0x189: {  	[bflag:$0x0] =	sbarrier.arrive $0xFFFF  }
0x18a: {  	_ =	strace $0x90000047  }
0x18b: {  	s0 =	stileid.u32;
	[bflag:$0x2] =	sbarrier.arrive $0xFFFF  }
0x18c: {  	p0 =	sne.s32 s0, $0x0;
	s0 =	rddreg [dreg:$0x3]  }
0x18d: {  	s0 =	sadd.s32 @!p0 $0x100000, s0  }
0x18e: {  	[sflag:s0] =	ssyncadd.tile.s32 @!p0 $0x1;
	_ =	shalt  }
.Lfunc_end2:
_tile_overlayer_lowered:
.L_overlay_start_2:
0x18f: {  	(tag) =	ssettag $0x2  }
0x190: {  	s0 =	rddreg [dreg:$0x0];
	s2 =	stileid.u32  }
0x191: {  	s1 =	rddreg [dreg:$0x1];
	p0 =	sne.s32 s2, $0x0  }
0x192: {  	s3 =	rddreg [dreg:$0x2];
	[bflag:$0x3] =	sbarrier.arrive $0xFFFF;
	s2 =	simm.s32 @!p0 $0x1C0A  }
0x193: {  	[timem:s3], [sflag:s2] =	dma.local @!p0 [hbm:s0], s1  }
0x194: {  	s0 =	simm.s32 @!p0 $0xA  }
0x195: {  	_ =	swait.ge @!p0 [sflag:s0], s1  }
0x196: {  	s1 =	ssub.s32 @!p0 $0x0, s1;
	[sflag:s0] =	ssyncset.done @!p0 $0x0  }
0x197: {  	[sflag:s0] =	ssyncadd.s32 @!p0 s1  }
0x198: {  	[bflag:$0x3] =	sbarrier.arrive $0xFFFF  }
0x199: {  	_ =	shalt  }

// kernel: kernel.9.cloned.1.call-start
scs
__scs_entry_jumppad:
0x0: {  	(pc) =	sbr.rel $0x88, $3  }
0x1: {  	(tag) =	ssettag $0x0;
	lr =	simm.s32 $0x1  }
0x2: {  	[smem:$0x3F99] =	sst lr;
	_ =	strace $0xD0000000  }
0x3: {  	_ = 	snop  }
0x4: {  	_ = 	snop  }
0x5: {  	_ = 	snop  }
0x6: {  	_ = 	snop  }
0x7: {  	_ = 	snop  }
__scs_overlays_trampoline_lowered:
0x8: {  	[smem:$0x3FA8] =	sst s0  }
0x9: {  	[smem:$0x3FA9] =	sst s1  }
0xa: {  	[smem:$0x3FAA] =	sst s2  }
0xb: {  	[smem:$0x3FAB] =	sst s3  }
0xc: {  	[smem:$0x3FAC] =	sst s4  }
0xd: {  	[smem:$0x3FAD] =	sst s5  }
0xe: {  	[smem:$0x3FAE] =	sst s6  }
0xf: {  	[smem:$0x3FAF] =	sst s7  }
0x10: {  	[smem:$0x3FB0] =	sst s8  }
0x11: {  	[smem:$0x3FB1] =	sst s9;
	s0 =	simm.s32 @!p0 $0x0  }
0x12: {  	s1 =	sld [smem:$0x3F97];
	s0 =	simm.s32 @p0 $0x1  }
0x13: {  	[smem:$0x3FB2] =	sst s0;
	s0 =	simm.s32 @!p1 $0x0  }
0x14: {  	s2 =	sld [smem:$0x3F96];
	s0 =	simm.s32 @p1 $0x1  }
0x15: {  	[smem:$0x3FB3] =	sst s0;
	s0 =	simm.s32 @!p2 $0x0  }
0x16: {  	s3 =	sld [smem:$0x3FDB];
	s0 =	simm.s32 @p2 $0x1  }
0x17: {  	s4 =	simm.s32 $0x1BF5;
	[smem:$0x3FB5] =	sst s0  }
0x18: {  	s0 =	sld [smem:$0x3F98];
	_ =	swait.ge [sflag:s4], $0x0  }
0x19: {  	s7 =	sld [smem:$0x3F99]  }
0x1a: {  	s8 =	sadd.s32 $0xFFFFE003, lr  }
0x1b: {  	s9 =	sadd.s32 $0xFFFFFEF7, lr;
	s5 =	simm.s32 $0xFFFFFFFF;
	p2 =	slt.u32 s8, $0xFFFFF086  }
0x1c: {  	p1 =	slt.u32 s9, $0xF7A;
	s5 =	simm.s32 @!p2 $0x0  }
0x1d: {  	s5 =	simm.s32 @p1 $0x1;
	p0 =	seq.s32 s7, s2  }
0x1e: {  	s7 =	smul.u32 @!p0 $0xF7A, s2;
	p2 =	seq.s32 @!p0 s5, $0x0  }
0x1f: {  	s9 =	smul.u32 $0xF7A, s1;
	s8 =	simm.s32 @!p0 $0x1BF5;
	p2 =	por !p2, p0  }
0x20: {  	[sflag:s8] =	ssyncset.s32 @!p0 $0xFFFFF086;
	s6 =	sadd.s32 @!p0 s3, s7;
	s7 =	simm.s32 @!p0 $0x108  }
0x21: {  	s3 =	sadd.s32 s3, s9;
	s6 =	sadd.s32 @!p0 $0x88, s6;
	s7 =	simm.s32 @p2 $0x1082  }
0x22: {  	[simem:s7], [sflag:s8] =	dma.local @!p0 [hbm:s6], $0xF7A  }
0x23: {  	s9 =	sor.u32 $0xD0000000, s2;
	s6 =	simm.s32 $0x108;
	_ =	swait.ge @!p0 [sflag:s8], $0x0  }
0x24: {  	s3 =	sadd.s32 $0x88, s3;
	s6 =	simm.s32 @!p1 $0x1082;
	[sflag:s4] =	ssyncset.s32 $0xFFFFF086  }
0x25: {  	[simem:s6], [sflag:s4] =	dma.local [hbm:s3], $0xF7A  }
0x26: {  	[smem:$0x3F99] =	sst s1;
	(tag) =	ssettag s2;
	_ =	strace s9  }
0x27: {  	s1 =	sld [smem:$0x3FA9]  }
0x28: {  	s2 =	sld [smem:$0x3FAA]  }
0x29: {  	s4 =	sld [smem:$0x3FAC]  }
0x2a: {  	p0 =	seq.s32 s5, $0x0;
	s5 =	sld [smem:$0x3FAD]  }
0x2b: {  	s6 =	sld [smem:$0x3FAE]  }
0x2c: {  	s7 =	sld [smem:$0x3FAF]  }
0x2d: {  	s3 =	simm.s32 $0x108;
	s8 =	sld [smem:$0x3FB0]  }
0x2e: {  	s3 =	simm.s32 @!p0 $0x1082;
	s9 =	sld [smem:$0x3FB1]  }
0x2f: {  	lr =	sadd.s32 s0, s3;
	s0 =	sld [smem:$0x3FA8]  }
0x30: {  	s3 =	sld [smem:$0x3FAB]  }
0x31: {  	[smem:$0x3FB4] =	sst s10  }
0x32: {  	s10 =	sld [smem:$0x3FB2];
	_ =	sdelay $0x3  }
0x33: {  	p0 =	seq.s32 s10, $0x1;
	s10 =	sld [smem:$0x3FB4];
	_ =	sdelay $0x3  }
0x34: {  	[smem:$0x3FB4] =	sst s10  }
0x35: {  	s10 =	sld [smem:$0x3FB3];
	_ =	sdelay $0x3  }
0x36: {  	p1 =	seq.s32 s10, $0x1;
	s10 =	sld [smem:$0x3FB4];
	_ =	sdelay $0x3  }
0x37: {  	[smem:$0x3FB4] =	sst s10  }
0x38: {  	s10 =	sld [smem:$0x3FB5]  }
0x39: {  	_ = 	snop;
	(pc) =	sbr.ind lr, $3  }
0x3a: {  	_ = 	snop  }
0x3b: {  	_ = 	snop  }
0x3c: {  	p2 =	seq.s32 s10, $0x1;
	s10 =	sld [smem:$0x3FB4]  }
0x3d: {  	_ =	shalt  }
0x3e: {  	_ =	shalt  }
0x3f: {  	_ =	shalt  }
0x40: {  	_ =	shalt  }
0x41: {  	_ =	shalt  }
0x42: {  	_ =	shalt  }
0x43: {  	_ =	shalt  }
0x44: {  	_ =	shalt  }
0x45: {  	_ =	shalt  }
0x46: {  	_ =	shalt  }
0x47: {  	_ =	shalt  }
0x48: {  	_ =	shalt  }
0x49: {  	_ =	shalt  }
0x4a: {  	_ =	shalt  }
0x4b: {  	_ =	shalt  }
0x4c: {  	_ =	shalt  }
0x4d: {  	_ =	shalt  }
0x4e: {  	_ =	shalt  }
0x4f: {  	_ =	shalt  }
0x50: {  	_ =	shalt  }
0x51: {  	_ =	shalt  }
0x52: {  	_ =	shalt  }
0x53: {  	_ =	shalt  }
0x54: {  	_ =	shalt  }
0x55: {  	_ =	shalt  }
0x56: {  	_ =	shalt  }
0x57: {  	_ =	shalt  }
0x58: {  	_ =	shalt  }
0x59: {  	_ =	shalt  }
0x5a: {  	_ =	shalt  }
0x5b: {  	_ =	shalt  }
0x5c: {  	_ =	shalt  }
0x5d: {  	_ =	shalt  }
0x5e: {  	_ =	shalt  }
0x5f: {  	_ =	shalt  }
0x60: {  	_ =	shalt  }
0x61: {  	_ =	shalt  }
0x62: {  	_ =	shalt  }
0x63: {  	_ =	shalt  }
0x64: {  	_ =	shalt  }
0x65: {  	_ =	shalt  }
0x66: {  	_ =	shalt  }
0x67: {  	_ =	shalt  }
0x68: {  	_ =	shalt  }
0x69: {  	_ =	shalt  }
0x6a: {  	_ =	shalt  }
0x6b: {  	_ =	shalt  }
0x6c: {  	_ =	shalt  }
0x6d: {  	_ =	shalt  }
0x6e: {  	_ =	shalt  }
0x6f: {  	_ =	shalt  }
0x70: {  	_ =	shalt  }
0x71: {  	_ =	shalt  }
0x72: {  	_ =	shalt  }
0x73: {  	_ =	shalt  }
0x74: {  	_ =	shalt  }
0x75: {  	_ =	shalt  }
0x76: {  	_ =	shalt  }
0x77: {  	_ =	shalt  }
0x78: {  	_ =	shalt  }
0x79: {  	_ =	shalt  }
0x7a: {  	_ =	shalt  }
0x7b: {  	_ =	shalt  }
0x7c: {  	_ =	shalt  }
0x7d: {  	_ =	shalt  }
0x7e: {  	_ =	shalt  }
0x7f: {  	_ =	shalt  }
0x80: {  	_ =	shalt  }
0x81: {  	_ =	shalt  }
0x82: {  	_ =	shalt  }
0x83: {  	_ =	shalt  }
0x84: {  	_ =	shalt  }
0x85: {  	_ =	shalt  }
0x86: {  	_ =	shalt  }
0x87: {  	_ =	shalt  }
.Lfunc_end0:
.L_simem_size_0:
called_computation.1_lowered:
.L_overlay_start_0:
0x88: {  	s2 =	sld [smem:$0x3FD9]  }
0x89: {  	s3 =	sld [smem:$0x3FFE];
	_ =	sdelay $0x1  }
0x8a: {  	s1 =	srdreg.scid  }
0x8b: {  	s0 =	sand.u32 $0x1, s1  }
0x8c: {  	s17 =	sshll.u32 s0, $0xA;
	s2 =	sadd.s32 s3, s2  }
0x8d: {  	s2 =	sadd.s32 s2, s17  }
0x8e: {  	[smem:$0x3FC0] =	sst s2  }
0x8f: {  	_ = 	snop  }
0x90: {  	s2 =	sld [smem:$0x3FD0];
	(tm) =	ssettm $0x1  }
0x91: {  	s18 =	sld [smem:$0x3FFB];
	_ =	sdelay $0x3  }
0x92: {  	_ =	strace s18  }
0x93: {  	s3 =	sld [smem:$0x3FFC];
	_ =	sdelay $0x3  }
0x94: {  	_ =	strace s3  }
0x95: {  	s3 =	sld [smem:$0x3FFD];
	_ =	sdelay $0x3  }
0x96: {  	_ =	strace s3  }
0x97: {  	_ =	strace $0x8FFFFFFF  }
0x98: {  	s19 =	sld [smem:$0x3FDB];
	_ =	sdelay $0x1  }
0x99: {  	s4 =	simm.s32 $_scs_section_size  }
0x9a: {  	s5 =	simm.s32 $_size__tile_overlayer_lowered;
	s6 =	simm.s32 $_tile_overlayer_lowered  }
0x9b: {  	s22 =	simm.s32 $0x1BFF;
	s21 =	sshll.u32 s6, $0x1;
	s3 =	sadd.s32 s4, s19  }
0x9c: {  	s7 =	simm.s32 $0x0;
	s20 =	sshll.u32 s5, $0x1;
	s5 =	sadd.s32 s21, s3  }
0x9d: {  	[timem:s7], [sflag:s22] =	dma.local [hbm:s5], s20  }
0x9e: {  	_ =	swait.ge [sflag:s22], s20  }
0x9f: {  	s4 =	ssub.s32 $0x0, s20;
	[sflag:s22] =	ssyncset.done $0x0  }
0xa0: {  	[sflag:s22] =	ssyncadd.s32 s4;
	_ =	sdelay $0x1  }
0xa1: {  	s23 =	simm.s32 $0x1B8B  }
0xa2: {  	_ =	swait.ge [sflag:s23], $0x1  }
0xa3: {  	[sflag:s23] =	ssyncset.done $0x0  }
0xa4: {  	s25 =	simm.s32 $0x1B8E;
	s24 =	sld [smem:$0x3FFE];
	[sflag:s23] =	ssyncadd.s32 $0xFFFFFFFF  }
0xa5: {  	s26 =	simm.s32 $execute0_lowered;
	[smem:$0x3FD2] =	sst s25  }
0xa6: {  	s5 =	sshll.u32 s26, $0x1;
	_ =	strace $0x80000049;
	[dreg:$0x1] =	wrdreg $0xFFFFFFFF  }
0xa7: {  	s28 =	simm.s32 $_size_execute0_lowered;
	s3 =	sadd.s32 s3, s5;
	[dreg:$0x0] =	wrdreg $0x0  }
0xa8: {  	s5 =	sshll.u32 s28, $0x1;
	[dreg:$0x2] =	wrdreg s3  }
0xa9: {  	[dreg:$0x3] =	wrdreg s5  }
0xaa: {  	[dreg:$0x4] =	wrdreg $0xC0  }
0xab: {  	_ =	task [dreg:s7], $0x5FFFF  }
0xac: {  	[dreg:$0x1] =	wrdreg $0xFFFFFFFF  }
0xad: {  	[dreg:$0x0] =	wrdreg $0x60  }
0xae: {  	[dreg:$0x2] =	wrdreg s2  }
0xaf: {  	[dreg:$0x3] =	wrdreg s24  }
0xb0: {  	[dreg:$0x4] =	wrdreg $0xB9800  }
0xb1: {  	[dreg:$0x5] =	wrdreg $0x9  }
0xb2: {  	_ =	task.clear_ibuf [dreg:s7], $0x6FFFF;
	_ =	strace $0x90000049  }
0xb3: {  	s29 =	simm.s32 $0x9;
	_ =	strace $0x8000004B  }
0xb4: {  	_ =	swait.ge [sflag:s29], $0x1  }
0xb5: {  	[sflag:s29] =	ssyncadd.s32 $0xFFFFFFFF  }
0xb6: {  	_ =	strace $0x9000004B  }
0xb7: {  	_ =	sfence  }
0xb8: {  	s30 =	sld [smem:$0x0];
	_ =	sdelay $0x2  }
0xb9: {  	s31 =	sshll.u32 s1, $0xD;
	s1 =	sshrl.u32 s1, $0x2  }
0xba: {  	s3 =	sand.u32 $0x4000, s31;
	s1 =	sadd.s32 s1, s30  }
0xbb: {  	s0 =	sor.u32 s3, s0;
	s1 =	sshll.u32 s1, $0x11  }
0xbc: {  	s0 =	sor.u32 s1, s0  }
0xbd: {  	s0 =	sadd.s32 $0x8F2B, s0  }
0xbe: {  	[sflag:s0] =	ssyncadd.remote.s32 $0x1  }
0xbf: {  	_ =	sfence.sel $0xFFFF  }
0xc0: {  	[dreg:$0x0] =	wrdreg $0xFFFFFFFF;
	(pc) =	sbr.abs _section_cstart, $3  }
0xc1: {  	[dreg:$0x1] =	wrdreg $0xFFFFFFFF  }
0xc2: {  	_ =	task.clear_ibuf [dreg:s7], $0x2FFFF;
	_ =	strace $0x9FFFFFFF  }
0xc3: {  	(tm) =	ssettm $0x7FFFFFFF  }
tec
execute0_lowered:
.L_overlay_start_1:
0x0: {  	(tag) =	ssettag $0x1  }
0x1: {  	s1 =	rddreg [dreg:$0x0]  }
0x2: {  	s0 =	rddreg [dreg:$0x1]  }
0x3: {  	s2 =	rddreg [dreg:$0x2]  }
0x4: {  	s3 =	srdreg.scid;
	s4 =	simm.s32 $0x0;
	s19 =	stileid.u32  }
0x5: {  	s28 =	simm.s32 $0x4180;
	s29 =	simm.s32 $0xA;
	s30 =	simm.s32 $0x4000  }
0x6: {  	s31 =	simm.s32 $0x4080;
	s3 =	sand.u32 $0x1, s3;
	[smem:$0x7FF] =	sst s4  }
0x7: {  	s7 =	smul.u32 $0x14000, s19;
	s8 =	sadd.s32 $0x11E00, s0;
	s5 =	ssub.s32 $0x2, s3  }
0x8: {  	_ =	strace $0x8000004A;
	s11 =	smul.u32 $0x140000, s3;
	s6 =	sshrl.u32 s5, $0x1  }
0x9: {  	s9 =	sor.u32 $0x2800, s7;
	s10 =	sadd.s32 $0x5000, s7;
	s12 =	sadd.s32 $0x7800, s7  }
0xa: {  	s14 =	sadd.s32 $0xA000, s7;
	s15 =	sadd.s32 $0xC800, s7;
	s16 =	sadd.s32 $0xF000, s7  }
0xb: {  	s5 =	ssub.s32 s5, s6;
	s6 =	smul.u32 $0x50000, s19;
	s13 =	sadd.s32 s7, s11  }
0xc: {  	s17 =	sadd.s32 s11, s9;
	s7 =	sadd.s32 $0x11800, s7;
	s25 =	sadd.s32 s11, s10  }
0xd: {  	s26 =	sadd.s32 s11, s12;
	s18 =	sadd.s32 s11, s14;
	s21 =	sadd.s32 s11, s15  }
0xe: {  	s22 =	sadd.s32 s11, s16;
	s13 =	sshrl.u32 s13, $0x3;
	s17 =	sshrl.u32 s17, $0x3  }
0xf: {  	s18 =	sshrl.u32 s18, $0x3;
	s11 =	sadd.s32 s11, s7;
	s23 =	sshrl.u32 s22, $0x3  }
0x10: {  	s22 =	simm.s32 $0x3;
	s13 =	sadd.s32 s8, s13;
	s24 =	sadd.s32 s8, s17  }
0x11: {  	s17 =	sshrl.u32 s26, $0x3;
	s20 =	sadd.s32 s8, s18;
	[dreg:$0x5] =	wrdreg s13  }
0x12: {  	s11 =	sshrl.u32 s11, $0x3;
	s6 =	sshrl.u32 s6, $0x2;
	[dreg:$0x6] =	wrdreg s24  }
0x13: {  	s18 =	smul.u32 $0x2710, s3;
	[dreg:$0x9] =	wrdreg s20;
	s24 =	simm.s32 $0xA580  }
0x14: {  	s20 =	sadd.s32 s6, s2;
	s6 =	sadd.s32 s10, s2;
	[dreg:$0x4] =	wrdreg s24  }
0x15: {  	s3 =	simm.s32 $0x28;
	s10 =	sadd.s32 s14, s2;
	[dreg:$0xf] =	wrdreg s6  }
0x16: {  	s13 =	sshrl.u32 s25, $0x3;
	s14 =	sadd.s32 s16, s2;
	[dreg:$0x11] =	wrdreg s10  }
0x17: {  	s25 =	sshll.u32 s19, $0xB;
	s13 =	sadd.s32 s8, s13;
	[dreg:$0x13] =	wrdreg s14  }
0x18: {  	s26 =	sadd.s32 s25, s0;
	s6 =	simm.s32 $0x6980;
	[dreg:$0xd] =	wrdreg s20  }
0x19: {  	s10 =	simm.s32 $0x9180;
	[dreg:$0x7] =	wrdreg s13;
	s13 =	sadd.s32 s8, s17  }
0x1a: {  	s24 =	simm.s32 $0x4;
	s16 =	sadd.s32 $0x9E00, s26;
	[dreg:$0x8] =	wrdreg s13  }
0x1b: {  	s26 =	smax.u32 s5, $0x1;
	s13 =	sshrl.u32 s21, $0x3;
	[dreg:$0x15] =	wrdreg s16  }
0x1c: {  	s21 =	sadd.s32 s9, s2;
	s9 =	sadd.s32 s12, s2;
	[dreg:$0x17] =	wrdreg s26  }
0x1d: {  	s14 =	simm.s32 $0x6;
	s12 =	sadd.s32 s15, s2;
	[dreg:$0x10] =	wrdreg s9  }
0x1e: {  	s5 =	simm.s32 $0x5580;
	s15 =	sadd.s32 s7, s2;
	[dreg:$0x12] =	wrdreg s12  }
0x1f: {  	s7 =	simm.s32 $0x7D80;
	s26 =	simm.s32 $0x8;
	[dreg:$0x14] =	wrdreg s15  }
0x20: {  	s13 =	sadd.s32 s8, s13;
	s9 =	simm.s32 $0x2;
	[dreg:$0xe] =	wrdreg s21  }
0x21: {  	s12 =	simm.s32 $0x50;
	s15 =	simm.s32 $0x9;
	[dreg:$0xa] =	wrdreg s13  }
0x22: {  	s13 =	sadd.s32 s8, s23;
	s8 =	sadd.s32 s8, s11;
	s11 =	simm.s32 $0x7  }
0x23: {  	s23 =	simm.s32 $0x5;
	[dreg:$0xb] =	wrdreg s13;
	s13 =	sadd.s32 $0x1E00, s0  }
0x24: {  	[dreg:$0xc] =	wrdreg s8;
	s8 =	simm.s32 $0x4100;
	s17 =	sadd.s32 s13, s25  }
0x25: {  	s25 =	sshll.u32 s19, $0xE;
	[dreg:$0x16] =	wrdreg s17;
	s0 =	sadd.s32 $0x10, s17  }
0x26: {  	v1 =	vimm.f32 $0.0e+00;
	v0 =	vmov s18;
	s17 =	simm.s32 $0x0;
	[dreg:$0x18] =	wrdreg s0;
	s0 =	simm.s32 $0x1  }
.LBB2_1:
0x27: {  	[dreg:$0x19] =	wrdreg s17;
	s17 =	simm.s32 $0x0;
	s18 =	simm.s32 $0x200  }
.LBB2_2:
0x28: {  	p0 =	sne.s32 s18, $0x9E00;
	[tilespmem:s17+$0x41F0] =	vst v1  }
0x29: {  	[tilespmem:s17+$0x4180] =	vst v1  }
0x2a: {  	[tilespmem:s17+$0x4190] =	vst v1  }
.Ltmp0:
0x2b: {  	[tilespmem:s17+$0x41A0] =	vst v1;
	(pc) =	sbr.rel @p0 .LBB2_2-.Ltmp0, $4  }
0x2c: {  	[tilespmem:s17+$0x41B0] =	vst v1  }
0x2d: {  	[tilespmem:s17+$0x41C0] =	vst v1  }
0x2e: {  	[tilespmem:s17+$0x41D0] =	vst v1  }
0x2f: {  	[tilespmem:s17+$0x41E0] =	vst v1;
	s17 =	sshra.s32 s18, $0x2;
	s18 =	sadd.s32 $0x200, s18  }
0x30: {  	[tilespmem:s17+$0x41F0] =	vst v1  }
0x31: {  	[tilespmem:s17+$0x4180] =	vst v1  }
0x32: {  	[tilespmem:s17+$0x4190] =	vst v1  }
0x33: {  	[tilespmem:s17+$0x41A0] =	vst v1  }
0x34: {  	[tilespmem:s17+$0x41B0] =	vst v1  }
0x35: {  	[tilespmem:s17+$0x41C0] =	vst v1  }
0x36: {  	[tilespmem:s17+$0x41D0] =	vst v1  }
0x37: {  	[tilespmem:s17+$0x41E0] =	vst v1  }
0x38: {  	[spmem:s20] =	stream.linear.scatter [tilespmem:s28], [sflag:$0x1], $0x2800, $0x38;
	[tilespmem:$0x1F980] =	vst v63  }
0x39: {  	_ = 	snop  }
0x3a: {  	[spmem:s21] =	stream.linear.scatter [tilespmem:s28], [sflag:$0x1], $0x2800, $0x38;
	[tilespmem:$0x1F980] =	vst v63  }
0x3b: {  	s16 =	rddreg [dreg:$0xf]  }
0x3c: {  	[spmem:s16] =	stream.linear.scatter [tilespmem:s28], [sflag:$0x1], $0x2800, $0x38;
	[tilespmem:$0x1F980] =	vst v63  }
0x3d: {  	s18 =	rddreg [dreg:$0x10]  }
0x3e: {  	[spmem:s18] =	stream.linear.scatter [tilespmem:s28], [sflag:$0x1], $0x2800, $0x38;
	[tilespmem:$0x1F980] =	vst v63  }
0x3f: {  	s19 =	rddreg [dreg:$0x11]  }
0x40: {  	[spmem:s19] =	stream.linear.scatter [tilespmem:s28], [sflag:$0x1], $0x2800, $0x38;
	[tilespmem:$0x1F980] =	vst v63  }
0x41: {  	s20 =	rddreg [dreg:$0x12]  }
0x42: {  	[spmem:s20] =	stream.linear.scatter [tilespmem:s28], [sflag:$0x1], $0x2800, $0x38;
	[tilespmem:$0x1F980] =	vst v63  }
0x43: {  	s21 =	rddreg [dreg:$0x13]  }
0x44: {  	[spmem:s21] =	stream.linear.scatter [tilespmem:s28], [sflag:$0x1], $0x2800, $0x38;
	[tilespmem:$0x1F980] =	vst v63  }
0x45: {  	s17 =	rddreg [dreg:$0x14]  }
0x46: {  	[spmem:s17] =	stream.linear.scatter [tilespmem:s28], [sflag:$0x1], $0x2800, $0x38;
	[tilespmem:$0x1F980] =	vst v63  }
0x47: {  	s18 =	simm.s32 $0x0;
	s19 =	rddreg [dreg:$0x15]  }
0x48: {  	[tilespmem:s18], [sflag:$0xA] =	stream.linear.gather [hbm4b:s19+s18], $0x3E80, $0x38;
	[tilespmem:$0x1F980] =	vst v63  }
0x49: {  	_ =	swait.ge [sflag:s29], $0x3E80  }
0x4a: {  	[sflag:s29] =	ssyncset.done $0x0  }
0x4b: {  	s20 =	rddreg [dreg:$0x16];
	[sflag:s29] =	ssyncadd.s32 $0xFFFFC180  }
0x4c: {  	[tilespmem:s30], [sflag:$0x7] =	stream.linear.gather [hbm4b:s20+s18], $0x80, $0x38;
	[tilespmem:$0x1F980] =	vst v63  }
0x4d: {  	s17 =	simm.s32 $0x0;
	s21 =	rddreg [dreg:$0x18]  }
0x4e: {  	[tilespmem:s31], [sflag:$0x8] =	stream.linear.gather [hbm4b:s21+s18], $0x80, $0x38;
	[tilespmem:$0x1F980] =	vst v63  }
0x4f: {  	v5 =	vld [tilespmem:s17+$0x0]  }
0x50: {  	v4 =	vld [tilespmem:s17+$0x10]  }
0x51: {  	v3 =	vld [tilespmem:s17+$0x20]  }
0x52: {  	s18 =	simm.s32 $0x200;
	v2 =	vld [tilespmem:s17+$0x30]  }
.LBB2_4:
0x53: {  	p0 =	sne.s32 s18, $0xF800;
	v6 =	vld [tilespmem:s17+$0x40]  }
0x54: {  	v5 =	vadd.s32 v0, v5  }
.Ltmp1:
0x55: {  	s19 =	sshra.s32 s18, $0x2;
	[tilespmem:s17+$0x0] =	vst v5;
	v4 =	vadd.s32 v0, v4;
	(pc) =	sbr.rel @p0 .LBB2_4-.Ltmp1, $4  }
0x56: {  	v5 =	vld [tilespmem:s19+$0x0];
	[tilespmem:s17+$0x10] =	vst v4;
	v3 =	vadd.s32 v0, v3  }
0x57: {  	v4 =	vld [tilespmem:s19+$0x10];
	[tilespmem:s17+$0x20] =	vst v3;
	v2 =	vadd.s32 v0, v2  }
0x58: {  	v3 =	vld [tilespmem:s19+$0x20];
	[tilespmem:s17+$0x30] =	vst v2;
	v6 =	vadd.s32 v0, v6  }
0x59: {  	s18 =	sadd.s32 $0x200, s18;
	v2 =	vld [tilespmem:s19+$0x30];
	[tilespmem:s17+$0x40] =	vst v6;
	s17 =	smov.u32 s19  }
0x5a: {  	v6 =	vld [tilespmem:s17+$0x40]  }
0x5b: {  	v5 =	vadd.s32 v0, v5  }
0x5c: {  	[tilespmem:s17+$0x0] =	vst v5;
	v4 =	vadd.s32 v0, v4  }
0x5d: {  	[tilespmem:s17+$0x10] =	vst v4;
	v3 =	vadd.s32 v0, v3  }
0x5e: {  	[tilespmem:s17+$0x20] =	vst v3;
	v2 =	vadd.s32 v0, v2  }
0x5f: {  	[tilespmem:s17+$0x30] =	vst v2;
	v2 =	vadd.s32 v0, v6  }
0x60: {  	[tilespmem:s17+$0x40] =	vst v2  }
0x61: {  	_ =	swait.ge [sflag:s0], $0x2800  }
0x62: {  	[sflag:s0] =	ssyncset.done $0x0  }
0x63: {  	[sflag:s0] =	ssyncadd.s32 $0xFFFFD800  }
0x64: {  	_ =	swait.ge [sflag:s0], $0x2800  }
0x65: {  	[sflag:s0] =	ssyncset.done $0x0  }
0x66: {  	[sflag:s0] =	ssyncadd.s32 $0xFFFFD800  }
0x67: {  	_ =	swait.ge [sflag:s0], $0x2800  }
0x68: {  	[sflag:s0] =	ssyncset.done $0x0  }
0x69: {  	[sflag:s0] =	ssyncadd.s32 $0xFFFFD800  }
0x6a: {  	_ =	swait.ge [sflag:s0], $0x2800  }
0x6b: {  	[sflag:s0] =	ssyncset.done $0x0  }
0x6c: {  	[sflag:s0] =	ssyncadd.s32 $0xFFFFD800  }
0x6d: {  	_ =	swait.ge [sflag:s0], $0x2800  }
0x6e: {  	[sflag:s0] =	ssyncset.done $0x0  }
0x6f: {  	[sflag:s0] =	ssyncadd.s32 $0xFFFFD800  }
0x70: {  	_ =	swait.ge [sflag:s0], $0x2800  }
0x71: {  	[sflag:s0] =	ssyncset.done $0x0  }
0x72: {  	[sflag:s0] =	ssyncadd.s32 $0xFFFFD800  }
0x73: {  	_ =	swait.ge [sflag:s0], $0x2800  }
0x74: {  	[sflag:s0] =	ssyncset.done $0x0  }
0x75: {  	[sflag:s0] =	ssyncadd.s32 $0xFFFFD800  }
0x76: {  	_ =	swait.ge [sflag:s0], $0x2800  }
0x77: {  	[sflag:s0] =	ssyncset.done $0x0  }
0x78: {  	s16 =	simm.s32 $0x0;
	[sflag:s0] =	ssyncadd.s32 $0xFFFFD800  }
0x79: {  	[tilespmem:s28], [sflag:$0x1] =	stream.indirect.gather [hbm4b:s1+s3], $0x80, s16, s3, $0xb8;
	[tilespmem:$0x1F980] =	vst v63  }
0x7a: {  	_ = 	snop  }
0x7b: {  	[tilespmem:s5], [sflag:$0x2] =	stream.indirect.gather [hbm4b:s1+s3], $0x80, s3, s3, $0xb8;
	[tilespmem:$0x1F980] =	vst v63  }
0x7c: {  	s16 =	simm.s32 $0x80  }
0x7d: {  	[tilespmem:s6], [sflag:$0x3] =	stream.indirect.gather [hbm4b:s1+s3], $0x80, s16, s3, $0xb8;
	[tilespmem:$0x1F980] =	vst v63  }
0x7e: {  	s18 =	simm.s32 $0xA8;
	s19 =	simm.s32 $0x100  }
0x7f: {  	[tilespmem:s7], [sflag:$0x4] =	stream.indirect.gather [hbm4b:s1+s3], $0x80, s18, s3, $0xb8;
	[tilespmem:$0x1F980] =	vst v63  }
0x80: {  	s18 =	sand.u32 $0xFC00, s19  }
0x81: {  	s17 =	sand.u32 $0x380, s19;
	s18 =	sadd.s32 s25, s18  }
0x82: {  	s17 =	sor.u32 s17, s18  }
0x83: {  	s17 =	sshrl.u32 s17, $0x3  }
0x84: {  	[bflag:$0x0] =	sbarrier.arrive $0xFFFF;
	s17 =	sadd.s32 s13, s17  }
0x85: {  	[tilespmem:s8], [sflag:$0x9] =	stream.linear.gather [hbm4b:s17+s4], $0x80, $0x38;
	[tilespmem:$0x1F980] =	vst v63  }
0x86: {  	_ =	swait.ge [sflag:s0], $0x1400  }
0x87: {  	[sflag:s0] =	ssyncset.done $0x0  }
0x88: {  	[sflag:s0] =	ssyncadd.s32 $0xFFFFEC00  }
0x89: {  	_ =	swait.ge [sflag:s9], $0x1400  }
0x8a: {  	[sflag:s9] =	ssyncset.done $0x0  }
0x8b: {  	s20 =	simm.s32 $0x100;
	[sflag:s9] =	ssyncadd.s32 $0xFFFFEC00  }
0x8c: {  	[tilespmem:s10], [sflag:$0x5] =	stream.indirect.gather [hbm4b:s1+s3], $0x80, s20, s3, $0xb8;
	[tilespmem:$0x1F980] =	vst v63  }
0x8d: {  	s16 =	simm.s32 $0x128;
	s21 =	rddreg [dreg:$0x4]  }
0x8e: {  	[tilespmem:s21], [sflag:$0x6] =	stream.indirect.gather [hbm4b:s1+s3], $0x80, s16, s3, $0xb8;
	[tilespmem:$0x1F980] =	vst v63  }
0x8f: {  	s19 =	simm.s32 $0x180;
	_ =	swait.ge [sflag:s11], $0x80  }
0x90: {  	s20 =	sand.u32 $0xFC00, s19;
	[sflag:s11] =	ssyncset.done $0x0  }
0x91: {  	s17 =	sand.u32 $0x380, s19;
	s18 =	sadd.s32 s25, s20;
	[sflag:s11] =	ssyncadd.s32 $0xFFFFFF80  }
0x92: {  	[spmem:s2] =	stream.indirect.scatter.add.f32 [tilespmem:s28], [sflag:$0xA], $0x80, s30, s12, $0xb8;
	[tilespmem:$0x1F980] =	vst v63  }
0x93: {  	s17 =	sor.u32 s17, s18;
	_ =	swait.ge [sflag:s29], $0x2800  }
0x94: {  	s17 =	sshrl.u32 s17, $0x3;
	[sflag:s29] =	ssyncset.done $0x0  }
0x95: {  	s17 =	sadd.s32 s13, s17;
	[sflag:s29] =	ssyncadd.s32 $0xFFFFD800  }
0x96: {  	[tilespmem:s30], [sflag:$0x7] =	stream.linear.gather [hbm4b:s17+s4], $0x80, $0x38;
	[tilespmem:$0x1F980] =	vst v63  }
0x97: {  	_ =	swait.ge [sflag:s22], $0x1400  }
0x98: {  	[sflag:s22] =	ssyncset.done $0x0  }
0x99: {  	[sflag:s22] =	ssyncadd.s32 $0xFFFFEC00  }
0x9a: {  	_ =	swait.ge [sflag:s24], $0x1400  }
0x9b: {  	[sflag:s24] =	ssyncset.done $0x0  }
0x9c: {  	s21 =	simm.s32 $0x180;
	[sflag:s24] =	ssyncadd.s32 $0xFFFFEC00  }
0x9d: {  	[tilespmem:s28], [sflag:$0x1] =	stream.indirect.gather [hbm4b:s1+s3], $0x80, s21, s3, $0xb8;
	[tilespmem:$0x1F980] =	vst v63  }
0x9e: {  	s16 =	simm.s32 $0x1A8  }
0x9f: {  	[tilespmem:s5], [sflag:$0x2] =	stream.indirect.gather [hbm4b:s1+s3], $0x80, s16, s3, $0xb8;
	[tilespmem:$0x1F980] =	vst v63  }
0xa0: {  	s18 =	simm.s32 $0x200;
	_ =	swait.ge [sflag:s26], $0x80  }
0xa1: {  	s19 =	sand.u32 $0xFC00, s18;
	[sflag:s26] =	ssyncset.done $0x0  }
0xa2: {  	s17 =	sand.u32 $0x380, s18;
	s18 =	sadd.s32 s25, s19;
	[sflag:s26] =	ssyncadd.s32 $0xFFFFFF80  }
0xa3: {  	[spmem:s2] =	stream.indirect.scatter.add.f32 [tilespmem:s6], [sflag:$0xA], $0x80, s31, s12, $0xb8;
	[tilespmem:$0x1F980] =	vst v63  }
0xa4: {  	s17 =	sor.u32 s17, s18;
	_ =	swait.ge [sflag:s29], $0x2800  }
0xa5: {  	s17 =	sshrl.u32 s17, $0x3;
	[sflag:s29] =	ssyncset.done $0x0  }
0xa6: {  	s17 =	sadd.s32 s13, s17;
	[sflag:s29] =	ssyncadd.s32 $0xFFFFD800  }
0xa7: {  	[tilespmem:s31], [sflag:$0x8] =	stream.linear.gather [hbm4b:s17+s4], $0x80, $0x38;
	[tilespmem:$0x1F980] =	vst v63  }
0xa8: {  	_ =	swait.ge [sflag:s23], $0x1400  }
0xa9: {  	[sflag:s23] =	ssyncset.done $0x0  }
0xaa: {  	[sflag:s23] =	ssyncadd.s32 $0xFFFFEC00  }
0xab: {  	_ =	swait.ge [sflag:s14], $0x1400  }
0xac: {  	[sflag:s14] =	ssyncset.done $0x0  }
0xad: {  	s20 =	simm.s32 $0x200;
	[sflag:s14] =	ssyncadd.s32 $0xFFFFEC00  }
0xae: {  	[tilespmem:s6], [sflag:$0x3] =	stream.indirect.gather [hbm4b:s1+s3], $0x80, s20, s3, $0xb8;
	[tilespmem:$0x1F980] =	vst v63  }
0xaf: {  	s21 =	simm.s32 $0x228  }
0xb0: {  	[tilespmem:s7], [sflag:$0x4] =	stream.indirect.gather [hbm4b:s1+s3], $0x80, s21, s3, $0xb8;
	[tilespmem:$0x1F980] =	vst v63  }
0xb1: {  	s19 =	simm.s32 $0xC00;
	s18 =	simm.s32 $0x600;
	s21 =	simm.s32 $0x280  }
0xb2: {  	s17 =	simm.s32 $0x380;
	s20 =	sand.u32 $0xFC00, s21;
	_ =	swait.ge [sflag:s15], $0x80  }
.LBB2_6:
0xb3: {  	[sflag:s15] =	ssyncset.done $0x0  }
0xb4: {  	s20 =	sadd.s32 s25, s20;
	s21 =	sand.u32 $0x380, s21;
	[sflag:s15] =	ssyncadd.s32 $0xFFFFFF80  }
0xb5: {  	[spmem:s2] =	stream.indirect.scatter.add.f32 [tilespmem:s10], [sflag:$0xA], $0x80, s8, s12, $0xb8;
	[tilespmem:$0x1F980] =	vst v63  }
0xb6: {  	s20 =	sor.u32 s21, s20;
	_ =	swait.ge [sflag:s29], $0x2800  }
0xb7: {  	s20 =	sshrl.u32 s20, $0x3;
	[sflag:s29] =	ssyncset.done $0x0  }
0xb8: {  	s20 =	sadd.s32 s13, s20;
	[sflag:s29] =	ssyncadd.s32 $0xFFFFD800  }
0xb9: {  	[tilespmem:s8], [sflag:$0x9] =	stream.linear.gather [hbm4b:s20+s4], $0x80, $0x38;
	[tilespmem:$0x1F980] =	vst v63  }
0xba: {  	_ =	swait.ge [sflag:s0], $0x1400  }
0xbb: {  	[sflag:s0] =	ssyncset.done $0x0  }
0xbc: {  	[sflag:s0] =	ssyncadd.s32 $0xFFFFEC00  }
0xbd: {  	_ =	swait.ge [sflag:s9], $0x1400  }
0xbe: {  	s16 =	smov.u32 s19;
	s20 =	sshra.s32 s18, $0x2;
	[sflag:s9] =	ssyncset.done $0x0  }
0xbf: {  	s18 =	smov.u32 s16;
	s16 =	sadd.s32 $0x100, s20;
	[sflag:s9] =	ssyncadd.s32 $0xFFFFEC00  }
0xc0: {  	[tilespmem:s10], [sflag:$0x5] =	stream.indirect.gather [hbm4b:s1+s3], $0x80, s16, s3, $0xb8;
	[tilespmem:$0x1F980] =	vst v63  }
0xc1: {  	s21 =	rddreg [dreg:$0x4];
	s16 =	sadd.s32 $0x128, s20  }
0xc2: {  	[tilespmem:s21], [sflag:$0x6] =	stream.indirect.gather [hbm4b:s1+s3], $0x80, s16, s3, $0xb8;
	[tilespmem:$0x1F980] =	vst v63  }
0xc3: {  	s16 =	sadd.s32 $0xFFFFFF80, s17;
	_ =	swait.ge [sflag:s11], $0x80  }
0xc4: {  	s21 =	sand.u32 $0xFC00, s16;
	[sflag:s11] =	ssyncset.done $0x0  }
0xc5: {  	s16 =	sand.u32 $0x380, s16;
	s21 =	sadd.s32 s25, s21;
	[sflag:s11] =	ssyncadd.s32 $0xFFFFFF80  }
0xc6: {  	[spmem:s2] =	stream.indirect.scatter.add.f32 [tilespmem:s28], [sflag:$0xA], $0x80, s30, s12, $0xb8;
	[tilespmem:$0x1F980] =	vst v63  }
0xc7: {  	s16 =	sor.u32 s16, s21;
	_ =	swait.ge [sflag:s29], $0x2800  }
0xc8: {  	s16 =	sshrl.u32 s16, $0x3;
	[sflag:s29] =	ssyncset.done $0x0  }
0xc9: {  	s16 =	sadd.s32 s13, s16;
	[sflag:s29] =	ssyncadd.s32 $0xFFFFD800  }
0xca: {  	[tilespmem:s30], [sflag:$0x7] =	stream.linear.gather [hbm4b:s16+s4], $0x80, $0x38;
	[tilespmem:$0x1F980] =	vst v63  }
0xcb: {  	_ =	swait.ge [sflag:s22], $0x1400  }
0xcc: {  	[sflag:s22] =	ssyncset.done $0x0  }
0xcd: {  	[sflag:s22] =	ssyncadd.s32 $0xFFFFEC00  }
0xce: {  	_ =	swait.ge [sflag:s24], $0x1400  }
0xcf: {  	[sflag:s24] =	ssyncset.done $0x0  }
0xd0: {  	s21 =	sadd.s32 $0x180, s20;
	[sflag:s24] =	ssyncadd.s32 $0xFFFFEC00  }
0xd1: {  	[tilespmem:s28], [sflag:$0x1] =	stream.indirect.gather [hbm4b:s1+s3], $0x80, s21, s3, $0xb8;
	[tilespmem:$0x1F980] =	vst v63  }
0xd2: {  	s21 =	sadd.s32 $0x1A8, s20  }
0xd3: {  	[tilespmem:s5], [sflag:$0x2] =	stream.indirect.gather [hbm4b:s1+s3], $0x80, s21, s3, $0xb8;
	[tilespmem:$0x1F980] =	vst v63  }
0xd4: {  	_ =	swait.ge [sflag:s26], $0x80  }
0xd5: {  	s16 =	sand.u32 $0xFC00, s17;
	[sflag:s26] =	ssyncset.done $0x0  }
0xd6: {  	s16 =	sadd.s32 s25, s16;
	s21 =	sand.u32 $0x380, s17;
	[sflag:s26] =	ssyncadd.s32 $0xFFFFFF80  }
0xd7: {  	[spmem:s2] =	stream.indirect.scatter.add.f32 [tilespmem:s6], [sflag:$0xA], $0x80, s31, s12, $0xb8;
	[tilespmem:$0x1F980] =	vst v63  }
0xd8: {  	s16 =	sor.u32 s21, s16;
	_ =	swait.ge [sflag:s29], $0x2800  }
0xd9: {  	s16 =	sshrl.u32 s16, $0x3;
	[sflag:s29] =	ssyncset.done $0x0  }
0xda: {  	s16 =	sadd.s32 s13, s16;
	[sflag:s29] =	ssyncadd.s32 $0xFFFFD800  }
0xdb: {  	[tilespmem:s31], [sflag:$0x8] =	stream.linear.gather [hbm4b:s16+s4], $0x80, $0x38;
	[tilespmem:$0x1F980] =	vst v63  }
0xdc: {  	_ =	swait.ge [sflag:s23], $0x1400  }
0xdd: {  	[sflag:s23] =	ssyncset.done $0x0  }
0xde: {  	[sflag:s23] =	ssyncadd.s32 $0xFFFFEC00  }
0xdf: {  	_ =	swait.ge [sflag:s14], $0x1400  }
0xe0: {  	p0 =	sne.s32 s19, $0xF000;
	s17 =	sadd.s32 $0x180, s17;
	[sflag:s14] =	ssyncset.done $0x0  }
.Ltmp2:
0xe1: {  	s21 =	sadd.s32 $0x200, s20;
	[sflag:s14] =	ssyncadd.s32 $0xFFFFEC00;
	(pc) =	sbr.rel @p0 .LBB2_6-.Ltmp2, $4  }
0xe2: {  	[tilespmem:s6], [sflag:$0x3] =	stream.indirect.gather [hbm4b:s1+s3], $0x80, s21, s3, $0xb8;
	[tilespmem:$0x1F980] =	vst v63  }
0xe3: {  	s20 =	sadd.s32 $0x228, s20;
	s21 =	sadd.s32 $0xFFFFFF00, s17  }
0xe4: {  	[tilespmem:s7], [sflag:$0x4] =	stream.indirect.gather [hbm4b:s1+s3], $0x80, s20, s3, $0xb8;
	[tilespmem:$0x1F980] =	vst v63  }
0xe5: {  	s19 =	sadd.s32 $0x600, s19;
	s20 =	sand.u32 $0xFC00, s21;
	_ =	swait.ge [sflag:s15], $0x80  }
0xe6: {  	[sflag:s15] =	ssyncset.done $0x0  }
0xe7: {  	s16 =	sadd.s32 s25, s20;
	s19 =	sand.u32 $0x380, s21;
	[sflag:s15] =	ssyncadd.s32 $0xFFFFFF80  }
0xe8: {  	[spmem:s2] =	stream.indirect.scatter.add.f32 [tilespmem:s10], [sflag:$0xA], $0x80, s8, s12, $0xb8;
	[tilespmem:$0x1F980] =	vst v63  }
0xe9: {  	s16 =	sor.u32 s19, s16;
	_ =	swait.ge [sflag:s29], $0x2800  }
0xea: {  	s16 =	sshrl.u32 s16, $0x3;
	[sflag:s29] =	ssyncset.done $0x0  }
0xeb: {  	s16 =	sadd.s32 s13, s16;
	[sflag:s29] =	ssyncadd.s32 $0xFFFFD800  }
0xec: {  	[tilespmem:s8], [sflag:$0x9] =	stream.linear.gather [hbm4b:s16+s4], $0x80, $0x38;
	[tilespmem:$0x1F980] =	vst v63  }
0xed: {  	_ =	swait.ge [sflag:s0], $0x1400  }
0xee: {  	[sflag:s0] =	ssyncset.done $0x0  }
0xef: {  	[sflag:s0] =	ssyncadd.s32 $0xFFFFEC00  }
0xf0: {  	_ =	swait.ge [sflag:s9], $0x1400  }
0xf1: {  	s16 =	sshra.s32 s18, $0x2;
	[sflag:s9] =	ssyncset.done $0x0  }
0xf2: {  	s18 =	sadd.s32 $0x100, s16;
	[sflag:s9] =	ssyncadd.s32 $0xFFFFEC00  }
0xf3: {  	[tilespmem:s10], [sflag:$0x5] =	stream.indirect.gather [hbm4b:s1+s3], $0x80, s18, s3, $0xb8;
	[tilespmem:$0x1F980] =	vst v63  }
0xf4: {  	s20 =	sadd.s32 $0x128, s16;
	s21 =	rddreg [dreg:$0x4]  }
0xf5: {  	[tilespmem:s21], [sflag:$0x6] =	stream.indirect.gather [hbm4b:s1+s3], $0x80, s20, s3, $0xb8;
	[tilespmem:$0x1F980] =	vst v63  }
0xf6: {  	s21 =	sadd.s32 $0xFFFFFF80, s17;
	_ =	swait.ge [sflag:s11], $0x80  }
0xf7: {  	s20 =	sand.u32 $0xFC00, s21;
	[sflag:s11] =	ssyncset.done $0x0  }
0xf8: {  	s18 =	sand.u32 $0x380, s21;
	s19 =	sadd.s32 s25, s20;
	[sflag:s11] =	ssyncadd.s32 $0xFFFFFF80  }
0xf9: {  	[spmem:s2] =	stream.indirect.scatter.add.f32 [tilespmem:s28], [sflag:$0xA], $0x80, s30, s12, $0xb8;
	[tilespmem:$0x1F980] =	vst v63  }
0xfa: {  	s18 =	sor.u32 s18, s19;
	_ =	swait.ge [sflag:s29], $0x2800  }
0xfb: {  	s18 =	sshrl.u32 s18, $0x3;
	[sflag:s29] =	ssyncset.done $0x0  }
0xfc: {  	s18 =	sadd.s32 s13, s18;
	[sflag:s29] =	ssyncadd.s32 $0xFFFFD800  }
0xfd: {  	[tilespmem:s30], [sflag:$0x7] =	stream.linear.gather [hbm4b:s18+s4], $0x80, $0x38;
	[tilespmem:$0x1F980] =	vst v63  }
0xfe: {  	_ =	swait.ge [sflag:s22], $0x1400  }
0xff: {  	[sflag:s22] =	ssyncset.done $0x0  }
0x100: {  	[sflag:s22] =	ssyncadd.s32 $0xFFFFEC00  }
0x101: {  	_ =	swait.ge [sflag:s24], $0x1400  }
0x102: {  	[sflag:s24] =	ssyncset.done $0x0  }
0x103: {  	s21 =	sadd.s32 $0x180, s16;
	[sflag:s24] =	ssyncadd.s32 $0xFFFFEC00  }
0x104: {  	[tilespmem:s28], [sflag:$0x1] =	stream.indirect.gather [hbm4b:s1+s3], $0x80, s21, s3, $0xb8;
	[tilespmem:$0x1F980] =	vst v63  }
0x105: {  	s19 =	sadd.s32 $0x1A8, s16  }
0x106: {  	[tilespmem:s5], [sflag:$0x2] =	stream.indirect.gather [hbm4b:s1+s3], $0x80, s19, s3, $0xb8;
	[tilespmem:$0x1F980] =	vst v63  }
0x107: {  	_ =	swait.ge [sflag:s26], $0x80  }
0x108: {  	s20 =	sand.u32 $0xFC00, s17;
	[sflag:s26] =	ssyncset.done $0x0  }
0x109: {  	s18 =	sadd.s32 s25, s20;
	s21 =	sand.u32 $0x380, s17;
	[sflag:s26] =	ssyncadd.s32 $0xFFFFFF80  }
0x10a: {  	[spmem:s2] =	stream.indirect.scatter.add.f32 [tilespmem:s6], [sflag:$0xA], $0x80, s31, s12, $0xb8;
	[tilespmem:$0x1F980] =	vst v63  }
0x10b: {  	s17 =	sor.u32 s21, s18;
	_ =	swait.ge [sflag:s29], $0x2800  }
0x10c: {  	s17 =	sshrl.u32 s17, $0x3;
	[sflag:s29] =	ssyncset.done $0x0  }
0x10d: {  	s17 =	sadd.s32 s13, s17;
	[sflag:s29] =	ssyncadd.s32 $0xFFFFD800  }
0x10e: {  	[tilespmem:s31], [sflag:$0x8] =	stream.linear.gather [hbm4b:s17+s4], $0x80, $0x38;
	[tilespmem:$0x1F980] =	vst v63  }
0x10f: {  	_ =	swait.ge [sflag:s23], $0x1400  }
0x110: {  	[sflag:s23] =	ssyncset.done $0x0  }
0x111: {  	[sflag:s23] =	ssyncadd.s32 $0xFFFFEC00  }
0x112: {  	_ =	swait.ge [sflag:s14], $0x1400  }
0x113: {  	[sflag:s14] =	ssyncset.done $0x0  }
0x114: {  	s18 =	sadd.s32 $0x200, s16;
	[sflag:s14] =	ssyncadd.s32 $0xFFFFEC00  }
0x115: {  	[tilespmem:s6], [sflag:$0x3] =	stream.indirect.gather [hbm4b:s1+s3], $0x80, s18, s3, $0xb8;
	[tilespmem:$0x1F980] =	vst v63  }
0x116: {  	s16 =	sadd.s32 $0x228, s16  }
0x117: {  	[tilespmem:s7], [sflag:$0x4] =	stream.indirect.gather [hbm4b:s1+s3], $0x80, s16, s3, $0xb8;
	[tilespmem:$0x1F980] =	vst v63  }
0x118: {  	_ =	swait.ge [sflag:s15], $0x80  }
0x119: {  	[sflag:s15] =	ssyncset.done $0x0  }
0x11a: {  	[sflag:s15] =	ssyncadd.s32 $0xFFFFFF80  }
0x11b: {  	[spmem:s2] =	stream.indirect.scatter.add.f32 [tilespmem:s10], [sflag:$0xA], $0x80, s8, s12, $0xb8;
	[tilespmem:$0x1F980] =	vst v63  }
0x11c: {  	_ =	swait.ge [sflag:s29], $0x2800  }
0x11d: {  	[sflag:s29] =	ssyncset.done $0x0  }
0x11e: {  	[sflag:s29] =	ssyncadd.s32 $0xFFFFD800  }
0x11f: {  	_ =	swait.ge [sflag:s0], $0x1400  }
0x120: {  	[sflag:s0] =	ssyncset.done $0x0  }
0x121: {  	[sflag:s0] =	ssyncadd.s32 $0xFFFFEC00  }
0x122: {  	_ =	swait.ge [sflag:s9], $0x1400  }
0x123: {  	[sflag:s9] =	ssyncset.done $0x0  }
0x124: {  	[sflag:s9] =	ssyncadd.s32 $0xFFFFEC00  }
0x125: {  	_ =	swait.ge [sflag:s11], $0x80  }
0x126: {  	[sflag:s11] =	ssyncset.done $0x0  }
0x127: {  	[sflag:s11] =	ssyncadd.s32 $0xFFFFFF80  }
0x128: {  	[spmem:s2] =	stream.indirect.scatter.add.f32 [tilespmem:s28], [sflag:$0xA], $0x80, s30, s12, $0xb8;
	[tilespmem:$0x1F980] =	vst v63  }
0x129: {  	_ =	swait.ge [sflag:s29], $0x2800  }
0x12a: {  	[sflag:s29] =	ssyncset.done $0x0  }
0x12b: {  	[sflag:s29] =	ssyncadd.s32 $0xFFFFD800  }
0x12c: {  	_ =	swait.ge [sflag:s22], $0x1400  }
0x12d: {  	[sflag:s22] =	ssyncset.done $0x0  }
0x12e: {  	[sflag:s22] =	ssyncadd.s32 $0xFFFFEC00  }
0x12f: {  	_ =	swait.ge [sflag:s24], $0x1400  }
0x130: {  	[sflag:s24] =	ssyncset.done $0x0  }
0x131: {  	[sflag:s24] =	ssyncadd.s32 $0xFFFFEC00  }
0x132: {  	_ =	swait.ge [sflag:s26], $0x80  }
0x133: {  	[sflag:s26] =	ssyncset.done $0x0  }
0x134: {  	[sflag:s26] =	ssyncadd.s32 $0xFFFFFF80  }
0x135: {  	[spmem:s2] =	stream.indirect.scatter.add.f32 [tilespmem:s6], [sflag:$0xA], $0x80, s31, s12, $0xb8;
	[tilespmem:$0x1F980] =	vst v63  }
0x136: {  	_ =	swait.ge [sflag:s29], $0x2800  }
0x137: {  	[sflag:s29] =	ssyncset.done $0x0  }
0x138: {  	[sflag:s29] =	ssyncadd.s32 $0xFFFFD800  }
0x139: {  	[bflag:$0x0] =	sbarrier.arrive $0xFFFF  }
0x13a: {  	s20 =	rddreg [dreg:$0xd]  }
0x13b: {  	[tilespmem:s28], [sflag:$0x1] =	stream.linear.gather [spmem:s20], $0x2800, $0x38;
	[tilespmem:$0x1F980] =	vst v63  }
0x13c: {  	_ =	swait.ge [sflag:s0], $0x2800  }
0x13d: {  	[sflag:s0] =	ssyncset.done $0x0  }
0x13e: {  	s21 =	rddreg [dreg:$0xe];
	[sflag:s0] =	ssyncadd.s32 $0xFFFFD800  }
0x13f: {  	[tilespmem:s6], [sflag:$0x3] =	stream.linear.gather [spmem:s21], $0x2800, $0x38;
	[tilespmem:$0x1F980] =	vst v63  }
0x140: {  	s19 =	rddreg [dreg:$0x5]  }
0x141: {  	[hbm4b:s19+s4] =	stream.linear.scatter [tilespmem:s28], [sflag:$0xA], $0x2800, $0x38;
	[tilespmem:$0x1F980] =	vst v63  }
0x142: {  	_ =	swait.ge [sflag:s29], $0x2800  }
0x143: {  	[sflag:s29] =	ssyncset.done $0x0  }
0x144: {  	[sflag:s29] =	ssyncadd.s32 $0xFFFFD800  }
0x145: {  	_ =	swait.ge [sflag:s22], $0x2800  }
0x146: {  	[sflag:s22] =	ssyncset.done $0x0  }
0x147: {  	s17 =	rddreg [dreg:$0xf];
	[sflag:s22] =	ssyncadd.s32 $0xFFFFD800  }
0x148: {  	[tilespmem:s28], [sflag:$0x1] =	stream.linear.gather [spmem:s17], $0x2800, $0x38;
	[tilespmem:$0x1F980] =	vst v63  }
0x149: {  	s18 =	rddreg [dreg:$0x6]  }
0x14a: {  	[hbm4b:s18+s4] =	stream.linear.scatter [tilespmem:s6], [sflag:$0xA], $0x2800, $0x38;
	[tilespmem:$0x1F980] =	vst v63  }
0x14b: {  	_ =	swait.ge [sflag:s29], $0x2800  }
0x14c: {  	[sflag:s29] =	ssyncset.done $0x0  }
0x14d: {  	[sflag:s29] =	ssyncadd.s32 $0xFFFFD800  }
0x14e: {  	_ =	swait.ge [sflag:s0], $0x2800  }
0x14f: {  	[sflag:s0] =	ssyncset.done $0x0  }
0x150: {  	s19 =	rddreg [dreg:$0x10];
	[sflag:s0] =	ssyncadd.s32 $0xFFFFD800  }
0x151: {  	[tilespmem:s6], [sflag:$0x3] =	stream.linear.gather [spmem:s19], $0x2800, $0x38;
	[tilespmem:$0x1F980] =	vst v63  }
0x152: {  	s17 =	rddreg [dreg:$0x7]  }
0x153: {  	[hbm4b:s17+s4] =	stream.linear.scatter [tilespmem:s28], [sflag:$0xA], $0x2800, $0x38;
	[tilespmem:$0x1F980] =	vst v63  }
0x154: {  	_ =	swait.ge [sflag:s29], $0x2800  }
0x155: {  	[sflag:s29] =	ssyncset.done $0x0  }
0x156: {  	[sflag:s29] =	ssyncadd.s32 $0xFFFFD800  }
0x157: {  	_ =	swait.ge [sflag:s22], $0x2800  }
0x158: {  	[sflag:s22] =	ssyncset.done $0x0  }
0x159: {  	s18 =	rddreg [dreg:$0x11];
	[sflag:s22] =	ssyncadd.s32 $0xFFFFD800  }
0x15a: {  	[tilespmem:s28], [sflag:$0x1] =	stream.linear.gather [spmem:s18], $0x2800, $0x38;
	[tilespmem:$0x1F980] =	vst v63  }
0x15b: {  	s19 =	rddreg [dreg:$0x8]  }
0x15c: {  	[hbm4b:s19+s4] =	stream.linear.scatter [tilespmem:s6], [sflag:$0xA], $0x2800, $0x38;
	[tilespmem:$0x1F980] =	vst v63  }
0x15d: {  	_ =	swait.ge [sflag:s29], $0x2800  }
0x15e: {  	[sflag:s29] =	ssyncset.done $0x0  }
0x15f: {  	[sflag:s29] =	ssyncadd.s32 $0xFFFFD800  }
0x160: {  	_ =	swait.ge [sflag:s0], $0x2800  }
0x161: {  	[sflag:s0] =	ssyncset.done $0x0  }
0x162: {  	s17 =	rddreg [dreg:$0x12];
	[sflag:s0] =	ssyncadd.s32 $0xFFFFD800  }
0x163: {  	[tilespmem:s6], [sflag:$0x3] =	stream.linear.gather [spmem:s17], $0x2800, $0x38;
	[tilespmem:$0x1F980] =	vst v63  }
0x164: {  	s18 =	rddreg [dreg:$0x9]  }
0x165: {  	[hbm4b:s18+s4] =	stream.linear.scatter [tilespmem:s28], [sflag:$0xA], $0x2800, $0x38;
	[tilespmem:$0x1F980] =	vst v63  }
0x166: {  	_ =	swait.ge [sflag:s29], $0x2800  }
0x167: {  	[sflag:s29] =	ssyncset.done $0x0  }
0x168: {  	[sflag:s29] =	ssyncadd.s32 $0xFFFFD800  }
0x169: {  	_ =	swait.ge [sflag:s22], $0x2800  }
0x16a: {  	[sflag:s22] =	ssyncset.done $0x0  }
0x16b: {  	s19 =	rddreg [dreg:$0x13];
	[sflag:s22] =	ssyncadd.s32 $0xFFFFD800  }
0x16c: {  	[tilespmem:s28], [sflag:$0x1] =	stream.linear.gather [spmem:s19], $0x2800, $0x38;
	[tilespmem:$0x1F980] =	vst v63  }
0x16d: {  	s17 =	rddreg [dreg:$0xa]  }
0x16e: {  	[hbm4b:s17+s4] =	stream.linear.scatter [tilespmem:s6], [sflag:$0xA], $0x2800, $0x38;
	[tilespmem:$0x1F980] =	vst v63  }
0x16f: {  	_ =	swait.ge [sflag:s29], $0x2800  }
0x170: {  	[sflag:s29] =	ssyncset.done $0x0  }
0x171: {  	[sflag:s29] =	ssyncadd.s32 $0xFFFFD800  }
0x172: {  	_ =	swait.ge [sflag:s0], $0x2800  }
0x173: {  	[sflag:s0] =	ssyncset.done $0x0  }
0x174: {  	s18 =	rddreg [dreg:$0x14];
	[sflag:s0] =	ssyncadd.s32 $0xFFFFD800  }
0x175: {  	[tilespmem:s6], [sflag:$0x3] =	stream.linear.gather [spmem:s18], $0x2800, $0x38;
	[tilespmem:$0x1F980] =	vst v63  }
0x176: {  	s19 =	rddreg [dreg:$0xb]  }
0x177: {  	[hbm4b:s19+s4] =	stream.linear.scatter [tilespmem:s28], [sflag:$0xA], $0x2800, $0x38;
	[tilespmem:$0x1F980] =	vst v63  }
0x178: {  	_ =	swait.ge [sflag:s29], $0x2800  }
0x179: {  	[sflag:s29] =	ssyncset.done $0x0  }
0x17a: {  	[sflag:s29] =	ssyncadd.s32 $0xFFFFD800  }
0x17b: {  	_ =	swait.ge [sflag:s22], $0x2800  }
0x17c: {  	[sflag:s22] =	ssyncset.done $0x0  }
0x17d: {  	s17 =	rddreg [dreg:$0xc];
	[sflag:s22] =	ssyncadd.s32 $0xFFFFD800  }
0x17e: {  	[hbm4b:s17+s4] =	stream.linear.scatter [tilespmem:s6], [sflag:$0xA], $0x2800, $0x38;
	[tilespmem:$0x1F980] =	vst v63  }
0x17f: {  	_ =	swait.ge [sflag:s29], $0x2800  }
0x180: {  	s18 =	rddreg [dreg:$0x19]  }
0x181: {  	s19 =	rddreg [dreg:$0x17];
	s17 =	sadd.s32 $0x1, s18  }
0x182: {  	p0 =	sne.s32 s17, s19  }
.Ltmp3:
0x183: {  	_ = 	snop;
	(pc) =	sbr.rel @p0 .LBB2_1-.Ltmp3, $3  }
0x184: {  	_ =	sdelay $0x1  }
0x185: {  	[sflag:s29] =	ssyncset.done $0x0  }
0x186: {  	[sflag:s29] =	ssyncadd.s32 $0xFFFFD800  }
0x187: {  	_ =	sfence.sel $0x180000  }
0x188: {  	[bflag:$0x0] =	sbarrier.arrive $0xFFFF  }
0x189: {  	_ =	strace $0x9000004A  }
0x18a: {  	s0 =	stileid.u32;
	[bflag:$0x2] =	sbarrier.arrive $0xFFFF  }
0x18b: {  	p0 =	sne.s32 s0, $0x0;
	s0 =	rddreg [dreg:$0x3]  }
0x18c: {  	s0 =	sadd.s32 @!p0 $0x100000, s0  }
0x18d: {  	[sflag:s0] =	ssyncadd.tile.s32 @!p0 $0x1;
	_ =	shalt  }
.Lfunc_end2:
_tile_overlayer_lowered:
.L_overlay_start_2:
0x18e: {  	(tag) =	ssettag $0x2  }
0x18f: {  	s0 =	rddreg [dreg:$0x0];
	s2 =	stileid.u32  }
0x190: {  	s1 =	rddreg [dreg:$0x1];
	p0 =	sne.s32 s2, $0x0  }
0x191: {  	s3 =	rddreg [dreg:$0x2];
	[bflag:$0x3] =	sbarrier.arrive $0xFFFF;
	s2 =	simm.s32 @!p0 $0x1C0A  }
0x192: {  	[timem:s3], [sflag:s2] =	dma.local @!p0 [hbm:s0], s1  }
0x193: {  	s0 =	simm.s32 @!p0 $0xA  }
0x194: {  	_ =	swait.ge @!p0 [sflag:s0], s1  }
0x195: {  	s1 =	ssub.s32 @!p0 $0x0, s1;
	[sflag:s0] =	ssyncset.done @!p0 $0x0  }
0x196: {  	[sflag:s0] =	ssyncadd.s32 @!p0 s1  }
0x197: {  	[bflag:$0x3] =	sbarrier.arrive $0xFFFF  }
0x198: {  	_ =	shalt  }

</sc_bundles>
